<compile_context>
chip_gen: v7x
topology: tpu7x:2x2x1
jax: 0.10.2.dev20260603
libtpu: 0.0.44.dev20260713+nightly
codegen_flags: <defaults>
</compile_context>

<pallas_src>
import functools

import jax
import jax.numpy as jnp
from jax import lax
from jax.experimental import pallas as pl
from jax.experimental.pallas import tpu as pltpu
from jax.experimental.pallas import tpu_sc as plsc

_VOCAB = 100000
_DIM = 128
_BATCH = 16384
_NEG = 20
_LANES = 16

_NW = 32
_CB = _BATCH // _NW
_CH = 16
_NCH = _CB // _CH
_VN = _CH * (1 + _NEG)
_NROWS = 24


def _sc_body(pos_u_hbm, vn_idx_hbm, u_w_hbm, v_w_hbm, out_hbm,
             idx_u, idx_vn, u_buf, vn_buf, score_v, sem0, sem1):
    nc = 2
    wid = lax.axis_index("s") * nc + lax.axis_index("c")
    base = wid * _CB

    ib = wid * (_NCH * _VN)
    st1 = pltpu.async_copy(pos_u_hbm.at[pl.ds(base, _CH)],
                           idx_u.at[pl.ds(0, _CH)], sem0)
    st2 = pltpu.async_copy(vn_idx_hbm.at[pl.ds(ib, _VN)],
                           idx_vn.at[pl.ds(0, _VN)], sem0)
    st3 = pltpu.async_copy(pos_u_hbm.at[pl.ds(base + _CH, _CB - _CH)],
                           idx_u.at[pl.ds(_CH, _CB - _CH)], sem1)
    st4 = pltpu.async_copy(
        vn_idx_hbm.at[pl.ds(ib + _VN, (_NCH - 1) * _VN)],
        idx_vn.at[pl.ds(_VN, (_NCH - 1) * _VN)], sem1)
    st1.wait()
    st2.wait()

    sems = (sem0, sem1)

    def dmas(c, slot):
        return [
            (u_w_hbm.at[idx_u.at[pl.ds(c * _CH, _CH)]],
             u_buf.at[slot], sems[slot]),
            (v_w_hbm.at[idx_vn.at[pl.ds(c * _VN, _VN)]],
             vn_buf.at[slot], sems[slot]),
        ]

    def fire(c, slot):
        for s, d, m in dmas(c, slot):
            pltpu.async_copy(s, d, m)

    def drain(c, slot):
        for s, d, m in dmas(c, slot):
            pltpu.make_async_copy(s, d, m).wait()

    lane = lax.iota(jnp.int32, _LANES)
    last_lane = lane == (_LANES - 1)
    nvec = _DIM // _LANES

    def compute(c, slot):
        ub = u_buf.at[slot]
        vb = vn_buf.at[slot]

        def b_body(b, carry):
            pos = jnp.full((_LANES,), c * _CH, jnp.int32) + b
            nrow = b * _NEG + _CH
            rows = [b] + [nrow + k for k in range(_NEG)]
            accs = [None] * len(rows)
            for j in range(nvec):
                sl = pl.ds(j * _LANES, _LANES)
                u_j = ub[b, sl]
                for r, row in enumerate(rows):
                    t = u_j * vb[row, sl]
                    accs[r] = t if j == 0 else accs[r] + t
            for r in range(len(rows)):
                plsc.store_scatter(score_v, [pos + r * _CB],
                                   plsc.cumsum(accs[r]), mask=last_lane)
            return carry

        lax.fori_loop(0, _CH, b_body, 0)

    fire(0, 0)
    st3.wait()
    st4.wait()

    def outer(i, carry):
        c0 = 2 * i
        fire(c0 + 1, 1)
        drain(c0, 0)
        compute(c0, 0)

        @pl.when(i < _NCH // 2 - 1)
        def _():
            fire(c0 + 2, 0)

        drain(c0 + 1, 1)
        compute(c0 + 1, 1)
        return carry

    lax.fori_loop(0, _NCH // 2, outer, 0)

    zero = jnp.zeros((_LANES,), jnp.float32)
    for r in range(_NEG + 1, _NROWS):
        def pad_body(i, carry, r=r):
            score_v[pl.ds(r * _CB + i * _LANES, _LANES)] = zero
            return carry
        lax.fori_loop(0, _CB // _LANES, pad_body, 0)

    pltpu.sync_copy(score_v, out_hbm.at[wid])


_sc_scores = functools.partial(
    pl.kernel,
    out_type=jax.ShapeDtypeStruct((_NW, _NROWS * _CB), jnp.float32),
    mesh=plsc.VectorSubcoreMesh(core_axis_name="c", subcore_axis_name="s"),
    scratch_types=[
        pltpu.VMEM((_CB,), jnp.int32),
        pltpu.VMEM((_NCH * _VN,), jnp.int32),
        pltpu.VMEM((2, _CH, _DIM), jnp.float32),
        pltpu.VMEM((2, _VN, _DIM), jnp.float32),
        pltpu.VMEM((_NROWS * _CB,), jnp.float32),
        pltpu.SemaphoreType.DMA,
        pltpu.SemaphoreType.DMA,
    ],
    compiler_params=pltpu.CompilerParams(needs_layout_passes=False),
)(_sc_body)


def _tc_loss_body(s_ref, o_ref):
    x = s_ref[...]
    col = lax.broadcasted_iota(jnp.int32, x.shape, 1)
    row = col // _CB
    y = jax.nn.log_sigmoid(jnp.where(row == 0, x, -x))
    y = jnp.where(row < _NEG + 1, y, 0.0)
    w = jnp.where(row == 0, 1.0 / _BATCH,
                  jnp.where(row < _NEG + 1, 1.0 / (_BATCH * _NEG), 0.0))
    o_ref[0, 0] = -jnp.sum(y * w.astype(jnp.float32))


_tc_loss = pl.pallas_call(
    _tc_loss_body,
    out_shape=jax.ShapeDtypeStruct((1, 1), jnp.float32),
    out_specs=pl.BlockSpec(memory_space=pltpu.SMEM),
)


@jax.jit
def kernel(pos_u, pos_v, neg_v, u_weight, v_weight):
    pos_u = pos_u.astype(jnp.int32)
    pos_v = pos_v.astype(jnp.int32)
    neg_flat = neg_v.astype(jnp.int32).reshape(_BATCH // _CH, _CH * _NEG)
    vn_idx = jnp.concatenate(
        [pos_v.reshape(_BATCH // _CH, _CH), neg_flat], axis=1).reshape(-1)
    scores = _sc_scores(pos_u, vn_idx, u_weight, v_weight)
    return _tc_loss(scores)[0, 0]

# --- scband reference (transcript-rebuilt; emitter-appended) ---
"""Pipeline reference for scband-skip-gram-model-90744069030578 (READ-ONLY COPY).

The authoritative reference and input builder live on the scoring server;
editing this copy changes nothing except your own understanding.
"""

import jax, jax.numpy as jnp
import numpy as np

VOCAB = 100000
DIM = 128
BATCH = 16384
NEG = 20


def setup_inputs(seed: int = 0) -> dict:
    key = jax.random.key(seed)
    k1, k2, k3, k4, k5 = jax.random.split(key, 5)
    pos_u = jax.random.randint(k1, (BATCH,), 0, VOCAB, dtype=jnp.int64 if jax.config.jax_enable_x64 else jnp.int32)
    pos_v = jax.random.randint(k2, (BATCH,), 0, VOCAB, dtype=jnp.int64 if jax.config.jax_enable_x64 else jnp.int32)
    neg_v = jax.random.randint(k3, (BATCH, NEG), 0, VOCAB, dtype=jnp.int64 if jax.config.jax_enable_x64 else jnp.int32)
    # Learned parameters. Original init: u ~ U(-0.5/dim, 0.5/dim), v = zeros.
    # v=zeros makes the loss degenerate (score exactly 0 everywhere), so we use
    # the same small uniform range for v to get a non-trivial computation.
    rng = 0.5 / DIM
    u_weight = jax.random.uniform(k4, (VOCAB, DIM), dtype=jnp.float32, minval=-rng, maxval=rng)
    v_weight = jax.random.uniform(k5, (VOCAB, DIM), dtype=jnp.float32, minval=-rng, maxval=rng)
    return {"pos_u": pos_u, "pos_v": pos_v, "neg_v": neg_v, "u_weight": u_weight, "v_weight": v_weight}


def reference(pos_u, pos_v, neg_v, u_weight, v_weight):
    # u_embedding(pos_u): gather rows
    u_emb = jnp.take(u_weight, pos_u, axis=0)          # [B, D]
    v_emb = jnp.take(v_weight, pos_v, axis=0)          # [B, D]
    score = jnp.sum(u_emb * v_emb, axis=1)             # [B]
    score = jax.nn.log_sigmoid(score)
    neg_emb = jnp.take(v_weight, neg_v, axis=0)        # [B, K, D]
    # torch.bmm(neg_v_embedding, u_embedding.unsqueeze(2)).squeeze() -> [B, K]
    neg_score = jnp.einsum('bkd,bd->bk', neg_emb, u_emb)
    neg_score = jax.nn.log_sigmoid(-1.0 * neg_score)
    return -1.0 * (jnp.mean(score) + jnp.mean(neg_score))

if __name__ == "__main__":
    import jax
    _d = setup_inputs()
    print(jax.jit(kernel)(*tuple(_d.values())))

</pallas_src>

<mosaic_0001>
#map = affine_map<(d0, d1) -> (0)>
#map1 = affine_map<(d0, d1) -> (0, 0)>
module attributes {stable_mosaic.version = 14 : i64} {
  func.func @_sc_body(%arg0: i32, %arg1: i32, %arg2: memref<16384xi32, #tpu.memory_space<hbm>>, %arg3: memref<344064xi32, #tpu.memory_space<hbm>>, %arg4: memref<100000x128xf32, #tpu.memory_space<hbm>>, %arg5: memref<100000x128xf32, #tpu.memory_space<hbm>>, %arg6: memref<32x12288xf32, #tpu.memory_space<hbm>>, %arg7: memref<512xi32, #tpu.memory_space<vmem>>, %arg8: memref<10752xi32, #tpu.memory_space<vmem>>, %arg9: memref<2x16x128xf32, #tpu.memory_space<vmem>>, %arg10: memref<2x336x128xf32, #tpu.memory_space<vmem>>, %arg11: memref<12288xf32, #tpu.memory_space<vmem>>, %arg12: memref<!tpu.dma_semaphore, #tpu.memory_space<semaphore_mem>>, %arg13: memref<!tpu.dma_semaphore, #tpu.memory_space<semaphore_mem>>) attributes {dimension_semantics = [#tpu.dimension_semantics<core_parallel>, #tpu.dimension_semantics<subcore_parallel>], iteration_bounds = array<i64: 2, 16>, scalar_prefetch = 0 : i64, scratch_operands = 7 : i64, tpu.core_type = #tpu.core_type<sc_vector_subcore>, window_params = [{transform_indices = #map}, {transform_indices = #map}, {transform_indices = #map1}, {transform_indices = #map1}, {transform_indices = #map1}]} {
    %mul3A = arith.constant 2 : i32
    %mul3A_0 = arith.muli %arg1, %mul3A : i32
    %add3A = arith.addi %mul3A_0, %arg0 : i32
    %mul3A_1 = arith.constant 512 : i32
    %mul3A_2 = arith.muli %add3A, %mul3A_1 : i32
    %mul3A_3 = arith.constant 10752 : i32
    %mul3A_4 = arith.muli %add3A, %mul3A_3 : i32
    %dma_start3A = arith.constant 0 : i32
    %dma_start3A_5 = tpu.memref_slice %arg7[%dma_start3A] : memref<512xi32, #tpu.memory_space<vmem>> -> memref<16xi32, #tpu.memory_space<vmem>>
    %dma_start3A_6 = tpu.memref_slice %arg2[%mul3A_2] : memref<16384xi32, #tpu.memory_space<hbm>> -> memref<16xi32, #tpu.memory_space<hbm>>
    %dma_start3A_7 = arith.constant 0 : i32
    %dma_start3A_8 = tpu.memref_slice %arg7[%dma_start3A_7] : memref<512xi32, #tpu.memory_space<vmem>> -> memref<16xi32, #tpu.memory_space<vmem>>
    %dma_start3A_9 = tpu.memref_slice %arg2[%mul3A_2] : memref<16384xi32, #tpu.memory_space<hbm>> -> memref<16xi32, #tpu.memory_space<hbm>>
    tpu.enqueue_dma source(%dma_start3A_9 : memref<16xi32, #tpu.memory_space<hbm>>) target(%dma_start3A_8 : memref<16xi32, #tpu.memory_space<vmem>>) target_semaphore(%arg12 : memref<!tpu.dma_semaphore, #tpu.memory_space<semaphore_mem>>)
    %dma_start3A_10 = arith.constant 0 : i32
    %dma_start3A_11 = tpu.memref_slice %arg8[%dma_start3A_10] : memref<10752xi32, #tpu.memory_space<vmem>> -> memref<336xi32, #tpu.memory_space<vmem>>
    %dma_start3A_12 = tpu.memref_slice %arg3[%mul3A_4] : memref<344064xi32, #tpu.memory_space<hbm>> -> memref<336xi32, #tpu.memory_space<hbm>>
    %dma_start3A_13 = arith.constant 0 : i32
    %dma_start3A_14 = tpu.memref_slice %arg8[%dma_start3A_13] : memref<10752xi32, #tpu.memory_space<vmem>> -> memref<336xi32, #tpu.memory_space<vmem>>
    %dma_start3A_15 = tpu.memref_slice %arg3[%mul3A_4] : memref<344064xi32, #tpu.memory_space<hbm>> -> memref<336xi32, #tpu.memory_space<hbm>>
    tpu.enqueue_dma source(%dma_start3A_15 : memref<336xi32, #tpu.memory_space<hbm>>) target(%dma_start3A_14 : memref<336xi32, #tpu.memory_space<vmem>>) target_semaphore(%arg12 : memref<!tpu.dma_semaphore, #tpu.memory_space<semaphore_mem>>)
    %add3A_16 = arith.constant 16 : i32
    %add3A_17 = arith.addi %mul3A_2, %add3A_16 : i32
    %dma_start3A_18 = arith.constant 16 : i32
    %dma_start3A_19 = tpu.memref_slice %arg7[%dma_start3A_18] : memref<512xi32, #tpu.memory_space<vmem>> -> memref<496xi32, #tpu.memory_space<vmem>>
    %dma_start3A_20 = tpu.memref_slice %arg2[%add3A_17] : memref<16384xi32, #tpu.memory_space<hbm>> -> memref<496xi32, #tpu.memory_space<hbm>>
    %dma_start3A_21 = arith.constant 16 : i32
    %dma_start3A_22 = tpu.memref_slice %arg7[%dma_start3A_21] : memref<512xi32, #tpu.memory_space<vmem>> -> memref<496xi32, #tpu.memory_space<vmem>>
    %dma_start3A_23 = tpu.memref_slice %arg2[%add3A_17] : memref<16384xi32, #tpu.memory_space<hbm>> -> memref<496xi32, #tpu.memory_space<hbm>>
    tpu.enqueue_dma source(%dma_start3A_23 : memref<496xi32, #tpu.memory_space<hbm>>) target(%dma_start3A_22 : memref<496xi32, #tpu.memory_space<vmem>>) target_semaphore(%arg13 : memref<!tpu.dma_semaphore, #tpu.memory_space<semaphore_mem>>)
    %add3A_24 = arith.constant 336 : i32
    %add3A_25 = arith.addi %mul3A_4, %add3A_24 : i32
    %dma_start3A_26 = arith.constant 336 : i32
    %dma_start3A_27 = tpu.memref_slice %arg8[%dma_start3A_26] : memref<10752xi32, #tpu.memory_space<vmem>> -> memref<10416xi32, #tpu.memory_space<vmem>>
    %dma_start3A_28 = tpu.memref_slice %arg3[%add3A_25] : memref<344064xi32, #tpu.memory_space<hbm>> -> memref<10416xi32, #tpu.memory_space<hbm>>
    %dma_start3A_29 = arith.constant 336 : i32
    %dma_start3A_30 = tpu.memref_slice %arg8[%dma_start3A_29] : memref<10752xi32, #tpu.memory_space<vmem>> -> memref<10416xi32, #tpu.memory_space<vmem>>
    %dma_start3A_31 = tpu.memref_slice %arg3[%add3A_25] : memref<344064xi32, #tpu.memory_space<hbm>> -> memref<10416xi32, #tpu.memory_space<hbm>>
    tpu.enqueue_dma source(%dma_start3A_31 : memref<10416xi32, #tpu.memory_space<hbm>>) target(%dma_start3A_30 : memref<10416xi32, #tpu.memory_space<vmem>>) target_semaphore(%arg13 : memref<!tpu.dma_semaphore, #tpu.memory_space<semaphore_mem>>)
    %dma_wait3A = arith.constant 0 : i32
    %dma_wait3A_32 = tpu.memref_slice %arg7[%dma_wait3A] : memref<512xi32, #tpu.memory_space<vmem>> -> memref<16xi32, #tpu.memory_space<vmem>>
    %dma_wait3A_33 = tpu.memref_slice %arg2[%mul3A_2] : memref<16384xi32, #tpu.memory_space<hbm>> -> memref<16xi32, #tpu.memory_space<hbm>>
    %dma_wait3A_34 = arith.constant 0 : i32
    %dma_wait3A_35 = tpu.memref_slice %arg7[%dma_wait3A_34] : memref<512xi32, #tpu.memory_space<vmem>> -> memref<16xi32, #tpu.memory_space<vmem>>
    %dma_wait3A_36 = tpu.memref_slice %arg2[%mul3A_2] : memref<16384xi32, #tpu.memory_space<hbm>> -> memref<16xi32, #tpu.memory_space<hbm>>
    tpu.wait_dma2 semaphore(%arg12 : memref<!tpu.dma_semaphore, #tpu.memory_space<semaphore_mem>>) src(%dma_wait3A_36 : memref<16xi32, #tpu.memory_space<hbm>>) dst(%dma_wait3A_35 : memref<16xi32, #tpu.memory_space<vmem>>)
    %dma_wait3A_37 = arith.constant 0 : i32
    %dma_wait3A_38 = tpu.memref_slice %arg8[%dma_wait3A_37] : memref<10752xi32, #tpu.memory_space<vmem>> -> memref<336xi32, #tpu.memory_space<vmem>>
    %dma_wait3A_39 = tpu.memref_slice %arg3[%mul3A_4] : memref<344064xi32, #tpu.memory_space<hbm>> -> memref<336xi32, #tpu.memory_space<hbm>>
    %dma_wait3A_40 = arith.constant 0 : i32
    %dma_wait3A_41 = tpu.memref_slice %arg8[%dma_wait3A_40] : memref<10752xi32, #tpu.memory_space<vmem>> -> memref<336xi32, #tpu.memory_space<vmem>>
    %dma_wait3A_42 = tpu.memref_slice %arg3[%mul3A_4] : memref<344064xi32, #tpu.memory_space<hbm>> -> memref<336xi32, #tpu.memory_space<hbm>>
    tpu.wait_dma2 semaphore(%arg12 : memref<!tpu.dma_semaphore, #tpu.memory_space<semaphore_mem>>) src(%dma_wait3A_42 : memref<336xi32, #tpu.memory_space<hbm>>) dst(%dma_wait3A_41 : memref<336xi32, #tpu.memory_space<vmem>>)
    %iota3A = tpu.iota {dimensions = array<i32: 0>} : vector<16xi32>
    %eq3A = arith.constant 15 : i32
    %eq3A_43 = vector.broadcast %eq3A : i32 to vector<16xi32>
    %eq3A_44 = arith.cmpi eq, %iota3A, %eq3A_43 : vector<16xi32>
    %dma_start3A_45 = arith.constant 0 : i32
    %dma_start3A_46 = arith.constant 0 : i32
    %dma_start3A_47 = arith.constant 0 : i32
    %dma_start3A_48 = tpu.memref_slice %arg9[%dma_start3A_45, %dma_start3A_46, %dma_start3A_47] : memref<2x16x128xf32, #tpu.memory_space<vmem>> -> memref<1x16x128xf32, #tpu.memory_space<vmem>>
    %dma_start3A_49 = tpu.memref_squeeze %dma_start3A_48 : memref<1x16x128xf32, #tpu.memory_space<vmem>> -> memref<16x128xf32, #tpu.memory_space<vmem>>
    %dma_start3A_50 = arith.constant 0 : i32
    %dma_start3A_51 = tpu.memref_slice %arg7[%dma_start3A_50] : memref<512xi32, #tpu.memory_space<vmem>> -> memref<16xi32, #tpu.memory_space<vmem>>
    %dma_start3A_52 = arith.constant 0 : i32
    %dma_start3A_53 = arith.constant 0 : i32
    %dma_start3A_54 = tpu.memref_slice %arg4[%dma_start3A_52, %dma_start3A_53] : memref<100000x128xf32, #tpu.memory_space<hbm>> -> memref<100000x128xf32, #tpu.memory_space<hbm>>
    tpu.enqueue_indirect_dma source(%dma_start3A_54 : memref<100000x128xf32, #tpu.memory_space<hbm>>) target(%dma_start3A_49 : memref<16x128xf32, #tpu.memory_space<vmem>>) offsets(%dma_start3A_51 : memref<16xi32, #tpu.memory_space<vmem>>) semaphore(%arg12 : memref<!tpu.dma_semaphore, #tpu.memory_space<semaphore_mem>>)
    %dma_start3A_55 = arith.constant 0 : i32
    %dma_start3A_56 = arith.constant 0 : i32
    %dma_start3A_57 = arith.constant 0 : i32
    %dma_start3A_58 = tpu.memref_slice %arg10[%dma_start3A_55, %dma_start3A_56, %dma_start3A_57] : memref<2x336x128xf32, #tpu.memory_space<vmem>> -> memref<1x336x128xf32, #tpu.memory_space<vmem>>
    %dma_start3A_59 = tpu.memref_squeeze %dma_start3A_58 : memref<1x336x128xf32, #tpu.memory_space<vmem>> -> memref<336x128xf32, #tpu.memory_space<vmem>>
    %dma_start3A_60 = arith.constant 0 : i32
    %dma_start3A_61 = tpu.memref_slice %arg8[%dma_start3A_60] : memref<10752xi32, #tpu.memory_space<vmem>> -> memref<336xi32, #tpu.memory_space<vmem>>
    %dma_start3A_62 = arith.constant 0 : i32
    %dma_start3A_63 = arith.constant 0 : i32
    %dma_start3A_64 = tpu.memref_slice %arg5[%dma_start3A_62, %dma_start3A_63] : memref<100000x128xf32, #tpu.memory_space<hbm>> -> memref<100000x128xf32, #tpu.memory_space<hbm>>
    tpu.enqueue_indirect_dma source(%dma_start3A_64 : memref<100000x128xf32, #tpu.memory_space<hbm>>) target(%dma_start3A_59 : memref<336x128xf32, #tpu.memory_space<vmem>>) offsets(%dma_start3A_61 : memref<336xi32, #tpu.memory_space<vmem>>) semaphore(%arg12 : memref<!tpu.dma_semaphore, #tpu.memory_space<semaphore_mem>>)
    %dma_wait3A_65 = arith.constant 16 : i32
    %dma_wait3A_66 = tpu.memref_slice %arg7[%dma_wait3A_65] : memref<512xi32, #tpu.memory_space<vmem>> -> memref<496xi32, #tpu.memory_space<vmem>>
    %dma_wait3A_67 = tpu.memref_slice %arg2[%add3A_17] : memref<16384xi32, #tpu.memory_space<hbm>> -> memref<496xi32, #tpu.memory_space<hbm>>
    %dma_wait3A_68 = arith.constant 16 : i32
    %dma_wait3A_69 = tpu.memref_slice %arg7[%dma_wait3A_68] : memref<512xi32, #tpu.memory_space<vmem>> -> memref<496xi32, #tpu.memory_space<vmem>>
    %dma_wait3A_70 = tpu.memref_slice %arg2[%add3A_17] : memref<16384xi32, #tpu.memory_space<hbm>> -> memref<496xi32, #tpu.memory_space<hbm>>
    tpu.wait_dma2 semaphore(%arg13 : memref<!tpu.dma_semaphore, #tpu.memory_space<semaphore_mem>>) src(%dma_wait3A_70 : memref<496xi32, #tpu.memory_space<hbm>>) dst(%dma_wait3A_69 : memref<496xi32, #tpu.memory_space<vmem>>)
    %dma_wait3A_71 = arith.constant 336 : i32
    %dma_wait3A_72 = tpu.memref_slice %arg8[%dma_wait3A_71] : memref<10752xi32, #tpu.memory_space<vmem>> -> memref<10416xi32, #tpu.memory_space<vmem>>
    %dma_wait3A_73 = tpu.memref_slice %arg3[%add3A_25] : memref<344064xi32, #tpu.memory_space<hbm>> -> memref<10416xi32, #tpu.memory_space<hbm>>
    %dma_wait3A_74 = arith.constant 336 : i32
    %dma_wait3A_75 = tpu.memref_slice %arg8[%dma_wait3A_74] : memref<10752xi32, #tpu.memory_space<vmem>> -> memref<10416xi32, #tpu.memory_space<vmem>>
    %dma_wait3A_76 = tpu.memref_slice %arg3[%add3A_25] : memref<344064xi32, #tpu.memory_space<hbm>> -> memref<10416xi32, #tpu.memory_space<hbm>>
    tpu.wait_dma2 semaphore(%arg13 : memref<!tpu.dma_semaphore, #tpu.memory_space<semaphore_mem>>) src(%dma_wait3A_76 : memref<10416xi32, #tpu.memory_space<hbm>>) dst(%dma_wait3A_75 : memref<10416xi32, #tpu.memory_space<vmem>>)
    %scan3A = arith.constant 0 : i32
    %scan3A_77 = arith.constant 0 : i32
    %scan3A_78 = arith.constant 16 : i32
    %scan3A_79 = arith.addi %scan3A_77, %scan3A_78 : i32
    %scan3A_80 = arith.constant 1 : i32
    scf.for %scan3A_101 = %scan3A_77 to %scan3A_79 step %scan3A_80  : i32 {
      %mul3A_102 = arith.constant 2 : i32
      %mul3A_103 = arith.muli %mul3A_102, %scan3A_101 : i32
      %add3A_104 = arith.constant 1 : i32
      %add3A_105 = arith.addi %mul3A_103, %add3A_104 : i32
      %mul3A_106 = arith.constant 16 : i32
      %mul3A_107 = arith.muli %add3A_105, %mul3A_106 : i32
      %mul3A_108 = arith.constant 336 : i32
      %mul3A_109 = arith.muli %add3A_105, %mul3A_108 : i32
      %dma_start3A_110 = arith.constant 1 : i32
      %dma_start3A_111 = arith.constant 0 : i32
      %dma_start3A_112 = arith.constant 0 : i32
      %dma_start3A_113 = tpu.memref_slice %arg9[%dma_start3A_110, %dma_start3A_111, %dma_start3A_112] : memref<2x16x128xf32, #tpu.memory_space<vmem>> -> memref<1x16x128xf32, #tpu.memory_space<vmem>>
      %dma_start3A_114 = tpu.memref_squeeze %dma_start3A_113 : memref<1x16x128xf32, #tpu.memory_space<vmem>> -> memref<16x128xf32, #tpu.memory_space<vmem>>
      %dma_start3A_115 = tpu.memref_slice %arg7[%mul3A_107] : memref<512xi32, #tpu.memory_space<vmem>> -> memref<16xi32, #tpu.memory_space<vmem>>
      %dma_start3A_116 = arith.constant 0 : i32
      %dma_start3A_117 = arith.constant 0 : i32
      %dma_start3A_118 = tpu.memref_slice %arg4[%dma_start3A_116, %dma_start3A_117] : memref<100000x128xf32, #tpu.memory_space<hbm>> -> memref<100000x128xf32, #tpu.memory_space<hbm>>
      tpu.enqueue_indirect_dma source(%dma_start3A_118 : memref<100000x128xf32, #tpu.memory_space<hbm>>) target(%dma_start3A_114 : memref<16x128xf32, #tpu.memory_space<vmem>>) offsets(%dma_start3A_115 : memref<16xi32, #tpu.memory_space<vmem>>) semaphore(%arg13 : memref<!tpu.dma_semaphore, #tpu.memory_space<semaphore_mem>>)
      %dma_start3A_119 = arith.constant 1 : i32
      %dma_start3A_120 = arith.constant 0 : i32
      %dma_start3A_121 = arith.constant 0 : i32
      %dma_start3A_122 = tpu.memref_slice %arg10[%dma_start3A_119, %dma_start3A_120, %dma_start3A_121] : memref<2x336x128xf32, #tpu.memory_space<vmem>> -> memref<1x336x128xf32, #tpu.memory_space<vmem>>
      %dma_start3A_123 = tpu.memref_squeeze %dma_start3A_122 : memref<1x336x128xf32, #tpu.memory_space<vmem>> -> memref<336x128xf32, #tpu.memory_space<vmem>>
      %dma_start3A_124 = tpu.memref_slice %arg8[%mul3A_109] : memref<10752xi32, #tpu.memory_space<vmem>> -> memref<336xi32, #tpu.memory_space<vmem>>
      %dma_start3A_125 = arith.constant 0 : i32
      %dma_start3A_126 = arith.constant 0 : i32
      %dma_start3A_127 = tpu.memref_slice %arg5[%dma_start3A_125, %dma_start3A_126] : memref<100000x128xf32, #tpu.memory_space<hbm>> -> memref<100000x128xf32, #tpu.memory_space<hbm>>
      tpu.enqueue_indirect_dma source(%dma_start3A_127 : memref<100000x128xf32, #tpu.memory_space<hbm>>) target(%dma_start3A_123 : memref<336x128xf32, #tpu.memory_space<vmem>>) offsets(%dma_start3A_124 : memref<336xi32, #tpu.memory_space<vmem>>) semaphore(%arg13 : memref<!tpu.dma_semaphore, #tpu.memory_space<semaphore_mem>>)
      %mul3A_128 = arith.constant 16 : i32
      %mul3A_129 = arith.muli %mul3A_103, %mul3A_128 : i32
      %mul3A_130 = arith.constant 336 : i32
      %mul3A_131 = arith.muli %mul3A_103, %mul3A_130 : i32
      %dma_wait3A_132 = arith.constant 0 : i32
      %dma_wait3A_133 = arith.constant 0 : i32
      %dma_wait3A_134 = arith.constant 0 : i32
      %dma_wait3A_135 = tpu.memref_slice %arg9[%dma_wait3A_132, %dma_wait3A_133, %dma_wait3A_134] : memref<2x16x128xf32, #tpu.memory_space<vmem>> -> memref<1x16x128xf32, #tpu.memory_space<vmem>>
      %dma_wait3A_136 = tpu.memref_squeeze %dma_wait3A_135 : memref<1x16x128xf32, #tpu.memory_space<vmem>> -> memref<16x128xf32, #tpu.memory_space<vmem>>
      %dma_wait3A_137 = tpu.memref_slice %arg7[%mul3A_129] : memref<512xi32, #tpu.memory_space<vmem>> -> memref<16xi32, #tpu.memory_space<vmem>>
      %dma_wait3A_138 = arith.constant 0 : i32
      %dma_wait3A_139 = arith.constant 0 : i32
      %dma_wait3A_140 = tpu.memref_slice %arg4[%dma_wait3A_138, %dma_wait3A_139] : memref<100000x128xf32, #tpu.memory_space<hbm>> -> memref<100000x128xf32, #tpu.memory_space<hbm>>
      tpu.wait_indirect_dma semaphore(%arg12 : memref<!tpu.dma_semaphore, #tpu.memory_space<semaphore_mem>>) src(%dma_wait3A_140 : memref<100000x128xf32, #tpu.memory_space<hbm>>) dst(%dma_wait3A_136 : memref<16x128xf32, #tpu.memory_space<vmem>>)
      %dma_wait3A_141 = arith.constant 0 : i32
      %dma_wait3A_142 = arith.constant 0 : i32
      %dma_wait3A_143 = arith.constant 0 : i32
      %dma_wait3A_144 = tpu.memref_slice %arg10[%dma_wait3A_141, %dma_wait3A_142, %dma_wait3A_143] : memref<2x336x128xf32, #tpu.memory_space<vmem>> -> memref<1x336x128xf32, #tpu.memory_space<vmem>>
      %dma_wait3A_145 = tpu.memref_squeeze %dma_wait3A_144 : memref<1x336x128xf32, #tpu.memory_space<vmem>> -> memref<336x128xf32, #tpu.memory_space<vmem>>
      %dma_wait3A_146 = tpu.memref_slice %arg8[%mul3A_131] : memref<10752xi32, #tpu.memory_space<vmem>> -> memref<336xi32, #tpu.memory_space<vmem>>
      %dma_wait3A_147 = arith.constant 0 : i32
      %dma_wait3A_148 = arith.constant 0 : i32
      %dma_wait3A_149 = tpu.memref_slice %arg5[%dma_wait3A_147, %dma_wait3A_148] : memref<100000x128xf32, #tpu.memory_space<hbm>> -> memref<100000x128xf32, #tpu.memory_space<hbm>>
      tpu.wait_indirect_dma semaphore(%arg12 : memref<!tpu.dma_semaphore, #tpu.memory_space<semaphore_mem>>) src(%dma_wait3A_149 : memref<100000x128xf32, #tpu.memory_space<hbm>>) dst(%dma_wait3A_145 : memref<336x128xf32, #tpu.memory_space<vmem>>)
      %scan3A_150 = arith.constant 0 : i32
      %scan3A_151 = arith.constant 0 : i32
      %scan3A_152 = arith.constant 0 : i32
      %scan3A_153 = arith.constant 0 : i32
      %scan3A_154 = arith.constant 16 : i32
      %scan3A_155 = arith.addi %scan3A_153, %scan3A_154 : i32
      %scan3A_156 = arith.constant 1 : i32
      scf.for %scan3A_194 = %scan3A_153 to %scan3A_155 step %scan3A_156  : i32 {
        %mul3A_195 = arith.constant 16 : i32
        %mul3A_196 = arith.muli %mul3A_103, %mul3A_195 : i32
        %broadcast_in_dim3A_197 = vector.broadcast %mul3A_196 : i32 to vector<16xi32>
        %add3A_198 = vector.broadcast %scan3A_194 : i32 to vector<16xi32>
        %add3A_199 = arith.addi %broadcast_in_dim3A_197, %add3A_198 : vector<16xi32>
        %mul3A_200 = arith.constant 20 : i32
        %mul3A_201 = arith.muli %scan3A_194, %mul3A_200 : i32
        %add3A_202 = arith.constant 16 : i32
        %add3A_203 = arith.addi %mul3A_201, %add3A_202 : i32
        %add3A_204 = arith.constant 0 : i32
        %add3A_205 = arith.addi %add3A_203, %add3A_204 : i32
        %add3A_206 = arith.constant 1 : i32
        %add3A_207 = arith.addi %add3A_203, %add3A_206 : i32
        %add3A_208 = arith.constant 2 : i32
        %add3A_209 = arith.addi %add3A_203, %add3A_208 : i32
        %add3A_210 = arith.constant 3 : i32
        %add3A_211 = arith.addi %add3A_203, %add3A_210 : i32
        %add3A_212 = arith.constant 4 : i32
        %add3A_213 = arith.addi %add3A_203, %add3A_212 : i32
        %add3A_214 = arith.constant 5 : i32
        %add3A_215 = arith.addi %add3A_203, %add3A_214 : i32
        %add3A_216 = arith.constant 6 : i32
        %add3A_217 = arith.addi %add3A_203, %add3A_216 : i32
        %add3A_218 = arith.constant 7 : i32
        %add3A_219 = arith.addi %add3A_203, %add3A_218 : i32
        %add3A_220 = arith.constant 8 : i32
        %add3A_221 = arith.addi %add3A_203, %add3A_220 : i32
        %add3A_222 = arith.constant 9 : i32
        %add3A_223 = arith.addi %add3A_203, %add3A_222 : i32
        %add3A_224 = arith.constant 10 : i32
        %add3A_225 = arith.addi %add3A_203, %add3A_224 : i32
        %add3A_226 = arith.constant 11 : i32
        %add3A_227 = arith.addi %add3A_203, %add3A_226 : i32
        %add3A_228 = arith.constant 12 : i32
        %add3A_229 = arith.addi %add3A_203, %add3A_228 : i32
        %add3A_230 = arith.constant 13 : i32
        %add3A_231 = arith.addi %add3A_203, %add3A_230 : i32
        %add3A_232 = arith.constant 14 : i32
        %add3A_233 = arith.addi %add3A_203, %add3A_232 : i32
        %add3A_234 = arith.constant 15 : i32
        %add3A_235 = arith.addi %add3A_203, %add3A_234 : i32
        %add3A_236 = arith.constant 16 : i32
        %add3A_237 = arith.addi %add3A_203, %add3A_236 : i32
        %add3A_238 = arith.constant 17 : i32
        %add3A_239 = arith.addi %add3A_203, %add3A_238 : i32
        %add3A_240 = arith.constant 18 : i32
        %add3A_241 = arith.addi %add3A_203, %add3A_240 : i32
        %add3A_242 = arith.constant 19 : i32
        %add3A_243 = arith.addi %add3A_203, %add3A_242 : i32
        %get3A = arith.constant 0 : i32
        %get3A_244 = arith.constant 0 : i32
        %get3A_245 = tpu.memref_slice %arg9[%scan3A_151, %get3A, %get3A_244] : memref<2x16x128xf32, #tpu.memory_space<vmem>> -> memref<1x16x128xf32, #tpu.memory_space<vmem>>
        %get3A_246 = tpu.memref_squeeze %get3A_245 : memref<1x16x128xf32, #tpu.memory_space<vmem>> -> memref<16x128xf32, #tpu.memory_space<vmem>>
        %get3A_247 = arith.index_cast %scan3A_194 : i32 to index
        %get3A_248 = arith.constant 0 : index
        %get3A_249 = tpu.vector_load %get3A_246[%get3A_247, %get3A_248] {strides = array<i32>} : memref<16x128xf32, #tpu.memory_space<vmem>>, vector<16xf32>,
        %get3A_250 = arith.constant 0 : i32
        %get3A_251 = arith.constant 0 : i32
        %get3A_252 = tpu.memref_slice %arg10[%scan3A_152, %get3A_250, %get3A_251] : memref<2x336x128xf32, #tpu.memory_space<vmem>> -> memref<1x336x128xf32, #tpu.memory_space<vmem>>
        %get3A_253 = tpu.memref_squeeze %get3A_252 : memref<1x336x128xf32, #tpu.memory_space<vmem>> -> memref<336x128xf32, #tpu.memory_space<vmem>>
        %get3A_254 = arith.index_cast %scan3A_194 : i32 to index
        %get3A_255 = arith.constant 0 : index
        %get3A_256 = tpu.vector_load %get3A_253[%get3A_254, %get3A_255] {strides = array<i32>} : memref<336x128xf32, #tpu.memory_space<vmem>>, vector<16xf32>,
        %mul3A_257 = arith.mulf %get3A_249, %get3A_256 : vector<16xf32>
        %get3A_258 = arith.constant 0 : i32
        %get3A_259 = arith.constant 0 : i32
        %get3A_260 = tpu.memref_slice %arg10[%scan3A_152, %get3A_258, %get3A_259] : memref<2x336x128xf32, #tpu.memory_space<vmem>> -> memref<1x336x128xf32, #tpu.memory_space<vmem>>
        %get3A_261 = tpu.memref_squeeze %get3A_260 : memref<1x336x128xf32, #tpu.memory_space<vmem>> -> memref<336x128xf32, #tpu.memory_space<vmem>>
        %get3A_262 = arith.index_cast %add3A_205 : i32 to index
        %get3A_263 = arith.constant 0 : index
        %get3A_264 = tpu.vector_load %get3A_261[%get3A_262, %get3A_263] {strides = array<i32>} : memref<336x128xf32, #tpu.memory_space<vmem>>, vector<16xf32>,
        %mul3A_265 = arith.mulf %get3A_249, %get3A_264 : vector<16xf32>
        %get3A_266 = arith.constant 0 : i32
        %get3A_267 = arith.constant 0 : i32
        %get3A_268 = tpu.memref_slice %arg10[%scan3A_152, %get3A_266, %get3A_267] : memref<2x336x128xf32, #tpu.memory_space<vmem>> -> memref<1x336x128xf32, #tpu.memory_space<vmem>>
        %get3A_269 = tpu.memref_squeeze %get3A_268 : memref<1x336x128xf32, #tpu.memory_space<vmem>> -> memref<336x128xf32, #tpu.memory_space<vmem>>
        %get3A_270 = arith.index_cast %add3A_207 : i32 to index
        %get3A_271 = arith.constant 0 : index
        %get3A_272 = tpu.vector_load %get3A_269[%get3A_270, %get3A_271] {strides = array<i32>} : memref<336x128xf32, #tpu.memory_space<vmem>>, vector<16xf32>,
        %mul3A_273 = arith.mulf %get3A_249, %get3A_272 : vector<16xf32>
        %get3A_274 = arith.constant 0 : i32
        %get3A_275 = arith.constant 0 : i32
        %get3A_276 = tpu.memref_slice %arg10[%scan3A_152, %get3A_274, %get3A_275] : memref<2x336x128xf32, #tpu.memory_space<vmem>> -> memref<1x336x128xf32, #tpu.memory_space<vmem>>
        %get3A_277 = tpu.memref_squeeze %get3A_276 : memref<1x336x128xf32, #tpu.memory_space<vmem>> -> memref<336x128xf32, #tpu.memory_space<vmem>>
        %get3A_278 = arith.index_cast %add3A_209 : i32 to index
        %get3A_279 = arith.constant 0 : index
        %get3A_280 = tpu.vector_load %get3A_277[%get3A_278, %get3A_279] {strides = array<i32>} : memref<336x128xf32, #tpu.memory_space<vmem>>, vector<16xf32>,
        %mul3A_281 = arith.mulf %get3A_249, %get3A_280 : vector<16xf32>
        %get3A_282 = arith.constant 0 : i32
        %get3A_283 = arith.constant 0 : i32
        %get3A_284 = tpu.memref_slice %arg10[%scan3A_152, %get3A_282, %get3A_283] : memref<2x336x128xf32, #tpu.memory_space<vmem>> -> memref<1x336x128xf32, #tpu.memory_space<vmem>>
        %get3A_285 = tpu.memref_squeeze %get3A_284 : memref<1x336x128xf32, #tpu.memory_space<vmem>> -> memref<336x128xf32, #tpu.memory_space<vmem>>
        %get3A_286 = arith.index_cast %add3A_211 : i32 to index
        %get3A_287 = arith.constant 0 : index
        %get3A_288 = tpu.vector_load %get3A_285[%get3A_286, %get3A_287] {strides = array<i32>} : memref<336x128xf32, #tpu.memory_space<vmem>>, vector<16xf32>,
        %mul3A_289 = arith.mulf %get3A_249, %get3A_288 : vector<16xf32>
        %get3A_290 = arith.constant 0 : i32
        %get3A_291 = arith.constant 0 : i32
        %get3A_292 = tpu.memref_slice %arg10[%scan3A_152, %get3A_290, %get3A_291] : memref<2x336x128xf32, #tpu.memory_space<vmem>> -> memref<1x336x128xf32, #tpu.memory_space<vmem>>
        %get3A_293 = tpu.memref_squeeze %get3A_292 : memref<1x336x128xf32, #tpu.memory_space<vmem>> -> memref<336x128xf32, #tpu.memory_space<vmem>>
        %get3A_294 = arith.index_cast %add3A_213 : i32 to index
        %get3A_295 = arith.constant 0 : index
        %get3A_296 = tpu.vector_load %get3A_293[%get3A_294, %get3A_295] {strides = array<i32>} : memref<336x128xf32, #tpu.memory_space<vmem>>, vector<16xf32>,
        %mul3A_297 = arith.mulf %get3A_249, %get3A_296 : vector<16xf32>
        %get3A_298 = arith.constant 0 : i32
        %get3A_299 = arith.constant 0 : i32
        %get3A_300 = tpu.memref_slice %arg10[%scan3A_152, %get3A_298, %get3A_299] : memref<2x336x128xf32, #tpu.memory_space<vmem>> -> memref<1x336x128xf32, #tpu.memory_space<vmem>>
        %get3A_301 = tpu.memref_squeeze %get3A_300 : memref<1x336x128xf32, #tpu.memory_space<vmem>> -> memref<336x128xf32, #tpu.memory_space<vmem>>
        %get3A_302 = arith.index_cast %add3A_215 : i32 to index
        %get3A_303 = arith.constant 0 : index
        %get3A_304 = tpu.vector_load %get3A_301[%get3A_302, %get3A_303] {strides = array<i32>} : memref<336x128xf32, #tpu.memory_space<vmem>>, vector<16xf32>,
        %mul3A_305 = arith.mulf %get3A_249, %get3A_304 : vector<16xf32>
        %get3A_306 = arith.constant 0 : i32
        %get3A_307 = arith.constant 0 : i32
        %get3A_308 = tpu.memref_slice %arg10[%scan3A_152, %get3A_306, %get3A_307] : memref<2x336x128xf32, #tpu.memory_space<vmem>> -> memref<1x336x128xf32, #tpu.memory_space<vmem>>
        %get3A_309 = tpu.memref_squeeze %get3A_308 : memref<1x336x128xf32, #tpu.memory_space<vmem>> -> memref<336x128xf32, #tpu.memory_space<vmem>>
        %get3A_310 = arith.index_cast %add3A_217 : i32 to index
        %get3A_311 = arith.constant 0 : index
        %get3A_312 = tpu.vector_load %get3A_309[%get3A_310, %get3A_311] {strides = array<i32>} : memref<336x128xf32, #tpu.memory_space<vmem>>, vector<16xf32>,
        %mul3A_313 = arith.mulf %get3A_249, %get3A_312 : vector<16xf32>
        %get3A_314 = arith.constant 0 : i32
        %get3A_315 = arith.constant 0 : i32
        %get3A_316 = tpu.memref_slice %arg10[%scan3A_152, %get3A_314, %get3A_315] : memref<2x336x128xf32, #tpu.memory_space<vmem>> -> memref<1x336x128xf32, #tpu.memory_space<vmem>>
        %get3A_317 = tpu.memref_squeeze %get3A_316 : memref<1x336x128xf32, #tpu.memory_space<vmem>> -> memref<336x128xf32, #tpu.memory_space<vmem>>
        %get3A_318 = arith.index_cast %add3A_219 : i32 to index
        %get3A_319 = arith.constant 0 : index
        %get3A_320 = tpu.vector_load %get3A_317[%get3A_318, %get3A_319] {strides = array<i32>} : memref<336x128xf32, #tpu.memory_space<vmem>>, vector<16xf32>,
        %mul3A_321 = arith.mulf %get3A_249, %get3A_320 : vector<16xf32>
        %get3A_322 = arith.constant 0 : i32
        %get3A_323 = arith.constant 0 : i32
        %get3A_324 = tpu.memref_slice %arg10[%scan3A_152, %get3A_322, %get3A_323] : memref<2x336x128xf32, #tpu.memory_space<vmem>> -> memref<1x336x128xf32, #tpu.memory_space<vmem>>
        %get3A_325 = tpu.memref_squeeze %get3A_324 : memref<1x336x128xf32, #tpu.memory_space<vmem>> -> memref<336x128xf32, #tpu.memory_space<vmem>>
        %get3A_326 = arith.index_cast %add3A_221 : i32 to index
        %get3A_327 = arith.constant 0 : index
        %get3A_328 = tpu.vector_load %get3A_325[%get3A_326, %get3A_327] {strides = array<i32>} : memref<336x128xf32, #tpu.memory_space<vmem>>, vector<16xf32>,
        %mul3A_329 = arith.mulf %get3A_249, %get3A_328 : vector<16xf32>
        %get3A_330 = arith.constant 0 : i32
        %get3A_331 = arith.constant 0 : i32
        %get3A_332 = tpu.memref_slice %arg10[%scan3A_152, %get3A_330, %get3A_331] : memref<2x336x128xf32, #tpu.memory_space<vmem>> -> memref<1x336x128xf32, #tpu.memory_space<vmem>>
        %get3A_333 = tpu.memref_squeeze %get3A_332 : memref<1x336x128xf32, #tpu.memory_space<vmem>> -> memref<336x128xf32, #tpu.memory_space<vmem>>
        %get3A_334 = arith.index_cast %add3A_223 : i32 to index
        %get3A_335 = arith.constant 0 : index
        %get3A_336 = tpu.vector_load %get3A_333[%get3A_334, %get3A_335] {strides = array<i32>} : memref<336x128xf32, #tpu.memory_space<vmem>>, vector<16xf32>,
        %mul3A_337 = arith.mulf %get3A_249, %get3A_336 : vector<16xf32>
        %get3A_338 = arith.constant 0 : i32
        %get3A_339 = arith.constant 0 : i32
        %get3A_340 = tpu.memref_slice %arg10[%scan3A_152, %get3A_338, %get3A_339] : memref<2x336x128xf32, #tpu.memory_space<vmem>> -> memref<1x336x128xf32, #tpu.memory_space<vmem>>
        %get3A_341 = tpu.memref_squeeze %get3A_340 : memref<1x336x128xf32, #tpu.memory_space<vmem>> -> memref<336x128xf32, #tpu.memory_space<vmem>>
        %get3A_342 = arith.index_cast %add3A_225 : i32 to index
        %get3A_343 = arith.constant 0 : index
        %get3A_344 = tpu.vector_load %get3A_341[%get3A_342, %get3A_343] {strides = array<i32>} : memref<336x128xf32, #tpu.memory_space<vmem>>, vector<16xf32>,
        %mul3A_345 = arith.mulf %get3A_249, %get3A_344 : vector<16xf32>
        %get3A_346 = arith.constant 0 : i32
        %get3A_347 = arith.constant 0 : i32
        %get3A_348 = tpu.memref_slice %arg10[%scan3A_152, %get3A_346, %get3A_347] : memref<2x336x128xf32, #tpu.memory_space<vmem>> -> memref<1x336x128xf32, #tpu.memory_space<vmem>>
        %get3A_349 = tpu.memref_squeeze %get3A_348 : memref<1x336x128xf32, #tpu.memory_space<vmem>> -> memref<336x128xf32, #tpu.memory_space<vmem>>
        %get3A_350 = arith.index_cast %add3A_227 : i32 to index
        %get3A_351 = arith.constant 0 : index
        %get3A_352 = tpu.vector_load %get3A_349[%get3A_350, %get3A_351] {strides = array<i32>} : memref<336x128xf32, #tpu.memory_space<vmem>>, vector<16xf32>,
        %mul3A_353 = arith.mulf %get3A_249, %get3A_352 : vector<16xf32>
        %get3A_354 = arith.constant 0 : i32
        %get3A_355 = arith.constant 0 : i32
        %get3A_356 = tpu.memref_slice %arg10[%scan3A_152, %get3A_354, %get3A_355] : memref<2x336x128xf32, #tpu.memory_space<vmem>> -> memref<1x336x128xf32, #tpu.memory_space<vmem>>
        %get3A_357 = tpu.memref_squeeze %get3A_356 : memref<1x336x128xf32, #tpu.memory_space<vmem>> -> memref<336x128xf32, #tpu.memory_space<vmem>>
        %get3A_358 = arith.index_cast %add3A_229 : i32 to index
        %get3A_359 = arith.constant 0 : index
        %get3A_360 = tpu.vector_load %get3A_357[%get3A_358, %get3A_359] {strides = array<i32>} : memref<336x128xf32, #tpu.memory_space<vmem>>, vector<16xf32>,
        %mul3A_361 = arith.mulf %get3A_249, %get3A_360 : vector<16xf32>
        %get3A_362 = arith.constant 0 : i32
        %get3A_363 = arith.constant 0 : i32
        %get3A_364 = tpu.memref_slice %arg10[%scan3A_152, %get3A_362, %get3A_363] : memref<2x336x128xf32, #tpu.memory_space<vmem>> -> memref<1x336x128xf32, #tpu.memory_space<vmem>>
        %get3A_365 = tpu.memref_squeeze %get3A_364 : memref<1x336x128xf32, #tpu.memory_space<vmem>> -> memref<336x128xf32, #tpu.memory_space<vmem>>
        %get3A_366 = arith.index_cast %add3A_231 : i32 to index
        %get3A_367 = arith.constant 0 : index
        %get3A_368 = tpu.vector_load %get3A_365[%get3A_366, %get3A_367] {strides = array<i32>} : memref<336x128xf32, #tpu.memory_space<vmem>>, vector<16xf32>,
        %mul3A_369 = arith.mulf %get3A_249, %get3A_368 : vector<16xf32>
        %get3A_370 = arith.constant 0 : i32
        %get3A_371 = arith.constant 0 : i32
        %get3A_372 = tpu.memref_slice %arg10[%scan3A_152, %get3A_370, %get3A_371] : memref<2x336x128xf32, #tpu.memory_space<vmem>> -> memref<1x336x128xf32, #tpu.memory_space<vmem>>
        %get3A_373 = tpu.memref_squeeze %get3A_372 : memref<1x336x128xf32, #tpu.memory_space<vmem>> -> memref<336x128xf32, #tpu.memory_space<vmem>>
        %get3A_374 = arith.index_cast %add3A_233 : i32 to index
        %get3A_375 = arith.constant 0 : index
        %get3A_376 = tpu.vector_load %get3A_373[%get3A_374, %get3A_375] {strides = array<i32>} : memref<336x128xf32, #tpu.memory_space<vmem>>, vector<16xf32>,
        %mul3A_377 = arith.mulf %get3A_249, %get3A_376 : vector<16xf32>
        %get3A_378 = arith.constant 0 : i32
        %get3A_379 = arith.constant 0 : i32
        %get3A_380 = tpu.memref_slice %arg10[%scan3A_152, %get3A_378, %get3A_379] : memref<2x336x128xf32, #tpu.memory_space<vmem>> -> memref<1x336x128xf32, #tpu.memory_space<vmem>>
        %get3A_381 = tpu.memref_squeeze %get3A_380 : memref<1x336x128xf32, #tpu.memory_space<vmem>> -> memref<336x128xf32, #tpu.memory_space<vmem>>
        %get3A_382 = arith.index_cast %add3A_235 : i32 to index
        %get3A_383 = arith.constant 0 : index
        %get3A_384 = tpu.vector_load %get3A_381[%get3A_382, %get3A_383] {strides = array<i32>} : memref<336x128xf32, #tpu.memory_space<vmem>>, vector<16xf32>,
        %mul3A_385 = arith.mulf %get3A_249, %get3A_384 : vector<16xf32>
        %get3A_386 = arith.constant 0 : i32
        %get3A_387 = arith.constant 0 : i32
        %get3A_388 = tpu.memref_slice %arg10[%scan3A_152, %get3A_386, %get3A_387] : memref<2x336x128xf32, #tpu.memory_space<vmem>> -> memref<1x336x128xf32, #tpu.memory_space<vmem>>
        %get3A_389 = tpu.memref_squeeze %get3A_388 : memref<1x336x128xf32, #tpu.memory_space<vmem>> -> memref<336x128xf32, #tpu.memory_space<vmem>>
        %get3A_390 = arith.index_cast %add3A_237 : i32 to index
        %get3A_391 = arith.constant 0 : index
        %get3A_392 = tpu.vector_load %get3A_389[%get3A_390, %get3A_391] {strides = array<i32>} : memref<336x128xf32, #tpu.memory_space<vmem>>, vector<16xf32>,
        %mul3A_393 = arith.mulf %get3A_249, %get3A_392 : vector<16xf32>
        %get3A_394 = arith.constant 0 : i32
        %get3A_395 = arith.constant 0 : i32
        %get3A_396 = tpu.memref_slice %arg10[%scan3A_152, %get3A_394, %get3A_395] : memref<2x336x128xf32, #tpu.memory_space<vmem>> -> memref<1x336x128xf32, #tpu.memory_space<vmem>>
        %get3A_397 = tpu.memref_squeeze %get3A_396 : memref<1x336x128xf32, #tpu.memory_space<vmem>> -> memref<336x128xf32, #tpu.memory_space<vmem>>
        %get3A_398 = arith.index_cast %add3A_239 : i32 to index
        %get3A_399 = arith.constant 0 : index
        %get3A_400 = tpu.vector_load %get3A_397[%get3A_398, %get3A_399] {strides = array<i32>} : memref<336x128xf32, #tpu.memory_space<vmem>>, vector<16xf32>,
        %mul3A_401 = arith.mulf %get3A_249, %get3A_400 : vector<16xf32>
        %get3A_402 = arith.constant 0 : i32
        %get3A_403 = arith.constant 0 : i32
        %get3A_404 = tpu.memref_slice %arg10[%scan3A_152, %get3A_402, %get3A_403] : memref<2x336x128xf32, #tpu.memory_space<vmem>> -> memref<1x336x128xf32, #tpu.memory_space<vmem>>
        %get3A_405 = tpu.memref_squeeze %get3A_404 : memref<1x336x128xf32, #tpu.memory_space<vmem>> -> memref<336x128xf32, #tpu.memory_space<vmem>>
        %get3A_406 = arith.index_cast %add3A_241 : i32 to index
        %get3A_407 = arith.constant 0 : index
        %get3A_408 = tpu.vector_load %get3A_405[%get3A_406, %get3A_407] {strides = array<i32>} : memref<336x128xf32, #tpu.memory_space<vmem>>, vector<16xf32>,
        %mul3A_409 = arith.mulf %get3A_249, %get3A_408 : vector<16xf32>
        %get3A_410 = arith.constant 0 : i32
        %get3A_411 = arith.constant 0 : i32
        %get3A_412 = tpu.memref_slice %arg10[%scan3A_152, %get3A_410, %get3A_411] : memref<2x336x128xf32, #tpu.memory_space<vmem>> -> memref<1x336x128xf32, #tpu.memory_space<vmem>>
        %get3A_413 = tpu.memref_squeeze %get3A_412 : memref<1x336x128xf32, #tpu.memory_space<vmem>> -> memref<336x128xf32, #tpu.memory_space<vmem>>
        %get3A_414 = arith.index_cast %add3A_243 : i32 to index
        %get3A_415 = arith.constant 0 : index
        %get3A_416 = tpu.vector_load %get3A_413[%get3A_414, %get3A_415] {strides = array<i32>} : memref<336x128xf32, #tpu.memory_space<vmem>>, vector<16xf32>,
        %mul3A_417 = arith.mulf %get3A_249, %get3A_416 : vector<16xf32>
        %get3A_418 = arith.constant 0 : i32
        %get3A_419 = arith.constant 0 : i32
        %get3A_420 = tpu.memref_slice %arg9[%scan3A_151, %get3A_418, %get3A_419] : memref<2x16x128xf32, #tpu.memory_space<vmem>> -> memref<1x16x128xf32, #tpu.memory_space<vmem>>
        %get3A_421 = tpu.memref_squeeze %get3A_420 : memref<1x16x128xf32, #tpu.memory_space<vmem>> -> memref<16x128xf32, #tpu.memory_space<vmem>>
        %get3A_422 = arith.index_cast %scan3A_194 : i32 to index
        %get3A_423 = arith.constant 16 : index
        %get3A_424 = tpu.vector_load %get3A_421[%get3A_422, %get3A_423] {strides = array<i32>} : memref<16x128xf32, #tpu.memory_space<vmem>>, vector<16xf32>,
        %get3A_425 = arith.constant 0 : i32
        %get3A_426 = arith.constant 0 : i32
        %get3A_427 = tpu.memref_slice %arg10[%scan3A_152, %get3A_425, %get3A_426] : memref<2x336x128xf32, #tpu.memory_space<vmem>> -> memref<1x336x128xf32, #tpu.memory_space<vmem>>
        %get3A_428 = tpu.memref_squeeze %get3A_427 : memref<1x336x128xf32, #tpu.memory_space<vmem>> -> memref<336x128xf32, #tpu.memory_space<vmem>>
        %get3A_429 = arith.index_cast %scan3A_194 : i32 to index
        %get3A_430 = arith.constant 16 : index
        %get3A_431 = tpu.vector_load %get3A_428[%get3A_429, %get3A_430] {strides = array<i32>} : memref<336x128xf32, #tpu.memory_space<vmem>>, vector<16xf32>,
        %mul3A_432 = arith.mulf %get3A_424, %get3A_431 : vector<16xf32>
        %add3A_433 = arith.addf %mul3A_257, %mul3A_432 : vector<16xf32>
        %get3A_434 = arith.constant 0 : i32
        %get3A_435 = arith.constant 0 : i32
        %get3A_436 = tpu.memref_slice %arg10[%scan3A_152, %get3A_434, %get3A_435] : memref<2x336x128xf32, #tpu.memory_space<vmem>> -> memref<1x336x128xf32, #tpu.memory_space<vmem>>
        %get3A_437 = tpu.memref_squeeze %get3A_436 : memref<1x336x128xf32, #tpu.memory_space<vmem>> -> memref<336x128xf32, #tpu.memory_space<vmem>>
        %get3A_438 = arith.index_cast %add3A_205 : i32 to index
        %get3A_439 = arith.constant 16 : index
        %get3A_440 = tpu.vector_load %get3A_437[%get3A_438, %get3A_439] {strides = array<i32>} : memref<336x128xf32, #tpu.memory_space<vmem>>, vector<16xf32>,
        %mul3A_441 = arith.mulf %get3A_424, %get3A_440 : vector<16xf32>
        %add3A_442 = arith.addf %mul3A_265, %mul3A_441 : vector<16xf32>
        %get3A_443 = arith.constant 0 : i32
        %get3A_444 = arith.constant 0 : i32
        %get3A_445 = tpu.memref_slice %arg10[%scan3A_152, %get3A_443, %get3A_444] : memref<2x336x128xf32, #tpu.memory_space<vmem>> -> memref<1x336x128xf32, #tpu.memory_space<vmem>>
        %get3A_446 = tpu.memref_squeeze %get3A_445 : memref<1x336x128xf32, #tpu.memory_space<vmem>> -> memref<336x128xf32, #tpu.memory_space<vmem>>
        %get3A_447 = arith.index_cast %add3A_207 : i32 to index
        %get3A_448 = arith.constant 16 : index
        %get3A_449 = tpu.vector_load %get3A_446[%get3A_447, %get3A_448] {strides = array<i32>} : memref<336x128xf32, #tpu.memory_space<vmem>>, vector<16xf32>,
        %mul3A_450 = arith.mulf %get3A_424, %get3A_449 : vector<16xf32>
        %add3A_451 = arith.addf %mul3A_273, %mul3A_450 : vector<16xf32>
        %get3A_452 = arith.constant 0 : i32
        %get3A_453 = arith.constant 0 : i32
        %get3A_454 = tpu.memref_slice %arg10[%scan3A_152, %get3A_452, %get3A_453] : memref<2x336x128xf32, #tpu.memory_space<vmem>> -> memref<1x336x128xf32, #tpu.memory_space<vmem>>
        %get3A_455 = tpu.memref_squeeze %get3A_454 : memref<1x336x128xf32, #tpu.memory_space<vmem>> -> memref<336x128xf32, #tpu.memory_space<vmem>>
        %get3A_456 = arith.index_cast %add3A_209 : i32 to index
        %get3A_457 = arith.constant 16 : index
        %get3A_458 = tpu.vector_load %get3A_455[%get3A_456, %get3A_457] {strides = array<i32>} : memref<336x128xf32, #tpu.memory_space<vmem>>, vector<16xf32>,
        %mul3A_459 = arith.mulf %get3A_424, %get3A_458 : vector<16xf32>
        %add3A_460 = arith.addf %mul3A_281, %mul3A_459 : vector<16xf32>
        %get3A_461 = arith.constant 0 : i32
        %get3A_462 = arith.constant 0 : i32
        %get3A_463 = tpu.memref_slice %arg10[%scan3A_152, %get3A_461, %get3A_462] : memref<2x336x128xf32, #tpu.memory_space<vmem>> -> memref<1x336x128xf32, #tpu.memory_space<vmem>>
        %get3A_464 = tpu.memref_squeeze %get3A_463 : memref<1x336x128xf32, #tpu.memory_space<vmem>> -> memref<336x128xf32, #tpu.memory_space<vmem>>
        %get3A_465 = arith.index_cast %add3A_211 : i32 to index
        %get3A_466 = arith.constant 16 : index
        %get3A_467 = tpu.vector_load %get3A_464[%get3A_465, %get3A_466] {strides = array<i32>} : memref<336x128xf32, #tpu.memory_space<vmem>>, vector<16xf32>,
        %mul3A_468 = arith.mulf %get3A_424, %get3A_467 : vector<16xf32>
        %add3A_469 = arith.addf %mul3A_289, %mul3A_468 : vector<16xf32>
        %get3A_470 = arith.constant 0 : i32
        %get3A_471 = arith.constant 0 : i32
        %get3A_472 = tpu.memref_slice %arg10[%scan3A_152, %get3A_470, %get3A_471] : memref<2x336x128xf32, #tpu.memory_space<vmem>> -> memref<1x336x128xf32, #tpu.memory_space<vmem>>
        %get3A_473 = tpu.memref_squeeze %get3A_472 : memref<1x336x128xf32, #tpu.memory_space<vmem>> -> memref<336x128xf32, #tpu.memory_space<vmem>>
        %get3A_474 = arith.index_cast %add3A_213 : i32 to index
        %get3A_475 = arith.constant 16 : index
        %get3A_476 = tpu.vector_load %get3A_473[%get3A_474, %get3A_475] {strides = array<i32>} : memref<336x128xf32, #tpu.memory_space<vmem>>, vector<16xf32>,
        %mul3A_477 = arith.mulf %get3A_424, %get3A_476 : vector<16xf32>
        %add3A_478 = arith.addf %mul3A_297, %mul3A_477 : vector<16xf32>
        %get3A_479 = arith.constant 0 : i32
        %get3A_480 = arith.constant 0 : i32
        %get3A_481 = tpu.memref_slice %arg10[%scan3A_152, %get3A_479, %get3A_480] : memref<2x336x128xf32, #tpu.memory_space<vmem>> -> memref<1x336x128xf32, #tpu.memory_space<vmem>>
        %get3A_482 = tpu.memref_squeeze %get3A_481 : memref<1x336x128xf32, #tpu.memory_space<vmem>> -> memref<336x128xf32, #tpu.memory_space<vmem>>
        %get3A_483 = arith.index_cast %add3A_215 : i32 to index
        %get3A_484 = arith.constant 16 : index
        %get3A_485 = tpu.vector_load %get3A_482[%get3A_483, %get3A_484] {strides = array<i32>} : memref<336x128xf32, #tpu.memory_space<vmem>>, vector<16xf32>,
        %mul3A_486 = arith.mulf %get3A_424, %get3A_485 : vector<16xf32>
        %add3A_487 = arith.addf %mul3A_305, %mul3A_486 : vector<16xf32>
        %get3A_488 = arith.constant 0 : i32
        %get3A_489 = arith.constant 0 : i32
        %get3A_490 = tpu.memref_slice %arg10[%scan3A_152, %get3A_488, %get3A_489] : memref<2x336x128xf32, #tpu.memory_space<vmem>> -> memref<1x336x128xf32, #tpu.memory_space<vmem>>
        %get3A_491 = tpu.memref_squeeze %get3A_490 : memref<1x336x128xf32, #tpu.memory_space<vmem>> -> memref<336x128xf32, #tpu.memory_space<vmem>>
        %get3A_492 = arith.index_cast %add3A_217 : i32 to index
        %get3A_493 = arith.constant 16 : index
        %get3A_494 = tpu.vector_load %get3A_491[%get3A_492, %get3A_493] {strides = array<i32>} : memref<336x128xf32, #tpu.memory_space<vmem>>, vector<16xf32>,
        %mul3A_495 = arith.mulf %get3A_424, %get3A_494 : vector<16xf32>
        %add3A_496 = arith.addf %mul3A_313, %mul3A_495 : vector<16xf32>
        %get3A_497 = arith.constant 0 : i32
        %get3A_498 = arith.constant 0 : i32
        %get3A_499 = tpu.memref_slice %arg10[%scan3A_152, %get3A_497, %get3A_498] : memref<2x336x128xf32, #tpu.memory_space<vmem>> -> memref<1x336x128xf32, #tpu.memory_space<vmem>>
        %get3A_500 = tpu.memref_squeeze %get3A_499 : memref<1x336x128xf32, #tpu.memory_space<vmem>> -> memref<336x128xf32, #tpu.memory_space<vmem>>
        %get3A_501 = arith.index_cast %add3A_219 : i32 to index
        %get3A_502 = arith.constant 16 : index
        %get3A_503 = tpu.vector_load %get3A_500[%get3A_501, %get3A_502] {strides = array<i32>} : memref<336x128xf32, #tpu.memory_space<vmem>>, vector<16xf32>,
        %mul3A_504 = arith.mulf %get3A_424, %get3A_503 : vector<16xf32>
        %add3A_505 = arith.addf %mul3A_321, %mul3A_504 : vector<16xf32>
        %get3A_506 = arith.constant 0 : i32
        %get3A_507 = arith.constant 0 : i32
        %get3A_508 = tpu.memref_slice %arg10[%scan3A_152, %get3A_506, %get3A_507] : memref<2x336x128xf32, #tpu.memory_space<vmem>> -> memref<1x336x128xf32, #tpu.memory_space<vmem>>
        %get3A_509 = tpu.memref_squeeze %get3A_508 : memref<1x336x128xf32, #tpu.memory_space<vmem>> -> memref<336x128xf32, #tpu.memory_space<vmem>>
        %get3A_510 = arith.index_cast %add3A_221 : i32 to index
        %get3A_511 = arith.constant 16 : index
        %get3A_512 = tpu.vector_load %get3A_509[%get3A_510, %get3A_511] {strides = array<i32>} : memref<336x128xf32, #tpu.memory_space<vmem>>, vector<16xf32>,
        %mul3A_513 = arith.mulf %get3A_424, %get3A_512 : vector<16xf32>
        %add3A_514 = arith.addf %mul3A_329, %mul3A_513 : vector<16xf32>
        %get3A_515 = arith.constant 0 : i32
        %get3A_516 = arith.constant 0 : i32
        %get3A_517 = tpu.memref_slice %arg10[%scan3A_152, %get3A_515, %get3A_516] : memref<2x336x128xf32, #tpu.memory_space<vmem>> -> memref<1x336x128xf32, #tpu.memory_space<vmem>>
        %get3A_518 = tpu.memref_squeeze %get3A_517 : memref<1x336x128xf32, #tpu.memory_space<vmem>> -> memref<336x128xf32, #tpu.memory_space<vmem>>
        %get3A_519 = arith.index_cast %add3A_223 : i32 to index
        %get3A_520 = arith.constant 16 : index
        %get3A_521 = tpu.vector_load %get3A_518[%get3A_519, %get3A_520] {strides = array<i32>} : memref<336x128xf32, #tpu.memory_space<vmem>>, vector<16xf32>,
        %mul3A_522 = arith.mulf %get3A_424, %get3A_521 : vector<16xf32>
        %add3A_523 = arith.addf %mul3A_337, %mul3A_522 : vector<16xf32>
        %get3A_524 = arith.constant 0 : i32
        %get3A_525 = arith.constant 0 : i32
        %get3A_526 = tpu.memref_slice %arg10[%scan3A_152, %get3A_524, %get3A_525] : memref<2x336x128xf32, #tpu.memory_space<vmem>> -> memref<1x336x128xf32, #tpu.memory_space<vmem>>
        %get3A_527 = tpu.memref_squeeze %get3A_526 : memref<1x336x128xf32, #tpu.memory_space<vmem>> -> memref<336x128xf32, #tpu.memory_space<vmem>>
        %get3A_528 = arith.index_cast %add3A_225 : i32 to index
        %get3A_529 = arith.constant 16 : index
        %get3A_530 = tpu.vector_load %get3A_527[%get3A_528, %get3A_529] {strides = array<i32>} : memref<336x128xf32, #tpu.memory_space<vmem>>, vector<16xf32>,
        %mul3A_531 = arith.mulf %get3A_424, %get3A_530 : vector<16xf32>
        %add3A_532 = arith.addf %mul3A_345, %mul3A_531 : vector<16xf32>
        %get3A_533 = arith.constant 0 : i32
        %get3A_534 = arith.constant 0 : i32
        %get3A_535 = tpu.memref_slice %arg10[%scan3A_152, %get3A_533, %get3A_534] : memref<2x336x128xf32, #tpu.memory_space<vmem>> -> memref<1x336x128xf32, #tpu.memory_space<vmem>>
        %get3A_536 = tpu.memref_squeeze %get3A_535 : memref<1x336x128xf32, #tpu.memory_space<vmem>> -> memref<336x128xf32, #tpu.memory_space<vmem>>
        %get3A_537 = arith.index_cast %add3A_227 : i32 to index
        %get3A_538 = arith.constant 16 : index
        %get3A_539 = tpu.vector_load %get3A_536[%get3A_537, %get3A_538] {strides = array<i32>} : memref<336x128xf32, #tpu.memory_space<vmem>>, vector<16xf32>,
        %mul3A_540 = arith.mulf %get3A_424, %get3A_539 : vector<16xf32>
        %add3A_541 = arith.addf %mul3A_353, %mul3A_540 : vector<16xf32>
        %get3A_542 = arith.constant 0 : i32
        %get3A_543 = arith.constant 0 : i32
        %get3A_544 = tpu.memref_slice %arg10[%scan3A_152, %get3A_542, %get3A_543] : memref<2x336x128xf32, #tpu.memory_space<vmem>> -> memref<1x336x128xf32, #tpu.memory_space<vmem>>
        %get3A_545 = tpu.memref_squeeze %get3A_544 : memref<1x336x128xf32, #tpu.memory_space<vmem>> -> memref<336x128xf32, #tpu.memory_space<vmem>>
        %get3A_546 = arith.index_cast %add3A_229 : i32 to index
        %get3A_547 = arith.constant 16 : index
        %get3A_548 = tpu.vector_load %get3A_545[%get3A_546, %get3A_547] {strides = array<i32>} : memref<336x128xf32, #tpu.memory_space<vmem>>, vector<16xf32>,
        %mul3A_549 = arith.mulf %get3A_424, %get3A_548 : vector<16xf32>
        %add3A_550 = arith.addf %mul3A_361, %mul3A_549 : vector<16xf32>
        %get3A_551 = arith.constant 0 : i32
        %get3A_552 = arith.constant 0 : i32
        %get3A_553 = tpu.memref_slice %arg10[%scan3A_152, %get3A_551, %get3A_552] : memref<2x336x128xf32, #tpu.memory_space<vmem>> -> memref<1x336x128xf32, #tpu.memory_space<vmem>>
        %get3A_554 = tpu.memref_squeeze %get3A_553 : memref<1x336x128xf32, #tpu.memory_space<vmem>> -> memref<336x128xf32, #tpu.memory_space<vmem>>
        %get3A_555 = arith.index_cast %add3A_231 : i32 to index
        %get3A_556 = arith.constant 16 : index
        %get3A_557 = tpu.vector_load %get3A_554[%get3A_555, %get3A_556] {strides = array<i32>} : memref<336x128xf32, #tpu.memory_space<vmem>>, vector<16xf32>,
        %mul3A_558 = arith.mulf %get3A_424, %get3A_557 : vector<16xf32>
        %add3A_559 = arith.addf %mul3A_369, %mul3A_558 : vector<16xf32>
        %get3A_560 = arith.constant 0 : i32
        %get3A_561 = arith.constant 0 : i32
        %get3A_562 = tpu.memref_slice %arg10[%scan3A_152, %get3A_560, %get3A_561] : memref<2x336x128xf32, #tpu.memory_space<vmem>> -> memref<1x336x128xf32, #tpu.memory_space<vmem>>
        %get3A_563 = tpu.memref_squeeze %get3A_562 : memref<1x336x128xf32, #tpu.memory_space<vmem>> -> memref<336x128xf32, #tpu.memory_space<vmem>>
        %get3A_564 = arith.index_cast %add3A_233 : i32 to index
        %get3A_565 = arith.constant 16 : index
        %get3A_566 = tpu.vector_load %get3A_563[%get3A_564, %get3A_565] {strides = array<i32>} : memref<336x128xf32, #tpu.memory_space<vmem>>, vector<16xf32>,
        %mul3A_567 = arith.mulf %get3A_424, %get3A_566 : vector<16xf32>
        %add3A_568 = arith.addf %mul3A_377, %mul3A_567 : vector<16xf32>
        %get3A_569 = arith.constant 0 : i32
        %get3A_570 = arith.constant 0 : i32
        %get3A_571 = tpu.memref_slice %arg10[%scan3A_152, %get3A_569, %get3A_570] : memref<2x336x128xf32, #tpu.memory_space<vmem>> -> memref<1x336x128xf32, #tpu.memory_space<vmem>>
        %get3A_572 = tpu.memref_squeeze %get3A_571 : memref<1x336x128xf32, #tpu.memory_space<vmem>> -> memref<336x128xf32, #tpu.memory_space<vmem>>
        %get3A_573 = arith.index_cast %add3A_235 : i32 to index
        %get3A_574 = arith.constant 16 : index
        %get3A_575 = tpu.vector_load %get3A_572[%get3A_573, %get3A_574] {strides = array<i32>} : memref<336x128xf32, #tpu.memory_space<vmem>>, vector<16xf32>,
        %mul3A_576 = arith.mulf %get3A_424, %get3A_575 : vector<16xf32>
        %add3A_577 = arith.addf %mul3A_385, %mul3A_576 : vector<16xf32>
        %get3A_578 = arith.constant 0 : i32
        %get3A_579 = arith.constant 0 : i32
        %get3A_580 = tpu.memref_slice %arg10[%scan3A_152, %get3A_578, %get3A_579] : memref<2x336x128xf32, #tpu.memory_space<vmem>> -> memref<1x336x128xf32, #tpu.memory_space<vmem>>
        %get3A_581 = tpu.memref_squeeze %get3A_580 : memref<1x336x128xf32, #tpu.memory_space<vmem>> -> memref<336x128xf32, #tpu.memory_space<vmem>>
        %get3A_582 = arith.index_cast %add3A_237 : i32 to index
        %get3A_583 = arith.constant 16 : index
        %get3A_584 = tpu.vector_load %get3A_581[%get3A_582, %get3A_583] {strides = array<i32>} : memref<336x128xf32, #tpu.memory_space<vmem>>, vector<16xf32>,
        %mul3A_585 = arith.mulf %get3A_424, %get3A_584 : vector<16xf32>
        %add3A_586 = arith.addf %mul3A_393, %mul3A_585 : vector<16xf32>
        %get3A_587 = arith.constant 0 : i32
        %get3A_588 = arith.constant 0 : i32
        %get3A_589 = tpu.memref_slice %arg10[%scan3A_152, %get3A_587, %get3A_588] : memref<2x336x128xf32, #tpu.memory_space<vmem>> -> memref<1x336x128xf32, #tpu.memory_space<vmem>>
        %get3A_590 = tpu.memref_squeeze %get3A_589 : memref<1x336x128xf32, #tpu.memory_space<vmem>> -> memref<336x128xf32, #tpu.memory_space<vmem>>
        %get3A_591 = arith.index_cast %add3A_239 : i32 to index
        %get3A_592 = arith.constant 16 : index
        %get3A_593 = tpu.vector_load %get3A_590[%get3A_591, %get3A_592] {strides = array<i32>} : memref<336x128xf32, #tpu.memory_space<vmem>>, vector<16xf32>,
        %mul3A_594 = arith.mulf %get3A_424, %get3A_593 : vector<16xf32>
        %add3A_595 = arith.addf %mul3A_401, %mul3A_594 : vector<16xf32>
        %get3A_596 = arith.constant 0 : i32
        %get3A_597 = arith.constant 0 : i32
        %get3A_598 = tpu.memref_slice %arg10[%scan3A_152, %get3A_596, %get3A_597] : memref<2x336x128xf32, #tpu.memory_space<vmem>> -> memref<1x336x128xf32, #tpu.memory_space<vmem>>
        %get3A_599 = tpu.memref_squeeze %get3A_598 : memref<1x336x128xf32, #tpu.memory_space<vmem>> -> memref<336x128xf32, #tpu.memory_space<vmem>>
        %get3A_600 = arith.index_cast %add3A_241 : i32 to index
        %get3A_601 = arith.constant 16 : index
        %get3A_602 = tpu.vector_load %get3A_599[%get3A_600, %get3A_601] {strides = array<i32>} : memref<336x128xf32, #tpu.memory_space<vmem>>, vector<16xf32>,
        %mul3A_603 = arith.mulf %get3A_424, %get3A_602 : vector<16xf32>
        %add3A_604 = arith.addf %mul3A_409, %mul3A_603 : vector<16xf32>
        %get3A_605 = arith.constant 0 : i32
        %get3A_606 = arith.constant 0 : i32
        %get3A_607 = tpu.memref_slice %arg10[%scan3A_152, %get3A_605, %get3A_606] : memref<2x336x128xf32, #tpu.memory_space<vmem>> -> memref<1x336x128xf32, #tpu.memory_space<vmem>>
        %get3A_608 = tpu.memref_squeeze %get3A_607 : memref<1x336x128xf32, #tpu.memory_space<vmem>> -> memref<336x128xf32, #tpu.memory_space<vmem>>
        %get3A_609 = arith.index_cast %add3A_243 : i32 to index
        %get3A_610 = arith.constant 16 : index
        %get3A_611 = tpu.vector_load %get3A_608[%get3A_609, %get3A_610] {strides = array<i32>} : memref<336x128xf32, #tpu.memory_space<vmem>>, vector<16xf32>,
        %mul3A_612 = arith.mulf %get3A_424, %get3A_611 : vector<16xf32>
        %add3A_613 = arith.addf %mul3A_417, %mul3A_612 : vector<16xf32>
        %get3A_614 = arith.constant 0 : i32
        %get3A_615 = arith.constant 0 : i32
        %get3A_616 = tpu.memref_slice %arg9[%scan3A_151, %get3A_614, %get3A_615] : memref<2x16x128xf32, #tpu.memory_space<vmem>> -> memref<1x16x128xf32, #tpu.memory_space<vmem>>
        %get3A_617 = tpu.memref_squeeze %get3A_616 : memref<1x16x128xf32, #tpu.memory_space<vmem>> -> memref<16x128xf32, #tpu.memory_space<vmem>>
        %get3A_618 = arith.index_cast %scan3A_194 : i32 to index
        %get3A_619 = arith.constant 32 : index
        %get3A_620 = tpu.vector_load %get3A_617[%get3A_618, %get3A_619] {strides = array<i32>} : memref<16x128xf32, #tpu.memory_space<vmem>>, vector<16xf32>,
        %get3A_621 = arith.constant 0 : i32
        %get3A_622 = arith.constant 0 : i32
        %get3A_623 = tpu.memref_slice %arg10[%scan3A_152, %get3A_621, %get3A_622] : memref<2x336x128xf32, #tpu.memory_space<vmem>> -> memref<1x336x128xf32, #tpu.memory_space<vmem>>
        %get3A_624 = tpu.memref_squeeze %get3A_623 : memref<1x336x128xf32, #tpu.memory_space<vmem>> -> memref<336x128xf32, #tpu.memory_space<vmem>>
        %get3A_625 = arith.index_cast %scan3A_194 : i32 to index
        %get3A_626 = arith.constant 32 : index
        %get3A_627 = tpu.vector_load %get3A_624[%get3A_625, %get3A_626] {strides = array<i32>} : memref<336x128xf32, #tpu.memory_space<vmem>>, vector<16xf32>,
        %mul3A_628 = arith.mulf %get3A_620, %get3A_627 : vector<16xf32>
        %add3A_629 = arith.addf %add3A_433, %mul3A_628 : vector<16xf32>
        %get3A_630 = arith.constant 0 : i32
        %get3A_631 = arith.constant 0 : i32
        %get3A_632 = tpu.memref_slice %arg10[%scan3A_152, %get3A_630, %get3A_631] : memref<2x336x128xf32, #tpu.memory_space<vmem>> -> memref<1x336x128xf32, #tpu.memory_space<vmem>>
        %get3A_633 = tpu.memref_squeeze %get3A_632 : memref<1x336x128xf32, #tpu.memory_space<vmem>> -> memref<336x128xf32, #tpu.memory_space<vmem>>
        %get3A_634 = arith.index_cast %add3A_205 : i32 to index
        %get3A_635 = arith.constant 32 : index
        %get3A_636 = tpu.vector_load %get3A_633[%get3A_634, %get3A_635] {strides = array<i32>} : memref<336x128xf32, #tpu.memory_space<vmem>>, vector<16xf32>,
        %mul3A_637 = arith.mulf %get3A_620, %get3A_636 : vector<16xf32>
        %add3A_638 = arith.addf %add3A_442, %mul3A_637 : vector<16xf32>
        %get3A_639 = arith.constant 0 : i32
        %get3A_640 = arith.constant 0 : i32
        %get3A_641 = tpu.memref_slice %arg10[%scan3A_152, %get3A_639, %get3A_640] : memref<2x336x128xf32, #tpu.memory_space<vmem>> -> memref<1x336x128xf32, #tpu.memory_space<vmem>>
        %get3A_642 = tpu.memref_squeeze %get3A_641 : memref<1x336x128xf32, #tpu.memory_space<vmem>> -> memref<336x128xf32, #tpu.memory_space<vmem>>
        %get3A_643 = arith.index_cast %add3A_207 : i32 to index
        %get3A_644 = arith.constant 32 : index
        %get3A_645 = tpu.vector_load %get3A_642[%get3A_643, %get3A_644] {strides = array<i32>} : memref<336x128xf32, #tpu.memory_space<vmem>>, vector<16xf32>,
        %mul3A_646 = arith.mulf %get3A_620, %get3A_645 : vector<16xf32>
        %add3A_647 = arith.addf %add3A_451, %mul3A_646 : vector<16xf32>
        %get3A_648 = arith.constant 0 : i32
        %get3A_649 = arith.constant 0 : i32
        %get3A_650 = tpu.memref_slice %arg10[%scan3A_152, %get3A_648, %get3A_649] : memref<2x336x128xf32, #tpu.memory_space<vmem>> -> memref<1x336x128xf32, #tpu.memory_space<vmem>>
        %get3A_651 = tpu.memref_squeeze %get3A_650 : memref<1x336x128xf32, #tpu.memory_space<vmem>> -> memref<336x128xf32, #tpu.memory_space<vmem>>
        %get3A_652 = arith.index_cast %add3A_209 : i32 to index
        %get3A_653 = arith.constant 32 : index
        %get3A_654 = tpu.vector_load %get3A_651[%get3A_652, %get3A_653] {strides = array<i32>} : memref<336x128xf32, #tpu.memory_space<vmem>>, vector<16xf32>,
        %mul3A_655 = arith.mulf %get3A_620, %get3A_654 : vector<16xf32>
        %add3A_656 = arith.addf %add3A_460, %mul3A_655 : vector<16xf32>
        %get3A_657 = arith.constant 0 : i32
        %get3A_658 = arith.constant 0 : i32
        %get3A_659 = tpu.memref_slice %arg10[%scan3A_152, %get3A_657, %get3A_658] : memref<2x336x128xf32, #tpu.memory_space<vmem>> -> memref<1x336x128xf32, #tpu.memory_space<vmem>>
        %get3A_660 = tpu.memref_squeeze %get3A_659 : memref<1x336x128xf32, #tpu.memory_space<vmem>> -> memref<336x128xf32, #tpu.memory_space<vmem>>
        %get3A_661 = arith.index_cast %add3A_211 : i32 to index
        %get3A_662 = arith.constant 32 : index
        %get3A_663 = tpu.vector_load %get3A_660[%get3A_661, %get3A_662] {strides = array<i32>} : memref<336x128xf32, #tpu.memory_space<vmem>>, vector<16xf32>,
        %mul3A_664 = arith.mulf %get3A_620, %get3A_663 : vector<16xf32>
        %add3A_665 = arith.addf %add3A_469, %mul3A_664 : vector<16xf32>
        %get3A_666 = arith.constant 0 : i32
        %get3A_667 = arith.constant 0 : i32
        %get3A_668 = tpu.memref_slice %arg10[%scan3A_152, %get3A_666, %get3A_667] : memref<2x336x128xf32, #tpu.memory_space<vmem>> -> memref<1x336x128xf32, #tpu.memory_space<vmem>>
        %get3A_669 = tpu.memref_squeeze %get3A_668 : memref<1x336x128xf32, #tpu.memory_space<vmem>> -> memref<336x128xf32, #tpu.memory_space<vmem>>
        %get3A_670 = arith.index_cast %add3A_213 : i32 to index
        %get3A_671 = arith.constant 32 : index
        %get3A_672 = tpu.vector_load %get3A_669[%get3A_670, %get3A_671] {strides = array<i32>} : memref<336x128xf32, #tpu.memory_space<vmem>>, vector<16xf32>,
        %mul3A_673 = arith.mulf %get3A_620, %get3A_672 : vector<16xf32>
        %add3A_674 = arith.addf %add3A_478, %mul3A_673 : vector<16xf32>
        %get3A_675 = arith.constant 0 : i32
        %get3A_676 = arith.constant 0 : i32
        %get3A_677 = tpu.memref_slice %arg10[%scan3A_152, %get3A_675, %get3A_676] : memref<2x336x128xf32, #tpu.memory_space<vmem>> -> memref<1x336x128xf32, #tpu.memory_space<vmem>>
        %get3A_678 = tpu.memref_squeeze %get3A_677 : memref<1x336x128xf32, #tpu.memory_space<vmem>> -> memref<336x128xf32, #tpu.memory_space<vmem>>
        %get3A_679 = arith.index_cast %add3A_215 : i32 to index
        %get3A_680 = arith.constant 32 : index
        %get3A_681 = tpu.vector_load %get3A_678[%get3A_679, %get3A_680] {strides = array<i32>} : memref<336x128xf32, #tpu.memory_space<vmem>>, vector<16xf32>,
        %mul3A_682 = arith.mulf %get3A_620, %get3A_681 : vector<16xf32>
        %add3A_683 = arith.addf %add3A_487, %mul3A_682 : vector<16xf32>
        %get3A_684 = arith.constant 0 : i32
        %get3A_685 = arith.constant 0 : i32
        %get3A_686 = tpu.memref_slice %arg10[%scan3A_152, %get3A_684, %get3A_685] : memref<2x336x128xf32, #tpu.memory_space<vmem>> -> memref<1x336x128xf32, #tpu.memory_space<vmem>>
        %get3A_687 = tpu.memref_squeeze %get3A_686 : memref<1x336x128xf32, #tpu.memory_space<vmem>> -> memref<336x128xf32, #tpu.memory_space<vmem>>
        %get3A_688 = arith.index_cast %add3A_217 : i32 to index
        %get3A_689 = arith.constant 32 : index
        %get3A_690 = tpu.vector_load %get3A_687[%get3A_688, %get3A_689] {strides = array<i32>} : memref<336x128xf32, #tpu.memory_space<vmem>>, vector<16xf32>,
        %mul3A_691 = arith.mulf %get3A_620, %get3A_690 : vector<16xf32>
        %add3A_692 = arith.addf %add3A_496, %mul3A_691 : vector<16xf32>
        %get3A_693 = arith.constant 0 : i32
        %get3A_694 = arith.constant 0 : i32
        %get3A_695 = tpu.memref_slice %arg10[%scan3A_152, %get3A_693, %get3A_694] : memref<2x336x128xf32, #tpu.memory_space<vmem>> -> memref<1x336x128xf32, #tpu.memory_space<vmem>>
        %get3A_696 = tpu.memref_squeeze %get3A_695 : memref<1x336x128xf32, #tpu.memory_space<vmem>> -> memref<336x128xf32, #tpu.memory_space<vmem>>
        %get3A_697 = arith.index_cast %add3A_219 : i32 to index
        %get3A_698 = arith.constant 32 : index
        %get3A_699 = tpu.vector_load %get3A_696[%get3A_697, %get3A_698] {strides = array<i32>} : memref<336x128xf32, #tpu.memory_space<vmem>>, vector<16xf32>,
        %mul3A_700 = arith.mulf %get3A_620, %get3A_699 : vector<16xf32>
        %add3A_701 = arith.addf %add3A_505, %mul3A_700 : vector<16xf32>
        %get3A_702 = arith.constant 0 : i32
        %get3A_703 = arith.constant 0 : i32
        %get3A_704 = tpu.memref_slice %arg10[%scan3A_152, %get3A_702, %get3A_703] : memref<2x336x128xf32, #tpu.memory_space<vmem>> -> memref<1x336x128xf32, #tpu.memory_space<vmem>>
        %get3A_705 = tpu.memref_squeeze %get3A_704 : memref<1x336x128xf32, #tpu.memory_space<vmem>> -> memref<336x128xf32, #tpu.memory_space<vmem>>
        %get3A_706 = arith.index_cast %add3A_221 : i32 to index
        %get3A_707 = arith.constant 32 : index
        %get3A_708 = tpu.vector_load %get3A_705[%get3A_706, %get3A_707] {strides = array<i32>} : memref<336x128xf32, #tpu.memory_space<vmem>>, vector<16xf32>,
        %mul3A_709 = arith.mulf %get3A_620, %get3A_708 : vector<16xf32>
        %add3A_710 = arith.addf %add3A_514, %mul3A_709 : vector<16xf32>
        %get3A_711 = arith.constant 0 : i32
        %get3A_712 = arith.constant 0 : i32
        %get3A_713 = tpu.memref_slice %arg10[%scan3A_152, %get3A_711, %get3A_712] : memref<2x336x128xf32, #tpu.memory_space<vmem>> -> memref<1x336x128xf32, #tpu.memory_space<vmem>>
        %get3A_714 = tpu.memref_squeeze %get3A_713 : memref<1x336x128xf32, #tpu.memory_space<vmem>> -> memref<336x128xf32, #tpu.memory_space<vmem>>
        %get3A_715 = arith.index_cast %add3A_223 : i32 to index
        %get3A_716 = arith.constant 32 : index
        %get3A_717 = tpu.vector_load %get3A_714[%get3A_715, %get3A_716] {strides = array<i32>} : memref<336x128xf32, #tpu.memory_space<vmem>>, vector<16xf32>,
        %mul3A_718 = arith.mulf %get3A_620, %get3A_717 : vector<16xf32>
        %add3A_719 = arith.addf %add3A_523, %mul3A_718 : vector<16xf32>
        %get3A_720 = arith.constant 0 : i32
        %get3A_721 = arith.constant 0 : i32
        %get3A_722 = tpu.memref_slice %arg10[%scan3A_152, %get3A_720, %get3A_721] : memref<2x336x128xf32, #tpu.memory_space<vmem>> -> memref<1x336x128xf32, #tpu.memory_space<vmem>>
        %get3A_723 = tpu.memref_squeeze %get3A_722 : memref<1x336x128xf32, #tpu.memory_space<vmem>> -> memref<336x128xf32, #tpu.memory_space<vmem>>
        %get3A_724 = arith.index_cast %add3A_225 : i32 to index
        %get3A_725 = arith.constant 32 : index
        %get3A_726 = tpu.vector_load %get3A_723[%get3A_724, %get3A_725] {strides = array<i32>} : memref<336x128xf32, #tpu.memory_space<vmem>>, vector<16xf32>,
        %mul3A_727 = arith.mulf %get3A_620, %get3A_726 : vector<16xf32>
        %add3A_728 = arith.addf %add3A_532, %mul3A_727 : vector<16xf32>
        %get3A_729 = arith.constant 0 : i32
        %get3A_730 = arith.constant 0 : i32
        %get3A_731 = tpu.memref_slice %arg10[%scan3A_152, %get3A_729, %get3A_730] : memref<2x336x128xf32, #tpu.memory_space<vmem>> -> memref<1x336x128xf32, #tpu.memory_space<vmem>>
        %get3A_732 = tpu.memref_squeeze %get3A_731 : memref<1x336x128xf32, #tpu.memory_space<vmem>> -> memref<336x128xf32, #tpu.memory_space<vmem>>
        %get3A_733 = arith.index_cast %add3A_227 : i32 to index
        %get3A_734 = arith.constant 32 : index
        %get3A_735 = tpu.vector_load %get3A_732[%get3A_733, %get3A_734] {strides = array<i32>} : memref<336x128xf32, #tpu.memory_space<vmem>>, vector<16xf32>,
        %mul3A_736 = arith.mulf %get3A_620, %get3A_735 : vector<16xf32>
        %add3A_737 = arith.addf %add3A_541, %mul3A_736 : vector<16xf32>
        %get3A_738 = arith.constant 0 : i32
        %get3A_739 = arith.constant 0 : i32
        %get3A_740 = tpu.memref_slice %arg10[%scan3A_152, %get3A_738, %get3A_739] : memref<2x336x128xf32, #tpu.memory_space<vmem>> -> memref<1x336x128xf32, #tpu.memory_space<vmem>>
        %get3A_741 = tpu.memref_squeeze %get3A_740 : memref<1x336x128xf32, #tpu.memory_space<vmem>> -> memref<336x128xf32, #tpu.memory_space<vmem>>
        %get3A_742 = arith.index_cast %add3A_229 : i32 to index
        %get3A_743 = arith.constant 32 : index
        %get3A_744 = tpu.vector_load %get3A_741[%get3A_742, %get3A_743] {strides = array<i32>} : memref<336x128xf32, #tpu.memory_space<vmem>>, vector<16xf32>,
        %mul3A_745 = arith.mulf %get3A_620, %get3A_744 : vector<16xf32>
        %add3A_746 = arith.addf %add3A_550, %mul3A_745 : vector<16xf32>
        %get3A_747 = arith.constant 0 : i32
        %get3A_748 = arith.constant 0 : i32
        %get3A_749 = tpu.memref_slice %arg10[%scan3A_152, %get3A_747, %get3A_748] : memref<2x336x128xf32, #tpu.memory_space<vmem>> -> memref<1x336x128xf32, #tpu.memory_space<vmem>>
        %get3A_750 = tpu.memref_squeeze %get3A_749 : memref<1x336x128xf32, #tpu.memory_space<vmem>> -> memref<336x128xf32, #tpu.memory_space<vmem>>
        %get3A_751 = arith.index_cast %add3A_231 : i32 to index
        %get3A_752 = arith.constant 32 : index
        %get3A_753 = tpu.vector_load %get3A_750[%get3A_751, %get3A_752] {strides = array<i32>} : memref<336x128xf32, #tpu.memory_space<vmem>>, vector<16xf32>,
        %mul3A_754 = arith.mulf %get3A_620, %get3A_753 : vector<16xf32>
        %add3A_755 = arith.addf %add3A_559, %mul3A_754 : vector<16xf32>
        %get3A_756 = arith.constant 0 : i32
        %get3A_757 = arith.constant 0 : i32
        %get3A_758 = tpu.memref_slice %arg10[%scan3A_152, %get3A_756, %get3A_757] : memref<2x336x128xf32, #tpu.memory_space<vmem>> -> memref<1x336x128xf32, #tpu.memory_space<vmem>>
        %get3A_759 = tpu.memref_squeeze %get3A_758 : memref<1x336x128xf32, #tpu.memory_space<vmem>> -> memref<336x128xf32, #tpu.memory_space<vmem>>
        %get3A_760 = arith.index_cast %add3A_233 : i32 to index
        %get3A_761 = arith.constant 32 : index
        %get3A_762 = tpu.vector_load %get3A_759[%get3A_760, %get3A_761] {strides = array<i32>} : memref<336x128xf32, #tpu.memory_space<vmem>>, vector<16xf32>,
        %mul3A_763 = arith.mulf %get3A_620, %get3A_762 : vector<16xf32>
        %add3A_764 = arith.addf %add3A_568, %mul3A_763 : vector<16xf32>
        %get3A_765 = arith.constant 0 : i32
        %get3A_766 = arith.constant 0 : i32
        %get3A_767 = tpu.memref_slice %arg10[%scan3A_152, %get3A_765, %get3A_766] : memref<2x336x128xf32, #tpu.memory_space<vmem>> -> memref<1x336x128xf32, #tpu.memory_space<vmem>>
        %get3A_768 = tpu.memref_squeeze %get3A_767 : memref<1x336x128xf32, #tpu.memory_space<vmem>> -> memref<336x128xf32, #tpu.memory_space<vmem>>
        %get3A_769 = arith.index_cast %add3A_235 : i32 to index
        %get3A_770 = arith.constant 32 : index
        %get3A_771 = tpu.vector_load %get3A_768[%get3A_769, %get3A_770] {strides = array<i32>} : memref<336x128xf32, #tpu.memory_space<vmem>>, vector<16xf32>,
        %mul3A_772 = arith.mulf %get3A_620, %get3A_771 : vector<16xf32>
        %add3A_773 = arith.addf %add3A_577, %mul3A_772 : vector<16xf32>
        %get3A_774 = arith.constant 0 : i32
        %get3A_775 = arith.constant 0 : i32
        %get3A_776 = tpu.memref_slice %arg10[%scan3A_152, %get3A_774, %get3A_775] : memref<2x336x128xf32, #tpu.memory_space<vmem>> -> memref<1x336x128xf32, #tpu.memory_space<vmem>>
        %get3A_777 = tpu.memref_squeeze %get3A_776 : memref<1x336x128xf32, #tpu.memory_space<vmem>> -> memref<336x128xf32, #tpu.memory_space<vmem>>
        %get3A_778 = arith.index_cast %add3A_237 : i32 to index
        %get3A_779 = arith.constant 32 : index
        %get3A_780 = tpu.vector_load %get3A_777[%get3A_778, %get3A_779] {strides = array<i32>} : memref<336x128xf32, #tpu.memory_space<vmem>>, vector<16xf32>,
        %mul3A_781 = arith.mulf %get3A_620, %get3A_780 : vector<16xf32>
        %add3A_782 = arith.addf %add3A_586, %mul3A_781 : vector<16xf32>
        %get3A_783 = arith.constant 0 : i32
        %get3A_784 = arith.constant 0 : i32
        %get3A_785 = tpu.memref_slice %arg10[%scan3A_152, %get3A_783, %get3A_784] : memref<2x336x128xf32, #tpu.memory_space<vmem>> -> memref<1x336x128xf32, #tpu.memory_space<vmem>>
        %get3A_786 = tpu.memref_squeeze %get3A_785 : memref<1x336x128xf32, #tpu.memory_space<vmem>> -> memref<336x128xf32, #tpu.memory_space<vmem>>
        %get3A_787 = arith.index_cast %add3A_239 : i32 to index
        %get3A_788 = arith.constant 32 : index
        %get3A_789 = tpu.vector_load %get3A_786[%get3A_787, %get3A_788] {strides = array<i32>} : memref<336x128xf32, #tpu.memory_space<vmem>>, vector<16xf32>,
        %mul3A_790 = arith.mulf %get3A_620, %get3A_789 : vector<16xf32>
        %add3A_791 = arith.addf %add3A_595, %mul3A_790 : vector<16xf32>
        %get3A_792 = arith.constant 0 : i32
        %get3A_793 = arith.constant 0 : i32
        %get3A_794 = tpu.memref_slice %arg10[%scan3A_152, %get3A_792, %get3A_793] : memref<2x336x128xf32, #tpu.memory_space<vmem>> -> memref<1x336x128xf32, #tpu.memory_space<vmem>>
        %get3A_795 = tpu.memref_squeeze %get3A_794 : memref<1x336x128xf32, #tpu.memory_space<vmem>> -> memref<336x128xf32, #tpu.memory_space<vmem>>
        %get3A_796 = arith.index_cast %add3A_241 : i32 to index
        %get3A_797 = arith.constant 32 : index
        %get3A_798 = tpu.vector_load %get3A_795[%get3A_796, %get3A_797] {strides = array<i32>} : memref<336x128xf32, #tpu.memory_space<vmem>>, vector<16xf32>,
        %mul3A_799 = arith.mulf %get3A_620, %get3A_798 : vector<16xf32>
        %add3A_800 = arith.addf %add3A_604, %mul3A_799 : vector<16xf32>
        %get3A_801 = arith.constant 0 : i32
        %get3A_802 = arith.constant 0 : i32
        %get3A_803 = tpu.memref_slice %arg10[%scan3A_152, %get3A_801, %get3A_802] : memref<2x336x128xf32, #tpu.memory_space<vmem>> -> memref<1x336x128xf32, #tpu.memory_space<vmem>>
        %get3A_804 = tpu.memref_squeeze %get3A_803 : memref<1x336x128xf32, #tpu.memory_space<vmem>> -> memref<336x128xf32, #tpu.memory_space<vmem>>
        %get3A_805 = arith.index_cast %add3A_243 : i32 to index
        %get3A_806 = arith.constant 32 : index
        %get3A_807 = tpu.vector_load %get3A_804[%get3A_805, %get3A_806] {strides = array<i32>} : memref<336x128xf32, #tpu.memory_space<vmem>>, vector<16xf32>,
        %mul3A_808 = arith.mulf %get3A_620, %get3A_807 : vector<16xf32>
        %add3A_809 = arith.addf %add3A_613, %mul3A_808 : vector<16xf32>
        %get3A_810 = arith.constant 0 : i32
        %get3A_811 = arith.constant 0 : i32
        %get3A_812 = tpu.memref_slice %arg9[%scan3A_151, %get3A_810, %get3A_811] : memref<2x16x128xf32, #tpu.memory_space<vmem>> -> memref<1x16x128xf32, #tpu.memory_space<vmem>>
        %get3A_813 = tpu.memref_squeeze %get3A_812 : memref<1x16x128xf32, #tpu.memory_space<vmem>> -> memref<16x128xf32, #tpu.memory_space<vmem>>
        %get3A_814 = arith.index_cast %scan3A_194 : i32 to index
        %get3A_815 = arith.constant 48 : index
        %get3A_816 = tpu.vector_load %get3A_813[%get3A_814, %get3A_815] {strides = array<i32>} : memref<16x128xf32, #tpu.memory_space<vmem>>, vector<16xf32>,
        %get3A_817 = arith.constant 0 : i32
        %get3A_818 = arith.constant 0 : i32
        %get3A_819 = tpu.memref_slice %arg10[%scan3A_152, %get3A_817, %get3A_818] : memref<2x336x128xf32, #tpu.memory_space<vmem>> -> memref<1x336x128xf32, #tpu.memory_space<vmem>>
        %get3A_820 = tpu.memref_squeeze %get3A_819 : memref<1x336x128xf32, #tpu.memory_space<vmem>> -> memref<336x128xf32, #tpu.memory_space<vmem>>
        %get3A_821 = arith.index_cast %scan3A_194 : i32 to index
        %get3A_822 = arith.constant 48 : index
        %get3A_823 = tpu.vector_load %get3A_820[%get3A_821, %get3A_822] {strides = array<i32>} : memref<336x128xf32, #tpu.memory_space<vmem>>, vector<16xf32>,
        %mul3A_824 = arith.mulf %get3A_816, %get3A_823 : vector<16xf32>
        %add3A_825 = arith.addf %add3A_629, %mul3A_824 : vector<16xf32>
        %get3A_826 = arith.constant 0 : i32
        %get3A_827 = arith.constant 0 : i32
        %get3A_828 = tpu.memref_slice %arg10[%scan3A_152, %get3A_826, %get3A_827] : memref<2x336x128xf32, #tpu.memory_space<vmem>> -> memref<1x336x128xf32, #tpu.memory_space<vmem>>
        %get3A_829 = tpu.memref_squeeze %get3A_828 : memref<1x336x128xf32, #tpu.memory_space<vmem>> -> memref<336x128xf32, #tpu.memory_space<vmem>>
        %get3A_830 = arith.index_cast %add3A_205 : i32 to index
        %get3A_831 = arith.constant 48 : index
        %get3A_832 = tpu.vector_load %get3A_829[%get3A_830, %get3A_831] {strides = array<i32>} : memref<336x128xf32, #tpu.memory_space<vmem>>, vector<16xf32>,
        %mul3A_833 = arith.mulf %get3A_816, %get3A_832 : vector<16xf32>
        %add3A_834 = arith.addf %add3A_638, %mul3A_833 : vector<16xf32>
        %get3A_835 = arith.constant 0 : i32
        %get3A_836 = arith.constant 0 : i32
        %get3A_837 = tpu.memref_slice %arg10[%scan3A_152, %get3A_835, %get3A_836] : memref<2x336x128xf32, #tpu.memory_space<vmem>> -> memref<1x336x128xf32, #tpu.memory_space<vmem>>
        %get3A_838 = tpu.memref_squeeze %get3A_837 : memref<1x336x128xf32, #tpu.memory_space<vmem>> -> memref<336x128xf32, #tpu.memory_space<vmem>>
        %get3A_839 = arith.index_cast %add3A_207 : i32 to index
        %get3A_840 = arith.constant 48 : index
        %get3A_841 = tpu.vector_load %get3A_838[%get3A_839, %get3A_840] {strides = array<i32>} : memref<336x128xf32, #tpu.memory_space<vmem>>, vector<16xf32>,
        %mul3A_842 = arith.mulf %get3A_816, %get3A_841 : vector<16xf32>
        %add3A_843 = arith.addf %add3A_647, %mul3A_842 : vector<16xf32>
        %get3A_844 = arith.constant 0 : i32
        %get3A_845 = arith.constant 0 : i32
        %get3A_846 = tpu.memref_slice %arg10[%scan3A_152, %get3A_844, %get3A_845] : memref<2x336x128xf32, #tpu.memory_space<vmem>> -> memref<1x336x128xf32, #tpu.memory_space<vmem>>
        %get3A_847 = tpu.memref_squeeze %get3A_846 : memref<1x336x128xf32, #tpu.memory_space<vmem>> -> memref<336x128xf32, #tpu.memory_space<vmem>>
        %get3A_848 = arith.index_cast %add3A_209 : i32 to index
        %get3A_849 = arith.constant 48 : index
        %get3A_850 = tpu.vector_load %get3A_847[%get3A_848, %get3A_849] {strides = array<i32>} : memref<336x128xf32, #tpu.memory_space<vmem>>, vector<16xf32>,
        %mul3A_851 = arith.mulf %get3A_816, %get3A_850 : vector<16xf32>
        %add3A_852 = arith.addf %add3A_656, %mul3A_851 : vector<16xf32>
        %get3A_853 = arith.constant 0 : i32
        %get3A_854 = arith.constant 0 : i32
        %get3A_855 = tpu.memref_slice %arg10[%scan3A_152, %get3A_853, %get3A_854] : memref<2x336x128xf32, #tpu.memory_space<vmem>> -> memref<1x336x128xf32, #tpu.memory_space<vmem>>
        %get3A_856 = tpu.memref_squeeze %get3A_855 : memref<1x336x128xf32, #tpu.memory_space<vmem>> -> memref<336x128xf32, #tpu.memory_space<vmem>>
        %get3A_857 = arith.index_cast %add3A_211 : i32 to index
        %get3A_858 = arith.constant 48 : index
        %get3A_859 = tpu.vector_load %get3A_856[%get3A_857, %get3A_858] {strides = array<i32>} : memref<336x128xf32, #tpu.memory_space<vmem>>, vector<16xf32>,
        %mul3A_860 = arith.mulf %get3A_816, %get3A_859 : vector<16xf32>
        %add3A_861 = arith.addf %add3A_665, %mul3A_860 : vector<16xf32>
        %get3A_862 = arith.constant 0 : i32
        %get3A_863 = arith.constant 0 : i32
        %get3A_864 = tpu.memref_slice %arg10[%scan3A_152, %get3A_862, %get3A_863] : memref<2x336x128xf32, #tpu.memory_space<vmem>> -> memref<1x336x128xf32, #tpu.memory_space<vmem>>
        %get3A_865 = tpu.memref_squeeze %get3A_864 : memref<1x336x128xf32, #tpu.memory_space<vmem>> -> memref<336x128xf32, #tpu.memory_space<vmem>>
        %get3A_866 = arith.index_cast %add3A_213 : i32 to index
        %get3A_867 = arith.constant 48 : index
        %get3A_868 = tpu.vector_load %get3A_865[%get3A_866, %get3A_867] {strides = array<i32>} : memref<336x128xf32, #tpu.memory_space<vmem>>, vector<16xf32>,
        %mul3A_869 = arith.mulf %get3A_816, %get3A_868 : vector<16xf32>
        %add3A_870 = arith.addf %add3A_674, %mul3A_869 : vector<16xf32>
        %get3A_871 = arith.constant 0 : i32
        %get3A_872 = arith.constant 0 : i32
        %get3A_873 = tpu.memref_slice %arg10[%scan3A_152, %get3A_871, %get3A_872] : memref<2x336x128xf32, #tpu.memory_space<vmem>> -> memref<1x336x128xf32, #tpu.memory_space<vmem>>
        %get3A_874 = tpu.memref_squeeze %get3A_873 : memref<1x336x128xf32, #tpu.memory_space<vmem>> -> memref<336x128xf32, #tpu.memory_space<vmem>>
        %get3A_875 = arith.index_cast %add3A_215 : i32 to index
        %get3A_876 = arith.constant 48 : index
        %get3A_877 = tpu.vector_load %get3A_874[%get3A_875, %get3A_876] {strides = array<i32>} : memref<336x128xf32, #tpu.memory_space<vmem>>, vector<16xf32>,
        %mul3A_878 = arith.mulf %get3A_816, %get3A_877 : vector<16xf32>
        %add3A_879 = arith.addf %add3A_683, %mul3A_878 : vector<16xf32>
        %get3A_880 = arith.constant 0 : i32
        %get3A_881 = arith.constant 0 : i32
        %get3A_882 = tpu.memref_slice %arg10[%scan3A_152, %get3A_880, %get3A_881] : memref<2x336x128xf32, #tpu.memory_space<vmem>> -> memref<1x336x128xf32, #tpu.memory_space<vmem>>
        %get3A_883 = tpu.memref_squeeze %get3A_882 : memref<1x336x128xf32, #tpu.memory_space<vmem>> -> memref<336x128xf32, #tpu.memory_space<vmem>>
        %get3A_884 = arith.index_cast %add3A_217 : i32 to index
        %get3A_885 = arith.constant 48 : index
        %get3A_886 = tpu.vector_load %get3A_883[%get3A_884, %get3A_885] {strides = array<i32>} : memref<336x128xf32, #tpu.memory_space<vmem>>, vector<16xf32>,
        %mul3A_887 = arith.mulf %get3A_816, %get3A_886 : vector<16xf32>
        %add3A_888 = arith.addf %add3A_692, %mul3A_887 : vector<16xf32>
        %get3A_889 = arith.constant 0 : i32
        %get3A_890 = arith.constant 0 : i32
        %get3A_891 = tpu.memref_slice %arg10[%scan3A_152, %get3A_889, %get3A_890] : memref<2x336x128xf32, #tpu.memory_space<vmem>> -> memref<1x336x128xf32, #tpu.memory_space<vmem>>
        %get3A_892 = tpu.memref_squeeze %get3A_891 : memref<1x336x128xf32, #tpu.memory_space<vmem>> -> memref<336x128xf32, #tpu.memory_space<vmem>>
        %get3A_893 = arith.index_cast %add3A_219 : i32 to index
        %get3A_894 = arith.constant 48 : index
        %get3A_895 = tpu.vector_load %get3A_892[%get3A_893, %get3A_894] {strides = array<i32>} : memref<336x128xf32, #tpu.memory_space<vmem>>, vector<16xf32>,
        %mul3A_896 = arith.mulf %get3A_816, %get3A_895 : vector<16xf32>
        %add3A_897 = arith.addf %add3A_701, %mul3A_896 : vector<16xf32>
        %get3A_898 = arith.constant 0 : i32
        %get3A_899 = arith.constant 0 : i32
        %get3A_900 = tpu.memref_slice %arg10[%scan3A_152, %get3A_898, %get3A_899] : memref<2x336x128xf32, #tpu.memory_space<vmem>> -> memref<1x336x128xf32, #tpu.memory_space<vmem>>
        %get3A_901 = tpu.memref_squeeze %get3A_900 : memref<1x336x128xf32, #tpu.memory_space<vmem>> -> memref<336x128xf32, #tpu.memory_space<vmem>>
        %get3A_902 = arith.index_cast %add3A_221 : i32 to index
        %get3A_903 = arith.constant 48 : index
        %get3A_904 = tpu.vector_load %get3A_901[%get3A_902, %get3A_903] {strides = array<i32>} : memref<336x128xf32, #tpu.memory_space<vmem>>, vector<16xf32>,
        %mul3A_905 = arith.mulf %get3A_816, %get3A_904 : vector<16xf32>
        %add3A_906 = arith.addf %add3A_710, %mul3A_905 : vector<16xf32>
        %get3A_907 = arith.constant 0 : i32
        %get3A_908 = arith.constant 0 : i32
        %get3A_909 = tpu.memref_slice %arg10[%scan3A_152, %get3A_907, %get3A_908] : memref<2x336x128xf32, #tpu.memory_space<vmem>> -> memref<1x336x128xf32, #tpu.memory_space<vmem>>
        %get3A_910 = tpu.memref_squeeze %get3A_909 : memref<1x336x128xf32, #tpu.memory_space<vmem>> -> memref<336x128xf32, #tpu.memory_space<vmem>>
        %get3A_911 = arith.index_cast %add3A_223 : i32 to index
        %get3A_912 = arith.constant 48 : index
        %get3A_913 = tpu.vector_load %get3A_910[%get3A_911, %get3A_912] {strides = array<i32>} : memref<336x128xf32, #tpu.memory_space<vmem>>, vector<16xf32>,
        %mul3A_914 = arith.mulf %get3A_816, %get3A_913 : vector<16xf32>
        %add3A_915 = arith.addf %add3A_719, %mul3A_914 : vector<16xf32>
        %get3A_916 = arith.constant 0 : i32
        %get3A_917 = arith.constant 0 : i32
        %get3A_918 = tpu.memref_slice %arg10[%scan3A_152, %get3A_916, %get3A_917] : memref<2x336x128xf32, #tpu.memory_space<vmem>> -> memref<1x336x128xf32, #tpu.memory_space<vmem>>
        %get3A_919 = tpu.memref_squeeze %get3A_918 : memref<1x336x128xf32, #tpu.memory_space<vmem>> -> memref<336x128xf32, #tpu.memory_space<vmem>>
        %get3A_920 = arith.index_cast %add3A_225 : i32 to index
        %get3A_921 = arith.constant 48 : index
        %get3A_922 = tpu.vector_load %get3A_919[%get3A_920, %get3A_921] {strides = array<i32>} : memref<336x128xf32, #tpu.memory_space<vmem>>, vector<16xf32>,
        %mul3A_923 = arith.mulf %get3A_816, %get3A_922 : vector<16xf32>
        %add3A_924 = arith.addf %add3A_728, %mul3A_923 : vector<16xf32>
        %get3A_925 = arith.constant 0 : i32
        %get3A_926 = arith.constant 0 : i32
        %get3A_927 = tpu.memref_slice %arg10[%scan3A_152, %get3A_925, %get3A_926] : memref<2x336x128xf32, #tpu.memory_space<vmem>> -> memref<1x336x128xf32, #tpu.memory_space<vmem>>
        %get3A_928 = tpu.memref_squeeze %get3A_927 : memref<1x336x128xf32, #tpu.memory_space<vmem>> -> memref<336x128xf32, #tpu.memory_space<vmem>>
        %get3A_929 = arith.index_cast %add3A_227 : i32 to index
        %get3A_930 = arith.constant 48 : index
        %get3A_931 = tpu.vector_load %get3A_928[%get3A_929, %get3A_930] {strides = array<i32>} : memref<336x128xf32, #tpu.memory_space<vmem>>, vector<16xf32>,
        %mul3A_932 = arith.mulf %get3A_816, %get3A_931 : vector<16xf32>
        %add3A_933 = arith.addf %add3A_737, %mul3A_932 : vector<16xf32>
        %get3A_934 = arith.constant 0 : i32
        %get3A_935 = arith.constant 0 : i32
        %get3A_936 = tpu.memref_slice %arg10[%scan3A_152, %get3A_934, %get3A_935] : memref<2x336x128xf32, #tpu.memory_space<vmem>> -> memref<1x336x128xf32, #tpu.memory_space<vmem>>
        %get3A_937 = tpu.memref_squeeze %get3A_936 : memref<1x336x128xf32, #tpu.memory_space<vmem>> -> memref<336x128xf32, #tpu.memory_space<vmem>>
        %get3A_938 = arith.index_cast %add3A_229 : i32 to index
        %get3A_939 = arith.constant 48 : index
        %get3A_940 = tpu.vector_load %get3A_937[%get3A_938, %get3A_939] {strides = array<i32>} : memref<336x128xf32, #tpu.memory_space<vmem>>, vector<16xf32>,
        %mul3A_941 = arith.mulf %get3A_816, %get3A_940 : vector<16xf32>
        %add3A_942 = arith.addf %add3A_746, %mul3A_941 : vector<16xf32>
        %get3A_943 = arith.constant 0 : i32
        %get3A_944 = arith.constant 0 : i32
        %get3A_945 = tpu.memref_slice %arg10[%scan3A_152, %get3A_943, %get3A_944] : memref<2x336x128xf32, #tpu.memory_space<vmem>> -> memref<1x336x128xf32, #tpu.memory_space<vmem>>
        %get3A_946 = tpu.memref_squeeze %get3A_945 : memref<1x336x128xf32, #tpu.memory_space<vmem>> -> memref<336x128xf32, #tpu.memory_space<vmem>>
        %get3A_947 = arith.index_cast %add3A_231 : i32 to index
        %get3A_948 = arith.constant 48 : index
        %get3A_949 = tpu.vector_load %get3A_946[%get3A_947, %get3A_948] {strides = array<i32>} : memref<336x128xf32, #tpu.memory_space<vmem>>, vector<16xf32>,
        %mul3A_950 = arith.mulf %get3A_816, %get3A_949 : vector<16xf32>
        %add3A_951 = arith.addf %add3A_755, %mul3A_950 : vector<16xf32>
        %get3A_952 = arith.constant 0 : i32
        %get3A_953 = arith.constant 0 : i32
        %get3A_954 = tpu.memref_slice %arg10[%scan3A_152, %get3A_952, %get3A_953] : memref<2x336x128xf32, #tpu.memory_space<vmem>> -> memref<1x336x128xf32, #tpu.memory_space<vmem>>
        %get3A_955 = tpu.memref_squeeze %get3A_954 : memref<1x336x128xf32, #tpu.memory_space<vmem>> -> memref<336x128xf32, #tpu.memory_space<vmem>>
        %get3A_956 = arith.index_cast %add3A_233 : i32 to index
        %get3A_957 = arith.constant 48 : index
        %get3A_958 = tpu.vector_load %get3A_955[%get3A_956, %get3A_957] {strides = array<i32>} : memref<336x128xf32, #tpu.memory_space<vmem>>, vector<16xf32>,
        %mul3A_959 = arith.mulf %get3A_816, %get3A_958 : vector<16xf32>
        %add3A_960 = arith.addf %add3A_764, %mul3A_959 : vector<16xf32>
        %get3A_961 = arith.constant 0 : i32
        %get3A_962 = arith.constant 0 : i32
        %get3A_963 = tpu.memref_slice %arg10[%scan3A_152, %get3A_961, %get3A_962] : memref<2x336x128xf32, #tpu.memory_space<vmem>> -> memref<1x336x128xf32, #tpu.memory_space<vmem>>
        %get3A_964 = tpu.memref_squeeze %get3A_963 : memref<1x336x128xf32, #tpu.memory_space<vmem>> -> memref<336x128xf32, #tpu.memory_space<vmem>>
        %get3A_965 = arith.index_cast %add3A_235 : i32 to index
        %get3A_966 = arith.constant 48 : index
        %get3A_967 = tpu.vector_load %get3A_964[%get3A_965, %get3A_966] {strides = array<i32>} : memref<336x128xf32, #tpu.memory_space<vmem>>, vector<16xf32>,
        %mul3A_968 = arith.mulf %get3A_816, %get3A_967 : vector<16xf32>
        %add3A_969 = arith.addf %add3A_773, %mul3A_968 : vector<16xf32>
        %get3A_970 = arith.constant 0 : i32
        %get3A_971 = arith.constant 0 : i32
        %get3A_972 = tpu.memref_slice %arg10[%scan3A_152, %get3A_970, %get3A_971] : memref<2x336x128xf32, #tpu.memory_space<vmem>> -> memref<1x336x128xf32, #tpu.memory_space<vmem>>
        %get3A_973 = tpu.memref_squeeze %get3A_972 : memref<1x336x128xf32, #tpu.memory_space<vmem>> -> memref<336x128xf32, #tpu.memory_space<vmem>>
        %get3A_974 = arith.index_cast %add3A_237 : i32 to index
        %get3A_975 = arith.constant 48 : index
        %get3A_976 = tpu.vector_load %get3A_973[%get3A_974, %get3A_975] {strides = array<i32>} : memref<336x128xf32, #tpu.memory_space<vmem>>, vector<16xf32>,
        %mul3A_977 = arith.mulf %get3A_816, %get3A_976 : vector<16xf32>
        %add3A_978 = arith.addf %add3A_782, %mul3A_977 : vector<16xf32>
        %get3A_979 = arith.constant 0 : i32
        %get3A_980 = arith.constant 0 : i32
        %get3A_981 = tpu.memref_slice %arg10[%scan3A_152, %get3A_979, %get3A_980] : memref<2x336x128xf32, #tpu.memory_space<vmem>> -> memref<1x336x128xf32, #tpu.memory_space<vmem>>
        %get3A_982 = tpu.memref_squeeze %get3A_981 : memref<1x336x128xf32, #tpu.memory_space<vmem>> -> memref<336x128xf32, #tpu.memory_space<vmem>>
        %get3A_983 = arith.index_cast %add3A_239 : i32 to index
        %get3A_984 = arith.constant 48 : index
        %get3A_985 = tpu.vector_load %get3A_982[%get3A_983, %get3A_984] {strides = array<i32>} : memref<336x128xf32, #tpu.memory_space<vmem>>, vector<16xf32>,
        %mul3A_986 = arith.mulf %get3A_816, %get3A_985 : vector<16xf32>
        %add3A_987 = arith.addf %add3A_791, %mul3A_986 : vector<16xf32>
        %get3A_988 = arith.constant 0 : i32
        %get3A_989 = arith.constant 0 : i32
        %get3A_990 = tpu.memref_slice %arg10[%scan3A_152, %get3A_988, %get3A_989] : memref<2x336x128xf32, #tpu.memory_space<vmem>> -> memref<1x336x128xf32, #tpu.memory_space<vmem>>
        %get3A_991 = tpu.memref_squeeze %get3A_990 : memref<1x336x128xf32, #tpu.memory_space<vmem>> -> memref<336x128xf32, #tpu.memory_space<vmem>>
        %get3A_992 = arith.index_cast %add3A_241 : i32 to index
        %get3A_993 = arith.constant 48 : index
        %get3A_994 = tpu.vector_load %get3A_991[%get3A_992, %get3A_993] {strides = array<i32>} : memref<336x128xf32, #tpu.memory_space<vmem>>, vector<16xf32>,
        %mul3A_995 = arith.mulf %get3A_816, %get3A_994 : vector<16xf32>
        %add3A_996 = arith.addf %add3A_800, %mul3A_995 : vector<16xf32>
        %get3A_997 = arith.constant 0 : i32
        %get3A_998 = arith.constant 0 : i32
        %get3A_999 = tpu.memref_slice %arg10[%scan3A_152, %get3A_997, %get3A_998] : memref<2x336x128xf32, #tpu.memory_space<vmem>> -> memref<1x336x128xf32, #tpu.memory_space<vmem>>
        %get3A_1000 = tpu.memref_squeeze %get3A_999 : memref<1x336x128xf32, #tpu.memory_space<vmem>> -> memref<336x128xf32, #tpu.memory_space<vmem>>
        %get3A_1001 = arith.index_cast %add3A_243 : i32 to index
        %get3A_1002 = arith.constant 48 : index
        %get3A_1003 = tpu.vector_load %get3A_1000[%get3A_1001, %get3A_1002] {strides = array<i32>} : memref<336x128xf32, #tpu.memory_space<vmem>>, vector<16xf32>,
        %mul3A_1004 = arith.mulf %get3A_816, %get3A_1003 : vector<16xf32>
        %add3A_1005 = arith.addf %add3A_809, %mul3A_1004 : vector<16xf32>
        %get3A_1006 = arith.constant 0 : i32
        %get3A_1007 = arith.constant 0 : i32
        %get3A_1008 = tpu.memref_slice %arg9[%scan3A_151, %get3A_1006, %get3A_1007] : memref<2x16x128xf32, #tpu.memory_space<vmem>> -> memref<1x16x128xf32, #tpu.memory_space<vmem>>
        %get3A_1009 = tpu.memref_squeeze %get3A_1008 : memref<1x16x128xf32, #tpu.memory_space<vmem>> -> memref<16x128xf32, #tpu.memory_space<vmem>>
        %get3A_1010 = arith.index_cast %scan3A_194 : i32 to index
        %get3A_1011 = arith.constant 64 : index
        %get3A_1012 = tpu.vector_load %get3A_1009[%get3A_1010, %get3A_1011] {strides = array<i32>} : memref<16x128xf32, #tpu.memory_space<vmem>>, vector<16xf32>,
        %get3A_1013 = arith.constant 0 : i32
        %get3A_1014 = arith.constant 0 : i32
        %get3A_1015 = tpu.memref_slice %arg10[%scan3A_152, %get3A_1013, %get3A_1014] : memref<2x336x128xf32, #tpu.memory_space<vmem>> -> memref<1x336x128xf32, #tpu.memory_space<vmem>>
        %get3A_1016 = tpu.memref_squeeze %get3A_1015 : memref<1x336x128xf32, #tpu.memory_space<vmem>> -> memref<336x128xf32, #tpu.memory_space<vmem>>
        %get3A_1017 = arith.index_cast %scan3A_194 : i32 to index
        %get3A_1018 = arith.constant 64 : index
        %get3A_1019 = tpu.vector_load %get3A_1016[%get3A_1017, %get3A_1018] {strides = array<i32>} : memref<336x128xf32, #tpu.memory_space<vmem>>, vector<16xf32>,
        %mul3A_1020 = arith.mulf %get3A_1012, %get3A_1019 : vector<16xf32>
        %add3A_1021 = arith.addf %add3A_825, %mul3A_1020 : vector<16xf32>
        %get3A_1022 = arith.constant 0 : i32
        %get3A_1023 = arith.constant 0 : i32
        %get3A_1024 = tpu.memref_slice %arg10[%scan3A_152, %get3A_1022, %get3A_1023] : memref<2x336x128xf32, #tpu.memory_space<vmem>> -> memref<1x336x128xf32, #tpu.memory_space<vmem>>
        %get3A_1025 = tpu.memref_squeeze %get3A_1024 : memref<1x336x128xf32, #tpu.memory_space<vmem>> -> memref<336x128xf32, #tpu.memory_space<vmem>>
        %get3A_1026 = arith.index_cast %add3A_205 : i32 to index
        %get3A_1027 = arith.constant 64 : index
        %get3A_1028 = tpu.vector_load %get3A_1025[%get3A_1026, %get3A_1027] {strides = array<i32>} : memref<336x128xf32, #tpu.memory_space<vmem>>, vector<16xf32>,
        %mul3A_1029 = arith.mulf %get3A_1012, %get3A_1028 : vector<16xf32>
        %add3A_1030 = arith.addf %add3A_834, %mul3A_1029 : vector<16xf32>
        %get3A_1031 = arith.constant 0 : i32
        %get3A_1032 = arith.constant 0 : i32
        %get3A_1033 = tpu.memref_slice %arg10[%scan3A_152, %get3A_1031, %get3A_1032] : memref<2x336x128xf32, #tpu.memory_space<vmem>> -> memref<1x336x128xf32, #tpu.memory_space<vmem>>
        %get3A_1034 = tpu.memref_squeeze %get3A_1033 : memref<1x336x128xf32, #tpu.memory_space<vmem>> -> memref<336x128xf32, #tpu.memory_space<vmem>>
        %get3A_1035 = arith.index_cast %add3A_207 : i32 to index
        %get3A_1036 = arith.constant 64 : index
        %get3A_1037 = tpu.vector_load %get3A_1034[%get3A_1035, %get3A_1036] {strides = array<i32>} : memref<336x128xf32, #tpu.memory_space<vmem>>, vector<16xf32>,
        %mul3A_1038 = arith.mulf %get3A_1012, %get3A_1037 : vector<16xf32>
        %add3A_1039 = arith.addf %add3A_843, %mul3A_1038 : vector<16xf32>
        %get3A_1040 = arith.constant 0 : i32
        %get3A_1041 = arith.constant 0 : i32
        %get3A_1042 = tpu.memref_slice %arg10[%scan3A_152, %get3A_1040, %get3A_1041] : memref<2x336x128xf32, #tpu.memory_space<vmem>> -> memref<1x336x128xf32, #tpu.memory_space<vmem>>
        %get3A_1043 = tpu.memref_squeeze %get3A_1042 : memref<1x336x128xf32, #tpu.memory_space<vmem>> -> memref<336x128xf32, #tpu.memory_space<vmem>>
        %get3A_1044 = arith.index_cast %add3A_209 : i32 to index
        %get3A_1045 = arith.constant 64 : index
        %get3A_1046 = tpu.vector_load %get3A_1043[%get3A_1044, %get3A_1045] {strides = array<i32>} : memref<336x128xf32, #tpu.memory_space<vmem>>, vector<16xf32>,
        %mul3A_1047 = arith.mulf %get3A_1012, %get3A_1046 : vector<16xf32>
        %add3A_1048 = arith.addf %add3A_852, %mul3A_1047 : vector<16xf32>
        %get3A_1049 = arith.constant 0 : i32
        %get3A_1050 = arith.constant 0 : i32
        %get3A_1051 = tpu.memref_slice %arg10[%scan3A_152, %get3A_1049, %get3A_1050] : memref<2x336x128xf32, #tpu.memory_space<vmem>> -> memref<1x336x128xf32, #tpu.memory_space<vmem>>
        %get3A_1052 = tpu.memref_squeeze %get3A_1051 : memref<1x336x128xf32, #tpu.memory_space<vmem>> -> memref<336x128xf32, #tpu.memory_space<vmem>>
        %get3A_1053 = arith.index_cast %add3A_211 : i32 to index
        %get3A_1054 = arith.constant 64 : index
        %get3A_1055 = tpu.vector_load %get3A_1052[%get3A_1053, %get3A_1054] {strides = array<i32>} : memref<336x128xf32, #tpu.memory_space<vmem>>, vector<16xf32>,
        %mul3A_1056 = arith.mulf %get3A_1012, %get3A_1055 : vector<16xf32>
        %add3A_1057 = arith.addf %add3A_861, %mul3A_1056 : vector<16xf32>
        %get3A_1058 = arith.constant 0 : i32
        %get3A_1059 = arith.constant 0 : i32
        %get3A_1060 = tpu.memref_slice %arg10[%scan3A_152, %get3A_1058, %get3A_1059] : memref<2x336x128xf32, #tpu.memory_space<vmem>> -> memref<1x336x128xf32, #tpu.memory_space<vmem>>
        %get3A_1061 = tpu.memref_squeeze %get3A_1060 : memref<1x336x128xf32, #tpu.memory_space<vmem>> -> memref<336x128xf32, #tpu.memory_space<vmem>>
        %get3A_1062 = arith.index_cast %add3A_213 : i32 to index
        %get3A_1063 = arith.constant 64 : index
        %get3A_1064 = tpu.vector_load %get3A_1061[%get3A_1062, %get3A_1063] {strides = array<i32>} : memref<336x128xf32, #tpu.memory_space<vmem>>, vector<16xf32>,
        %mul3A_1065 = arith.mulf %get3A_1012, %get3A_1064 : vector<16xf32>
        %add3A_1066 = arith.addf %add3A_870, %mul3A_1065 : vector<16xf32>
        %get3A_1067 = arith.constant 0 : i32
        %get3A_1068 = arith.constant 0 : i32
        %get3A_1069 = tpu.memref_slice %arg10[%scan3A_152, %get3A_1067, %get3A_1068] : memref<2x336x128xf32, #tpu.memory_space<vmem>> -> memref<1x336x128xf32, #tpu.memory_space<vmem>>
        %get3A_1070 = tpu.memref_squeeze %get3A_1069 : memref<1x336x128xf32, #tpu.memory_space<vmem>> -> memref<336x128xf32, #tpu.memory_space<vmem>>
        %get3A_1071 = arith.index_cast %add3A_215 : i32 to index
        %get3A_1072 = arith.constant 64 : index
        %get3A_1073 = tpu.vector_load %get3A_1070[%get3A_1071, %get3A_1072] {strides = array<i32>} : memref<336x128xf32, #tpu.memory_space<vmem>>, vector<16xf32>,
        %mul3A_1074 = arith.mulf %get3A_1012, %get3A_1073 : vector<16xf32>
        %add3A_1075 = arith.addf %add3A_879, %mul3A_1074 : vector<16xf32>
        %get3A_1076 = arith.constant 0 : i32
        %get3A_1077 = arith.constant 0 : i32
        %get3A_1078 = tpu.memref_slice %arg10[%scan3A_152, %get3A_1076, %get3A_1077] : memref<2x336x128xf32, #tpu.memory_space<vmem>> -> memref<1x336x128xf32, #tpu.memory_space<vmem>>
        %get3A_1079 = tpu.memref_squeeze %get3A_1078 : memref<1x336x128xf32, #tpu.memory_space<vmem>> -> memref<336x128xf32, #tpu.memory_space<vmem>>
        %get3A_1080 = arith.index_cast %add3A_217 : i32 to index
        %get3A_1081 = arith.constant 64 : index
        %get3A_1082 = tpu.vector_load %get3A_1079[%get3A_1080, %get3A_1081] {strides = array<i32>} : memref<336x128xf32, #tpu.memory_space<vmem>>, vector<16xf32>,
        %mul3A_1083 = arith.mulf %get3A_1012, %get3A_1082 : vector<16xf32>
        %add3A_1084 = arith.addf %add3A_888, %mul3A_1083 : vector<16xf32>
        %get3A_1085 = arith.constant 0 : i32
        %get3A_1086 = arith.constant 0 : i32
        %get3A_1087 = tpu.memref_slice %arg10[%scan3A_152, %get3A_1085, %get3A_1086] : memref<2x336x128xf32, #tpu.memory_space<vmem>> -> memref<1x336x128xf32, #tpu.memory_space<vmem>>
        %get3A_1088 = tpu.memref_squeeze %get3A_1087 : memref<1x336x128xf32, #tpu.memory_space<vmem>> -> memref<336x128xf32, #tpu.memory_space<vmem>>
        %get3A_1089 = arith.index_cast %add3A_219 : i32 to index
        %get3A_1090 = arith.constant 64 : index
        %get3A_1091 = tpu.vector_load %get3A_1088[%get3A_1089, %get3A_1090] {strides = array<i32>} : memref<336x128xf32, #tpu.memory_space<vmem>>, vector<16xf32>,
        %mul3A_1092 = arith.mulf %get3A_1012, %get3A_1091 : vector<16xf32>
        %add3A_1093 = arith.addf %add3A_897, %mul3A_1092 : vector<16xf32>
        %get3A_1094 = arith.constant 0 : i32
        %get3A_1095 = arith.constant 0 : i32
        %get3A_1096 = tpu.memref_slice %arg10[%scan3A_152, %get3A_1094, %get3A_1095] : memref<2x336x128xf32, #tpu.memory_space<vmem>> -> memref<1x336x128xf32, #tpu.memory_space<vmem>>
        %get3A_1097 = tpu.memref_squeeze %get3A_1096 : memref<1x336x128xf32, #tpu.memory_space<vmem>> -> memref<336x128xf32, #tpu.memory_space<vmem>>
        %get3A_1098 = arith.index_cast %add3A_221 : i32 to index
        %get3A_1099 = arith.constant 64 : index
        %get3A_1100 = tpu.vector_load %get3A_1097[%get3A_1098, %get3A_1099] {strides = array<i32>} : memref<336x128xf32, #tpu.memory_space<vmem>>, vector<16xf32>,
        %mul3A_1101 = arith.mulf %get3A_1012, %get3A_1100 : vector<16xf32>
        %add3A_1102 = arith.addf %add3A_906, %mul3A_1101 : vector<16xf32>
        %get3A_1103 = arith.constant 0 : i32
        %get3A_1104 = arith.constant 0 : i32
        %get3A_1105 = tpu.memref_slice %arg10[%scan3A_152, %get3A_1103, %get3A_1104] : memref<2x336x128xf32, #tpu.memory_space<vmem>> -> memref<1x336x128xf32, #tpu.memory_space<vmem>>
        %get3A_1106 = tpu.memref_squeeze %get3A_1105 : memref<1x336x128xf32, #tpu.memory_space<vmem>> -> memref<336x128xf32, #tpu.memory_space<vmem>>
        %get3A_1107 = arith.index_cast %add3A_223 : i32 to index
        %get3A_1108 = arith.constant 64 : index
        %get3A_1109 = tpu.vector_load %get3A_1106[%get3A_1107, %get3A_1108] {strides = array<i32>} : memref<336x128xf32, #tpu.memory_space<vmem>>, vector<16xf32>,
        %mul3A_1110 = arith.mulf %get3A_1012, %get3A_1109 : vector<16xf32>
        %add3A_1111 = arith.addf %add3A_915, %mul3A_1110 : vector<16xf32>
        %get3A_1112 = arith.constant 0 : i32
        %get3A_1113 = arith.constant 0 : i32
        %get3A_1114 = tpu.memref_slice %arg10[%scan3A_152, %get3A_1112, %get3A_1113] : memref<2x336x128xf32, #tpu.memory_space<vmem>> -> memref<1x336x128xf32, #tpu.memory_space<vmem>>
        %get3A_1115 = tpu.memref_squeeze %get3A_1114 : memref<1x336x128xf32, #tpu.memory_space<vmem>> -> memref<336x128xf32, #tpu.memory_space<vmem>>
        %get3A_1116 = arith.index_cast %add3A_225 : i32 to index
        %get3A_1117 = arith.constant 64 : index
        %get3A_1118 = tpu.vector_load %get3A_1115[%get3A_1116, %get3A_1117] {strides = array<i32>} : memref<336x128xf32, #tpu.memory_space<vmem>>, vector<16xf32>,
        %mul3A_1119 = arith.mulf %get3A_1012, %get3A_1118 : vector<16xf32>
        %add3A_1120 = arith.addf %add3A_924, %mul3A_1119 : vector<16xf32>
        %get3A_1121 = arith.constant 0 : i32
        %get3A_1122 = arith.constant 0 : i32
        %get3A_1123 = tpu.memref_slice %arg10[%scan3A_152, %get3A_1121, %get3A_1122] : memref<2x336x128xf32, #tpu.memory_space<vmem>> -> memref<1x336x128xf32, #tpu.memory_space<vmem>>
        %get3A_1124 = tpu.memref_squeeze %get3A_1123 : memref<1x336x128xf32, #tpu.memory_space<vmem>> -> memref<336x128xf32, #tpu.memory_space<vmem>>
        %get3A_1125 = arith.index_cast %add3A_227 : i32 to index
        %get3A_1126 = arith.constant 64 : index
        %get3A_1127 = tpu.vector_load %get3A_1124[%get3A_1125, %get3A_1126] {strides = array<i32>} : memref<336x128xf32, #tpu.memory_space<vmem>>, vector<16xf32>,
        %mul3A_1128 = arith.mulf %get3A_1012, %get3A_1127 : vector<16xf32>
        %add3A_1129 = arith.addf %add3A_933, %mul3A_1128 : vector<16xf32>
        %get3A_1130 = arith.constant 0 : i32
        %get3A_1131 = arith.constant 0 : i32
        %get3A_1132 = tpu.memref_slice %arg10[%scan3A_152, %get3A_1130, %get3A_1131] : memref<2x336x128xf32, #tpu.memory_space<vmem>> -> memref<1x336x128xf32, #tpu.memory_space<vmem>>
        %get3A_1133 = tpu.memref_squeeze %get3A_1132 : memref<1x336x128xf32, #tpu.memory_space<vmem>> -> memref<336x128xf32, #tpu.memory_space<vmem>>
        %get3A_1134 = arith.index_cast %add3A_229 : i32 to index
        %get3A_1135 = arith.constant 64 : index
        %get3A_1136 = tpu.vector_load %get3A_1133[%get3A_1134, %get3A_1135] {strides = array<i32>} : memref<336x128xf32, #tpu.memory_space<vmem>>, vector<16xf32>,
        %mul3A_1137 = arith.mulf %get3A_1012, %get3A_1136 : vector<16xf32>
        %add3A_1138 = arith.addf %add3A_942, %mul3A_1137 : vector<16xf32>
        %get3A_1139 = arith.constant 0 : i32
        %get3A_1140 = arith.constant 0 : i32
        %get3A_1141 = tpu.memref_slice %arg10[%scan3A_152, %get3A_1139, %get3A_1140] : memref<2x336x128xf32, #tpu.memory_space<vmem>> -> memref<1x336x128xf32, #tpu.memory_space<vmem>>
        %get3A_1142 = tpu.memref_squeeze %get3A_1141 : memref<1x336x128xf32, #tpu.memory_space<vmem>> -> memref<336x128xf32, #tpu.memory_space<vmem>>
        %get3A_1143 = arith.index_cast %add3A_231 : i32 to index
        %get3A_1144 = arith.constant 64 : index
        %get3A_1145 = tpu.vector_load %get3A_1142[%get3A_1143, %get3A_1144] {strides = array<i32>} : memref<336x128xf32, #tpu.memory_space<vmem>>, vector<16xf32>,
        %mul3A_1146 = arith.mulf %get3A_1012, %get3A_1145 : vector<16xf32>
        %add3A_1147 = arith.addf %add3A_951, %mul3A_1146 : vector<16xf32>
        %get3A_1148 = arith.constant 0 : i32
        %get3A_1149 = arith.constant 0 : i32
        %get3A_1150 = tpu.memref_slice %arg10[%scan3A_152, %get3A_1148, %get3A_1149] : memref<2x336x128xf32, #tpu.memory_space<vmem>> -> memref<1x336x128xf32, #tpu.memory_space<vmem>>
        %get3A_1151 = tpu.memref_squeeze %get3A_1150 : memref<1x336x128xf32, #tpu.memory_space<vmem>> -> memref<336x128xf32, #tpu.memory_space<vmem>>
        %get3A_1152 = arith.index_cast %add3A_233 : i32 to index
        %get3A_1153 = arith.constant 64 : index
        %get3A_1154 = tpu.vector_load %get3A_1151[%get3A_1152, %get3A_1153] {strides = array<i32>} : memref<336x128xf32, #tpu.memory_space<vmem>>, vector<16xf32>,
        %mul3A_1155 = arith.mulf %get3A_1012, %get3A_1154 : vector<16xf32>
        %add3A_1156 = arith.addf %add3A_960, %mul3A_1155 : vector<16xf32>
        %get3A_1157 = arith.constant 0 : i32
        %get3A_1158 = arith.constant 0 : i32
        %get3A_1159 = tpu.memref_slice %arg10[%scan3A_152, %get3A_1157, %get3A_1158] : memref<2x336x128xf32, #tpu.memory_space<vmem>> -> memref<1x336x128xf32, #tpu.memory_space<vmem>>
        %get3A_1160 = tpu.memref_squeeze %get3A_1159 : memref<1x336x128xf32, #tpu.memory_space<vmem>> -> memref<336x128xf32, #tpu.memory_space<vmem>>
        %get3A_1161 = arith.index_cast %add3A_235 : i32 to index
        %get3A_1162 = arith.constant 64 : index
        %get3A_1163 = tpu.vector_load %get3A_1160[%get3A_1161, %get3A_1162] {strides = array<i32>} : memref<336x128xf32, #tpu.memory_space<vmem>>, vector<16xf32>,
        %mul3A_1164 = arith.mulf %get3A_1012, %get3A_1163 : vector<16xf32>
        %add3A_1165 = arith.addf %add3A_969, %mul3A_1164 : vector<16xf32>
        %get3A_1166 = arith.constant 0 : i32
        %get3A_1167 = arith.constant 0 : i32
        %get3A_1168 = tpu.memref_slice %arg10[%scan3A_152, %get3A_1166, %get3A_1167] : memref<2x336x128xf32, #tpu.memory_space<vmem>> -> memref<1x336x128xf32, #tpu.memory_space<vmem>>
        %get3A_1169 = tpu.memref_squeeze %get3A_1168 : memref<1x336x128xf32, #tpu.memory_space<vmem>> -> memref<336x128xf32, #tpu.memory_space<vmem>>
        %get3A_1170 = arith.index_cast %add3A_237 : i32 to index
        %get3A_1171 = arith.constant 64 : index
        %get3A_1172 = tpu.vector_load %get3A_1169[%get3A_1170, %get3A_1171] {strides = array<i32>} : memref<336x128xf32, #tpu.memory_space<vmem>>, vector<16xf32>,
        %mul3A_1173 = arith.mulf %get3A_1012, %get3A_1172 : vector<16xf32>
        %add3A_1174 = arith.addf %add3A_978, %mul3A_1173 : vector<16xf32>
        %get3A_1175 = arith.constant 0 : i32
        %get3A_1176 = arith.constant 0 : i32
        %get3A_1177 = tpu.memref_slice %arg10[%scan3A_152, %get3A_1175, %get3A_1176] : memref<2x336x128xf32, #tpu.memory_space<vmem>> -> memref<1x336x128xf32, #tpu.memory_space<vmem>>
        %get3A_1178 = tpu.memref_squeeze %get3A_1177 : memref<1x336x128xf32, #tpu.memory_space<vmem>> -> memref<336x128xf32, #tpu.memory_space<vmem>>
        %get3A_1179 = arith.index_cast %add3A_239 : i32 to index
        %get3A_1180 = arith.constant 64 : index
        %get3A_1181 = tpu.vector_load %get3A_1178[%get3A_1179, %get3A_1180] {strides = array<i32>} : memref<336x128xf32, #tpu.memory_space<vmem>>, vector<16xf32>,
        %mul3A_1182 = arith.mulf %get3A_1012, %get3A_1181 : vector<16xf32>
        %add3A_1183 = arith.addf %add3A_987, %mul3A_1182 : vector<16xf32>
        %get3A_1184 = arith.constant 0 : i32
        %get3A_1185 = arith.constant 0 : i32
        %get3A_1186 = tpu.memref_slice %arg10[%scan3A_152, %get3A_1184, %get3A_1185] : memref<2x336x128xf32, #tpu.memory_space<vmem>> -> memref<1x336x128xf32, #tpu.memory_space<vmem>>
        %get3A_1187 = tpu.memref_squeeze %get3A_1186 : memref<1x336x128xf32, #tpu.memory_space<vmem>> -> memref<336x128xf32, #tpu.memory_space<vmem>>
        %get3A_1188 = arith.index_cast %add3A_241 : i32 to index
        %get3A_1189 = arith.constant 64 : index
        %get3A_1190 = tpu.vector_load %get3A_1187[%get3A_1188, %get3A_1189] {strides = array<i32>} : memref<336x128xf32, #tpu.memory_space<vmem>>, vector<16xf32>,
        %mul3A_1191 = arith.mulf %get3A_1012, %get3A_1190 : vector<16xf32>
        %add3A_1192 = arith.addf %add3A_996, %mul3A_1191 : vector<16xf32>
        %get3A_1193 = arith.constant 0 : i32
        %get3A_1194 = arith.constant 0 : i32
        %get3A_1195 = tpu.memref_slice %arg10[%scan3A_152, %get3A_1193, %get3A_1194] : memref<2x336x128xf32, #tpu.memory_space<vmem>> -> memref<1x336x128xf32, #tpu.memory_space<vmem>>
        %get3A_1196 = tpu.memref_squeeze %get3A_1195 : memref<1x336x128xf32, #tpu.memory_space<vmem>> -> memref<336x128xf32, #tpu.memory_space<vmem>>
        %get3A_1197 = arith.index_cast %add3A_243 : i32 to index
        %get3A_1198 = arith.constant 64 : index
        %get3A_1199 = tpu.vector_load %get3A_1196[%get3A_1197, %get3A_1198] {strides = array<i32>} : memref<336x128xf32, #tpu.memory_space<vmem>>, vector<16xf32>,
        %mul3A_1200 = arith.mulf %get3A_1012, %get3A_1199 : vector<16xf32>
        %add3A_1201 = arith.addf %add3A_1005, %mul3A_1200 : vector<16xf32>
        %get3A_1202 = arith.constant 0 : i32
        %get3A_1203 = arith.constant 0 : i32
        %get3A_1204 = tpu.memref_slice %arg9[%scan3A_151, %get3A_1202, %get3A_1203] : memref<2x16x128xf32, #tpu.memory_space<vmem>> -> memref<1x16x128xf32, #tpu.memory_space<vmem>>
        %get3A_1205 = tpu.memref_squeeze %get3A_1204 : memref<1x16x128xf32, #tpu.memory_space<vmem>> -> memref<16x128xf32, #tpu.memory_space<vmem>>
        %get3A_1206 = arith.index_cast %scan3A_194 : i32 to index
        %get3A_1207 = arith.constant 80 : index
        %get3A_1208 = tpu.vector_load %get3A_1205[%get3A_1206, %get3A_1207] {strides = array<i32>} : memref<16x128xf32, #tpu.memory_space<vmem>>, vector<16xf32>,
        %get3A_1209 = arith.constant 0 : i32
        %get3A_1210 = arith.constant 0 : i32
        %get3A_1211 = tpu.memref_slice %arg10[%scan3A_152, %get3A_1209, %get3A_1210] : memref<2x336x128xf32, #tpu.memory_space<vmem>> -> memref<1x336x128xf32, #tpu.memory_space<vmem>>
        %get3A_1212 = tpu.memref_squeeze %get3A_1211 : memref<1x336x128xf32, #tpu.memory_space<vmem>> -> memref<336x128xf32, #tpu.memory_space<vmem>>
        %get3A_1213 = arith.index_cast %scan3A_194 : i32 to index
        %get3A_1214 = arith.constant 80 : index
        %get3A_1215 = tpu.vector_load %get3A_1212[%get3A_1213, %get3A_1214] {strides = array<i32>} : memref<336x128xf32, #tpu.memory_space<vmem>>, vector<16xf32>,
        %mul3A_1216 = arith.mulf %get3A_1208, %get3A_1215 : vector<16xf32>
        %add3A_1217 = arith.addf %add3A_1021, %mul3A_1216 : vector<16xf32>
        %get3A_1218 = arith.constant 0 : i32
        %get3A_1219 = arith.constant 0 : i32
        %get3A_1220 = tpu.memref_slice %arg10[%scan3A_152, %get3A_1218, %get3A_1219] : memref<2x336x128xf32, #tpu.memory_space<vmem>> -> memref<1x336x128xf32, #tpu.memory_space<vmem>>
        %get3A_1221 = tpu.memref_squeeze %get3A_1220 : memref<1x336x128xf32, #tpu.memory_space<vmem>> -> memref<336x128xf32, #tpu.memory_space<vmem>>
        %get3A_1222 = arith.index_cast %add3A_205 : i32 to index
        %get3A_1223 = arith.constant 80 : index
        %get3A_1224 = tpu.vector_load %get3A_1221[%get3A_1222, %get3A_1223] {strides = array<i32>} : memref<336x128xf32, #tpu.memory_space<vmem>>, vector<16xf32>,
        %mul3A_1225 = arith.mulf %get3A_1208, %get3A_1224 : vector<16xf32>
        %add3A_1226 = arith.addf %add3A_1030, %mul3A_1225 : vector<16xf32>
        %get3A_1227 = arith.constant 0 : i32
        %get3A_1228 = arith.constant 0 : i32
        %get3A_1229 = tpu.memref_slice %arg10[%scan3A_152, %get3A_1227, %get3A_1228] : memref<2x336x128xf32, #tpu.memory_space<vmem>> -> memref<1x336x128xf32, #tpu.memory_space<vmem>>
        %get3A_1230 = tpu.memref_squeeze %get3A_1229 : memref<1x336x128xf32, #tpu.memory_space<vmem>> -> memref<336x128xf32, #tpu.memory_space<vmem>>
        %get3A_1231 = arith.index_cast %add3A_207 : i32 to index
        %get3A_1232 = arith.constant 80 : index
        %get3A_1233 = tpu.vector_load %get3A_1230[%get3A_1231, %get3A_1232] {strides = array<i32>} : memref<336x128xf32, #tpu.memory_space<vmem>>, vector<16xf32>,
        %mul3A_1234 = arith.mulf %get3A_1208, %get3A_1233 : vector<16xf32>
        %add3A_1235 = arith.addf %add3A_1039, %mul3A_1234 : vector<16xf32>
        %get3A_1236 = arith.constant 0 : i32
        %get3A_1237 = arith.constant 0 : i32
        %get3A_1238 = tpu.memref_slice %arg10[%scan3A_152, %get3A_1236, %get3A_1237] : memref<2x336x128xf32, #tpu.memory_space<vmem>> -> memref<1x336x128xf32, #tpu.memory_space<vmem>>
        %get3A_1239 = tpu.memref_squeeze %get3A_1238 : memref<1x336x128xf32, #tpu.memory_space<vmem>> -> memref<336x128xf32, #tpu.memory_space<vmem>>
        %get3A_1240 = arith.index_cast %add3A_209 : i32 to index
        %get3A_1241 = arith.constant 80 : index
        %get3A_1242 = tpu.vector_load %get3A_1239[%get3A_1240, %get3A_1241] {strides = array<i32>} : memref<336x128xf32, #tpu.memory_space<vmem>>, vector<16xf32>,
        %mul3A_1243 = arith.mulf %get3A_1208, %get3A_1242 : vector<16xf32>
        %add3A_1244 = arith.addf %add3A_1048, %mul3A_1243 : vector<16xf32>
        %get3A_1245 = arith.constant 0 : i32
        %get3A_1246 = arith.constant 0 : i32
        %get3A_1247 = tpu.memref_slice %arg10[%scan3A_152, %get3A_1245, %get3A_1246] : memref<2x336x128xf32, #tpu.memory_space<vmem>> -> memref<1x336x128xf32, #tpu.memory_space<vmem>>
        %get3A_1248 = tpu.memref_squeeze %get3A_1247 : memref<1x336x128xf32, #tpu.memory_space<vmem>> -> memref<336x128xf32, #tpu.memory_space<vmem>>
        %get3A_1249 = arith.index_cast %add3A_211 : i32 to index
        %get3A_1250 = arith.constant 80 : index
        %get3A_1251 = tpu.vector_load %get3A_1248[%get3A_1249, %get3A_1250] {strides = array<i32>} : memref<336x128xf32, #tpu.memory_space<vmem>>, vector<16xf32>,
        %mul3A_1252 = arith.mulf %get3A_1208, %get3A_1251 : vector<16xf32>
        %add3A_1253 = arith.addf %add3A_1057, %mul3A_1252 : vector<16xf32>
        %get3A_1254 = arith.constant 0 : i32
        %get3A_1255 = arith.constant 0 : i32
        %get3A_1256 = tpu.memref_slice %arg10[%scan3A_152, %get3A_1254, %get3A_1255] : memref<2x336x128xf32, #tpu.memory_space<vmem>> -> memref<1x336x128xf32, #tpu.memory_space<vmem>>
        %get3A_1257 = tpu.memref_squeeze %get3A_1256 : memref<1x336x128xf32, #tpu.memory_space<vmem>> -> memref<336x128xf32, #tpu.memory_space<vmem>>
        %get3A_1258 = arith.index_cast %add3A_213 : i32 to index
        %get3A_1259 = arith.constant 80 : index
        %get3A_1260 = tpu.vector_load %get3A_1257[%get3A_1258, %get3A_1259] {strides = array<i32>} : memref<336x128xf32, #tpu.memory_space<vmem>>, vector<16xf32>,
        %mul3A_1261 = arith.mulf %get3A_1208, %get3A_1260 : vector<16xf32>
        %add3A_1262 = arith.addf %add3A_1066, %mul3A_1261 : vector<16xf32>
        %get3A_1263 = arith.constant 0 : i32
        %get3A_1264 = arith.constant 0 : i32
        %get3A_1265 = tpu.memref_slice %arg10[%scan3A_152, %get3A_1263, %get3A_1264] : memref<2x336x128xf32, #tpu.memory_space<vmem>> -> memref<1x336x128xf32, #tpu.memory_space<vmem>>
        %get3A_1266 = tpu.memref_squeeze %get3A_1265 : memref<1x336x128xf32, #tpu.memory_space<vmem>> -> memref<336x128xf32, #tpu.memory_space<vmem>>
        %get3A_1267 = arith.index_cast %add3A_215 : i32 to index
        %get3A_1268 = arith.constant 80 : index
        %get3A_1269 = tpu.vector_load %get3A_1266[%get3A_1267, %get3A_1268] {strides = array<i32>} : memref<336x128xf32, #tpu.memory_space<vmem>>, vector<16xf32>,
        %mul3A_1270 = arith.mulf %get3A_1208, %get3A_1269 : vector<16xf32>
        %add3A_1271 = arith.addf %add3A_1075, %mul3A_1270 : vector<16xf32>
        %get3A_1272 = arith.constant 0 : i32
        %get3A_1273 = arith.constant 0 : i32
        %get3A_1274 = tpu.memref_slice %arg10[%scan3A_152, %get3A_1272, %get3A_1273] : memref<2x336x128xf32, #tpu.memory_space<vmem>> -> memref<1x336x128xf32, #tpu.memory_space<vmem>>
        %get3A_1275 = tpu.memref_squeeze %get3A_1274 : memref<1x336x128xf32, #tpu.memory_space<vmem>> -> memref<336x128xf32, #tpu.memory_space<vmem>>
        %get3A_1276 = arith.index_cast %add3A_217 : i32 to index
        %get3A_1277 = arith.constant 80 : index
        %get3A_1278 = tpu.vector_load %get3A_1275[%get3A_1276, %get3A_1277] {strides = array<i32>} : memref<336x128xf32, #tpu.memory_space<vmem>>, vector<16xf32>,
        %mul3A_1279 = arith.mulf %get3A_1208, %get3A_1278 : vector<16xf32>
        %add3A_1280 = arith.addf %add3A_1084, %mul3A_1279 : vector<16xf32>
        %get3A_1281 = arith.constant 0 : i32
        %get3A_1282 = arith.constant 0 : i32
        %get3A_1283 = tpu.memref_slice %arg10[%scan3A_152, %get3A_1281, %get3A_1282] : memref<2x336x128xf32, #tpu.memory_space<vmem>> -> memref<1x336x128xf32, #tpu.memory_space<vmem>>
        %get3A_1284 = tpu.memref_squeeze %get3A_1283 : memref<1x336x128xf32, #tpu.memory_space<vmem>> -> memref<336x128xf32, #tpu.memory_space<vmem>>
        %get3A_1285 = arith.index_cast %add3A_219 : i32 to index
        %get3A_1286 = arith.constant 80 : index
        %get3A_1287 = tpu.vector_load %get3A_1284[%get3A_1285, %get3A_1286] {strides = array<i32>} : memref<336x128xf32, #tpu.memory_space<vmem>>, vector<16xf32>,
        %mul3A_1288 = arith.mulf %get3A_1208, %get3A_1287 : vector<16xf32>
        %add3A_1289 = arith.addf %add3A_1093, %mul3A_1288 : vector<16xf32>
        %get3A_1290 = arith.constant 0 : i32
        %get3A_1291 = arith.constant 0 : i32
        %get3A_1292 = tpu.memref_slice %arg10[%scan3A_152, %get3A_1290, %get3A_1291] : memref<2x336x128xf32, #tpu.memory_space<vmem>> -> memref<1x336x128xf32, #tpu.memory_space<vmem>>
        %get3A_1293 = tpu.memref_squeeze %get3A_1292 : memref<1x336x128xf32, #tpu.memory_space<vmem>> -> memref<336x128xf32, #tpu.memory_space<vmem>>
        %get3A_1294 = arith.index_cast %add3A_221 : i32 to index
        %get3A_1295 = arith.constant 80 : index
        %get3A_1296 = tpu.vector_load %get3A_1293[%get3A_1294, %get3A_1295] {strides = array<i32>} : memref<336x128xf32, #tpu.memory_space<vmem>>, vector<16xf32>,
        %mul3A_1297 = arith.mulf %get3A_1208, %get3A_1296 : vector<16xf32>
        %add3A_1298 = arith.addf %add3A_1102, %mul3A_1297 : vector<16xf32>
        %get3A_1299 = arith.constant 0 : i32
        %get3A_1300 = arith.constant 0 : i32
        %get3A_1301 = tpu.memref_slice %arg10[%scan3A_152, %get3A_1299, %get3A_1300] : memref<2x336x128xf32, #tpu.memory_space<vmem>> -> memref<1x336x128xf32, #tpu.memory_space<vmem>>
        %get3A_1302 = tpu.memref_squeeze %get3A_1301 : memref<1x336x128xf32, #tpu.memory_space<vmem>> -> memref<336x128xf32, #tpu.memory_space<vmem>>
        %get3A_1303 = arith.index_cast %add3A_223 : i32 to index
        %get3A_1304 = arith.constant 80 : index
        %get3A_1305 = tpu.vector_load %get3A_1302[%get3A_1303, %get3A_1304] {strides = array<i32>} : memref<336x128xf32, #tpu.memory_space<vmem>>, vector<16xf32>,
        %mul3A_1306 = arith.mulf %get3A_1208, %get3A_1305 : vector<16xf32>
        %add3A_1307 = arith.addf %add3A_1111, %mul3A_1306 : vector<16xf32>
        %get3A_1308 = arith.constant 0 : i32
        %get3A_1309 = arith.constant 0 : i32
        %get3A_1310 = tpu.memref_slice %arg10[%scan3A_152, %get3A_1308, %get3A_1309] : memref<2x336x128xf32, #tpu.memory_space<vmem>> -> memref<1x336x128xf32, #tpu.memory_space<vmem>>
        %get3A_1311 = tpu.memref_squeeze %get3A_1310 : memref<1x336x128xf32, #tpu.memory_space<vmem>> -> memref<336x128xf32, #tpu.memory_space<vmem>>
        %get3A_1312 = arith.index_cast %add3A_225 : i32 to index
        %get3A_1313 = arith.constant 80 : index
        %get3A_1314 = tpu.vector_load %get3A_1311[%get3A_1312, %get3A_1313] {strides = array<i32>} : memref<336x128xf32, #tpu.memory_space<vmem>>, vector<16xf32>,
        %mul3A_1315 = arith.mulf %get3A_1208, %get3A_1314 : vector<16xf32>
        %add3A_1316 = arith.addf %add3A_1120, %mul3A_1315 : vector<16xf32>
        %get3A_1317 = arith.constant 0 : i32
        %get3A_1318 = arith.constant 0 : i32
        %get3A_1319 = tpu.memref_slice %arg10[%scan3A_152, %get3A_1317, %get3A_1318] : memref<2x336x128xf32, #tpu.memory_space<vmem>> -> memref<1x336x128xf32, #tpu.memory_space<vmem>>
        %get3A_1320 = tpu.memref_squeeze %get3A_1319 : memref<1x336x128xf32, #tpu.memory_space<vmem>> -> memref<336x128xf32, #tpu.memory_space<vmem>>
        %get3A_1321 = arith.index_cast %add3A_227 : i32 to index
        %get3A_1322 = arith.constant 80 : index
        %get3A_1323 = tpu.vector_load %get3A_1320[%get3A_1321, %get3A_1322] {strides = array<i32>} : memref<336x128xf32, #tpu.memory_space<vmem>>, vector<16xf32>,
        %mul3A_1324 = arith.mulf %get3A_1208, %get3A_1323 : vector<16xf32>
        %add3A_1325 = arith.addf %add3A_1129, %mul3A_1324 : vector<16xf32>
        %get3A_1326 = arith.constant 0 : i32
        %get3A_1327 = arith.constant 0 : i32
        %get3A_1328 = tpu.memref_slice %arg10[%scan3A_152, %get3A_1326, %get3A_1327] : memref<2x336x128xf32, #tpu.memory_space<vmem>> -> memref<1x336x128xf32, #tpu.memory_space<vmem>>
        %get3A_1329 = tpu.memref_squeeze %get3A_1328 : memref<1x336x128xf32, #tpu.memory_space<vmem>> -> memref<336x128xf32, #tpu.memory_space<vmem>>
        %get3A_1330 = arith.index_cast %add3A_229 : i32 to index
        %get3A_1331 = arith.constant 80 : index
        %get3A_1332 = tpu.vector_load %get3A_1329[%get3A_1330, %get3A_1331] {strides = array<i32>} : memref<336x128xf32, #tpu.memory_space<vmem>>, vector<16xf32>,
        %mul3A_1333 = arith.mulf %get3A_1208, %get3A_1332 : vector<16xf32>
        %add3A_1334 = arith.addf %add3A_1138, %mul3A_1333 : vector<16xf32>
        %get3A_1335 = arith.constant 0 : i32
        %get3A_1336 = arith.constant 0 : i32
        %get3A_1337 = tpu.memref_slice %arg10[%scan3A_152, %get3A_1335, %get3A_1336] : memref<2x336x128xf32, #tpu.memory_space<vmem>> -> memref<1x336x128xf32, #tpu.memory_space<vmem>>
        %get3A_1338 = tpu.memref_squeeze %get3A_1337 : memref<1x336x128xf32, #tpu.memory_space<vmem>> -> memref<336x128xf32, #tpu.memory_space<vmem>>
        %get3A_1339 = arith.index_cast %add3A_231 : i32 to index
        %get3A_1340 = arith.constant 80 : index
        %get3A_1341 = tpu.vector_load %get3A_1338[%get3A_1339, %get3A_1340] {strides = array<i32>} : memref<336x128xf32, #tpu.memory_space<vmem>>, vector<16xf32>,
        %mul3A_1342 = arith.mulf %get3A_1208, %get3A_1341 : vector<16xf32>
        %add3A_1343 = arith.addf %add3A_1147, %mul3A_1342 : vector<16xf32>
        %get3A_1344 = arith.constant 0 : i32
        %get3A_1345 = arith.constant 0 : i32
        %get3A_1346 = tpu.memref_slice %arg10[%scan3A_152, %get3A_1344, %get3A_1345] : memref<2x336x128xf32, #tpu.memory_space<vmem>> -> memref<1x336x128xf32, #tpu.memory_space<vmem>>
        %get3A_1347 = tpu.memref_squeeze %get3A_1346 : memref<1x336x128xf32, #tpu.memory_space<vmem>> -> memref<336x128xf32, #tpu.memory_space<vmem>>
        %get3A_1348 = arith.index_cast %add3A_233 : i32 to index
        %get3A_1349 = arith.constant 80 : index
        %get3A_1350 = tpu.vector_load %get3A_1347[%get3A_1348, %get3A_1349] {strides = array<i32>} : memref<336x128xf32, #tpu.memory_space<vmem>>, vector<16xf32>,
        %mul3A_1351 = arith.mulf %get3A_1208, %get3A_1350 : vector<16xf32>
        %add3A_1352 = arith.addf %add3A_1156, %mul3A_1351 : vector<16xf32>
        %get3A_1353 = arith.constant 0 : i32
        %get3A_1354 = arith.constant 0 : i32
        %get3A_1355 = tpu.memref_slice %arg10[%scan3A_152, %get3A_1353, %get3A_1354] : memref<2x336x128xf32, #tpu.memory_space<vmem>> -> memref<1x336x128xf32, #tpu.memory_space<vmem>>
        %get3A_1356 = tpu.memref_squeeze %get3A_1355 : memref<1x336x128xf32, #tpu.memory_space<vmem>> -> memref<336x128xf32, #tpu.memory_space<vmem>>
        %get3A_1357 = arith.index_cast %add3A_235 : i32 to index
        %get3A_1358 = arith.constant 80 : index
        %get3A_1359 = tpu.vector_load %get3A_1356[%get3A_1357, %get3A_1358] {strides = array<i32>} : memref<336x128xf32, #tpu.memory_space<vmem>>, vector<16xf32>,
        %mul3A_1360 = arith.mulf %get3A_1208, %get3A_1359 : vector<16xf32>
        %add3A_1361 = arith.addf %add3A_1165, %mul3A_1360 : vector<16xf32>
        %get3A_1362 = arith.constant 0 : i32
        %get3A_1363 = arith.constant 0 : i32
        %get3A_1364 = tpu.memref_slice %arg10[%scan3A_152, %get3A_1362, %get3A_1363] : memref<2x336x128xf32, #tpu.memory_space<vmem>> -> memref<1x336x128xf32, #tpu.memory_space<vmem>>
        %get3A_1365 = tpu.memref_squeeze %get3A_1364 : memref<1x336x128xf32, #tpu.memory_space<vmem>> -> memref<336x128xf32, #tpu.memory_space<vmem>>
        %get3A_1366 = arith.index_cast %add3A_237 : i32 to index
        %get3A_1367 = arith.constant 80 : index
        %get3A_1368 = tpu.vector_load %get3A_1365[%get3A_1366, %get3A_1367] {strides = array<i32>} : memref<336x128xf32, #tpu.memory_space<vmem>>, vector<16xf32>,
        %mul3A_1369 = arith.mulf %get3A_1208, %get3A_1368 : vector<16xf32>
        %add3A_1370 = arith.addf %add3A_1174, %mul3A_1369 : vector<16xf32>
        %get3A_1371 = arith.constant 0 : i32
        %get3A_1372 = arith.constant 0 : i32
        %get3A_1373 = tpu.memref_slice %arg10[%scan3A_152, %get3A_1371, %get3A_1372] : memref<2x336x128xf32, #tpu.memory_space<vmem>> -> memref<1x336x128xf32, #tpu.memory_space<vmem>>
        %get3A_1374 = tpu.memref_squeeze %get3A_1373 : memref<1x336x128xf32, #tpu.memory_space<vmem>> -> memref<336x128xf32, #tpu.memory_space<vmem>>
        %get3A_1375 = arith.index_cast %add3A_239 : i32 to index
        %get3A_1376 = arith.constant 80 : index
        %get3A_1377 = tpu.vector_load %get3A_1374[%get3A_1375, %get3A_1376] {strides = array<i32>} : memref<336x128xf32, #tpu.memory_space<vmem>>, vector<16xf32>,
        %mul3A_1378 = arith.mulf %get3A_1208, %get3A_1377 : vector<16xf32>
        %add3A_1379 = arith.addf %add3A_1183, %mul3A_1378 : vector<16xf32>
        %get3A_1380 = arith.constant 0 : i32
        %get3A_1381 = arith.constant 0 : i32
        %get3A_1382 = tpu.memref_slice %arg10[%scan3A_152, %get3A_1380, %get3A_1381] : memref<2x336x128xf32, #tpu.memory_space<vmem>> -> memref<1x336x128xf32, #tpu.memory_space<vmem>>
        %get3A_1383 = tpu.memref_squeeze %get3A_1382 : memref<1x336x128xf32, #tpu.memory_space<vmem>> -> memref<336x128xf32, #tpu.memory_space<vmem>>
        %get3A_1384 = arith.index_cast %add3A_241 : i32 to index
        %get3A_1385 = arith.constant 80 : index
        %get3A_1386 = tpu.vector_load %get3A_1383[%get3A_1384, %get3A_1385] {strides = array<i32>} : memref<336x128xf32, #tpu.memory_space<vmem>>, vector<16xf32>,
        %mul3A_1387 = arith.mulf %get3A_1208, %get3A_1386 : vector<16xf32>
        %add3A_1388 = arith.addf %add3A_1192, %mul3A_1387 : vector<16xf32>
        %get3A_1389 = arith.constant 0 : i32
        %get3A_1390 = arith.constant 0 : i32
        %get3A_1391 = tpu.memref_slice %arg10[%scan3A_152, %get3A_1389, %get3A_1390] : memref<2x336x128xf32, #tpu.memory_space<vmem>> -> memref<1x336x128xf32, #tpu.memory_space<vmem>>
        %get3A_1392 = tpu.memref_squeeze %get3A_1391 : memref<1x336x128xf32, #tpu.memory_space<vmem>> -> memref<336x128xf32, #tpu.memory_space<vmem>>
        %get3A_1393 = arith.index_cast %add3A_243 : i32 to index
        %get3A_1394 = arith.constant 80 : index
        %get3A_1395 = tpu.vector_load %get3A_1392[%get3A_1393, %get3A_1394] {strides = array<i32>} : memref<336x128xf32, #tpu.memory_space<vmem>>, vector<16xf32>,
        %mul3A_1396 = arith.mulf %get3A_1208, %get3A_1395 : vector<16xf32>
        %add3A_1397 = arith.addf %add3A_1201, %mul3A_1396 : vector<16xf32>
        %get3A_1398 = arith.constant 0 : i32
        %get3A_1399 = arith.constant 0 : i32
        %get3A_1400 = tpu.memref_slice %arg9[%scan3A_151, %get3A_1398, %get3A_1399] : memref<2x16x128xf32, #tpu.memory_space<vmem>> -> memref<1x16x128xf32, #tpu.memory_space<vmem>>
        %get3A_1401 = tpu.memref_squeeze %get3A_1400 : memref<1x16x128xf32, #tpu.memory_space<vmem>> -> memref<16x128xf32, #tpu.memory_space<vmem>>
        %get3A_1402 = arith.index_cast %scan3A_194 : i32 to index
        %get3A_1403 = arith.constant 96 : index
        %get3A_1404 = tpu.vector_load %get3A_1401[%get3A_1402, %get3A_1403] {strides = array<i32>} : memref<16x128xf32, #tpu.memory_space<vmem>>, vector<16xf32>,
        %get3A_1405 = arith.constant 0 : i32
        %get3A_1406 = arith.constant 0 : i32
        %get3A_1407 = tpu.memref_slice %arg10[%scan3A_152, %get3A_1405, %get3A_1406] : memref<2x336x128xf32, #tpu.memory_space<vmem>> -> memref<1x336x128xf32, #tpu.memory_space<vmem>>
        %get3A_1408 = tpu.memref_squeeze %get3A_1407 : memref<1x336x128xf32, #tpu.memory_space<vmem>> -> memref<336x128xf32, #tpu.memory_space<vmem>>
        %get3A_1409 = arith.index_cast %scan3A_194 : i32 to index
        %get3A_1410 = arith.constant 96 : index
        %get3A_1411 = tpu.vector_load %get3A_1408[%get3A_1409, %get3A_1410] {strides = array<i32>} : memref<336x128xf32, #tpu.memory_space<vmem>>, vector<16xf32>,
        %mul3A_1412 = arith.mulf %get3A_1404, %get3A_1411 : vector<16xf32>
        %add3A_1413 = arith.addf %add3A_1217, %mul3A_1412 : vector<16xf32>
        %get3A_1414 = arith.constant 0 : i32
        %get3A_1415 = arith.constant 0 : i32
        %get3A_1416 = tpu.memref_slice %arg10[%scan3A_152, %get3A_1414, %get3A_1415] : memref<2x336x128xf32, #tpu.memory_space<vmem>> -> memref<1x336x128xf32, #tpu.memory_space<vmem>>
        %get3A_1417 = tpu.memref_squeeze %get3A_1416 : memref<1x336x128xf32, #tpu.memory_space<vmem>> -> memref<336x128xf32, #tpu.memory_space<vmem>>
        %get3A_1418 = arith.index_cast %add3A_205 : i32 to index
        %get3A_1419 = arith.constant 96 : index
        %get3A_1420 = tpu.vector_load %get3A_1417[%get3A_1418, %get3A_1419] {strides = array<i32>} : memref<336x128xf32, #tpu.memory_space<vmem>>, vector<16xf32>,
        %mul3A_1421 = arith.mulf %get3A_1404, %get3A_1420 : vector<16xf32>
        %add3A_1422 = arith.addf %add3A_1226, %mul3A_1421 : vector<16xf32>
        %get3A_1423 = arith.constant 0 : i32
        %get3A_1424 = arith.constant 0 : i32
        %get3A_1425 = tpu.memref_slice %arg10[%scan3A_152, %get3A_1423, %get3A_1424] : memref<2x336x128xf32, #tpu.memory_space<vmem>> -> memref<1x336x128xf32, #tpu.memory_space<vmem>>
        %get3A_1426 = tpu.memref_squeeze %get3A_1425 : memref<1x336x128xf32, #tpu.memory_space<vmem>> -> memref<336x128xf32, #tpu.memory_space<vmem>>
        %get3A_1427 = arith.index_cast %add3A_207 : i32 to index
        %get3A_1428 = arith.constant 96 : index
        %get3A_1429 = tpu.vector_load %get3A_1426[%get3A_1427, %get3A_1428] {strides = array<i32>} : memref<336x128xf32, #tpu.memory_space<vmem>>, vector<16xf32>,
        %mul3A_1430 = arith.mulf %get3A_1404, %get3A_1429 : vector<16xf32>
        %add3A_1431 = arith.addf %add3A_1235, %mul3A_1430 : vector<16xf32>
        %get3A_1432 = arith.constant 0 : i32
        %get3A_1433 = arith.constant 0 : i32
        %get3A_1434 = tpu.memref_slice %arg10[%scan3A_152, %get3A_1432, %get3A_1433] : memref<2x336x128xf32, #tpu.memory_space<vmem>> -> memref<1x336x128xf32, #tpu.memory_space<vmem>>
        %get3A_1435 = tpu.memref_squeeze %get3A_1434 : memref<1x336x128xf32, #tpu.memory_space<vmem>> -> memref<336x128xf32, #tpu.memory_space<vmem>>
        %get3A_1436 = arith.index_cast %add3A_209 : i32 to index
        %get3A_1437 = arith.constant 96 : index
        %get3A_1438 = tpu.vector_load %get3A_1435[%get3A_1436, %get3A_1437] {strides = array<i32>} : memref<336x128xf32, #tpu.memory_space<vmem>>, vector<16xf32>,
        %mul3A_1439 = arith.mulf %get3A_1404, %get3A_1438 : vector<16xf32>
        %add3A_1440 = arith.addf %add3A_1244, %mul3A_1439 : vector<16xf32>
        %get3A_1441 = arith.constant 0 : i32
        %get3A_1442 = arith.constant 0 : i32
        %get3A_1443 = tpu.memref_slice %arg10[%scan3A_152, %get3A_1441, %get3A_1442] : memref<2x336x128xf32, #tpu.memory_space<vmem>> -> memref<1x336x128xf32, #tpu.memory_space<vmem>>
        %get3A_1444 = tpu.memref_squeeze %get3A_1443 : memref<1x336x128xf32, #tpu.memory_space<vmem>> -> memref<336x128xf32, #tpu.memory_space<vmem>>
        %get3A_1445 = arith.index_cast %add3A_211 : i32 to index
        %get3A_1446 = arith.constant 96 : index
        %get3A_1447 = tpu.vector_load %get3A_1444[%get3A_1445, %get3A_1446] {strides = array<i32>} : memref<336x128xf32, #tpu.memory_space<vmem>>, vector<16xf32>,
        %mul3A_1448 = arith.mulf %get3A_1404, %get3A_1447 : vector<16xf32>
        %add3A_1449 = arith.addf %add3A_1253, %mul3A_1448 : vector<16xf32>
        %get3A_1450 = arith.constant 0 : i32
        %get3A_1451 = arith.constant 0 : i32
        %get3A_1452 = tpu.memref_slice %arg10[%scan3A_152, %get3A_1450, %get3A_1451] : memref<2x336x128xf32, #tpu.memory_space<vmem>> -> memref<1x336x128xf32, #tpu.memory_space<vmem>>
        %get3A_1453 = tpu.memref_squeeze %get3A_1452 : memref<1x336x128xf32, #tpu.memory_space<vmem>> -> memref<336x128xf32, #tpu.memory_space<vmem>>
        %get3A_1454 = arith.index_cast %add3A_213 : i32 to index
        %get3A_1455 = arith.constant 96 : index
        %get3A_1456 = tpu.vector_load %get3A_1453[%get3A_1454, %get3A_1455] {strides = array<i32>} : memref<336x128xf32, #tpu.memory_space<vmem>>, vector<16xf32>,
        %mul3A_1457 = arith.mulf %get3A_1404, %get3A_1456 : vector<16xf32>
        %add3A_1458 = arith.addf %add3A_1262, %mul3A_1457 : vector<16xf32>
        %get3A_1459 = arith.constant 0 : i32
        %get3A_1460 = arith.constant 0 : i32
        %get3A_1461 = tpu.memref_slice %arg10[%scan3A_152, %get3A_1459, %get3A_1460] : memref<2x336x128xf32, #tpu.memory_space<vmem>> -> memref<1x336x128xf32, #tpu.memory_space<vmem>>
        %get3A_1462 = tpu.memref_squeeze %get3A_1461 : memref<1x336x128xf32, #tpu.memory_space<vmem>> -> memref<336x128xf32, #tpu.memory_space<vmem>>
        %get3A_1463 = arith.index_cast %add3A_215 : i32 to index
        %get3A_1464 = arith.constant 96 : index
        %get3A_1465 = tpu.vector_load %get3A_1462[%get3A_1463, %get3A_1464] {strides = array<i32>} : memref<336x128xf32, #tpu.memory_space<vmem>>, vector<16xf32>,
        %mul3A_1466 = arith.mulf %get3A_1404, %get3A_1465 : vector<16xf32>
        %add3A_1467 = arith.addf %add3A_1271, %mul3A_1466 : vector<16xf32>
        %get3A_1468 = arith.constant 0 : i32
        %get3A_1469 = arith.constant 0 : i32
        %get3A_1470 = tpu.memref_slice %arg10[%scan3A_152, %get3A_1468, %get3A_1469] : memref<2x336x128xf32, #tpu.memory_space<vmem>> -> memref<1x336x128xf32, #tpu.memory_space<vmem>>
        %get3A_1471 = tpu.memref_squeeze %get3A_1470 : memref<1x336x128xf32, #tpu.memory_space<vmem>> -> memref<336x128xf32, #tpu.memory_space<vmem>>
        %get3A_1472 = arith.index_cast %add3A_217 : i32 to index
        %get3A_1473 = arith.constant 96 : index
        %get3A_1474 = tpu.vector_load %get3A_1471[%get3A_1472, %get3A_1473] {strides = array<i32>} : memref<336x128xf32, #tpu.memory_space<vmem>>, vector<16xf32>,
        %mul3A_1475 = arith.mulf %get3A_1404, %get3A_1474 : vector<16xf32>
        %add3A_1476 = arith.addf %add3A_1280, %mul3A_1475 : vector<16xf32>
        %get3A_1477 = arith.constant 0 : i32
        %get3A_1478 = arith.constant 0 : i32
        %get3A_1479 = tpu.memref_slice %arg10[%scan3A_152, %get3A_1477, %get3A_1478] : memref<2x336x128xf32, #tpu.memory_space<vmem>> -> memref<1x336x128xf32, #tpu.memory_space<vmem>>
        %get3A_1480 = tpu.memref_squeeze %get3A_1479 : memref<1x336x128xf32, #tpu.memory_space<vmem>> -> memref<336x128xf32, #tpu.memory_space<vmem>>
        %get3A_1481 = arith.index_cast %add3A_219 : i32 to index
        %get3A_1482 = arith.constant 96 : index
        %get3A_1483 = tpu.vector_load %get3A_1480[%get3A_1481, %get3A_1482] {strides = array<i32>} : memref<336x128xf32, #tpu.memory_space<vmem>>, vector<16xf32>,
        %mul3A_1484 = arith.mulf %get3A_1404, %get3A_1483 : vector<16xf32>
        %add3A_1485 = arith.addf %add3A_1289, %mul3A_1484 : vector<16xf32>
        %get3A_1486 = arith.constant 0 : i32
        %get3A_1487 = arith.constant 0 : i32
        %get3A_1488 = tpu.memref_slice %arg10[%scan3A_152, %get3A_1486, %get3A_1487] : memref<2x336x128xf32, #tpu.memory_space<vmem>> -> memref<1x336x128xf32, #tpu.memory_space<vmem>>
        %get3A_1489 = tpu.memref_squeeze %get3A_1488 : memref<1x336x128xf32, #tpu.memory_space<vmem>> -> memref<336x128xf32, #tpu.memory_space<vmem>>
        %get3A_1490 = arith.index_cast %add3A_221 : i32 to index
        %get3A_1491 = arith.constant 96 : index
        %get3A_1492 = tpu.vector_load %get3A_1489[%get3A_1490, %get3A_1491] {strides = array<i32>} : memref<336x128xf32, #tpu.memory_space<vmem>>, vector<16xf32>,
        %mul3A_1493 = arith.mulf %get3A_1404, %get3A_1492 : vector<16xf32>
        %add3A_1494 = arith.addf %add3A_1298, %mul3A_1493 : vector<16xf32>
        %get3A_1495 = arith.constant 0 : i32
        %get3A_1496 = arith.constant 0 : i32
        %get3A_1497 = tpu.memref_slice %arg10[%scan3A_152, %get3A_1495, %get3A_1496] : memref<2x336x128xf32, #tpu.memory_space<vmem>> -> memref<1x336x128xf32, #tpu.memory_space<vmem>>
        %get3A_1498 = tpu.memref_squeeze %get3A_1497 : memref<1x336x128xf32, #tpu.memory_space<vmem>> -> memref<336x128xf32, #tpu.memory_space<vmem>>
        %get3A_1499 = arith.index_cast %add3A_223 : i32 to index
        %get3A_1500 = arith.constant 96 : index
        %get3A_1501 = tpu.vector_load %get3A_1498[%get3A_1499, %get3A_1500] {strides = array<i32>} : memref<336x128xf32, #tpu.memory_space<vmem>>, vector<16xf32>,
        %mul3A_1502 = arith.mulf %get3A_1404, %get3A_1501 : vector<16xf32>
        %add3A_1503 = arith.addf %add3A_1307, %mul3A_1502 : vector<16xf32>
        %get3A_1504 = arith.constant 0 : i32
        %get3A_1505 = arith.constant 0 : i32
        %get3A_1506 = tpu.memref_slice %arg10[%scan3A_152, %get3A_1504, %get3A_1505] : memref<2x336x128xf32, #tpu.memory_space<vmem>> -> memref<1x336x128xf32, #tpu.memory_space<vmem>>
        %get3A_1507 = tpu.memref_squeeze %get3A_1506 : memref<1x336x128xf32, #tpu.memory_space<vmem>> -> memref<336x128xf32, #tpu.memory_space<vmem>>
        %get3A_1508 = arith.index_cast %add3A_225 : i32 to index
        %get3A_1509 = arith.constant 96 : index
        %get3A_1510 = tpu.vector_load %get3A_1507[%get3A_1508, %get3A_1509] {strides = array<i32>} : memref<336x128xf32, #tpu.memory_space<vmem>>, vector<16xf32>,
        %mul3A_1511 = arith.mulf %get3A_1404, %get3A_1510 : vector<16xf32>
        %add3A_1512 = arith.addf %add3A_1316, %mul3A_1511 : vector<16xf32>
        %get3A_1513 = arith.constant 0 : i32
        %get3A_1514 = arith.constant 0 : i32
        %get3A_1515 = tpu.memref_slice %arg10[%scan3A_152, %get3A_1513, %get3A_1514] : memref<2x336x128xf32, #tpu.memory_space<vmem>> -> memref<1x336x128xf32, #tpu.memory_space<vmem>>
        %get3A_1516 = tpu.memref_squeeze %get3A_1515 : memref<1x336x128xf32, #tpu.memory_space<vmem>> -> memref<336x128xf32, #tpu.memory_space<vmem>>
        %get3A_1517 = arith.index_cast %add3A_227 : i32 to index
        %get3A_1518 = arith.constant 96 : index
        %get3A_1519 = tpu.vector_load %get3A_1516[%get3A_1517, %get3A_1518] {strides = array<i32>} : memref<336x128xf32, #tpu.memory_space<vmem>>, vector<16xf32>,
        %mul3A_1520 = arith.mulf %get3A_1404, %get3A_1519 : vector<16xf32>
        %add3A_1521 = arith.addf %add3A_1325, %mul3A_1520 : vector<16xf32>
        %get3A_1522 = arith.constant 0 : i32
        %get3A_1523 = arith.constant 0 : i32
        %get3A_1524 = tpu.memref_slice %arg10[%scan3A_152, %get3A_1522, %get3A_1523] : memref<2x336x128xf32, #tpu.memory_space<vmem>> -> memref<1x336x128xf32, #tpu.memory_space<vmem>>
        %get3A_1525 = tpu.memref_squeeze %get3A_1524 : memref<1x336x128xf32, #tpu.memory_space<vmem>> -> memref<336x128xf32, #tpu.memory_space<vmem>>
        %get3A_1526 = arith.index_cast %add3A_229 : i32 to index
        %get3A_1527 = arith.constant 96 : index
        %get3A_1528 = tpu.vector_load %get3A_1525[%get3A_1526, %get3A_1527] {strides = array<i32>} : memref<336x128xf32, #tpu.memory_space<vmem>>, vector<16xf32>,
        %mul3A_1529 = arith.mulf %get3A_1404, %get3A_1528 : vector<16xf32>
        %add3A_1530 = arith.addf %add3A_1334, %mul3A_1529 : vector<16xf32>
        %get3A_1531 = arith.constant 0 : i32
        %get3A_1532 = arith.constant 0 : i32
        %get3A_1533 = tpu.memref_slice %arg10[%scan3A_152, %get3A_1531, %get3A_1532] : memref<2x336x128xf32, #tpu.memory_space<vmem>> -> memref<1x336x128xf32, #tpu.memory_space<vmem>>
        %get3A_1534 = tpu.memref_squeeze %get3A_1533 : memref<1x336x128xf32, #tpu.memory_space<vmem>> -> memref<336x128xf32, #tpu.memory_space<vmem>>
        %get3A_1535 = arith.index_cast %add3A_231 : i32 to index
        %get3A_1536 = arith.constant 96 : index
        %get3A_1537 = tpu.vector_load %get3A_1534[%get3A_1535, %get3A_1536] {strides = array<i32>} : memref<336x128xf32, #tpu.memory_space<vmem>>, vector<16xf32>,
        %mul3A_1538 = arith.mulf %get3A_1404, %get3A_1537 : vector<16xf32>
        %add3A_1539 = arith.addf %add3A_1343, %mul3A_1538 : vector<16xf32>
        %get3A_1540 = arith.constant 0 : i32
        %get3A_1541 = arith.constant 0 : i32
        %get3A_1542 = tpu.memref_slice %arg10[%scan3A_152, %get3A_1540, %get3A_1541] : memref<2x336x128xf32, #tpu.memory_space<vmem>> -> memref<1x336x128xf32, #tpu.memory_space<vmem>>
        %get3A_1543 = tpu.memref_squeeze %get3A_1542 : memref<1x336x128xf32, #tpu.memory_space<vmem>> -> memref<336x128xf32, #tpu.memory_space<vmem>>
        %get3A_1544 = arith.index_cast %add3A_233 : i32 to index
        %get3A_1545 = arith.constant 96 : index
        %get3A_1546 = tpu.vector_load %get3A_1543[%get3A_1544, %get3A_1545] {strides = array<i32>} : memref<336x128xf32, #tpu.memory_space<vmem>>, vector<16xf32>,
        %mul3A_1547 = arith.mulf %get3A_1404, %get3A_1546 : vector<16xf32>
        %add3A_1548 = arith.addf %add3A_1352, %mul3A_1547 : vector<16xf32>
        %get3A_1549 = arith.constant 0 : i32
        %get3A_1550 = arith.constant 0 : i32
        %get3A_1551 = tpu.memref_slice %arg10[%scan3A_152, %get3A_1549, %get3A_1550] : memref<2x336x128xf32, #tpu.memory_space<vmem>> -> memref<1x336x128xf32, #tpu.memory_space<vmem>>
        %get3A_1552 = tpu.memref_squeeze %get3A_1551 : memref<1x336x128xf32, #tpu.memory_space<vmem>> -> memref<336x128xf32, #tpu.memory_space<vmem>>
        %get3A_1553 = arith.index_cast %add3A_235 : i32 to index
        %get3A_1554 = arith.constant 96 : index
        %get3A_1555 = tpu.vector_load %get3A_1552[%get3A_1553, %get3A_1554] {strides = array<i32>} : memref<336x128xf32, #tpu.memory_space<vmem>>, vector<16xf32>,
        %mul3A_1556 = arith.mulf %get3A_1404, %get3A_1555 : vector<16xf32>
        %add3A_1557 = arith.addf %add3A_1361, %mul3A_1556 : vector<16xf32>
        %get3A_1558 = arith.constant 0 : i32
        %get3A_1559 = arith.constant 0 : i32
        %get3A_1560 = tpu.memref_slice %arg10[%scan3A_152, %get3A_1558, %get3A_1559] : memref<2x336x128xf32, #tpu.memory_space<vmem>> -> memref<1x336x128xf32, #tpu.memory_space<vmem>>
        %get3A_1561 = tpu.memref_squeeze %get3A_1560 : memref<1x336x128xf32, #tpu.memory_space<vmem>> -> memref<336x128xf32, #tpu.memory_space<vmem>>
        %get3A_1562 = arith.index_cast %add3A_237 : i32 to index
        %get3A_1563 = arith.constant 96 : index
        %get3A_1564 = tpu.vector_load %get3A_1561[%get3A_1562, %get3A_1563] {strides = array<i32>} : memref<336x128xf32, #tpu.memory_space<vmem>>, vector<16xf32>,
        %mul3A_1565 = arith.mulf %get3A_1404, %get3A_1564 : vector<16xf32>
        %add3A_1566 = arith.addf %add3A_1370, %mul3A_1565 : vector<16xf32>
        %get3A_1567 = arith.constant 0 : i32
        %get3A_1568 = arith.constant 0 : i32
        %get3A_1569 = tpu.memref_slice %arg10[%scan3A_152, %get3A_1567, %get3A_1568] : memref<2x336x128xf32, #tpu.memory_space<vmem>> -> memref<1x336x128xf32, #tpu.memory_space<vmem>>
        %get3A_1570 = tpu.memref_squeeze %get3A_1569 : memref<1x336x128xf32, #tpu.memory_space<vmem>> -> memref<336x128xf32, #tpu.memory_space<vmem>>
        %get3A_1571 = arith.index_cast %add3A_239 : i32 to index
        %get3A_1572 = arith.constant 96 : index
        %get3A_1573 = tpu.vector_load %get3A_1570[%get3A_1571, %get3A_1572] {strides = array<i32>} : memref<336x128xf32, #tpu.memory_space<vmem>>, vector<16xf32>,
        %mul3A_1574 = arith.mulf %get3A_1404, %get3A_1573 : vector<16xf32>
        %add3A_1575 = arith.addf %add3A_1379, %mul3A_1574 : vector<16xf32>
        %get3A_1576 = arith.constant 0 : i32
        %get3A_1577 = arith.constant 0 : i32
        %get3A_1578 = tpu.memref_slice %arg10[%scan3A_152, %get3A_1576, %get3A_1577] : memref<2x336x128xf32, #tpu.memory_space<vmem>> -> memref<1x336x128xf32, #tpu.memory_space<vmem>>
        %get3A_1579 = tpu.memref_squeeze %get3A_1578 : memref<1x336x128xf32, #tpu.memory_space<vmem>> -> memref<336x128xf32, #tpu.memory_space<vmem>>
        %get3A_1580 = arith.index_cast %add3A_241 : i32 to index
        %get3A_1581 = arith.constant 96 : index
        %get3A_1582 = tpu.vector_load %get3A_1579[%get3A_1580, %get3A_1581] {strides = array<i32>} : memref<336x128xf32, #tpu.memory_space<vmem>>, vector<16xf32>,
        %mul3A_1583 = arith.mulf %get3A_1404, %get3A_1582 : vector<16xf32>
        %add3A_1584 = arith.addf %add3A_1388, %mul3A_1583 : vector<16xf32>
        %get3A_1585 = arith.constant 0 : i32
        %get3A_1586 = arith.constant 0 : i32
        %get3A_1587 = tpu.memref_slice %arg10[%scan3A_152, %get3A_1585, %get3A_1586] : memref<2x336x128xf32, #tpu.memory_space<vmem>> -> memref<1x336x128xf32, #tpu.memory_space<vmem>>
        %get3A_1588 = tpu.memref_squeeze %get3A_1587 : memref<1x336x128xf32, #tpu.memory_space<vmem>> -> memref<336x128xf32, #tpu.memory_space<vmem>>
        %get3A_1589 = arith.index_cast %add3A_243 : i32 to index
        %get3A_1590 = arith.constant 96 : index
        %get3A_1591 = tpu.vector_load %get3A_1588[%get3A_1589, %get3A_1590] {strides = array<i32>} : memref<336x128xf32, #tpu.memory_space<vmem>>, vector<16xf32>,
        %mul3A_1592 = arith.mulf %get3A_1404, %get3A_1591 : vector<16xf32>
        %add3A_1593 = arith.addf %add3A_1397, %mul3A_1592 : vector<16xf32>
        %get3A_1594 = arith.constant 0 : i32
        %get3A_1595 = arith.constant 0 : i32
        %get3A_1596 = tpu.memref_slice %arg9[%scan3A_151, %get3A_1594, %get3A_1595] : memref<2x16x128xf32, #tpu.memory_space<vmem>> -> memref<1x16x128xf32, #tpu.memory_space<vmem>>
        %get3A_1597 = tpu.memref_squeeze %get3A_1596 : memref<1x16x128xf32, #tpu.memory_space<vmem>> -> memref<16x128xf32, #tpu.memory_space<vmem>>
        %get3A_1598 = arith.index_cast %scan3A_194 : i32 to index
        %get3A_1599 = arith.constant 112 : index
        %get3A_1600 = tpu.vector_load %get3A_1597[%get3A_1598, %get3A_1599] {strides = array<i32>} : memref<16x128xf32, #tpu.memory_space<vmem>>, vector<16xf32>,
        %get3A_1601 = arith.constant 0 : i32
        %get3A_1602 = arith.constant 0 : i32
        %get3A_1603 = tpu.memref_slice %arg10[%scan3A_152, %get3A_1601, %get3A_1602] : memref<2x336x128xf32, #tpu.memory_space<vmem>> -> memref<1x336x128xf32, #tpu.memory_space<vmem>>
        %get3A_1604 = tpu.memref_squeeze %get3A_1603 : memref<1x336x128xf32, #tpu.memory_space<vmem>> -> memref<336x128xf32, #tpu.memory_space<vmem>>
        %get3A_1605 = arith.index_cast %scan3A_194 : i32 to index
        %get3A_1606 = arith.constant 112 : index
        %get3A_1607 = tpu.vector_load %get3A_1604[%get3A_1605, %get3A_1606] {strides = array<i32>} : memref<336x128xf32, #tpu.memory_space<vmem>>, vector<16xf32>,
        %mul3A_1608 = arith.mulf %get3A_1600, %get3A_1607 : vector<16xf32>
        %add3A_1609 = arith.addf %add3A_1413, %mul3A_1608 : vector<16xf32>
        %get3A_1610 = arith.constant 0 : i32
        %get3A_1611 = arith.constant 0 : i32
        %get3A_1612 = tpu.memref_slice %arg10[%scan3A_152, %get3A_1610, %get3A_1611] : memref<2x336x128xf32, #tpu.memory_space<vmem>> -> memref<1x336x128xf32, #tpu.memory_space<vmem>>
        %get3A_1613 = tpu.memref_squeeze %get3A_1612 : memref<1x336x128xf32, #tpu.memory_space<vmem>> -> memref<336x128xf32, #tpu.memory_space<vmem>>
        %get3A_1614 = arith.index_cast %add3A_205 : i32 to index
        %get3A_1615 = arith.constant 112 : index
        %get3A_1616 = tpu.vector_load %get3A_1613[%get3A_1614, %get3A_1615] {strides = array<i32>} : memref<336x128xf32, #tpu.memory_space<vmem>>, vector<16xf32>,
        %mul3A_1617 = arith.mulf %get3A_1600, %get3A_1616 : vector<16xf32>
        %add3A_1618 = arith.addf %add3A_1422, %mul3A_1617 : vector<16xf32>
        %get3A_1619 = arith.constant 0 : i32
        %get3A_1620 = arith.constant 0 : i32
        %get3A_1621 = tpu.memref_slice %arg10[%scan3A_152, %get3A_1619, %get3A_1620] : memref<2x336x128xf32, #tpu.memory_space<vmem>> -> memref<1x336x128xf32, #tpu.memory_space<vmem>>
        %get3A_1622 = tpu.memref_squeeze %get3A_1621 : memref<1x336x128xf32, #tpu.memory_space<vmem>> -> memref<336x128xf32, #tpu.memory_space<vmem>>
        %get3A_1623 = arith.index_cast %add3A_207 : i32 to index
        %get3A_1624 = arith.constant 112 : index
        %get3A_1625 = tpu.vector_load %get3A_1622[%get3A_1623, %get3A_1624] {strides = array<i32>} : memref<336x128xf32, #tpu.memory_space<vmem>>, vector<16xf32>,
        %mul3A_1626 = arith.mulf %get3A_1600, %get3A_1625 : vector<16xf32>
        %add3A_1627 = arith.addf %add3A_1431, %mul3A_1626 : vector<16xf32>
        %get3A_1628 = arith.constant 0 : i32
        %get3A_1629 = arith.constant 0 : i32
        %get3A_1630 = tpu.memref_slice %arg10[%scan3A_152, %get3A_1628, %get3A_1629] : memref<2x336x128xf32, #tpu.memory_space<vmem>> -> memref<1x336x128xf32, #tpu.memory_space<vmem>>
        %get3A_1631 = tpu.memref_squeeze %get3A_1630 : memref<1x336x128xf32, #tpu.memory_space<vmem>> -> memref<336x128xf32, #tpu.memory_space<vmem>>
        %get3A_1632 = arith.index_cast %add3A_209 : i32 to index
        %get3A_1633 = arith.constant 112 : index
        %get3A_1634 = tpu.vector_load %get3A_1631[%get3A_1632, %get3A_1633] {strides = array<i32>} : memref<336x128xf32, #tpu.memory_space<vmem>>, vector<16xf32>,
        %mul3A_1635 = arith.mulf %get3A_1600, %get3A_1634 : vector<16xf32>
        %add3A_1636 = arith.addf %add3A_1440, %mul3A_1635 : vector<16xf32>
        %get3A_1637 = arith.constant 0 : i32
        %get3A_1638 = arith.constant 0 : i32
        %get3A_1639 = tpu.memref_slice %arg10[%scan3A_152, %get3A_1637, %get3A_1638] : memref<2x336x128xf32, #tpu.memory_space<vmem>> -> memref<1x336x128xf32, #tpu.memory_space<vmem>>
        %get3A_1640 = tpu.memref_squeeze %get3A_1639 : memref<1x336x128xf32, #tpu.memory_space<vmem>> -> memref<336x128xf32, #tpu.memory_space<vmem>>
        %get3A_1641 = arith.index_cast %add3A_211 : i32 to index
        %get3A_1642 = arith.constant 112 : index
        %get3A_1643 = tpu.vector_load %get3A_1640[%get3A_1641, %get3A_1642] {strides = array<i32>} : memref<336x128xf32, #tpu.memory_space<vmem>>, vector<16xf32>,
        %mul3A_1644 = arith.mulf %get3A_1600, %get3A_1643 : vector<16xf32>
        %add3A_1645 = arith.addf %add3A_1449, %mul3A_1644 : vector<16xf32>
        %get3A_1646 = arith.constant 0 : i32
        %get3A_1647 = arith.constant 0 : i32
        %get3A_1648 = tpu.memref_slice %arg10[%scan3A_152, %get3A_1646, %get3A_1647] : memref<2x336x128xf32, #tpu.memory_space<vmem>> -> memref<1x336x128xf32, #tpu.memory_space<vmem>>
        %get3A_1649 = tpu.memref_squeeze %get3A_1648 : memref<1x336x128xf32, #tpu.memory_space<vmem>> -> memref<336x128xf32, #tpu.memory_space<vmem>>
        %get3A_1650 = arith.index_cast %add3A_213 : i32 to index
        %get3A_1651 = arith.constant 112 : index
        %get3A_1652 = tpu.vector_load %get3A_1649[%get3A_1650, %get3A_1651] {strides = array<i32>} : memref<336x128xf32, #tpu.memory_space<vmem>>, vector<16xf32>,
        %mul3A_1653 = arith.mulf %get3A_1600, %get3A_1652 : vector<16xf32>
        %add3A_1654 = arith.addf %add3A_1458, %mul3A_1653 : vector<16xf32>
        %get3A_1655 = arith.constant 0 : i32
        %get3A_1656 = arith.constant 0 : i32
        %get3A_1657 = tpu.memref_slice %arg10[%scan3A_152, %get3A_1655, %get3A_1656] : memref<2x336x128xf32, #tpu.memory_space<vmem>> -> memref<1x336x128xf32, #tpu.memory_space<vmem>>
        %get3A_1658 = tpu.memref_squeeze %get3A_1657 : memref<1x336x128xf32, #tpu.memory_space<vmem>> -> memref<336x128xf32, #tpu.memory_space<vmem>>
        %get3A_1659 = arith.index_cast %add3A_215 : i32 to index
        %get3A_1660 = arith.constant 112 : index
        %get3A_1661 = tpu.vector_load %get3A_1658[%get3A_1659, %get3A_1660] {strides = array<i32>} : memref<336x128xf32, #tpu.memory_space<vmem>>, vector<16xf32>,
        %mul3A_1662 = arith.mulf %get3A_1600, %get3A_1661 : vector<16xf32>
        %add3A_1663 = arith.addf %add3A_1467, %mul3A_1662 : vector<16xf32>
        %get3A_1664 = arith.constant 0 : i32
        %get3A_1665 = arith.constant 0 : i32
        %get3A_1666 = tpu.memref_slice %arg10[%scan3A_152, %get3A_1664, %get3A_1665] : memref<2x336x128xf32, #tpu.memory_space<vmem>> -> memref<1x336x128xf32, #tpu.memory_space<vmem>>
        %get3A_1667 = tpu.memref_squeeze %get3A_1666 : memref<1x336x128xf32, #tpu.memory_space<vmem>> -> memref<336x128xf32, #tpu.memory_space<vmem>>
        %get3A_1668 = arith.index_cast %add3A_217 : i32 to index
        %get3A_1669 = arith.constant 112 : index
        %get3A_1670 = tpu.vector_load %get3A_1667[%get3A_1668, %get3A_1669] {strides = array<i32>} : memref<336x128xf32, #tpu.memory_space<vmem>>, vector<16xf32>,
        %mul3A_1671 = arith.mulf %get3A_1600, %get3A_1670 : vector<16xf32>
        %add3A_1672 = arith.addf %add3A_1476, %mul3A_1671 : vector<16xf32>
        %get3A_1673 = arith.constant 0 : i32
        %get3A_1674 = arith.constant 0 : i32
        %get3A_1675 = tpu.memref_slice %arg10[%scan3A_152, %get3A_1673, %get3A_1674] : memref<2x336x128xf32, #tpu.memory_space<vmem>> -> memref<1x336x128xf32, #tpu.memory_space<vmem>>
        %get3A_1676 = tpu.memref_squeeze %get3A_1675 : memref<1x336x128xf32, #tpu.memory_space<vmem>> -> memref<336x128xf32, #tpu.memory_space<vmem>>
        %get3A_1677 = arith.index_cast %add3A_219 : i32 to index
        %get3A_1678 = arith.constant 112 : index
        %get3A_1679 = tpu.vector_load %get3A_1676[%get3A_1677, %get3A_1678] {strides = array<i32>} : memref<336x128xf32, #tpu.memory_space<vmem>>, vector<16xf32>,
        %mul3A_1680 = arith.mulf %get3A_1600, %get3A_1679 : vector<16xf32>
        %add3A_1681 = arith.addf %add3A_1485, %mul3A_1680 : vector<16xf32>
        %get3A_1682 = arith.constant 0 : i32
        %get3A_1683 = arith.constant 0 : i32
        %get3A_1684 = tpu.memref_slice %arg10[%scan3A_152, %get3A_1682, %get3A_1683] : memref<2x336x128xf32, #tpu.memory_space<vmem>> -> memref<1x336x128xf32, #tpu.memory_space<vmem>>
        %get3A_1685 = tpu.memref_squeeze %get3A_1684 : memref<1x336x128xf32, #tpu.memory_space<vmem>> -> memref<336x128xf32, #tpu.memory_space<vmem>>
        %get3A_1686 = arith.index_cast %add3A_221 : i32 to index
        %get3A_1687 = arith.constant 112 : index
        %get3A_1688 = tpu.vector_load %get3A_1685[%get3A_1686, %get3A_1687] {strides = array<i32>} : memref<336x128xf32, #tpu.memory_space<vmem>>, vector<16xf32>,
        %mul3A_1689 = arith.mulf %get3A_1600, %get3A_1688 : vector<16xf32>
        %add3A_1690 = arith.addf %add3A_1494, %mul3A_1689 : vector<16xf32>
        %get3A_1691 = arith.constant 0 : i32
        %get3A_1692 = arith.constant 0 : i32
        %get3A_1693 = tpu.memref_slice %arg10[%scan3A_152, %get3A_1691, %get3A_1692] : memref<2x336x128xf32, #tpu.memory_space<vmem>> -> memref<1x336x128xf32, #tpu.memory_space<vmem>>
        %get3A_1694 = tpu.memref_squeeze %get3A_1693 : memref<1x336x128xf32, #tpu.memory_space<vmem>> -> memref<336x128xf32, #tpu.memory_space<vmem>>
        %get3A_1695 = arith.index_cast %add3A_223 : i32 to index
        %get3A_1696 = arith.constant 112 : index
        %get3A_1697 = tpu.vector_load %get3A_1694[%get3A_1695, %get3A_1696] {strides = array<i32>} : memref<336x128xf32, #tpu.memory_space<vmem>>, vector<16xf32>,
        %mul3A_1698 = arith.mulf %get3A_1600, %get3A_1697 : vector<16xf32>
        %add3A_1699 = arith.addf %add3A_1503, %mul3A_1698 : vector<16xf32>
        %get3A_1700 = arith.constant 0 : i32
        %get3A_1701 = arith.constant 0 : i32
        %get3A_1702 = tpu.memref_slice %arg10[%scan3A_152, %get3A_1700, %get3A_1701] : memref<2x336x128xf32, #tpu.memory_space<vmem>> -> memref<1x336x128xf32, #tpu.memory_space<vmem>>
        %get3A_1703 = tpu.memref_squeeze %get3A_1702 : memref<1x336x128xf32, #tpu.memory_space<vmem>> -> memref<336x128xf32, #tpu.memory_space<vmem>>
        %get3A_1704 = arith.index_cast %add3A_225 : i32 to index
        %get3A_1705 = arith.constant 112 : index
        %get3A_1706 = tpu.vector_load %get3A_1703[%get3A_1704, %get3A_1705] {strides = array<i32>} : memref<336x128xf32, #tpu.memory_space<vmem>>, vector<16xf32>,
        %mul3A_1707 = arith.mulf %get3A_1600, %get3A_1706 : vector<16xf32>
        %add3A_1708 = arith.addf %add3A_1512, %mul3A_1707 : vector<16xf32>
        %get3A_1709 = arith.constant 0 : i32
        %get3A_1710 = arith.constant 0 : i32
        %get3A_1711 = tpu.memref_slice %arg10[%scan3A_152, %get3A_1709, %get3A_1710] : memref<2x336x128xf32, #tpu.memory_space<vmem>> -> memref<1x336x128xf32, #tpu.memory_space<vmem>>
        %get3A_1712 = tpu.memref_squeeze %get3A_1711 : memref<1x336x128xf32, #tpu.memory_space<vmem>> -> memref<336x128xf32, #tpu.memory_space<vmem>>
        %get3A_1713 = arith.index_cast %add3A_227 : i32 to index
        %get3A_1714 = arith.constant 112 : index
        %get3A_1715 = tpu.vector_load %get3A_1712[%get3A_1713, %get3A_1714] {strides = array<i32>} : memref<336x128xf32, #tpu.memory_space<vmem>>, vector<16xf32>,
        %mul3A_1716 = arith.mulf %get3A_1600, %get3A_1715 : vector<16xf32>
        %add3A_1717 = arith.addf %add3A_1521, %mul3A_1716 : vector<16xf32>
        %get3A_1718 = arith.constant 0 : i32
        %get3A_1719 = arith.constant 0 : i32
        %get3A_1720 = tpu.memref_slice %arg10[%scan3A_152, %get3A_1718, %get3A_1719] : memref<2x336x128xf32, #tpu.memory_space<vmem>> -> memref<1x336x128xf32, #tpu.memory_space<vmem>>
        %get3A_1721 = tpu.memref_squeeze %get3A_1720 : memref<1x336x128xf32, #tpu.memory_space<vmem>> -> memref<336x128xf32, #tpu.memory_space<vmem>>
        %get3A_1722 = arith.index_cast %add3A_229 : i32 to index
        %get3A_1723 = arith.constant 112 : index
        %get3A_1724 = tpu.vector_load %get3A_1721[%get3A_1722, %get3A_1723] {strides = array<i32>} : memref<336x128xf32, #tpu.memory_space<vmem>>, vector<16xf32>,
        %mul3A_1725 = arith.mulf %get3A_1600, %get3A_1724 : vector<16xf32>
        %add3A_1726 = arith.addf %add3A_1530, %mul3A_1725 : vector<16xf32>
        %get3A_1727 = arith.constant 0 : i32
        %get3A_1728 = arith.constant 0 : i32
        %get3A_1729 = tpu.memref_slice %arg10[%scan3A_152, %get3A_1727, %get3A_1728] : memref<2x336x128xf32, #tpu.memory_space<vmem>> -> memref<1x336x128xf32, #tpu.memory_space<vmem>>
        %get3A_1730 = tpu.memref_squeeze %get3A_1729 : memref<1x336x128xf32, #tpu.memory_space<vmem>> -> memref<336x128xf32, #tpu.memory_space<vmem>>
        %get3A_1731 = arith.index_cast %add3A_231 : i32 to index
        %get3A_1732 = arith.constant 112 : index
        %get3A_1733 = tpu.vector_load %get3A_1730[%get3A_1731, %get3A_1732] {strides = array<i32>} : memref<336x128xf32, #tpu.memory_space<vmem>>, vector<16xf32>,
        %mul3A_1734 = arith.mulf %get3A_1600, %get3A_1733 : vector<16xf32>
        %add3A_1735 = arith.addf %add3A_1539, %mul3A_1734 : vector<16xf32>
        %get3A_1736 = arith.constant 0 : i32
        %get3A_1737 = arith.constant 0 : i32
        %get3A_1738 = tpu.memref_slice %arg10[%scan3A_152, %get3A_1736, %get3A_1737] : memref<2x336x128xf32, #tpu.memory_space<vmem>> -> memref<1x336x128xf32, #tpu.memory_space<vmem>>
        %get3A_1739 = tpu.memref_squeeze %get3A_1738 : memref<1x336x128xf32, #tpu.memory_space<vmem>> -> memref<336x128xf32, #tpu.memory_space<vmem>>
        %get3A_1740 = arith.index_cast %add3A_233 : i32 to index
        %get3A_1741 = arith.constant 112 : index
        %get3A_1742 = tpu.vector_load %get3A_1739[%get3A_1740, %get3A_1741] {strides = array<i32>} : memref<336x128xf32, #tpu.memory_space<vmem>>, vector<16xf32>,
        %mul3A_1743 = arith.mulf %get3A_1600, %get3A_1742 : vector<16xf32>
        %add3A_1744 = arith.addf %add3A_1548, %mul3A_1743 : vector<16xf32>
        %get3A_1745 = arith.constant 0 : i32
        %get3A_1746 = arith.constant 0 : i32
        %get3A_1747 = tpu.memref_slice %arg10[%scan3A_152, %get3A_1745, %get3A_1746] : memref<2x336x128xf32, #tpu.memory_space<vmem>> -> memref<1x336x128xf32, #tpu.memory_space<vmem>>
        %get3A_1748 = tpu.memref_squeeze %get3A_1747 : memref<1x336x128xf32, #tpu.memory_space<vmem>> -> memref<336x128xf32, #tpu.memory_space<vmem>>
        %get3A_1749 = arith.index_cast %add3A_235 : i32 to index
        %get3A_1750 = arith.constant 112 : index
        %get3A_1751 = tpu.vector_load %get3A_1748[%get3A_1749, %get3A_1750] {strides = array<i32>} : memref<336x128xf32, #tpu.memory_space<vmem>>, vector<16xf32>,
        %mul3A_1752 = arith.mulf %get3A_1600, %get3A_1751 : vector<16xf32>
        %add3A_1753 = arith.addf %add3A_1557, %mul3A_1752 : vector<16xf32>
        %get3A_1754 = arith.constant 0 : i32
        %get3A_1755 = arith.constant 0 : i32
        %get3A_1756 = tpu.memref_slice %arg10[%scan3A_152, %get3A_1754, %get3A_1755] : memref<2x336x128xf32, #tpu.memory_space<vmem>> -> memref<1x336x128xf32, #tpu.memory_space<vmem>>
        %get3A_1757 = tpu.memref_squeeze %get3A_1756 : memref<1x336x128xf32, #tpu.memory_space<vmem>> -> memref<336x128xf32, #tpu.memory_space<vmem>>
        %get3A_1758 = arith.index_cast %add3A_237 : i32 to index
        %get3A_1759 = arith.constant 112 : index
        %get3A_1760 = tpu.vector_load %get3A_1757[%get3A_1758, %get3A_1759] {strides = array<i32>} : memref<336x128xf32, #tpu.memory_space<vmem>>, vector<16xf32>,
        %mul3A_1761 = arith.mulf %get3A_1600, %get3A_1760 : vector<16xf32>
        %add3A_1762 = arith.addf %add3A_1566, %mul3A_1761 : vector<16xf32>
        %get3A_1763 = arith.constant 0 : i32
        %get3A_1764 = arith.constant 0 : i32
        %get3A_1765 = tpu.memref_slice %arg10[%scan3A_152, %get3A_1763, %get3A_1764] : memref<2x336x128xf32, #tpu.memory_space<vmem>> -> memref<1x336x128xf32, #tpu.memory_space<vmem>>
        %get3A_1766 = tpu.memref_squeeze %get3A_1765 : memref<1x336x128xf32, #tpu.memory_space<vmem>> -> memref<336x128xf32, #tpu.memory_space<vmem>>
        %get3A_1767 = arith.index_cast %add3A_239 : i32 to index
        %get3A_1768 = arith.constant 112 : index
        %get3A_1769 = tpu.vector_load %get3A_1766[%get3A_1767, %get3A_1768] {strides = array<i32>} : memref<336x128xf32, #tpu.memory_space<vmem>>, vector<16xf32>,
        %mul3A_1770 = arith.mulf %get3A_1600, %get3A_1769 : vector<16xf32>
        %add3A_1771 = arith.addf %add3A_1575, %mul3A_1770 : vector<16xf32>
        %get3A_1772 = arith.constant 0 : i32
        %get3A_1773 = arith.constant 0 : i32
        %get3A_1774 = tpu.memref_slice %arg10[%scan3A_152, %get3A_1772, %get3A_1773] : memref<2x336x128xf32, #tpu.memory_space<vmem>> -> memref<1x336x128xf32, #tpu.memory_space<vmem>>
        %get3A_1775 = tpu.memref_squeeze %get3A_1774 : memref<1x336x128xf32, #tpu.memory_space<vmem>> -> memref<336x128xf32, #tpu.memory_space<vmem>>
        %get3A_1776 = arith.index_cast %add3A_241 : i32 to index
        %get3A_1777 = arith.constant 112 : index
        %get3A_1778 = tpu.vector_load %get3A_1775[%get3A_1776, %get3A_1777] {strides = array<i32>} : memref<336x128xf32, #tpu.memory_space<vmem>>, vector<16xf32>,
        %mul3A_1779 = arith.mulf %get3A_1600, %get3A_1778 : vector<16xf32>
        %add3A_1780 = arith.addf %add3A_1584, %mul3A_1779 : vector<16xf32>
        %get3A_1781 = arith.constant 0 : i32
        %get3A_1782 = arith.constant 0 : i32
        %get3A_1783 = tpu.memref_slice %arg10[%scan3A_152, %get3A_1781, %get3A_1782] : memref<2x336x128xf32, #tpu.memory_space<vmem>> -> memref<1x336x128xf32, #tpu.memory_space<vmem>>
        %get3A_1784 = tpu.memref_squeeze %get3A_1783 : memref<1x336x128xf32, #tpu.memory_space<vmem>> -> memref<336x128xf32, #tpu.memory_space<vmem>>
        %get3A_1785 = arith.index_cast %add3A_243 : i32 to index
        %get3A_1786 = arith.constant 112 : index
        %get3A_1787 = tpu.vector_load %get3A_1784[%get3A_1785, %get3A_1786] {strides = array<i32>} : memref<336x128xf32, #tpu.memory_space<vmem>>, vector<16xf32>,
        %mul3A_1788 = arith.mulf %get3A_1600, %get3A_1787 : vector<16xf32>
        %add3A_1789 = arith.addf %add3A_1593, %mul3A_1788 : vector<16xf32>
        %add3A_1790 = arith.constant 0 : i32
        %add3A_1791 = vector.broadcast %add3A_1790 : i32 to vector<16xi32>
        %add3A_1792 = arith.addi %add3A_199, %add3A_1791 : vector<16xi32>
        %broadcast_in_dim3A_1793 = arith.constant true
        %broadcast_in_dim3A_1794 = vector.broadcast %broadcast_in_dim3A_1793 : i1 to vector<16xi1>
        %masked_cumsum3A = tpu.scan <sum>, %add3A_1609 masked %broadcast_in_dim3A_1794 : vector<16xf32>, vector<16xi1> -> vector<16xf32>
        tpu.vector_store_idx %arg11[%add3A_1792], %masked_cumsum3A masked %eq3A_44 : memref<12288xf32, #tpu.memory_space<vmem>>[vector<16xi32>], vector<16xf32>, vector<16xi1>
        %add3A_1795 = arith.constant 512 : i32
        %add3A_1796 = vector.broadcast %add3A_1795 : i32 to vector<16xi32>
        %add3A_1797 = arith.addi %add3A_199, %add3A_1796 : vector<16xi32>
        %broadcast_in_dim3A_1798 = arith.constant true
        %broadcast_in_dim3A_1799 = vector.broadcast %broadcast_in_dim3A_1798 : i1 to vector<16xi1>
        %masked_cumsum3A_1800 = tpu.scan <sum>, %add3A_1618 masked %broadcast_in_dim3A_1799 : vector<16xf32>, vector<16xi1> -> vector<16xf32>
        tpu.vector_store_idx %arg11[%add3A_1797], %masked_cumsum3A_1800 masked %eq3A_44 : memref<12288xf32, #tpu.memory_space<vmem>>[vector<16xi32>], vector<16xf32>, vector<16xi1>
        %add3A_1801 = arith.constant 1024 : i32
        %add3A_1802 = vector.broadcast %add3A_1801 : i32 to vector<16xi32>
        %add3A_1803 = arith.addi %add3A_199, %add3A_1802 : vector<16xi32>
        %broadcast_in_dim3A_1804 = arith.constant true
        %broadcast_in_dim3A_1805 = vector.broadcast %broadcast_in_dim3A_1804 : i1 to vector<16xi1>
        %masked_cumsum3A_1806 = tpu.scan <sum>, %add3A_1627 masked %broadcast_in_dim3A_1805 : vector<16xf32>, vector<16xi1> -> vector<16xf32>
        tpu.vector_store_idx %arg11[%add3A_1803], %masked_cumsum3A_1806 masked %eq3A_44 : memref<12288xf32, #tpu.memory_space<vmem>>[vector<16xi32>], vector<16xf32>, vector<16xi1>
        %add3A_1807 = arith.constant 1536 : i32
        %add3A_1808 = vector.broadcast %add3A_1807 : i32 to vector<16xi32>
        %add3A_1809 = arith.addi %add3A_199, %add3A_1808 : vector<16xi32>
        %broadcast_in_dim3A_1810 = arith.constant true
        %broadcast_in_dim3A_1811 = vector.broadcast %broadcast_in_dim3A_1810 : i1 to vector<16xi1>
        %masked_cumsum3A_1812 = tpu.scan <sum>, %add3A_1636 masked %broadcast_in_dim3A_1811 : vector<16xf32>, vector<16xi1> -> vector<16xf32>
        tpu.vector_store_idx %arg11[%add3A_1809], %masked_cumsum3A_1812 masked %eq3A_44 : memref<12288xf32, #tpu.memory_space<vmem>>[vector<16xi32>], vector<16xf32>, vector<16xi1>
        %add3A_1813 = arith.constant 2048 : i32
        %add3A_1814 = vector.broadcast %add3A_1813 : i32 to vector<16xi32>
        %add3A_1815 = arith.addi %add3A_199, %add3A_1814 : vector<16xi32>
        %broadcast_in_dim3A_1816 = arith.constant true
        %broadcast_in_dim3A_1817 = vector.broadcast %broadcast_in_dim3A_1816 : i1 to vector<16xi1>
        %masked_cumsum3A_1818 = tpu.scan <sum>, %add3A_1645 masked %broadcast_in_dim3A_1817 : vector<16xf32>, vector<16xi1> -> vector<16xf32>
        tpu.vector_store_idx %arg11[%add3A_1815], %masked_cumsum3A_1818 masked %eq3A_44 : memref<12288xf32, #tpu.memory_space<vmem>>[vector<16xi32>], vector<16xf32>, vector<16xi1>
        %add3A_1819 = arith.constant 2560 : i32
        %add3A_1820 = vector.broadcast %add3A_1819 : i32 to vector<16xi32>
        %add3A_1821 = arith.addi %add3A_199, %add3A_1820 : vector<16xi32>
        %broadcast_in_dim3A_1822 = arith.constant true
        %broadcast_in_dim3A_1823 = vector.broadcast %broadcast_in_dim3A_1822 : i1 to vector<16xi1>
        %masked_cumsum3A_1824 = tpu.scan <sum>, %add3A_1654 masked %broadcast_in_dim3A_1823 : vector<16xf32>, vector<16xi1> -> vector<16xf32>
        tpu.vector_store_idx %arg11[%add3A_1821], %masked_cumsum3A_1824 masked %eq3A_44 : memref<12288xf32, #tpu.memory_space<vmem>>[vector<16xi32>], vector<16xf32>, vector<16xi1>
        %add3A_1825 = arith.constant 3072 : i32
        %add3A_1826 = vector.broadcast %add3A_1825 : i32 to vector<16xi32>
        %add3A_1827 = arith.addi %add3A_199, %add3A_1826 : vector<16xi32>
        %broadcast_in_dim3A_1828 = arith.constant true
        %broadcast_in_dim3A_1829 = vector.broadcast %broadcast_in_dim3A_1828 : i1 to vector<16xi1>
        %masked_cumsum3A_1830 = tpu.scan <sum>, %add3A_1663 masked %broadcast_in_dim3A_1829 : vector<16xf32>, vector<16xi1> -> vector<16xf32>
        tpu.vector_store_idx %arg11[%add3A_1827], %masked_cumsum3A_1830 masked %eq3A_44 : memref<12288xf32, #tpu.memory_space<vmem>>[vector<16xi32>], vector<16xf32>, vector<16xi1>
        %add3A_1831 = arith.constant 3584 : i32
        %add3A_1832 = vector.broadcast %add3A_1831 : i32 to vector<16xi32>
        %add3A_1833 = arith.addi %add3A_199, %add3A_1832 : vector<16xi32>
        %broadcast_in_dim3A_1834 = arith.constant true
        %broadcast_in_dim3A_1835 = vector.broadcast %broadcast_in_dim3A_1834 : i1 to vector<16xi1>
        %masked_cumsum3A_1836 = tpu.scan <sum>, %add3A_1672 masked %broadcast_in_dim3A_1835 : vector<16xf32>, vector<16xi1> -> vector<16xf32>
        tpu.vector_store_idx %arg11[%add3A_1833], %masked_cumsum3A_1836 masked %eq3A_44 : memref<12288xf32, #tpu.memory_space<vmem>>[vector<16xi32>], vector<16xf32>, vector<16xi1>
        %add3A_1837 = arith.constant 4096 : i32
        %add3A_1838 = vector.broadcast %add3A_1837 : i32 to vector<16xi32>
        %add3A_1839 = arith.addi %add3A_199, %add3A_1838 : vector<16xi32>
        %broadcast_in_dim3A_1840 = arith.constant true
        %broadcast_in_dim3A_1841 = vector.broadcast %broadcast_in_dim3A_1840 : i1 to vector<16xi1>
        %masked_cumsum3A_1842 = tpu.scan <sum>, %add3A_1681 masked %broadcast_in_dim3A_1841 : vector<16xf32>, vector<16xi1> -> vector<16xf32>
        tpu.vector_store_idx %arg11[%add3A_1839], %masked_cumsum3A_1842 masked %eq3A_44 : memref<12288xf32, #tpu.memory_space<vmem>>[vector<16xi32>], vector<16xf32>, vector<16xi1>
        %add3A_1843 = arith.constant 4608 : i32
        %add3A_1844 = vector.broadcast %add3A_1843 : i32 to vector<16xi32>
        %add3A_1845 = arith.addi %add3A_199, %add3A_1844 : vector<16xi32>
        %broadcast_in_dim3A_1846 = arith.constant true
        %broadcast_in_dim3A_1847 = vector.broadcast %broadcast_in_dim3A_1846 : i1 to vector<16xi1>
        %masked_cumsum3A_1848 = tpu.scan <sum>, %add3A_1690 masked %broadcast_in_dim3A_1847 : vector<16xf32>, vector<16xi1> -> vector<16xf32>
        tpu.vector_store_idx %arg11[%add3A_1845], %masked_cumsum3A_1848 masked %eq3A_44 : memref<12288xf32, #tpu.memory_space<vmem>>[vector<16xi32>], vector<16xf32>, vector<16xi1>
        %add3A_1849 = arith.constant 5120 : i32
        %add3A_1850 = vector.broadcast %add3A_1849 : i32 to vector<16xi32>
        %add3A_1851 = arith.addi %add3A_199, %add3A_1850 : vector<16xi32>
        %broadcast_in_dim3A_1852 = arith.constant true
        %broadcast_in_dim3A_1853 = vector.broadcast %broadcast_in_dim3A_1852 : i1 to vector<16xi1>
        %masked_cumsum3A_1854 = tpu.scan <sum>, %add3A_1699 masked %broadcast_in_dim3A_1853 : vector<16xf32>, vector<16xi1> -> vector<16xf32>
        tpu.vector_store_idx %arg11[%add3A_1851], %masked_cumsum3A_1854 masked %eq3A_44 : memref<12288xf32, #tpu.memory_space<vmem>>[vector<16xi32>], vector<16xf32>, vector<16xi1>
        %add3A_1855 = arith.constant 5632 : i32
        %add3A_1856 = vector.broadcast %add3A_1855 : i32 to vector<16xi32>
        %add3A_1857 = arith.addi %add3A_199, %add3A_1856 : vector<16xi32>
        %broadcast_in_dim3A_1858 = arith.constant true
        %broadcast_in_dim3A_1859 = vector.broadcast %broadcast_in_dim3A_1858 : i1 to vector<16xi1>
        %masked_cumsum3A_1860 = tpu.scan <sum>, %add3A_1708 masked %broadcast_in_dim3A_1859 : vector<16xf32>, vector<16xi1> -> vector<16xf32>
        tpu.vector_store_idx %arg11[%add3A_1857], %masked_cumsum3A_1860 masked %eq3A_44 : memref<12288xf32, #tpu.memory_space<vmem>>[vector<16xi32>], vector<16xf32>, vector<16xi1>
        %add3A_1861 = arith.constant 6144 : i32
        %add3A_1862 = vector.broadcast %add3A_1861 : i32 to vector<16xi32>
        %add3A_1863 = arith.addi %add3A_199, %add3A_1862 : vector<16xi32>
        %broadcast_in_dim3A_1864 = arith.constant true
        %broadcast_in_dim3A_1865 = vector.broadcast %broadcast_in_dim3A_1864 : i1 to vector<16xi1>
        %masked_cumsum3A_1866 = tpu.scan <sum>, %add3A_1717 masked %broadcast_in_dim3A_1865 : vector<16xf32>, vector<16xi1> -> vector<16xf32>
        tpu.vector_store_idx %arg11[%add3A_1863], %masked_cumsum3A_1866 masked %eq3A_44 : memref<12288xf32, #tpu.memory_space<vmem>>[vector<16xi32>], vector<16xf32>, vector<16xi1>
        %add3A_1867 = arith.constant 6656 : i32
        %add3A_1868 = vector.broadcast %add3A_1867 : i32 to vector<16xi32>
        %add3A_1869 = arith.addi %add3A_199, %add3A_1868 : vector<16xi32>
        %broadcast_in_dim3A_1870 = arith.constant true
        %broadcast_in_dim3A_1871 = vector.broadcast %broadcast_in_dim3A_1870 : i1 to vector<16xi1>
        %masked_cumsum3A_1872 = tpu.scan <sum>, %add3A_1726 masked %broadcast_in_dim3A_1871 : vector<16xf32>, vector<16xi1> -> vector<16xf32>
        tpu.vector_store_idx %arg11[%add3A_1869], %masked_cumsum3A_1872 masked %eq3A_44 : memref<12288xf32, #tpu.memory_space<vmem>>[vector<16xi32>], vector<16xf32>, vector<16xi1>
        %add3A_1873 = arith.constant 7168 : i32
        %add3A_1874 = vector.broadcast %add3A_1873 : i32 to vector<16xi32>
        %add3A_1875 = arith.addi %add3A_199, %add3A_1874 : vector<16xi32>
        %broadcast_in_dim3A_1876 = arith.constant true
        %broadcast_in_dim3A_1877 = vector.broadcast %broadcast_in_dim3A_1876 : i1 to vector<16xi1>
        %masked_cumsum3A_1878 = tpu.scan <sum>, %add3A_1735 masked %broadcast_in_dim3A_1877 : vector<16xf32>, vector<16xi1> -> vector<16xf32>
        tpu.vector_store_idx %arg11[%add3A_1875], %masked_cumsum3A_1878 masked %eq3A_44 : memref<12288xf32, #tpu.memory_space<vmem>>[vector<16xi32>], vector<16xf32>, vector<16xi1>
        %add3A_1879 = arith.constant 7680 : i32
        %add3A_1880 = vector.broadcast %add3A_1879 : i32 to vector<16xi32>
        %add3A_1881 = arith.addi %add3A_199, %add3A_1880 : vector<16xi32>
        %broadcast_in_dim3A_1882 = arith.constant true
        %broadcast_in_dim3A_1883 = vector.broadcast %broadcast_in_dim3A_1882 : i1 to vector<16xi1>
        %masked_cumsum3A_1884 = tpu.scan <sum>, %add3A_1744 masked %broadcast_in_dim3A_1883 : vector<16xf32>, vector<16xi1> -> vector<16xf32>
        tpu.vector_store_idx %arg11[%add3A_1881], %masked_cumsum3A_1884 masked %eq3A_44 : memref<12288xf32, #tpu.memory_space<vmem>>[vector<16xi32>], vector<16xf32>, vector<16xi1>
        %add3A_1885 = arith.constant 8192 : i32
        %add3A_1886 = vector.broadcast %add3A_1885 : i32 to vector<16xi32>
        %add3A_1887 = arith.addi %add3A_199, %add3A_1886 : vector<16xi32>
        %broadcast_in_dim3A_1888 = arith.constant true
        %broadcast_in_dim3A_1889 = vector.broadcast %broadcast_in_dim3A_1888 : i1 to vector<16xi1>
        %masked_cumsum3A_1890 = tpu.scan <sum>, %add3A_1753 masked %broadcast_in_dim3A_1889 : vector<16xf32>, vector<16xi1> -> vector<16xf32>
        tpu.vector_store_idx %arg11[%add3A_1887], %masked_cumsum3A_1890 masked %eq3A_44 : memref<12288xf32, #tpu.memory_space<vmem>>[vector<16xi32>], vector<16xf32>, vector<16xi1>
        %add3A_1891 = arith.constant 8704 : i32
        %add3A_1892 = vector.broadcast %add3A_1891 : i32 to vector<16xi32>
        %add3A_1893 = arith.addi %add3A_199, %add3A_1892 : vector<16xi32>
        %broadcast_in_dim3A_1894 = arith.constant true
        %broadcast_in_dim3A_1895 = vector.broadcast %broadcast_in_dim3A_1894 : i1 to vector<16xi1>
        %masked_cumsum3A_1896 = tpu.scan <sum>, %add3A_1762 masked %broadcast_in_dim3A_1895 : vector<16xf32>, vector<16xi1> -> vector<16xf32>
        tpu.vector_store_idx %arg11[%add3A_1893], %masked_cumsum3A_1896 masked %eq3A_44 : memref<12288xf32, #tpu.memory_space<vmem>>[vector<16xi32>], vector<16xf32>, vector<16xi1>
        %add3A_1897 = arith.constant 9216 : i32
        %add3A_1898 = vector.broadcast %add3A_1897 : i32 to vector<16xi32>
        %add3A_1899 = arith.addi %add3A_199, %add3A_1898 : vector<16xi32>
        %broadcast_in_dim3A_1900 = arith.constant true
        %broadcast_in_dim3A_1901 = vector.broadcast %broadcast_in_dim3A_1900 : i1 to vector<16xi1>
        %masked_cumsum3A_1902 = tpu.scan <sum>, %add3A_1771 masked %broadcast_in_dim3A_1901 : vector<16xf32>, vector<16xi1> -> vector<16xf32>
        tpu.vector_store_idx %arg11[%add3A_1899], %masked_cumsum3A_1902 masked %eq3A_44 : memref<12288xf32, #tpu.memory_space<vmem>>[vector<16xi32>], vector<16xf32>, vector<16xi1>
        %add3A_1903 = arith.constant 9728 : i32
        %add3A_1904 = vector.broadcast %add3A_1903 : i32 to vector<16xi32>
        %add3A_1905 = arith.addi %add3A_199, %add3A_1904 : vector<16xi32>
        %broadcast_in_dim3A_1906 = arith.constant true
        %broadcast_in_dim3A_1907 = vector.broadcast %broadcast_in_dim3A_1906 : i1 to vector<16xi1>
        %masked_cumsum3A_1908 = tpu.scan <sum>, %add3A_1780 masked %broadcast_in_dim3A_1907 : vector<16xf32>, vector<16xi1> -> vector<16xf32>
        tpu.vector_store_idx %arg11[%add3A_1905], %masked_cumsum3A_1908 masked %eq3A_44 : memref<12288xf32, #tpu.memory_space<vmem>>[vector<16xi32>], vector<16xf32>, vector<16xi1>
        %add3A_1909 = arith.constant 10240 : i32
        %add3A_1910 = vector.broadcast %add3A_1909 : i32 to vector<16xi32>
        %add3A_1911 = arith.addi %add3A_199, %add3A_1910 : vector<16xi32>
        %broadcast_in_dim3A_1912 = arith.constant true
        %broadcast_in_dim3A_1913 = vector.broadcast %broadcast_in_dim3A_1912 : i1 to vector<16xi1>
        %masked_cumsum3A_1914 = tpu.scan <sum>, %add3A_1789 masked %broadcast_in_dim3A_1913 : vector<16xf32>, vector<16xi1> -> vector<16xf32>
        tpu.vector_store_idx %arg11[%add3A_1911], %masked_cumsum3A_1914 masked %eq3A_44 : memref<12288xf32, #tpu.memory_space<vmem>>[vector<16xi32>], vector<16xf32>, vector<16xi1>
      }
      %scan3A_157 = arith.constant 16 : i32
      %lt3A = arith.constant 15 : i32
      %lt3A_158 = arith.cmpi slt, %scan3A_101, %lt3A : i32
      %convert_element_type3A = arith.extui %lt3A_158 : i1 to i32
      %cond3A = arith.constant 0 : i32
      %cond3A_159 = arith.cmpi ne, %convert_element_type3A, %cond3A : i32
      scf.if %cond3A_159 {
        %add3A_194 = arith.constant 2 : i32
        %add3A_195 = arith.addi %mul3A_103, %add3A_194 : i32
        %mul3A_196 = arith.constant 16 : i32
        %mul3A_197 = arith.muli %add3A_195, %mul3A_196 : i32
        %mul3A_198 = arith.constant 336 : i32
        %mul3A_199 = arith.muli %add3A_195, %mul3A_198 : i32
        %dma_start3A_200 = arith.constant 0 : i32
        %dma_start3A_201 = arith.constant 0 : i32
        %dma_start3A_202 = arith.constant 0 : i32
        %dma_start3A_203 = tpu.memref_slice %arg9[%dma_start3A_200, %dma_start3A_201, %dma_start3A_202] : memref<2x16x128xf32, #tpu.memory_space<vmem>> -> memref<1x16x128xf32, #tpu.memory_space<vmem>>
        %dma_start3A_204 = tpu.memref_squeeze %dma_start3A_203 : memref<1x16x128xf32, #tpu.memory_space<vmem>> -> memref<16x128xf32, #tpu.memory_space<vmem>>
        %dma_start3A_205 = tpu.memref_slice %arg7[%mul3A_197] : memref<512xi32, #tpu.memory_space<vmem>> -> memref<16xi32, #tpu.memory_space<vmem>>
        %dma_start3A_206 = arith.constant 0 : i32
        %dma_start3A_207 = arith.constant 0 : i32
        %dma_start3A_208 = tpu.memref_slice %arg4[%dma_start3A_206, %dma_start3A_207] : memref<100000x128xf32, #tpu.memory_space<hbm>> -> memref<100000x128xf32, #tpu.memory_space<hbm>>
        tpu.enqueue_indirect_dma source(%dma_start3A_208 : memref<100000x128xf32, #tpu.memory_space<hbm>>) target(%dma_start3A_204 : memref<16x128xf32, #tpu.memory_space<vmem>>) offsets(%dma_start3A_205 : memref<16xi32, #tpu.memory_space<vmem>>) semaphore(%arg12 : memref<!tpu.dma_semaphore, #tpu.memory_space<semaphore_mem>>)
        %dma_start3A_209 = arith.constant 0 : i32
        %dma_start3A_210 = arith.constant 0 : i32
        %dma_start3A_211 = arith.constant 0 : i32
        %dma_start3A_212 = tpu.memref_slice %arg10[%dma_start3A_209, %dma_start3A_210, %dma_start3A_211] : memref<2x336x128xf32, #tpu.memory_space<vmem>> -> memref<1x336x128xf32, #tpu.memory_space<vmem>>
        %dma_start3A_213 = tpu.memref_squeeze %dma_start3A_212 : memref<1x336x128xf32, #tpu.memory_space<vmem>> -> memref<336x128xf32, #tpu.memory_space<vmem>>
        %dma_start3A_214 = tpu.memref_slice %arg8[%mul3A_199] : memref<10752xi32, #tpu.memory_space<vmem>> -> memref<336xi32, #tpu.memory_space<vmem>>
        %dma_start3A_215 = arith.constant 0 : i32
        %dma_start3A_216 = arith.constant 0 : i32
        %dma_start3A_217 = tpu.memref_slice %arg5[%dma_start3A_215, %dma_start3A_216] : memref<100000x128xf32, #tpu.memory_space<hbm>> -> memref<100000x128xf32, #tpu.memory_space<hbm>>
        tpu.enqueue_indirect_dma source(%dma_start3A_217 : memref<100000x128xf32, #tpu.memory_space<hbm>>) target(%dma_start3A_213 : memref<336x128xf32, #tpu.memory_space<vmem>>) offsets(%dma_start3A_214 : memref<336xi32, #tpu.memory_space<vmem>>) semaphore(%arg12 : memref<!tpu.dma_semaphore, #tpu.memory_space<semaphore_mem>>)
      } else {
      }
      %add3A_160 = arith.constant 1 : i32
      %add3A_161 = arith.addi %mul3A_103, %add3A_160 : i32
      %mul3A_162 = arith.constant 16 : i32
      %mul3A_163 = arith.muli %add3A_161, %mul3A_162 : i32
      %mul3A_164 = arith.constant 336 : i32
      %mul3A_165 = arith.muli %add3A_161, %mul3A_164 : i32
      %dma_wait3A_166 = arith.constant 1 : i32
      %dma_wait3A_167 = arith.constant 0 : i32
      %dma_wait3A_168 = arith.constant 0 : i32
      %dma_wait3A_169 = tpu.memref_slice %arg9[%dma_wait3A_166, %dma_wait3A_167, %dma_wait3A_168] : memref<2x16x128xf32, #tpu.memory_space<vmem>> -> memref<1x16x128xf32, #tpu.memory_space<vmem>>
      %dma_wait3A_170 = tpu.memref_squeeze %dma_wait3A_169 : memref<1x16x128xf32, #tpu.memory_space<vmem>> -> memref<16x128xf32, #tpu.memory_space<vmem>>
      %dma_wait3A_171 = tpu.memref_slice %arg7[%mul3A_163] : memref<512xi32, #tpu.memory_space<vmem>> -> memref<16xi32, #tpu.memory_space<vmem>>
      %dma_wait3A_172 = arith.constant 0 : i32
      %dma_wait3A_173 = arith.constant 0 : i32
      %dma_wait3A_174 = tpu.memref_slice %arg4[%dma_wait3A_172, %dma_wait3A_173] : memref<100000x128xf32, #tpu.memory_space<hbm>> -> memref<100000x128xf32, #tpu.memory_space<hbm>>
      tpu.wait_indirect_dma semaphore(%arg13 : memref<!tpu.dma_semaphore, #tpu.memory_space<semaphore_mem>>) src(%dma_wait3A_174 : memref<100000x128xf32, #tpu.memory_space<hbm>>) dst(%dma_wait3A_170 : memref<16x128xf32, #tpu.memory_space<vmem>>)
      %dma_wait3A_175 = arith.constant 1 : i32
      %dma_wait3A_176 = arith.constant 0 : i32
      %dma_wait3A_177 = arith.constant 0 : i32
      %dma_wait3A_178 = tpu.memref_slice %arg10[%dma_wait3A_175, %dma_wait3A_176, %dma_wait3A_177] : memref<2x336x128xf32, #tpu.memory_space<vmem>> -> memref<1x336x128xf32, #tpu.memory_space<vmem>>
      %dma_wait3A_179 = tpu.memref_squeeze %dma_wait3A_178 : memref<1x336x128xf32, #tpu.memory_space<vmem>> -> memref<336x128xf32, #tpu.memory_space<vmem>>
      %dma_wait3A_180 = tpu.memref_slice %arg8[%mul3A_165] : memref<10752xi32, #tpu.memory_space<vmem>> -> memref<336xi32, #tpu.memory_space<vmem>>
      %dma_wait3A_181 = arith.constant 0 : i32
      %dma_wait3A_182 = arith.constant 0 : i32
      %dma_wait3A_183 = tpu.memref_slice %arg5[%dma_wait3A_181, %dma_wait3A_182] : memref<100000x128xf32, #tpu.memory_space<hbm>> -> memref<100000x128xf32, #tpu.memory_space<hbm>>
      tpu.wait_indirect_dma semaphore(%arg13 : memref<!tpu.dma_semaphore, #tpu.memory_space<semaphore_mem>>) src(%dma_wait3A_183 : memref<100000x128xf32, #tpu.memory_space<hbm>>) dst(%dma_wait3A_179 : memref<336x128xf32, #tpu.memory_space<vmem>>)
      %add3A_184 = arith.constant 1 : i32
      %add3A_185 = arith.addi %mul3A_103, %add3A_184 : i32
      %scan3A_186 = arith.constant 0 : i32
      %scan3A_187 = arith.constant 1 : i32
      %scan3A_188 = arith.constant 1 : i32
      %scan3A_189 = arith.constant 0 : i32
      %scan3A_190 = arith.constant 16 : i32
      %scan3A_191 = arith.addi %scan3A_189, %scan3A_190 : i32
      %scan3A_192 = arith.constant 1 : i32
      scf.for %scan3A_194 = %scan3A_189 to %scan3A_191 step %scan3A_192  : i32 {
        %mul3A_195 = arith.constant 16 : i32
        %mul3A_196 = arith.muli %add3A_185, %mul3A_195 : i32
        %broadcast_in_dim3A_197 = vector.broadcast %mul3A_196 : i32 to vector<16xi32>
        %add3A_198 = vector.broadcast %scan3A_194 : i32 to vector<16xi32>
        %add3A_199 = arith.addi %broadcast_in_dim3A_197, %add3A_198 : vector<16xi32>
        %mul3A_200 = arith.constant 20 : i32
        %mul3A_201 = arith.muli %scan3A_194, %mul3A_200 : i32
        %add3A_202 = arith.constant 16 : i32
        %add3A_203 = arith.addi %mul3A_201, %add3A_202 : i32
        %add3A_204 = arith.constant 0 : i32
        %add3A_205 = arith.addi %add3A_203, %add3A_204 : i32
        %add3A_206 = arith.constant 1 : i32
        %add3A_207 = arith.addi %add3A_203, %add3A_206 : i32
        %add3A_208 = arith.constant 2 : i32
        %add3A_209 = arith.addi %add3A_203, %add3A_208 : i32
        %add3A_210 = arith.constant 3 : i32
        %add3A_211 = arith.addi %add3A_203, %add3A_210 : i32
        %add3A_212 = arith.constant 4 : i32
        %add3A_213 = arith.addi %add3A_203, %add3A_212 : i32
        %add3A_214 = arith.constant 5 : i32
        %add3A_215 = arith.addi %add3A_203, %add3A_214 : i32
        %add3A_216 = arith.constant 6 : i32
        %add3A_217 = arith.addi %add3A_203, %add3A_216 : i32
        %add3A_218 = arith.constant 7 : i32
        %add3A_219 = arith.addi %add3A_203, %add3A_218 : i32
        %add3A_220 = arith.constant 8 : i32
        %add3A_221 = arith.addi %add3A_203, %add3A_220 : i32
        %add3A_222 = arith.constant 9 : i32
        %add3A_223 = arith.addi %add3A_203, %add3A_222 : i32
        %add3A_224 = arith.constant 10 : i32
        %add3A_225 = arith.addi %add3A_203, %add3A_224 : i32
        %add3A_226 = arith.constant 11 : i32
        %add3A_227 = arith.addi %add3A_203, %add3A_226 : i32
        %add3A_228 = arith.constant 12 : i32
        %add3A_229 = arith.addi %add3A_203, %add3A_228 : i32
        %add3A_230 = arith.constant 13 : i32
        %add3A_231 = arith.addi %add3A_203, %add3A_230 : i32
        %add3A_232 = arith.constant 14 : i32
        %add3A_233 = arith.addi %add3A_203, %add3A_232 : i32
        %add3A_234 = arith.constant 15 : i32
        %add3A_235 = arith.addi %add3A_203, %add3A_234 : i32
        %add3A_236 = arith.constant 16 : i32
        %add3A_237 = arith.addi %add3A_203, %add3A_236 : i32
        %add3A_238 = arith.constant 17 : i32
        %add3A_239 = arith.addi %add3A_203, %add3A_238 : i32
        %add3A_240 = arith.constant 18 : i32
        %add3A_241 = arith.addi %add3A_203, %add3A_240 : i32
        %add3A_242 = arith.constant 19 : i32
        %add3A_243 = arith.addi %add3A_203, %add3A_242 : i32
        %get3A = arith.constant 0 : i32
        %get3A_244 = arith.constant 0 : i32
        %get3A_245 = tpu.memref_slice %arg9[%scan3A_187, %get3A, %get3A_244] : memref<2x16x128xf32, #tpu.memory_space<vmem>> -> memref<1x16x128xf32, #tpu.memory_space<vmem>>
        %get3A_246 = tpu.memref_squeeze %get3A_245 : memref<1x16x128xf32, #tpu.memory_space<vmem>> -> memref<16x128xf32, #tpu.memory_space<vmem>>
        %get3A_247 = arith.index_cast %scan3A_194 : i32 to index
        %get3A_248 = arith.constant 0 : index
        %get3A_249 = tpu.vector_load %get3A_246[%get3A_247, %get3A_248] {strides = array<i32>} : memref<16x128xf32, #tpu.memory_space<vmem>>, vector<16xf32>,
        %get3A_250 = arith.constant 0 : i32
        %get3A_251 = arith.constant 0 : i32
        %get3A_252 = tpu.memref_slice %arg10[%scan3A_188, %get3A_250, %get3A_251] : memref<2x336x128xf32, #tpu.memory_space<vmem>> -> memref<1x336x128xf32, #tpu.memory_space<vmem>>
        %get3A_253 = tpu.memref_squeeze %get3A_252 : memref<1x336x128xf32, #tpu.memory_space<vmem>> -> memref<336x128xf32, #tpu.memory_space<vmem>>
        %get3A_254 = arith.index_cast %scan3A_194 : i32 to index
        %get3A_255 = arith.constant 0 : index
        %get3A_256 = tpu.vector_load %get3A_253[%get3A_254, %get3A_255] {strides = array<i32>} : memref<336x128xf32, #tpu.memory_space<vmem>>, vector<16xf32>,
        %mul3A_257 = arith.mulf %get3A_249, %get3A_256 : vector<16xf32>
        %get3A_258 = arith.constant 0 : i32
        %get3A_259 = arith.constant 0 : i32
        %get3A_260 = tpu.memref_slice %arg10[%scan3A_188, %get3A_258, %get3A_259] : memref<2x336x128xf32, #tpu.memory_space<vmem>> -> memref<1x336x128xf32, #tpu.memory_space<vmem>>
        %get3A_261 = tpu.memref_squeeze %get3A_260 : memref<1x336x128xf32, #tpu.memory_space<vmem>> -> memref<336x128xf32, #tpu.memory_space<vmem>>
        %get3A_262 = arith.index_cast %add3A_205 : i32 to index
        %get3A_263 = arith.constant 0 : index
        %get3A_264 = tpu.vector_load %get3A_261[%get3A_262, %get3A_263] {strides = array<i32>} : memref<336x128xf32, #tpu.memory_space<vmem>>, vector<16xf32>,
        %mul3A_265 = arith.mulf %get3A_249, %get3A_264 : vector<16xf32>
        %get3A_266 = arith.constant 0 : i32
        %get3A_267 = arith.constant 0 : i32
        %get3A_268 = tpu.memref_slice %arg10[%scan3A_188, %get3A_266, %get3A_267] : memref<2x336x128xf32, #tpu.memory_space<vmem>> -> memref<1x336x128xf32, #tpu.memory_space<vmem>>
        %get3A_269 = tpu.memref_squeeze %get3A_268 : memref<1x336x128xf32, #tpu.memory_space<vmem>> -> memref<336x128xf32, #tpu.memory_space<vmem>>
        %get3A_270 = arith.index_cast %add3A_207 : i32 to index
        %get3A_271 = arith.constant 0 : index
        %get3A_272 = tpu.vector_load %get3A_269[%get3A_270, %get3A_271] {strides = array<i32>} : memref<336x128xf32, #tpu.memory_space<vmem>>, vector<16xf32>,
        %mul3A_273 = arith.mulf %get3A_249, %get3A_272 : vector<16xf32>
        %get3A_274 = arith.constant 0 : i32
        %get3A_275 = arith.constant 0 : i32
        %get3A_276 = tpu.memref_slice %arg10[%scan3A_188, %get3A_274, %get3A_275] : memref<2x336x128xf32, #tpu.memory_space<vmem>> -> memref<1x336x128xf32, #tpu.memory_space<vmem>>
        %get3A_277 = tpu.memref_squeeze %get3A_276 : memref<1x336x128xf32, #tpu.memory_space<vmem>> -> memref<336x128xf32, #tpu.memory_space<vmem>>
        %get3A_278 = arith.index_cast %add3A_209 : i32 to index
        %get3A_279 = arith.constant 0 : index
        %get3A_280 = tpu.vector_load %get3A_277[%get3A_278, %get3A_279] {strides = array<i32>} : memref<336x128xf32, #tpu.memory_space<vmem>>, vector<16xf32>,
        %mul3A_281 = arith.mulf %get3A_249, %get3A_280 : vector<16xf32>
        %get3A_282 = arith.constant 0 : i32
        %get3A_283 = arith.constant 0 : i32
        %get3A_284 = tpu.memref_slice %arg10[%scan3A_188, %get3A_282, %get3A_283] : memref<2x336x128xf32, #tpu.memory_space<vmem>> -> memref<1x336x128xf32, #tpu.memory_space<vmem>>
        %get3A_285 = tpu.memref_squeeze %get3A_284 : memref<1x336x128xf32, #tpu.memory_space<vmem>> -> memref<336x128xf32, #tpu.memory_space<vmem>>
        %get3A_286 = arith.index_cast %add3A_211 : i32 to index
        %get3A_287 = arith.constant 0 : index
        %get3A_288 = tpu.vector_load %get3A_285[%get3A_286, %get3A_287] {strides = array<i32>} : memref<336x128xf32, #tpu.memory_space<vmem>>, vector<16xf32>,
        %mul3A_289 = arith.mulf %get3A_249, %get3A_288 : vector<16xf32>
        %get3A_290 = arith.constant 0 : i32
        %get3A_291 = arith.constant 0 : i32
        %get3A_292 = tpu.memref_slice %arg10[%scan3A_188, %get3A_290, %get3A_291] : memref<2x336x128xf32, #tpu.memory_space<vmem>> -> memref<1x336x128xf32, #tpu.memory_space<vmem>>
        %get3A_293 = tpu.memref_squeeze %get3A_292 : memref<1x336x128xf32, #tpu.memory_space<vmem>> -> memref<336x128xf32, #tpu.memory_space<vmem>>
        %get3A_294 = arith.index_cast %add3A_213 : i32 to index
        %get3A_295 = arith.constant 0 : index
        %get3A_296 = tpu.vector_load %get3A_293[%get3A_294, %get3A_295] {strides = array<i32>} : memref<336x128xf32, #tpu.memory_space<vmem>>, vector<16xf32>,
        %mul3A_297 = arith.mulf %get3A_249, %get3A_296 : vector<16xf32>
        %get3A_298 = arith.constant 0 : i32
        %get3A_299 = arith.constant 0 : i32
        %get3A_300 = tpu.memref_slice %arg10[%scan3A_188, %get3A_298, %get3A_299] : memref<2x336x128xf32, #tpu.memory_space<vmem>> -> memref<1x336x128xf32, #tpu.memory_space<vmem>>
        %get3A_301 = tpu.memref_squeeze %get3A_300 : memref<1x336x128xf32, #tpu.memory_space<vmem>> -> memref<336x128xf32, #tpu.memory_space<vmem>>
        %get3A_302 = arith.index_cast %add3A_215 : i32 to index
        %get3A_303 = arith.constant 0 : index
        %get3A_304 = tpu.vector_load %get3A_301[%get3A_302, %get3A_303] {strides = array<i32>} : memref<336x128xf32, #tpu.memory_space<vmem>>, vector<16xf32>,
        %mul3A_305 = arith.mulf %get3A_249, %get3A_304 : vector<16xf32>
        %get3A_306 = arith.constant 0 : i32
        %get3A_307 = arith.constant 0 : i32
        %get3A_308 = tpu.memref_slice %arg10[%scan3A_188, %get3A_306, %get3A_307] : memref<2x336x128xf32, #tpu.memory_space<vmem>> -> memref<1x336x128xf32, #tpu.memory_space<vmem>>
        %get3A_309 = tpu.memref_squeeze %get3A_308 : memref<1x336x128xf32, #tpu.memory_space<vmem>> -> memref<336x128xf32, #tpu.memory_space<vmem>>
        %get3A_310 = arith.index_cast %add3A_217 : i32 to index
        %get3A_311 = arith.constant 0 : index
        %get3A_312 = tpu.vector_load %get3A_309[%get3A_310, %get3A_311] {strides = array<i32>} : memref<336x128xf32, #tpu.memory_space<vmem>>, vector<16xf32>,
        %mul3A_313 = arith.mulf %get3A_249, %get3A_312 : vector<16xf32>
        %get3A_314 = arith.constant 0 : i32
        %get3A_315 = arith.constant 0 : i32
        %get3A_316 = tpu.memref_slice %arg10[%scan3A_188, %get3A_314, %get3A_315] : memref<2x336x128xf32, #tpu.memory_space<vmem>> -> memref<1x336x128xf32, #tpu.memory_space<vmem>>
        %get3A_317 = tpu.memref_squeeze %get3A_316 : memref<1x336x128xf32, #tpu.memory_space<vmem>> -> memref<336x128xf32, #tpu.memory_space<vmem>>
        %get3A_318 = arith.index_cast %add3A_219 : i32 to index
        %get3A_319 = arith.constant 0 : index
        %get3A_320 = tpu.vector_load %get3A_317[%get3A_318, %get3A_319] {strides = array<i32>} : memref<336x128xf32, #tpu.memory_space<vmem>>, vector<16xf32>,
        %mul3A_321 = arith.mulf %get3A_249, %get3A_320 : vector<16xf32>
        %get3A_322 = arith.constant 0 : i32
        %get3A_323 = arith.constant 0 : i32
        %get3A_324 = tpu.memref_slice %arg10[%scan3A_188, %get3A_322, %get3A_323] : memref<2x336x128xf32, #tpu.memory_space<vmem>> -> memref<1x336x128xf32, #tpu.memory_space<vmem>>
        %get3A_325 = tpu.memref_squeeze %get3A_324 : memref<1x336x128xf32, #tpu.memory_space<vmem>> -> memref<336x128xf32, #tpu.memory_space<vmem>>
        %get3A_326 = arith.index_cast %add3A_221 : i32 to index
        %get3A_327 = arith.constant 0 : index
        %get3A_328 = tpu.vector_load %get3A_325[%get3A_326, %get3A_327] {strides = array<i32>} : memref<336x128xf32, #tpu.memory_space<vmem>>, vector<16xf32>,
        %mul3A_329 = arith.mulf %get3A_249, %get3A_328 : vector<16xf32>
        %get3A_330 = arith.constant 0 : i32
        %get3A_331 = arith.constant 0 : i32
        %get3A_332 = tpu.memref_slice %arg10[%scan3A_188, %get3A_330, %get3A_331] : memref<2x336x128xf32, #tpu.memory_space<vmem>> -> memref<1x336x128xf32, #tpu.memory_space<vmem>>
        %get3A_333 = tpu.memref_squeeze %get3A_332 : memref<1x336x128xf32, #tpu.memory_space<vmem>> -> memref<336x128xf32, #tpu.memory_space<vmem>>
        %get3A_334 = arith.index_cast %add3A_223 : i32 to index
        %get3A_335 = arith.constant 0 : index
        %get3A_336 = tpu.vector_load %get3A_333[%get3A_334, %get3A_335] {strides = array<i32>} : memref<336x128xf32, #tpu.memory_space<vmem>>, vector<16xf32>,
        %mul3A_337 = arith.mulf %get3A_249, %get3A_336 : vector<16xf32>
        %get3A_338 = arith.constant 0 : i32
        %get3A_339 = arith.constant 0 : i32
        %get3A_340 = tpu.memref_slice %arg10[%scan3A_188, %get3A_338, %get3A_339] : memref<2x336x128xf32, #tpu.memory_space<vmem>> -> memref<1x336x128xf32, #tpu.memory_space<vmem>>
        %get3A_341 = tpu.memref_squeeze %get3A_340 : memref<1x336x128xf32, #tpu.memory_space<vmem>> -> memref<336x128xf32, #tpu.memory_space<vmem>>
        %get3A_342 = arith.index_cast %add3A_225 : i32 to index
        %get3A_343 = arith.constant 0 : index
        %get3A_344 = tpu.vector_load %get3A_341[%get3A_342, %get3A_343] {strides = array<i32>} : memref<336x128xf32, #tpu.memory_space<vmem>>, vector<16xf32>,
        %mul3A_345 = arith.mulf %get3A_249, %get3A_344 : vector<16xf32>
        %get3A_346 = arith.constant 0 : i32
        %get3A_347 = arith.constant 0 : i32
        %get3A_348 = tpu.memref_slice %arg10[%scan3A_188, %get3A_346, %get3A_347] : memref<2x336x128xf32, #tpu.memory_space<vmem>> -> memref<1x336x128xf32, #tpu.memory_space<vmem>>
        %get3A_349 = tpu.memref_squeeze %get3A_348 : memref<1x336x128xf32, #tpu.memory_space<vmem>> -> memref<336x128xf32, #tpu.memory_space<vmem>>
        %get3A_350 = arith.index_cast %add3A_227 : i32 to index
        %get3A_351 = arith.constant 0 : index
        %get3A_352 = tpu.vector_load %get3A_349[%get3A_350, %get3A_351] {strides = array<i32>} : memref<336x128xf32, #tpu.memory_space<vmem>>, vector<16xf32>,
        %mul3A_353 = arith.mulf %get3A_249, %get3A_352 : vector<16xf32>
        %get3A_354 = arith.constant 0 : i32
        %get3A_355 = arith.constant 0 : i32
        %get3A_356 = tpu.memref_slice %arg10[%scan3A_188, %get3A_354, %get3A_355] : memref<2x336x128xf32, #tpu.memory_space<vmem>> -> memref<1x336x128xf32, #tpu.memory_space<vmem>>
        %get3A_357 = tpu.memref_squeeze %get3A_356 : memref<1x336x128xf32, #tpu.memory_space<vmem>> -> memref<336x128xf32, #tpu.memory_space<vmem>>
        %get3A_358 = arith.index_cast %add3A_229 : i32 to index
        %get3A_359 = arith.constant 0 : index
        %get3A_360 = tpu.vector_load %get3A_357[%get3A_358, %get3A_359] {strides = array<i32>} : memref<336x128xf32, #tpu.memory_space<vmem>>, vector<16xf32>,
        %mul3A_361 = arith.mulf %get3A_249, %get3A_360 : vector<16xf32>
        %get3A_362 = arith.constant 0 : i32
        %get3A_363 = arith.constant 0 : i32
        %get3A_364 = tpu.memref_slice %arg10[%scan3A_188, %get3A_362, %get3A_363] : memref<2x336x128xf32, #tpu.memory_space<vmem>> -> memref<1x336x128xf32, #tpu.memory_space<vmem>>
        %get3A_365 = tpu.memref_squeeze %get3A_364 : memref<1x336x128xf32, #tpu.memory_space<vmem>> -> memref<336x128xf32, #tpu.memory_space<vmem>>
        %get3A_366 = arith.index_cast %add3A_231 : i32 to index
        %get3A_367 = arith.constant 0 : index
        %get3A_368 = tpu.vector_load %get3A_365[%get3A_366, %get3A_367] {strides = array<i32>} : memref<336x128xf32, #tpu.memory_space<vmem>>, vector<16xf32>,
        %mul3A_369 = arith.mulf %get3A_249, %get3A_368 : vector<16xf32>
        %get3A_370 = arith.constant 0 : i32
        %get3A_371 = arith.constant 0 : i32
        %get3A_372 = tpu.memref_slice %arg10[%scan3A_188, %get3A_370, %get3A_371] : memref<2x336x128xf32, #tpu.memory_space<vmem>> -> memref<1x336x128xf32, #tpu.memory_space<vmem>>
        %get3A_373 = tpu.memref_squeeze %get3A_372 : memref<1x336x128xf32, #tpu.memory_space<vmem>> -> memref<336x128xf32, #tpu.memory_space<vmem>>
        %get3A_374 = arith.index_cast %add3A_233 : i32 to index
        %get3A_375 = arith.constant 0 : index
        %get3A_376 = tpu.vector_load %get3A_373[%get3A_374, %get3A_375] {strides = array<i32>} : memref<336x128xf32, #tpu.memory_space<vmem>>, vector<16xf32>,
        %mul3A_377 = arith.mulf %get3A_249, %get3A_376 : vector<16xf32>
        %get3A_378 = arith.constant 0 : i32
        %get3A_379 = arith.constant 0 : i32
        %get3A_380 = tpu.memref_slice %arg10[%scan3A_188, %get3A_378, %get3A_379] : memref<2x336x128xf32, #tpu.memory_space<vmem>> -> memref<1x336x128xf32, #tpu.memory_space<vmem>>
        %get3A_381 = tpu.memref_squeeze %get3A_380 : memref<1x336x128xf32, #tpu.memory_space<vmem>> -> memref<336x128xf32, #tpu.memory_space<vmem>>
        %get3A_382 = arith.index_cast %add3A_235 : i32 to index
        %get3A_383 = arith.constant 0 : index
        %get3A_384 = tpu.vector_load %get3A_381[%get3A_382, %get3A_383] {strides = array<i32>} : memref<336x128xf32, #tpu.memory_space<vmem>>, vector<16xf32>,
        %mul3A_385 = arith.mulf %get3A_249, %get3A_384 : vector<16xf32>
        %get3A_386 = arith.constant 0 : i32
        %get3A_387 = arith.constant 0 : i32
        %get3A_388 = tpu.memref_slice %arg10[%scan3A_188, %get3A_386, %get3A_387] : memref<2x336x128xf32, #tpu.memory_space<vmem>> -> memref<1x336x128xf32, #tpu.memory_space<vmem>>
        %get3A_389 = tpu.memref_squeeze %get3A_388 : memref<1x336x128xf32, #tpu.memory_space<vmem>> -> memref<336x128xf32, #tpu.memory_space<vmem>>
        %get3A_390 = arith.index_cast %add3A_237 : i32 to index
        %get3A_391 = arith.constant 0 : index
        %get3A_392 = tpu.vector_load %get3A_389[%get3A_390, %get3A_391] {strides = array<i32>} : memref<336x128xf32, #tpu.memory_space<vmem>>, vector<16xf32>,
        %mul3A_393 = arith.mulf %get3A_249, %get3A_392 : vector<16xf32>
        %get3A_394 = arith.constant 0 : i32
        %get3A_395 = arith.constant 0 : i32
        %get3A_396 = tpu.memref_slice %arg10[%scan3A_188, %get3A_394, %get3A_395] : memref<2x336x128xf32, #tpu.memory_space<vmem>> -> memref<1x336x128xf32, #tpu.memory_space<vmem>>
        %get3A_397 = tpu.memref_squeeze %get3A_396 : memref<1x336x128xf32, #tpu.memory_space<vmem>> -> memref<336x128xf32, #tpu.memory_space<vmem>>
        %get3A_398 = arith.index_cast %add3A_239 : i32 to index
        %get3A_399 = arith.constant 0 : index
        %get3A_400 = tpu.vector_load %get3A_397[%get3A_398, %get3A_399] {strides = array<i32>} : memref<336x128xf32, #tpu.memory_space<vmem>>, vector<16xf32>,
        %mul3A_401 = arith.mulf %get3A_249, %get3A_400 : vector<16xf32>
        %get3A_402 = arith.constant 0 : i32
        %get3A_403 = arith.constant 0 : i32
        %get3A_404 = tpu.memref_slice %arg10[%scan3A_188, %get3A_402, %get3A_403] : memref<2x336x128xf32, #tpu.memory_space<vmem>> -> memref<1x336x128xf32, #tpu.memory_space<vmem>>
        %get3A_405 = tpu.memref_squeeze %get3A_404 : memref<1x336x128xf32, #tpu.memory_space<vmem>> -> memref<336x128xf32, #tpu.memory_space<vmem>>
        %get3A_406 = arith.index_cast %add3A_241 : i32 to index
        %get3A_407 = arith.constant 0 : index
        %get3A_408 = tpu.vector_load %get3A_405[%get3A_406, %get3A_407] {strides = array<i32>} : memref<336x128xf32, #tpu.memory_space<vmem>>, vector<16xf32>,
        %mul3A_409 = arith.mulf %get3A_249, %get3A_408 : vector<16xf32>
        %get3A_410 = arith.constant 0 : i32
        %get3A_411 = arith.constant 0 : i32
        %get3A_412 = tpu.memref_slice %arg10[%scan3A_188, %get3A_410, %get3A_411] : memref<2x336x128xf32, #tpu.memory_space<vmem>> -> memref<1x336x128xf32, #tpu.memory_space<vmem>>
        %get3A_413 = tpu.memref_squeeze %get3A_412 : memref<1x336x128xf32, #tpu.memory_space<vmem>> -> memref<336x128xf32, #tpu.memory_space<vmem>>
        %get3A_414 = arith.index_cast %add3A_243 : i32 to index
        %get3A_415 = arith.constant 0 : index
        %get3A_416 = tpu.vector_load %get3A_413[%get3A_414, %get3A_415] {strides = array<i32>} : memref<336x128xf32, #tpu.memory_space<vmem>>, vector<16xf32>,
        %mul3A_417 = arith.mulf %get3A_249, %get3A_416 : vector<16xf32>
        %get3A_418 = arith.constant 0 : i32
        %get3A_419 = arith.constant 0 : i32
        %get3A_420 = tpu.memref_slice %arg9[%scan3A_187, %get3A_418, %get3A_419] : memref<2x16x128xf32, #tpu.memory_space<vmem>> -> memref<1x16x128xf32, #tpu.memory_space<vmem>>
        %get3A_421 = tpu.memref_squeeze %get3A_420 : memref<1x16x128xf32, #tpu.memory_space<vmem>> -> memref<16x128xf32, #tpu.memory_space<vmem>>
        %get3A_422 = arith.index_cast %scan3A_194 : i32 to index
        %get3A_423 = arith.constant 16 : index
        %get3A_424 = tpu.vector_load %get3A_421[%get3A_422, %get3A_423] {strides = array<i32>} : memref<16x128xf32, #tpu.memory_space<vmem>>, vector<16xf32>,
        %get3A_425 = arith.constant 0 : i32
        %get3A_426 = arith.constant 0 : i32
        %get3A_427 = tpu.memref_slice %arg10[%scan3A_188, %get3A_425, %get3A_426] : memref<2x336x128xf32, #tpu.memory_space<vmem>> -> memref<1x336x128xf32, #tpu.memory_space<vmem>>
        %get3A_428 = tpu.memref_squeeze %get3A_427 : memref<1x336x128xf32, #tpu.memory_space<vmem>> -> memref<336x128xf32, #tpu.memory_space<vmem>>
        %get3A_429 = arith.index_cast %scan3A_194 : i32 to index
        %get3A_430 = arith.constant 16 : index
        %get3A_431 = tpu.vector_load %get3A_428[%get3A_429, %get3A_430] {strides = array<i32>} : memref<336x128xf32, #tpu.memory_space<vmem>>, vector<16xf32>,
        %mul3A_432 = arith.mulf %get3A_424, %get3A_431 : vector<16xf32>
        %add3A_433 = arith.addf %mul3A_257, %mul3A_432 : vector<16xf32>
        %get3A_434 = arith.constant 0 : i32
        %get3A_435 = arith.constant 0 : i32
        %get3A_436 = tpu.memref_slice %arg10[%scan3A_188, %get3A_434, %get3A_435] : memref<2x336x128xf32, #tpu.memory_space<vmem>> -> memref<1x336x128xf32, #tpu.memory_space<vmem>>
        %get3A_437 = tpu.memref_squeeze %get3A_436 : memref<1x336x128xf32, #tpu.memory_space<vmem>> -> memref<336x128xf32, #tpu.memory_space<vmem>>
        %get3A_438 = arith.index_cast %add3A_205 : i32 to index
        %get3A_439 = arith.constant 16 : index
        %get3A_440 = tpu.vector_load %get3A_437[%get3A_438, %get3A_439] {strides = array<i32>} : memref<336x128xf32, #tpu.memory_space<vmem>>, vector<16xf32>,
        %mul3A_441 = arith.mulf %get3A_424, %get3A_440 : vector<16xf32>
        %add3A_442 = arith.addf %mul3A_265, %mul3A_441 : vector<16xf32>
        %get3A_443 = arith.constant 0 : i32
        %get3A_444 = arith.constant 0 : i32
        %get3A_445 = tpu.memref_slice %arg10[%scan3A_188, %get3A_443, %get3A_444] : memref<2x336x128xf32, #tpu.memory_space<vmem>> -> memref<1x336x128xf32, #tpu.memory_space<vmem>>
        %get3A_446 = tpu.memref_squeeze %get3A_445 : memref<1x336x128xf32, #tpu.memory_space<vmem>> -> memref<336x128xf32, #tpu.memory_space<vmem>>
        %get3A_447 = arith.index_cast %add3A_207 : i32 to index
        %get3A_448 = arith.constant 16 : index
        %get3A_449 = tpu.vector_load %get3A_446[%get3A_447, %get3A_448] {strides = array<i32>} : memref<336x128xf32, #tpu.memory_space<vmem>>, vector<16xf32>,
        %mul3A_450 = arith.mulf %get3A_424, %get3A_449 : vector<16xf32>
        %add3A_451 = arith.addf %mul3A_273, %mul3A_450 : vector<16xf32>
        %get3A_452 = arith.constant 0 : i32
        %get3A_453 = arith.constant 0 : i32
        %get3A_454 = tpu.memref_slice %arg10[%scan3A_188, %get3A_452, %get3A_453] : memref<2x336x128xf32, #tpu.memory_space<vmem>> -> memref<1x336x128xf32, #tpu.memory_space<vmem>>
        %get3A_455 = tpu.memref_squeeze %get3A_454 : memref<1x336x128xf32, #tpu.memory_space<vmem>> -> memref<336x128xf32, #tpu.memory_space<vmem>>
        %get3A_456 = arith.index_cast %add3A_209 : i32 to index
        %get3A_457 = arith.constant 16 : index
        %get3A_458 = tpu.vector_load %get3A_455[%get3A_456, %get3A_457] {strides = array<i32>} : memref<336x128xf32, #tpu.memory_space<vmem>>, vector<16xf32>,
        %mul3A_459 = arith.mulf %get3A_424, %get3A_458 : vector<16xf32>
        %add3A_460 = arith.addf %mul3A_281, %mul3A_459 : vector<16xf32>
        %get3A_461 = arith.constant 0 : i32
        %get3A_462 = arith.constant 0 : i32
        %get3A_463 = tpu.memref_slice %arg10[%scan3A_188, %get3A_461, %get3A_462] : memref<2x336x128xf32, #tpu.memory_space<vmem>> -> memref<1x336x128xf32, #tpu.memory_space<vmem>>
        %get3A_464 = tpu.memref_squeeze %get3A_463 : memref<1x336x128xf32, #tpu.memory_space<vmem>> -> memref<336x128xf32, #tpu.memory_space<vmem>>
        %get3A_465 = arith.index_cast %add3A_211 : i32 to index
        %get3A_466 = arith.constant 16 : index
        %get3A_467 = tpu.vector_load %get3A_464[%get3A_465, %get3A_466] {strides = array<i32>} : memref<336x128xf32, #tpu.memory_space<vmem>>, vector<16xf32>,
        %mul3A_468 = arith.mulf %get3A_424, %get3A_467 : vector<16xf32>
        %add3A_469 = arith.addf %mul3A_289, %mul3A_468 : vector<16xf32>
        %get3A_470 = arith.constant 0 : i32
        %get3A_471 = arith.constant 0 : i32
        %get3A_472 = tpu.memref_slice %arg10[%scan3A_188, %get3A_470, %get3A_471] : memref<2x336x128xf32, #tpu.memory_space<vmem>> -> memref<1x336x128xf32, #tpu.memory_space<vmem>>
        %get3A_473 = tpu.memref_squeeze %get3A_472 : memref<1x336x128xf32, #tpu.memory_space<vmem>> -> memref<336x128xf32, #tpu.memory_space<vmem>>
        %get3A_474 = arith.index_cast %add3A_213 : i32 to index
        %get3A_475 = arith.constant 16 : index
        %get3A_476 = tpu.vector_load %get3A_473[%get3A_474, %get3A_475] {strides = array<i32>} : memref<336x128xf32, #tpu.memory_space<vmem>>, vector<16xf32>,
        %mul3A_477 = arith.mulf %get3A_424, %get3A_476 : vector<16xf32>
        %add3A_478 = arith.addf %mul3A_297, %mul3A_477 : vector<16xf32>
        %get3A_479 = arith.constant 0 : i32
        %get3A_480 = arith.constant 0 : i32
        %get3A_481 = tpu.memref_slice %arg10[%scan3A_188, %get3A_479, %get3A_480] : memref<2x336x128xf32, #tpu.memory_space<vmem>> -> memref<1x336x128xf32, #tpu.memory_space<vmem>>
        %get3A_482 = tpu.memref_squeeze %get3A_481 : memref<1x336x128xf32, #tpu.memory_space<vmem>> -> memref<336x128xf32, #tpu.memory_space<vmem>>
        %get3A_483 = arith.index_cast %add3A_215 : i32 to index
        %get3A_484 = arith.constant 16 : index
        %get3A_485 = tpu.vector_load %get3A_482[%get3A_483, %get3A_484] {strides = array<i32>} : memref<336x128xf32, #tpu.memory_space<vmem>>, vector<16xf32>,
        %mul3A_486 = arith.mulf %get3A_424, %get3A_485 : vector<16xf32>
        %add3A_487 = arith.addf %mul3A_305, %mul3A_486 : vector<16xf32>
        %get3A_488 = arith.constant 0 : i32
        %get3A_489 = arith.constant 0 : i32
        %get3A_490 = tpu.memref_slice %arg10[%scan3A_188, %get3A_488, %get3A_489] : memref<2x336x128xf32, #tpu.memory_space<vmem>> -> memref<1x336x128xf32, #tpu.memory_space<vmem>>
        %get3A_491 = tpu.memref_squeeze %get3A_490 : memref<1x336x128xf32, #tpu.memory_space<vmem>> -> memref<336x128xf32, #tpu.memory_space<vmem>>
        %get3A_492 = arith.index_cast %add3A_217 : i32 to index
        %get3A_493 = arith.constant 16 : index
        %get3A_494 = tpu.vector_load %get3A_491[%get3A_492, %get3A_493] {strides = array<i32>} : memref<336x128xf32, #tpu.memory_space<vmem>>, vector<16xf32>,
        %mul3A_495 = arith.mulf %get3A_424, %get3A_494 : vector<16xf32>
        %add3A_496 = arith.addf %mul3A_313, %mul3A_495 : vector<16xf32>
        %get3A_497 = arith.constant 0 : i32
        %get3A_498 = arith.constant 0 : i32
        %get3A_499 = tpu.memref_slice %arg10[%scan3A_188, %get3A_497, %get3A_498] : memref<2x336x128xf32, #tpu.memory_space<vmem>> -> memref<1x336x128xf32, #tpu.memory_space<vmem>>
        %get3A_500 = tpu.memref_squeeze %get3A_499 : memref<1x336x128xf32, #tpu.memory_space<vmem>> -> memref<336x128xf32, #tpu.memory_space<vmem>>
        %get3A_501 = arith.index_cast %add3A_219 : i32 to index
        %get3A_502 = arith.constant 16 : index
        %get3A_503 = tpu.vector_load %get3A_500[%get3A_501, %get3A_502] {strides = array<i32>} : memref<336x128xf32, #tpu.memory_space<vmem>>, vector<16xf32>,
        %mul3A_504 = arith.mulf %get3A_424, %get3A_503 : vector<16xf32>
        %add3A_505 = arith.addf %mul3A_321, %mul3A_504 : vector<16xf32>
        %get3A_506 = arith.constant 0 : i32
        %get3A_507 = arith.constant 0 : i32
        %get3A_508 = tpu.memref_slice %arg10[%scan3A_188, %get3A_506, %get3A_507] : memref<2x336x128xf32, #tpu.memory_space<vmem>> -> memref<1x336x128xf32, #tpu.memory_space<vmem>>
        %get3A_509 = tpu.memref_squeeze %get3A_508 : memref<1x336x128xf32, #tpu.memory_space<vmem>> -> memref<336x128xf32, #tpu.memory_space<vmem>>
        %get3A_510 = arith.index_cast %add3A_221 : i32 to index
        %get3A_511 = arith.constant 16 : index
        %get3A_512 = tpu.vector_load %get3A_509[%get3A_510, %get3A_511] {strides = array<i32>} : memref<336x128xf32, #tpu.memory_space<vmem>>, vector<16xf32>,
        %mul3A_513 = arith.mulf %get3A_424, %get3A_512 : vector<16xf32>
        %add3A_514 = arith.addf %mul3A_329, %mul3A_513 : vector<16xf32>
        %get3A_515 = arith.constant 0 : i32
        %get3A_516 = arith.constant 0 : i32
        %get3A_517 = tpu.memref_slice %arg10[%scan3A_188, %get3A_515, %get3A_516] : memref<2x336x128xf32, #tpu.memory_space<vmem>> -> memref<1x336x128xf32, #tpu.memory_space<vmem>>
        %get3A_518 = tpu.memref_squeeze %get3A_517 : memref<1x336x128xf32, #tpu.memory_space<vmem>> -> memref<336x128xf32, #tpu.memory_space<vmem>>
        %get3A_519 = arith.index_cast %add3A_223 : i32 to index
        %get3A_520 = arith.constant 16 : index
        %get3A_521 = tpu.vector_load %get3A_518[%get3A_519, %get3A_520] {strides = array<i32>} : memref<336x128xf32, #tpu.memory_space<vmem>>, vector<16xf32>,
        %mul3A_522 = arith.mulf %get3A_424, %get3A_521 : vector<16xf32>
        %add3A_523 = arith.addf %mul3A_337, %mul3A_522 : vector<16xf32>
        %get3A_524 = arith.constant 0 : i32
        %get3A_525 = arith.constant 0 : i32
        %get3A_526 = tpu.memref_slice %arg10[%scan3A_188, %get3A_524, %get3A_525] : memref<2x336x128xf32, #tpu.memory_space<vmem>> -> memref<1x336x128xf32, #tpu.memory_space<vmem>>
        %get3A_527 = tpu.memref_squeeze %get3A_526 : memref<1x336x128xf32, #tpu.memory_space<vmem>> -> memref<336x128xf32, #tpu.memory_space<vmem>>
        %get3A_528 = arith.index_cast %add3A_225 : i32 to index
        %get3A_529 = arith.constant 16 : index
        %get3A_530 = tpu.vector_load %get3A_527[%get3A_528, %get3A_529] {strides = array<i32>} : memref<336x128xf32, #tpu.memory_space<vmem>>, vector<16xf32>,
        %mul3A_531 = arith.mulf %get3A_424, %get3A_530 : vector<16xf32>
        %add3A_532 = arith.addf %mul3A_345, %mul3A_531 : vector<16xf32>
        %get3A_533 = arith.constant 0 : i32
        %get3A_534 = arith.constant 0 : i32
        %get3A_535 = tpu.memref_slice %arg10[%scan3A_188, %get3A_533, %get3A_534] : memref<2x336x128xf32, #tpu.memory_space<vmem>> -> memref<1x336x128xf32, #tpu.memory_space<vmem>>
        %get3A_536 = tpu.memref_squeeze %get3A_535 : memref<1x336x128xf32, #tpu.memory_space<vmem>> -> memref<336x128xf32, #tpu.memory_space<vmem>>
        %get3A_537 = arith.index_cast %add3A_227 : i32 to index
        %get3A_538 = arith.constant 16 : index
        %get3A_539 = tpu.vector_load %get3A_536[%get3A_537, %get3A_538] {strides = array<i32>} : memref<336x128xf32, #tpu.memory_space<vmem>>, vector<16xf32>,
        %mul3A_540 = arith.mulf %get3A_424, %get3A_539 : vector<16xf32>
        %add3A_541 = arith.addf %mul3A_353, %mul3A_540 : vector<16xf32>
        %get3A_542 = arith.constant 0 : i32
        %get3A_543 = arith.constant 0 : i32
        %get3A_544 = tpu.memref_slice %arg10[%scan3A_188, %get3A_542, %get3A_543] : memref<2x336x128xf32, #tpu.memory_space<vmem>> -> memref<1x336x128xf32, #tpu.memory_space<vmem>>
        %get3A_545 = tpu.memref_squeeze %get3A_544 : memref<1x336x128xf32, #tpu.memory_space<vmem>> -> memref<336x128xf32, #tpu.memory_space<vmem>>
        %get3A_546 = arith.index_cast %add3A_229 : i32 to index
        %get3A_547 = arith.constant 16 : index
        %get3A_548 = tpu.vector_load %get3A_545[%get3A_546, %get3A_547] {strides = array<i32>} : memref<336x128xf32, #tpu.memory_space<vmem>>, vector<16xf32>,
        %mul3A_549 = arith.mulf %get3A_424, %get3A_548 : vector<16xf32>
        %add3A_550 = arith.addf %mul3A_361, %mul3A_549 : vector<16xf32>
        %get3A_551 = arith.constant 0 : i32
        %get3A_552 = arith.constant 0 : i32
        %get3A_553 = tpu.memref_slice %arg10[%scan3A_188, %get3A_551, %get3A_552] : memref<2x336x128xf32, #tpu.memory_space<vmem>> -> memref<1x336x128xf32, #tpu.memory_space<vmem>>
        %get3A_554 = tpu.memref_squeeze %get3A_553 : memref<1x336x128xf32, #tpu.memory_space<vmem>> -> memref<336x128xf32, #tpu.memory_space<vmem>>
        %get3A_555 = arith.index_cast %add3A_231 : i32 to index
        %get3A_556 = arith.constant 16 : index
        %get3A_557 = tpu.vector_load %get3A_554[%get3A_555, %get3A_556] {strides = array<i32>} : memref<336x128xf32, #tpu.memory_space<vmem>>, vector<16xf32>,
        %mul3A_558 = arith.mulf %get3A_424, %get3A_557 : vector<16xf32>
        %add3A_559 = arith.addf %mul3A_369, %mul3A_558 : vector<16xf32>
        %get3A_560 = arith.constant 0 : i32
        %get3A_561 = arith.constant 0 : i32
        %get3A_562 = tpu.memref_slice %arg10[%scan3A_188, %get3A_560, %get3A_561] : memref<2x336x128xf32, #tpu.memory_space<vmem>> -> memref<1x336x128xf32, #tpu.memory_space<vmem>>
        %get3A_563 = tpu.memref_squeeze %get3A_562 : memref<1x336x128xf32, #tpu.memory_space<vmem>> -> memref<336x128xf32, #tpu.memory_space<vmem>>
        %get3A_564 = arith.index_cast %add3A_233 : i32 to index
        %get3A_565 = arith.constant 16 : index
        %get3A_566 = tpu.vector_load %get3A_563[%get3A_564, %get3A_565] {strides = array<i32>} : memref<336x128xf32, #tpu.memory_space<vmem>>, vector<16xf32>,
        %mul3A_567 = arith.mulf %get3A_424, %get3A_566 : vector<16xf32>
        %add3A_568 = arith.addf %mul3A_377, %mul3A_567 : vector<16xf32>
        %get3A_569 = arith.constant 0 : i32
        %get3A_570 = arith.constant 0 : i32
        %get3A_571 = tpu.memref_slice %arg10[%scan3A_188, %get3A_569, %get3A_570] : memref<2x336x128xf32, #tpu.memory_space<vmem>> -> memref<1x336x128xf32, #tpu.memory_space<vmem>>
        %get3A_572 = tpu.memref_squeeze %get3A_571 : memref<1x336x128xf32, #tpu.memory_space<vmem>> -> memref<336x128xf32, #tpu.memory_space<vmem>>
        %get3A_573 = arith.index_cast %add3A_235 : i32 to index
        %get3A_574 = arith.constant 16 : index
        %get3A_575 = tpu.vector_load %get3A_572[%get3A_573, %get3A_574] {strides = array<i32>} : memref<336x128xf32, #tpu.memory_space<vmem>>, vector<16xf32>,
        %mul3A_576 = arith.mulf %get3A_424, %get3A_575 : vector<16xf32>
        %add3A_577 = arith.addf %mul3A_385, %mul3A_576 : vector<16xf32>
        %get3A_578 = arith.constant 0 : i32
        %get3A_579 = arith.constant 0 : i32
        %get3A_580 = tpu.memref_slice %arg10[%scan3A_188, %get3A_578, %get3A_579] : memref<2x336x128xf32, #tpu.memory_space<vmem>> -> memref<1x336x128xf32, #tpu.memory_space<vmem>>
        %get3A_581 = tpu.memref_squeeze %get3A_580 : memref<1x336x128xf32, #tpu.memory_space<vmem>> -> memref<336x128xf32, #tpu.memory_space<vmem>>
        %get3A_582 = arith.index_cast %add3A_237 : i32 to index
        %get3A_583 = arith.constant 16 : index
        %get3A_584 = tpu.vector_load %get3A_581[%get3A_582, %get3A_583] {strides = array<i32>} : memref<336x128xf32, #tpu.memory_space<vmem>>, vector<16xf32>,
        %mul3A_585 = arith.mulf %get3A_424, %get3A_584 : vector<16xf32>
        %add3A_586 = arith.addf %mul3A_393, %mul3A_585 : vector<16xf32>
        %get3A_587 = arith.constant 0 : i32
        %get3A_588 = arith.constant 0 : i32
        %get3A_589 = tpu.memref_slice %arg10[%scan3A_188, %get3A_587, %get3A_588] : memref<2x336x128xf32, #tpu.memory_space<vmem>> -> memref<1x336x128xf32, #tpu.memory_space<vmem>>
        %get3A_590 = tpu.memref_squeeze %get3A_589 : memref<1x336x128xf32, #tpu.memory_space<vmem>> -> memref<336x128xf32, #tpu.memory_space<vmem>>
        %get3A_591 = arith.index_cast %add3A_239 : i32 to index
        %get3A_592 = arith.constant 16 : index
        %get3A_593 = tpu.vector_load %get3A_590[%get3A_591, %get3A_592] {strides = array<i32>} : memref<336x128xf32, #tpu.memory_space<vmem>>, vector<16xf32>,
        %mul3A_594 = arith.mulf %get3A_424, %get3A_593 : vector<16xf32>
        %add3A_595 = arith.addf %mul3A_401, %mul3A_594 : vector<16xf32>
        %get3A_596 = arith.constant 0 : i32
        %get3A_597 = arith.constant 0 : i32
        %get3A_598 = tpu.memref_slice %arg10[%scan3A_188, %get3A_596, %get3A_597] : memref<2x336x128xf32, #tpu.memory_space<vmem>> -> memref<1x336x128xf32, #tpu.memory_space<vmem>>
        %get3A_599 = tpu.memref_squeeze %get3A_598 : memref<1x336x128xf32, #tpu.memory_space<vmem>> -> memref<336x128xf32, #tpu.memory_space<vmem>>
        %get3A_600 = arith.index_cast %add3A_241 : i32 to index
        %get3A_601 = arith.constant 16 : index
        %get3A_602 = tpu.vector_load %get3A_599[%get3A_600, %get3A_601] {strides = array<i32>} : memref<336x128xf32, #tpu.memory_space<vmem>>, vector<16xf32>,
        %mul3A_603 = arith.mulf %get3A_424, %get3A_602 : vector<16xf32>
        %add3A_604 = arith.addf %mul3A_409, %mul3A_603 : vector<16xf32>
        %get3A_605 = arith.constant 0 : i32
        %get3A_606 = arith.constant 0 : i32
        %get3A_607 = tpu.memref_slice %arg10[%scan3A_188, %get3A_605, %get3A_606] : memref<2x336x128xf32, #tpu.memory_space<vmem>> -> memref<1x336x128xf32, #tpu.memory_space<vmem>>
        %get3A_608 = tpu.memref_squeeze %get3A_607 : memref<1x336x128xf32, #tpu.memory_space<vmem>> -> memref<336x128xf32, #tpu.memory_space<vmem>>
        %get3A_609 = arith.index_cast %add3A_243 : i32 to index
        %get3A_610 = arith.constant 16 : index
        %get3A_611 = tpu.vector_load %get3A_608[%get3A_609, %get3A_610] {strides = array<i32>} : memref<336x128xf32, #tpu.memory_space<vmem>>, vector<16xf32>,
        %mul3A_612 = arith.mulf %get3A_424, %get3A_611 : vector<16xf32>
        %add3A_613 = arith.addf %mul3A_417, %mul3A_612 : vector<16xf32>
        %get3A_614 = arith.constant 0 : i32
        %get3A_615 = arith.constant 0 : i32
        %get3A_616 = tpu.memref_slice %arg9[%scan3A_187, %get3A_614, %get3A_615] : memref<2x16x128xf32, #tpu.memory_space<vmem>> -> memref<1x16x128xf32, #tpu.memory_space<vmem>>
        %get3A_617 = tpu.memref_squeeze %get3A_616 : memref<1x16x128xf32, #tpu.memory_space<vmem>> -> memref<16x128xf32, #tpu.memory_space<vmem>>
        %get3A_618 = arith.index_cast %scan3A_194 : i32 to index
        %get3A_619 = arith.constant 32 : index
        %get3A_620 = tpu.vector_load %get3A_617[%get3A_618, %get3A_619] {strides = array<i32>} : memref<16x128xf32, #tpu.memory_space<vmem>>, vector<16xf32>,
        %get3A_621 = arith.constant 0 : i32
        %get3A_622 = arith.constant 0 : i32
        %get3A_623 = tpu.memref_slice %arg10[%scan3A_188, %get3A_621, %get3A_622] : memref<2x336x128xf32, #tpu.memory_space<vmem>> -> memref<1x336x128xf32, #tpu.memory_space<vmem>>
        %get3A_624 = tpu.memref_squeeze %get3A_623 : memref<1x336x128xf32, #tpu.memory_space<vmem>> -> memref<336x128xf32, #tpu.memory_space<vmem>>
        %get3A_625 = arith.index_cast %scan3A_194 : i32 to index
        %get3A_626 = arith.constant 32 : index
        %get3A_627 = tpu.vector_load %get3A_624[%get3A_625, %get3A_626] {strides = array<i32>} : memref<336x128xf32, #tpu.memory_space<vmem>>, vector<16xf32>,
        %mul3A_628 = arith.mulf %get3A_620, %get3A_627 : vector<16xf32>
        %add3A_629 = arith.addf %add3A_433, %mul3A_628 : vector<16xf32>
        %get3A_630 = arith.constant 0 : i32
        %get3A_631 = arith.constant 0 : i32
        %get3A_632 = tpu.memref_slice %arg10[%scan3A_188, %get3A_630, %get3A_631] : memref<2x336x128xf32, #tpu.memory_space<vmem>> -> memref<1x336x128xf32, #tpu.memory_space<vmem>>
        %get3A_633 = tpu.memref_squeeze %get3A_632 : memref<1x336x128xf32, #tpu.memory_space<vmem>> -> memref<336x128xf32, #tpu.memory_space<vmem>>
        %get3A_634 = arith.index_cast %add3A_205 : i32 to index
        %get3A_635 = arith.constant 32 : index
        %get3A_636 = tpu.vector_load %get3A_633[%get3A_634, %get3A_635] {strides = array<i32>} : memref<336x128xf32, #tpu.memory_space<vmem>>, vector<16xf32>,
        %mul3A_637 = arith.mulf %get3A_620, %get3A_636 : vector<16xf32>
        %add3A_638 = arith.addf %add3A_442, %mul3A_637 : vector<16xf32>
        %get3A_639 = arith.constant 0 : i32
        %get3A_640 = arith.constant 0 : i32
        %get3A_641 = tpu.memref_slice %arg10[%scan3A_188, %get3A_639, %get3A_640] : memref<2x336x128xf32, #tpu.memory_space<vmem>> -> memref<1x336x128xf32, #tpu.memory_space<vmem>>
        %get3A_642 = tpu.memref_squeeze %get3A_641 : memref<1x336x128xf32, #tpu.memory_space<vmem>> -> memref<336x128xf32, #tpu.memory_space<vmem>>
        %get3A_643 = arith.index_cast %add3A_207 : i32 to index
        %get3A_644 = arith.constant 32 : index
        %get3A_645 = tpu.vector_load %get3A_642[%get3A_643, %get3A_644] {strides = array<i32>} : memref<336x128xf32, #tpu.memory_space<vmem>>, vector<16xf32>,
        %mul3A_646 = arith.mulf %get3A_620, %get3A_645 : vector<16xf32>
        %add3A_647 = arith.addf %add3A_451, %mul3A_646 : vector<16xf32>
        %get3A_648 = arith.constant 0 : i32
        %get3A_649 = arith.constant 0 : i32
        %get3A_650 = tpu.memref_slice %arg10[%scan3A_188, %get3A_648, %get3A_649] : memref<2x336x128xf32, #tpu.memory_space<vmem>> -> memref<1x336x128xf32, #tpu.memory_space<vmem>>
        %get3A_651 = tpu.memref_squeeze %get3A_650 : memref<1x336x128xf32, #tpu.memory_space<vmem>> -> memref<336x128xf32, #tpu.memory_space<vmem>>
        %get3A_652 = arith.index_cast %add3A_209 : i32 to index
        %get3A_653 = arith.constant 32 : index
        %get3A_654 = tpu.vector_load %get3A_651[%get3A_652, %get3A_653] {strides = array<i32>} : memref<336x128xf32, #tpu.memory_space<vmem>>, vector<16xf32>,
        %mul3A_655 = arith.mulf %get3A_620, %get3A_654 : vector<16xf32>
        %add3A_656 = arith.addf %add3A_460, %mul3A_655 : vector<16xf32>
        %get3A_657 = arith.constant 0 : i32
        %get3A_658 = arith.constant 0 : i32
        %get3A_659 = tpu.memref_slice %arg10[%scan3A_188, %get3A_657, %get3A_658] : memref<2x336x128xf32, #tpu.memory_space<vmem>> -> memref<1x336x128xf32, #tpu.memory_space<vmem>>
        %get3A_660 = tpu.memref_squeeze %get3A_659 : memref<1x336x128xf32, #tpu.memory_space<vmem>> -> memref<336x128xf32, #tpu.memory_space<vmem>>
        %get3A_661 = arith.index_cast %add3A_211 : i32 to index
        %get3A_662 = arith.constant 32 : index
        %get3A_663 = tpu.vector_load %get3A_660[%get3A_661, %get3A_662] {strides = array<i32>} : memref<336x128xf32, #tpu.memory_space<vmem>>, vector<16xf32>,
        %mul3A_664 = arith.mulf %get3A_620, %get3A_663 : vector<16xf32>
        %add3A_665 = arith.addf %add3A_469, %mul3A_664 : vector<16xf32>
        %get3A_666 = arith.constant 0 : i32
        %get3A_667 = arith.constant 0 : i32
        %get3A_668 = tpu.memref_slice %arg10[%scan3A_188, %get3A_666, %get3A_667] : memref<2x336x128xf32, #tpu.memory_space<vmem>> -> memref<1x336x128xf32, #tpu.memory_space<vmem>>
        %get3A_669 = tpu.memref_squeeze %get3A_668 : memref<1x336x128xf32, #tpu.memory_space<vmem>> -> memref<336x128xf32, #tpu.memory_space<vmem>>
        %get3A_670 = arith.index_cast %add3A_213 : i32 to index
        %get3A_671 = arith.constant 32 : index
        %get3A_672 = tpu.vector_load %get3A_669[%get3A_670, %get3A_671] {strides = array<i32>} : memref<336x128xf32, #tpu.memory_space<vmem>>, vector<16xf32>,
        %mul3A_673 = arith.mulf %get3A_620, %get3A_672 : vector<16xf32>
        %add3A_674 = arith.addf %add3A_478, %mul3A_673 : vector<16xf32>
        %get3A_675 = arith.constant 0 : i32
        %get3A_676 = arith.constant 0 : i32
        %get3A_677 = tpu.memref_slice %arg10[%scan3A_188, %get3A_675, %get3A_676] : memref<2x336x128xf32, #tpu.memory_space<vmem>> -> memref<1x336x128xf32, #tpu.memory_space<vmem>>
        %get3A_678 = tpu.memref_squeeze %get3A_677 : memref<1x336x128xf32, #tpu.memory_space<vmem>> -> memref<336x128xf32, #tpu.memory_space<vmem>>
        %get3A_679 = arith.index_cast %add3A_215 : i32 to index
        %get3A_680 = arith.constant 32 : index
        %get3A_681 = tpu.vector_load %get3A_678[%get3A_679, %get3A_680] {strides = array<i32>} : memref<336x128xf32, #tpu.memory_space<vmem>>, vector<16xf32>,
        %mul3A_682 = arith.mulf %get3A_620, %get3A_681 : vector<16xf32>
        %add3A_683 = arith.addf %add3A_487, %mul3A_682 : vector<16xf32>
        %get3A_684 = arith.constant 0 : i32
        %get3A_685 = arith.constant 0 : i32
        %get3A_686 = tpu.memref_slice %arg10[%scan3A_188, %get3A_684, %get3A_685] : memref<2x336x128xf32, #tpu.memory_space<vmem>> -> memref<1x336x128xf32, #tpu.memory_space<vmem>>
        %get3A_687 = tpu.memref_squeeze %get3A_686 : memref<1x336x128xf32, #tpu.memory_space<vmem>> -> memref<336x128xf32, #tpu.memory_space<vmem>>
        %get3A_688 = arith.index_cast %add3A_217 : i32 to index
        %get3A_689 = arith.constant 32 : index
        %get3A_690 = tpu.vector_load %get3A_687[%get3A_688, %get3A_689] {strides = array<i32>} : memref<336x128xf32, #tpu.memory_space<vmem>>, vector<16xf32>,
        %mul3A_691 = arith.mulf %get3A_620, %get3A_690 : vector<16xf32>
        %add3A_692 = arith.addf %add3A_496, %mul3A_691 : vector<16xf32>
        %get3A_693 = arith.constant 0 : i32
        %get3A_694 = arith.constant 0 : i32
        %get3A_695 = tpu.memref_slice %arg10[%scan3A_188, %get3A_693, %get3A_694] : memref<2x336x128xf32, #tpu.memory_space<vmem>> -> memref<1x336x128xf32, #tpu.memory_space<vmem>>
        %get3A_696 = tpu.memref_squeeze %get3A_695 : memref<1x336x128xf32, #tpu.memory_space<vmem>> -> memref<336x128xf32, #tpu.memory_space<vmem>>
        %get3A_697 = arith.index_cast %add3A_219 : i32 to index
        %get3A_698 = arith.constant 32 : index
        %get3A_699 = tpu.vector_load %get3A_696[%get3A_697, %get3A_698] {strides = array<i32>} : memref<336x128xf32, #tpu.memory_space<vmem>>, vector<16xf32>,
        %mul3A_700 = arith.mulf %get3A_620, %get3A_699 : vector<16xf32>
        %add3A_701 = arith.addf %add3A_505, %mul3A_700 : vector<16xf32>
        %get3A_702 = arith.constant 0 : i32
        %get3A_703 = arith.constant 0 : i32
        %get3A_704 = tpu.memref_slice %arg10[%scan3A_188, %get3A_702, %get3A_703] : memref<2x336x128xf32, #tpu.memory_space<vmem>> -> memref<1x336x128xf32, #tpu.memory_space<vmem>>
        %get3A_705 = tpu.memref_squeeze %get3A_704 : memref<1x336x128xf32, #tpu.memory_space<vmem>> -> memref<336x128xf32, #tpu.memory_space<vmem>>
        %get3A_706 = arith.index_cast %add3A_221 : i32 to index
        %get3A_707 = arith.constant 32 : index
        %get3A_708 = tpu.vector_load %get3A_705[%get3A_706, %get3A_707] {strides = array<i32>} : memref<336x128xf32, #tpu.memory_space<vmem>>, vector<16xf32>,
        %mul3A_709 = arith.mulf %get3A_620, %get3A_708 : vector<16xf32>
        %add3A_710 = arith.addf %add3A_514, %mul3A_709 : vector<16xf32>
        %get3A_711 = arith.constant 0 : i32
        %get3A_712 = arith.constant 0 : i32
        %get3A_713 = tpu.memref_slice %arg10[%scan3A_188, %get3A_711, %get3A_712] : memref<2x336x128xf32, #tpu.memory_space<vmem>> -> memref<1x336x128xf32, #tpu.memory_space<vmem>>
        %get3A_714 = tpu.memref_squeeze %get3A_713 : memref<1x336x128xf32, #tpu.memory_space<vmem>> -> memref<336x128xf32, #tpu.memory_space<vmem>>
        %get3A_715 = arith.index_cast %add3A_223 : i32 to index
        %get3A_716 = arith.constant 32 : index
        %get3A_717 = tpu.vector_load %get3A_714[%get3A_715, %get3A_716] {strides = array<i32>} : memref<336x128xf32, #tpu.memory_space<vmem>>, vector<16xf32>,
        %mul3A_718 = arith.mulf %get3A_620, %get3A_717 : vector<16xf32>
        %add3A_719 = arith.addf %add3A_523, %mul3A_718 : vector<16xf32>
        %get3A_720 = arith.constant 0 : i32
        %get3A_721 = arith.constant 0 : i32
        %get3A_722 = tpu.memref_slice %arg10[%scan3A_188, %get3A_720, %get3A_721] : memref<2x336x128xf32, #tpu.memory_space<vmem>> -> memref<1x336x128xf32, #tpu.memory_space<vmem>>
        %get3A_723 = tpu.memref_squeeze %get3A_722 : memref<1x336x128xf32, #tpu.memory_space<vmem>> -> memref<336x128xf32, #tpu.memory_space<vmem>>
        %get3A_724 = arith.index_cast %add3A_225 : i32 to index
        %get3A_725 = arith.constant 32 : index
        %get3A_726 = tpu.vector_load %get3A_723[%get3A_724, %get3A_725] {strides = array<i32>} : memref<336x128xf32, #tpu.memory_space<vmem>>, vector<16xf32>,
        %mul3A_727 = arith.mulf %get3A_620, %get3A_726 : vector<16xf32>
        %add3A_728 = arith.addf %add3A_532, %mul3A_727 : vector<16xf32>
        %get3A_729 = arith.constant 0 : i32
        %get3A_730 = arith.constant 0 : i32
        %get3A_731 = tpu.memref_slice %arg10[%scan3A_188, %get3A_729, %get3A_730] : memref<2x336x128xf32, #tpu.memory_space<vmem>> -> memref<1x336x128xf32, #tpu.memory_space<vmem>>
        %get3A_732 = tpu.memref_squeeze %get3A_731 : memref<1x336x128xf32, #tpu.memory_space<vmem>> -> memref<336x128xf32, #tpu.memory_space<vmem>>
        %get3A_733 = arith.index_cast %add3A_227 : i32 to index
        %get3A_734 = arith.constant 32 : index
        %get3A_735 = tpu.vector_load %get3A_732[%get3A_733, %get3A_734] {strides = array<i32>} : memref<336x128xf32, #tpu.memory_space<vmem>>, vector<16xf32>,
        %mul3A_736 = arith.mulf %get3A_620, %get3A_735 : vector<16xf32>
        %add3A_737 = arith.addf %add3A_541, %mul3A_736 : vector<16xf32>
        %get3A_738 = arith.constant 0 : i32
        %get3A_739 = arith.constant 0 : i32
        %get3A_740 = tpu.memref_slice %arg10[%scan3A_188, %get3A_738, %get3A_739] : memref<2x336x128xf32, #tpu.memory_space<vmem>> -> memref<1x336x128xf32, #tpu.memory_space<vmem>>
        %get3A_741 = tpu.memref_squeeze %get3A_740 : memref<1x336x128xf32, #tpu.memory_space<vmem>> -> memref<336x128xf32, #tpu.memory_space<vmem>>
        %get3A_742 = arith.index_cast %add3A_229 : i32 to index
        %get3A_743 = arith.constant 32 : index
        %get3A_744 = tpu.vector_load %get3A_741[%get3A_742, %get3A_743] {strides = array<i32>} : memref<336x128xf32, #tpu.memory_space<vmem>>, vector<16xf32>,
        %mul3A_745 = arith.mulf %get3A_620, %get3A_744 : vector<16xf32>
        %add3A_746 = arith.addf %add3A_550, %mul3A_745 : vector<16xf32>
        %get3A_747 = arith.constant 0 : i32
        %get3A_748 = arith.constant 0 : i32
        %get3A_749 = tpu.memref_slice %arg10[%scan3A_188, %get3A_747, %get3A_748] : memref<2x336x128xf32, #tpu.memory_space<vmem>> -> memref<1x336x128xf32, #tpu.memory_space<vmem>>
        %get3A_750 = tpu.memref_squeeze %get3A_749 : memref<1x336x128xf32, #tpu.memory_space<vmem>> -> memref<336x128xf32, #tpu.memory_space<vmem>>
        %get3A_751 = arith.index_cast %add3A_231 : i32 to index
        %get3A_752 = arith.constant 32 : index
        %get3A_753 = tpu.vector_load %get3A_750[%get3A_751, %get3A_752] {strides = array<i32>} : memref<336x128xf32, #tpu.memory_space<vmem>>, vector<16xf32>,
        %mul3A_754 = arith.mulf %get3A_620, %get3A_753 : vector<16xf32>
        %add3A_755 = arith.addf %add3A_559, %mul3A_754 : vector<16xf32>
        %get3A_756 = arith.constant 0 : i32
        %get3A_757 = arith.constant 0 : i32
        %get3A_758 = tpu.memref_slice %arg10[%scan3A_188, %get3A_756, %get3A_757] : memref<2x336x128xf32, #tpu.memory_space<vmem>> -> memref<1x336x128xf32, #tpu.memory_space<vmem>>
        %get3A_759 = tpu.memref_squeeze %get3A_758 : memref<1x336x128xf32, #tpu.memory_space<vmem>> -> memref<336x128xf32, #tpu.memory_space<vmem>>
        %get3A_760 = arith.index_cast %add3A_233 : i32 to index
        %get3A_761 = arith.constant 32 : index
        %get3A_762 = tpu.vector_load %get3A_759[%get3A_760, %get3A_761] {strides = array<i32>} : memref<336x128xf32, #tpu.memory_space<vmem>>, vector<16xf32>,
        %mul3A_763 = arith.mulf %get3A_620, %get3A_762 : vector<16xf32>
        %add3A_764 = arith.addf %add3A_568, %mul3A_763 : vector<16xf32>
        %get3A_765 = arith.constant 0 : i32
        %get3A_766 = arith.constant 0 : i32
        %get3A_767 = tpu.memref_slice %arg10[%scan3A_188, %get3A_765, %get3A_766] : memref<2x336x128xf32, #tpu.memory_space<vmem>> -> memref<1x336x128xf32, #tpu.memory_space<vmem>>
        %get3A_768 = tpu.memref_squeeze %get3A_767 : memref<1x336x128xf32, #tpu.memory_space<vmem>> -> memref<336x128xf32, #tpu.memory_space<vmem>>
        %get3A_769 = arith.index_cast %add3A_235 : i32 to index
        %get3A_770 = arith.constant 32 : index
        %get3A_771 = tpu.vector_load %get3A_768[%get3A_769, %get3A_770] {strides = array<i32>} : memref<336x128xf32, #tpu.memory_space<vmem>>, vector<16xf32>,
        %mul3A_772 = arith.mulf %get3A_620, %get3A_771 : vector<16xf32>
        %add3A_773 = arith.addf %add3A_577, %mul3A_772 : vector<16xf32>
        %get3A_774 = arith.constant 0 : i32
        %get3A_775 = arith.constant 0 : i32
        %get3A_776 = tpu.memref_slice %arg10[%scan3A_188, %get3A_774, %get3A_775] : memref<2x336x128xf32, #tpu.memory_space<vmem>> -> memref<1x336x128xf32, #tpu.memory_space<vmem>>
        %get3A_777 = tpu.memref_squeeze %get3A_776 : memref<1x336x128xf32, #tpu.memory_space<vmem>> -> memref<336x128xf32, #tpu.memory_space<vmem>>
        %get3A_778 = arith.index_cast %add3A_237 : i32 to index
        %get3A_779 = arith.constant 32 : index
        %get3A_780 = tpu.vector_load %get3A_777[%get3A_778, %get3A_779] {strides = array<i32>} : memref<336x128xf32, #tpu.memory_space<vmem>>, vector<16xf32>,
        %mul3A_781 = arith.mulf %get3A_620, %get3A_780 : vector<16xf32>
        %add3A_782 = arith.addf %add3A_586, %mul3A_781 : vector<16xf32>
        %get3A_783 = arith.constant 0 : i32
        %get3A_784 = arith.constant 0 : i32
        %get3A_785 = tpu.memref_slice %arg10[%scan3A_188, %get3A_783, %get3A_784] : memref<2x336x128xf32, #tpu.memory_space<vmem>> -> memref<1x336x128xf32, #tpu.memory_space<vmem>>
        %get3A_786 = tpu.memref_squeeze %get3A_785 : memref<1x336x128xf32, #tpu.memory_space<vmem>> -> memref<336x128xf32, #tpu.memory_space<vmem>>
        %get3A_787 = arith.index_cast %add3A_239 : i32 to index
        %get3A_788 = arith.constant 32 : index
        %get3A_789 = tpu.vector_load %get3A_786[%get3A_787, %get3A_788] {strides = array<i32>} : memref<336x128xf32, #tpu.memory_space<vmem>>, vector<16xf32>,
        %mul3A_790 = arith.mulf %get3A_620, %get3A_789 : vector<16xf32>
        %add3A_791 = arith.addf %add3A_595, %mul3A_790 : vector<16xf32>
        %get3A_792 = arith.constant 0 : i32
        %get3A_793 = arith.constant 0 : i32
        %get3A_794 = tpu.memref_slice %arg10[%scan3A_188, %get3A_792, %get3A_793] : memref<2x336x128xf32, #tpu.memory_space<vmem>> -> memref<1x336x128xf32, #tpu.memory_space<vmem>>
        %get3A_795 = tpu.memref_squeeze %get3A_794 : memref<1x336x128xf32, #tpu.memory_space<vmem>> -> memref<336x128xf32, #tpu.memory_space<vmem>>
        %get3A_796 = arith.index_cast %add3A_241 : i32 to index
        %get3A_797 = arith.constant 32 : index
        %get3A_798 = tpu.vector_load %get3A_795[%get3A_796, %get3A_797] {strides = array<i32>} : memref<336x128xf32, #tpu.memory_space<vmem>>, vector<16xf32>,
        %mul3A_799 = arith.mulf %get3A_620, %get3A_798 : vector<16xf32>
        %add3A_800 = arith.addf %add3A_604, %mul3A_799 : vector<16xf32>
        %get3A_801 = arith.constant 0 : i32
        %get3A_802 = arith.constant 0 : i32
        %get3A_803 = tpu.memref_slice %arg10[%scan3A_188, %get3A_801, %get3A_802] : memref<2x336x128xf32, #tpu.memory_space<vmem>> -> memref<1x336x128xf32, #tpu.memory_space<vmem>>
        %get3A_804 = tpu.memref_squeeze %get3A_803 : memref<1x336x128xf32, #tpu.memory_space<vmem>> -> memref<336x128xf32, #tpu.memory_space<vmem>>
        %get3A_805 = arith.index_cast %add3A_243 : i32 to index
        %get3A_806 = arith.constant 32 : index
        %get3A_807 = tpu.vector_load %get3A_804[%get3A_805, %get3A_806] {strides = array<i32>} : memref<336x128xf32, #tpu.memory_space<vmem>>, vector<16xf32>,
        %mul3A_808 = arith.mulf %get3A_620, %get3A_807 : vector<16xf32>
        %add3A_809 = arith.addf %add3A_613, %mul3A_808 : vector<16xf32>
        %get3A_810 = arith.constant 0 : i32
        %get3A_811 = arith.constant 0 : i32
        %get3A_812 = tpu.memref_slice %arg9[%scan3A_187, %get3A_810, %get3A_811] : memref<2x16x128xf32, #tpu.memory_space<vmem>> -> memref<1x16x128xf32, #tpu.memory_space<vmem>>
        %get3A_813 = tpu.memref_squeeze %get3A_812 : memref<1x16x128xf32, #tpu.memory_space<vmem>> -> memref<16x128xf32, #tpu.memory_space<vmem>>
        %get3A_814 = arith.index_cast %scan3A_194 : i32 to index
        %get3A_815 = arith.constant 48 : index
        %get3A_816 = tpu.vector_load %get3A_813[%get3A_814, %get3A_815] {strides = array<i32>} : memref<16x128xf32, #tpu.memory_space<vmem>>, vector<16xf32>,
        %get3A_817 = arith.constant 0 : i32
        %get3A_818 = arith.constant 0 : i32
        %get3A_819 = tpu.memref_slice %arg10[%scan3A_188, %get3A_817, %get3A_818] : memref<2x336x128xf32, #tpu.memory_space<vmem>> -> memref<1x336x128xf32, #tpu.memory_space<vmem>>
        %get3A_820 = tpu.memref_squeeze %get3A_819 : memref<1x336x128xf32, #tpu.memory_space<vmem>> -> memref<336x128xf32, #tpu.memory_space<vmem>>
        %get3A_821 = arith.index_cast %scan3A_194 : i32 to index
        %get3A_822 = arith.constant 48 : index
        %get3A_823 = tpu.vector_load %get3A_820[%get3A_821, %get3A_822] {strides = array<i32>} : memref<336x128xf32, #tpu.memory_space<vmem>>, vector<16xf32>,
        %mul3A_824 = arith.mulf %get3A_816, %get3A_823 : vector<16xf32>
        %add3A_825 = arith.addf %add3A_629, %mul3A_824 : vector<16xf32>
        %get3A_826 = arith.constant 0 : i32
        %get3A_827 = arith.constant 0 : i32
        %get3A_828 = tpu.memref_slice %arg10[%scan3A_188, %get3A_826, %get3A_827] : memref<2x336x128xf32, #tpu.memory_space<vmem>> -> memref<1x336x128xf32, #tpu.memory_space<vmem>>
        %get3A_829 = tpu.memref_squeeze %get3A_828 : memref<1x336x128xf32, #tpu.memory_space<vmem>> -> memref<336x128xf32, #tpu.memory_space<vmem>>
        %get3A_830 = arith.index_cast %add3A_205 : i32 to index
        %get3A_831 = arith.constant 48 : index
        %get3A_832 = tpu.vector_load %get3A_829[%get3A_830, %get3A_831] {strides = array<i32>} : memref<336x128xf32, #tpu.memory_space<vmem>>, vector<16xf32>,
        %mul3A_833 = arith.mulf %get3A_816, %get3A_832 : vector<16xf32>
        %add3A_834 = arith.addf %add3A_638, %mul3A_833 : vector<16xf32>
        %get3A_835 = arith.constant 0 : i32
        %get3A_836 = arith.constant 0 : i32
        %get3A_837 = tpu.memref_slice %arg10[%scan3A_188, %get3A_835, %get3A_836] : memref<2x336x128xf32, #tpu.memory_space<vmem>> -> memref<1x336x128xf32, #tpu.memory_space<vmem>>
        %get3A_838 = tpu.memref_squeeze %get3A_837 : memref<1x336x128xf32, #tpu.memory_space<vmem>> -> memref<336x128xf32, #tpu.memory_space<vmem>>
        %get3A_839 = arith.index_cast %add3A_207 : i32 to index
        %get3A_840 = arith.constant 48 : index
        %get3A_841 = tpu.vector_load %get3A_838[%get3A_839, %get3A_840] {strides = array<i32>} : memref<336x128xf32, #tpu.memory_space<vmem>>, vector<16xf32>,
        %mul3A_842 = arith.mulf %get3A_816, %get3A_841 : vector<16xf32>
        %add3A_843 = arith.addf %add3A_647, %mul3A_842 : vector<16xf32>
        %get3A_844 = arith.constant 0 : i32
        %get3A_845 = arith.constant 0 : i32
        %get3A_846 = tpu.memref_slice %arg10[%scan3A_188, %get3A_844, %get3A_845] : memref<2x336x128xf32, #tpu.memory_space<vmem>> -> memref<1x336x128xf32, #tpu.memory_space<vmem>>
        %get3A_847 = tpu.memref_squeeze %get3A_846 : memref<1x336x128xf32, #tpu.memory_space<vmem>> -> memref<336x128xf32, #tpu.memory_space<vmem>>
        %get3A_848 = arith.index_cast %add3A_209 : i32 to index
        %get3A_849 = arith.constant 48 : index
        %get3A_850 = tpu.vector_load %get3A_847[%get3A_848, %get3A_849] {strides = array<i32>} : memref<336x128xf32, #tpu.memory_space<vmem>>, vector<16xf32>,
        %mul3A_851 = arith.mulf %get3A_816, %get3A_850 : vector<16xf32>
        %add3A_852 = arith.addf %add3A_656, %mul3A_851 : vector<16xf32>
        %get3A_853 = arith.constant 0 : i32
        %get3A_854 = arith.constant 0 : i32
        %get3A_855 = tpu.memref_slice %arg10[%scan3A_188, %get3A_853, %get3A_854] : memref<2x336x128xf32, #tpu.memory_space<vmem>> -> memref<1x336x128xf32, #tpu.memory_space<vmem>>
        %get3A_856 = tpu.memref_squeeze %get3A_855 : memref<1x336x128xf32, #tpu.memory_space<vmem>> -> memref<336x128xf32, #tpu.memory_space<vmem>>
        %get3A_857 = arith.index_cast %add3A_211 : i32 to index
        %get3A_858 = arith.constant 48 : index
        %get3A_859 = tpu.vector_load %get3A_856[%get3A_857, %get3A_858] {strides = array<i32>} : memref<336x128xf32, #tpu.memory_space<vmem>>, vector<16xf32>,
        %mul3A_860 = arith.mulf %get3A_816, %get3A_859 : vector<16xf32>
        %add3A_861 = arith.addf %add3A_665, %mul3A_860 : vector<16xf32>
        %get3A_862 = arith.constant 0 : i32
        %get3A_863 = arith.constant 0 : i32
        %get3A_864 = tpu.memref_slice %arg10[%scan3A_188, %get3A_862, %get3A_863] : memref<2x336x128xf32, #tpu.memory_space<vmem>> -> memref<1x336x128xf32, #tpu.memory_space<vmem>>
        %get3A_865 = tpu.memref_squeeze %get3A_864 : memref<1x336x128xf32, #tpu.memory_space<vmem>> -> memref<336x128xf32, #tpu.memory_space<vmem>>
        %get3A_866 = arith.index_cast %add3A_213 : i32 to index
        %get3A_867 = arith.constant 48 : index
        %get3A_868 = tpu.vector_load %get3A_865[%get3A_866, %get3A_867] {strides = array<i32>} : memref<336x128xf32, #tpu.memory_space<vmem>>, vector<16xf32>,
        %mul3A_869 = arith.mulf %get3A_816, %get3A_868 : vector<16xf32>
        %add3A_870 = arith.addf %add3A_674, %mul3A_869 : vector<16xf32>
        %get3A_871 = arith.constant 0 : i32
        %get3A_872 = arith.constant 0 : i32
        %get3A_873 = tpu.memref_slice %arg10[%scan3A_188, %get3A_871, %get3A_872] : memref<2x336x128xf32, #tpu.memory_space<vmem>> -> memref<1x336x128xf32, #tpu.memory_space<vmem>>
        %get3A_874 = tpu.memref_squeeze %get3A_873 : memref<1x336x128xf32, #tpu.memory_space<vmem>> -> memref<336x128xf32, #tpu.memory_space<vmem>>
        %get3A_875 = arith.index_cast %add3A_215 : i32 to index
        %get3A_876 = arith.constant 48 : index
        %get3A_877 = tpu.vector_load %get3A_874[%get3A_875, %get3A_876] {strides = array<i32>} : memref<336x128xf32, #tpu.memory_space<vmem>>, vector<16xf32>,
        %mul3A_878 = arith.mulf %get3A_816, %get3A_877 : vector<16xf32>
        %add3A_879 = arith.addf %add3A_683, %mul3A_878 : vector<16xf32>
        %get3A_880 = arith.constant 0 : i32
        %get3A_881 = arith.constant 0 : i32
        %get3A_882 = tpu.memref_slice %arg10[%scan3A_188, %get3A_880, %get3A_881] : memref<2x336x128xf32, #tpu.memory_space<vmem>> -> memref<1x336x128xf32, #tpu.memory_space<vmem>>
        %get3A_883 = tpu.memref_squeeze %get3A_882 : memref<1x336x128xf32, #tpu.memory_space<vmem>> -> memref<336x128xf32, #tpu.memory_space<vmem>>
        %get3A_884 = arith.index_cast %add3A_217 : i32 to index
        %get3A_885 = arith.constant 48 : index
        %get3A_886 = tpu.vector_load %get3A_883[%get3A_884, %get3A_885] {strides = array<i32>} : memref<336x128xf32, #tpu.memory_space<vmem>>, vector<16xf32>,
        %mul3A_887 = arith.mulf %get3A_816, %get3A_886 : vector<16xf32>
        %add3A_888 = arith.addf %add3A_692, %mul3A_887 : vector<16xf32>
        %get3A_889 = arith.constant 0 : i32
        %get3A_890 = arith.constant 0 : i32
        %get3A_891 = tpu.memref_slice %arg10[%scan3A_188, %get3A_889, %get3A_890] : memref<2x336x128xf32, #tpu.memory_space<vmem>> -> memref<1x336x128xf32, #tpu.memory_space<vmem>>
        %get3A_892 = tpu.memref_squeeze %get3A_891 : memref<1x336x128xf32, #tpu.memory_space<vmem>> -> memref<336x128xf32, #tpu.memory_space<vmem>>
        %get3A_893 = arith.index_cast %add3A_219 : i32 to index
        %get3A_894 = arith.constant 48 : index
        %get3A_895 = tpu.vector_load %get3A_892[%get3A_893, %get3A_894] {strides = array<i32>} : memref<336x128xf32, #tpu.memory_space<vmem>>, vector<16xf32>,
        %mul3A_896 = arith.mulf %get3A_816, %get3A_895 : vector<16xf32>
        %add3A_897 = arith.addf %add3A_701, %mul3A_896 : vector<16xf32>
        %get3A_898 = arith.constant 0 : i32
        %get3A_899 = arith.constant 0 : i32
        %get3A_900 = tpu.memref_slice %arg10[%scan3A_188, %get3A_898, %get3A_899] : memref<2x336x128xf32, #tpu.memory_space<vmem>> -> memref<1x336x128xf32, #tpu.memory_space<vmem>>
        %get3A_901 = tpu.memref_squeeze %get3A_900 : memref<1x336x128xf32, #tpu.memory_space<vmem>> -> memref<336x128xf32, #tpu.memory_space<vmem>>
        %get3A_902 = arith.index_cast %add3A_221 : i32 to index
        %get3A_903 = arith.constant 48 : index
        %get3A_904 = tpu.vector_load %get3A_901[%get3A_902, %get3A_903] {strides = array<i32>} : memref<336x128xf32, #tpu.memory_space<vmem>>, vector<16xf32>,
        %mul3A_905 = arith.mulf %get3A_816, %get3A_904 : vector<16xf32>
        %add3A_906 = arith.addf %add3A_710, %mul3A_905 : vector<16xf32>
        %get3A_907 = arith.constant 0 : i32
        %get3A_908 = arith.constant 0 : i32
        %get3A_909 = tpu.memref_slice %arg10[%scan3A_188, %get3A_907, %get3A_908] : memref<2x336x128xf32, #tpu.memory_space<vmem>> -> memref<1x336x128xf32, #tpu.memory_space<vmem>>
        %get3A_910 = tpu.memref_squeeze %get3A_909 : memref<1x336x128xf32, #tpu.memory_space<vmem>> -> memref<336x128xf32, #tpu.memory_space<vmem>>
        %get3A_911 = arith.index_cast %add3A_223 : i32 to index
        %get3A_912 = arith.constant 48 : index
        %get3A_913 = tpu.vector_load %get3A_910[%get3A_911, %get3A_912] {strides = array<i32>} : memref<336x128xf32, #tpu.memory_space<vmem>>, vector<16xf32>,
        %mul3A_914 = arith.mulf %get3A_816, %get3A_913 : vector<16xf32>
        %add3A_915 = arith.addf %add3A_719, %mul3A_914 : vector<16xf32>
        %get3A_916 = arith.constant 0 : i32
        %get3A_917 = arith.constant 0 : i32
        %get3A_918 = tpu.memref_slice %arg10[%scan3A_188, %get3A_916, %get3A_917] : memref<2x336x128xf32, #tpu.memory_space<vmem>> -> memref<1x336x128xf32, #tpu.memory_space<vmem>>
        %get3A_919 = tpu.memref_squeeze %get3A_918 : memref<1x336x128xf32, #tpu.memory_space<vmem>> -> memref<336x128xf32, #tpu.memory_space<vmem>>
        %get3A_920 = arith.index_cast %add3A_225 : i32 to index
        %get3A_921 = arith.constant 48 : index
        %get3A_922 = tpu.vector_load %get3A_919[%get3A_920, %get3A_921] {strides = array<i32>} : memref<336x128xf32, #tpu.memory_space<vmem>>, vector<16xf32>,
        %mul3A_923 = arith.mulf %get3A_816, %get3A_922 : vector<16xf32>
        %add3A_924 = arith.addf %add3A_728, %mul3A_923 : vector<16xf32>
        %get3A_925 = arith.constant 0 : i32
        %get3A_926 = arith.constant 0 : i32
        %get3A_927 = tpu.memref_slice %arg10[%scan3A_188, %get3A_925, %get3A_926] : memref<2x336x128xf32, #tpu.memory_space<vmem>> -> memref<1x336x128xf32, #tpu.memory_space<vmem>>
        %get3A_928 = tpu.memref_squeeze %get3A_927 : memref<1x336x128xf32, #tpu.memory_space<vmem>> -> memref<336x128xf32, #tpu.memory_space<vmem>>
        %get3A_929 = arith.index_cast %add3A_227 : i32 to index
        %get3A_930 = arith.constant 48 : index
        %get3A_931 = tpu.vector_load %get3A_928[%get3A_929, %get3A_930] {strides = array<i32>} : memref<336x128xf32, #tpu.memory_space<vmem>>, vector<16xf32>,
        %mul3A_932 = arith.mulf %get3A_816, %get3A_931 : vector<16xf32>
        %add3A_933 = arith.addf %add3A_737, %mul3A_932 : vector<16xf32>
        %get3A_934 = arith.constant 0 : i32
        %get3A_935 = arith.constant 0 : i32
        %get3A_936 = tpu.memref_slice %arg10[%scan3A_188, %get3A_934, %get3A_935] : memref<2x336x128xf32, #tpu.memory_space<vmem>> -> memref<1x336x128xf32, #tpu.memory_space<vmem>>
        %get3A_937 = tpu.memref_squeeze %get3A_936 : memref<1x336x128xf32, #tpu.memory_space<vmem>> -> memref<336x128xf32, #tpu.memory_space<vmem>>
        %get3A_938 = arith.index_cast %add3A_229 : i32 to index
        %get3A_939 = arith.constant 48 : index
        %get3A_940 = tpu.vector_load %get3A_937[%get3A_938, %get3A_939] {strides = array<i32>} : memref<336x128xf32, #tpu.memory_space<vmem>>, vector<16xf32>,
        %mul3A_941 = arith.mulf %get3A_816, %get3A_940 : vector<16xf32>
        %add3A_942 = arith.addf %add3A_746, %mul3A_941 : vector<16xf32>
        %get3A_943 = arith.constant 0 : i32
        %get3A_944 = arith.constant 0 : i32
        %get3A_945 = tpu.memref_slice %arg10[%scan3A_188, %get3A_943, %get3A_944] : memref<2x336x128xf32, #tpu.memory_space<vmem>> -> memref<1x336x128xf32, #tpu.memory_space<vmem>>
        %get3A_946 = tpu.memref_squeeze %get3A_945 : memref<1x336x128xf32, #tpu.memory_space<vmem>> -> memref<336x128xf32, #tpu.memory_space<vmem>>
        %get3A_947 = arith.index_cast %add3A_231 : i32 to index
        %get3A_948 = arith.constant 48 : index
        %get3A_949 = tpu.vector_load %get3A_946[%get3A_947, %get3A_948] {strides = array<i32>} : memref<336x128xf32, #tpu.memory_space<vmem>>, vector<16xf32>,
        %mul3A_950 = arith.mulf %get3A_816, %get3A_949 : vector<16xf32>
        %add3A_951 = arith.addf %add3A_755, %mul3A_950 : vector<16xf32>
        %get3A_952 = arith.constant 0 : i32
        %get3A_953 = arith.constant 0 : i32
        %get3A_954 = tpu.memref_slice %arg10[%scan3A_188, %get3A_952, %get3A_953] : memref<2x336x128xf32, #tpu.memory_space<vmem>> -> memref<1x336x128xf32, #tpu.memory_space<vmem>>
        %get3A_955 = tpu.memref_squeeze %get3A_954 : memref<1x336x128xf32, #tpu.memory_space<vmem>> -> memref<336x128xf32, #tpu.memory_space<vmem>>
        %get3A_956 = arith.index_cast %add3A_233 : i32 to index
        %get3A_957 = arith.constant 48 : index
        %get3A_958 = tpu.vector_load %get3A_955[%get3A_956, %get3A_957] {strides = array<i32>} : memref<336x128xf32, #tpu.memory_space<vmem>>, vector<16xf32>,
        %mul3A_959 = arith.mulf %get3A_816, %get3A_958 : vector<16xf32>
        %add3A_960 = arith.addf %add3A_764, %mul3A_959 : vector<16xf32>
        %get3A_961 = arith.constant 0 : i32
        %get3A_962 = arith.constant 0 : i32
        %get3A_963 = tpu.memref_slice %arg10[%scan3A_188, %get3A_961, %get3A_962] : memref<2x336x128xf32, #tpu.memory_space<vmem>> -> memref<1x336x128xf32, #tpu.memory_space<vmem>>
        %get3A_964 = tpu.memref_squeeze %get3A_963 : memref<1x336x128xf32, #tpu.memory_space<vmem>> -> memref<336x128xf32, #tpu.memory_space<vmem>>
        %get3A_965 = arith.index_cast %add3A_235 : i32 to index
        %get3A_966 = arith.constant 48 : index
        %get3A_967 = tpu.vector_load %get3A_964[%get3A_965, %get3A_966] {strides = array<i32>} : memref<336x128xf32, #tpu.memory_space<vmem>>, vector<16xf32>,
        %mul3A_968 = arith.mulf %get3A_816, %get3A_967 : vector<16xf32>
        %add3A_969 = arith.addf %add3A_773, %mul3A_968 : vector<16xf32>
        %get3A_970 = arith.constant 0 : i32
        %get3A_971 = arith.constant 0 : i32
        %get3A_972 = tpu.memref_slice %arg10[%scan3A_188, %get3A_970, %get3A_971] : memref<2x336x128xf32, #tpu.memory_space<vmem>> -> memref<1x336x128xf32, #tpu.memory_space<vmem>>
        %get3A_973 = tpu.memref_squeeze %get3A_972 : memref<1x336x128xf32, #tpu.memory_space<vmem>> -> memref<336x128xf32, #tpu.memory_space<vmem>>
        %get3A_974 = arith.index_cast %add3A_237 : i32 to index
        %get3A_975 = arith.constant 48 : index
        %get3A_976 = tpu.vector_load %get3A_973[%get3A_974, %get3A_975] {strides = array<i32>} : memref<336x128xf32, #tpu.memory_space<vmem>>, vector<16xf32>,
        %mul3A_977 = arith.mulf %get3A_816, %get3A_976 : vector<16xf32>
        %add3A_978 = arith.addf %add3A_782, %mul3A_977 : vector<16xf32>
        %get3A_979 = arith.constant 0 : i32
        %get3A_980 = arith.constant 0 : i32
        %get3A_981 = tpu.memref_slice %arg10[%scan3A_188, %get3A_979, %get3A_980] : memref<2x336x128xf32, #tpu.memory_space<vmem>> -> memref<1x336x128xf32, #tpu.memory_space<vmem>>
        %get3A_982 = tpu.memref_squeeze %get3A_981 : memref<1x336x128xf32, #tpu.memory_space<vmem>> -> memref<336x128xf32, #tpu.memory_space<vmem>>
        %get3A_983 = arith.index_cast %add3A_239 : i32 to index
        %get3A_984 = arith.constant 48 : index
        %get3A_985 = tpu.vector_load %get3A_982[%get3A_983, %get3A_984] {strides = array<i32>} : memref<336x128xf32, #tpu.memory_space<vmem>>, vector<16xf32>,
        %mul3A_986 = arith.mulf %get3A_816, %get3A_985 : vector<16xf32>
        %add3A_987 = arith.addf %add3A_791, %mul3A_986 : vector<16xf32>
        %get3A_988 = arith.constant 0 : i32
        %get3A_989 = arith.constant 0 : i32
        %get3A_990 = tpu.memref_slice %arg10[%scan3A_188, %get3A_988, %get3A_989] : memref<2x336x128xf32, #tpu.memory_space<vmem>> -> memref<1x336x128xf32, #tpu.memory_space<vmem>>
        %get3A_991 = tpu.memref_squeeze %get3A_990 : memref<1x336x128xf32, #tpu.memory_space<vmem>> -> memref<336x128xf32, #tpu.memory_space<vmem>>
        %get3A_992 = arith.index_cast %add3A_241 : i32 to index
        %get3A_993 = arith.constant 48 : index
        %get3A_994 = tpu.vector_load %get3A_991[%get3A_992, %get3A_993] {strides = array<i32>} : memref<336x128xf32, #tpu.memory_space<vmem>>, vector<16xf32>,
        %mul3A_995 = arith.mulf %get3A_816, %get3A_994 : vector<16xf32>
        %add3A_996 = arith.addf %add3A_800, %mul3A_995 : vector<16xf32>
        %get3A_997 = arith.constant 0 : i32
        %get3A_998 = arith.constant 0 : i32
        %get3A_999 = tpu.memref_slice %arg10[%scan3A_188, %get3A_997, %get3A_998] : memref<2x336x128xf32, #tpu.memory_space<vmem>> -> memref<1x336x128xf32, #tpu.memory_space<vmem>>
        %get3A_1000 = tpu.memref_squeeze %get3A_999 : memref<1x336x128xf32, #tpu.memory_space<vmem>> -> memref<336x128xf32, #tpu.memory_space<vmem>>
        %get3A_1001 = arith.index_cast %add3A_243 : i32 to index
        %get3A_1002 = arith.constant 48 : index
        %get3A_1003 = tpu.vector_load %get3A_1000[%get3A_1001, %get3A_1002] {strides = array<i32>} : memref<336x128xf32, #tpu.memory_space<vmem>>, vector<16xf32>,
        %mul3A_1004 = arith.mulf %get3A_816, %get3A_1003 : vector<16xf32>
        %add3A_1005 = arith.addf %add3A_809, %mul3A_1004 : vector<16xf32>
        %get3A_1006 = arith.constant 0 : i32
        %get3A_1007 = arith.constant 0 : i32
        %get3A_1008 = tpu.memref_slice %arg9[%scan3A_187, %get3A_1006, %get3A_1007] : memref<2x16x128xf32, #tpu.memory_space<vmem>> -> memref<1x16x128xf32, #tpu.memory_space<vmem>>
        %get3A_1009 = tpu.memref_squeeze %get3A_1008 : memref<1x16x128xf32, #tpu.memory_space<vmem>> -> memref<16x128xf32, #tpu.memory_space<vmem>>
        %get3A_1010 = arith.index_cast %scan3A_194 : i32 to index
        %get3A_1011 = arith.constant 64 : index
        %get3A_1012 = tpu.vector_load %get3A_1009[%get3A_1010, %get3A_1011] {strides = array<i32>} : memref<16x128xf32, #tpu.memory_space<vmem>>, vector<16xf32>,
        %get3A_1013 = arith.constant 0 : i32
        %get3A_1014 = arith.constant 0 : i32
        %get3A_1015 = tpu.memref_slice %arg10[%scan3A_188, %get3A_1013, %get3A_1014] : memref<2x336x128xf32, #tpu.memory_space<vmem>> -> memref<1x336x128xf32, #tpu.memory_space<vmem>>
        %get3A_1016 = tpu.memref_squeeze %get3A_1015 : memref<1x336x128xf32, #tpu.memory_space<vmem>> -> memref<336x128xf32, #tpu.memory_space<vmem>>
        %get3A_1017 = arith.index_cast %scan3A_194 : i32 to index
        %get3A_1018 = arith.constant 64 : index
        %get3A_1019 = tpu.vector_load %get3A_1016[%get3A_1017, %get3A_1018] {strides = array<i32>} : memref<336x128xf32, #tpu.memory_space<vmem>>, vector<16xf32>,
        %mul3A_1020 = arith.mulf %get3A_1012, %get3A_1019 : vector<16xf32>
        %add3A_1021 = arith.addf %add3A_825, %mul3A_1020 : vector<16xf32>
        %get3A_1022 = arith.constant 0 : i32
        %get3A_1023 = arith.constant 0 : i32
        %get3A_1024 = tpu.memref_slice %arg10[%scan3A_188, %get3A_1022, %get3A_1023] : memref<2x336x128xf32, #tpu.memory_space<vmem>> -> memref<1x336x128xf32, #tpu.memory_space<vmem>>
        %get3A_1025 = tpu.memref_squeeze %get3A_1024 : memref<1x336x128xf32, #tpu.memory_space<vmem>> -> memref<336x128xf32, #tpu.memory_space<vmem>>
        %get3A_1026 = arith.index_cast %add3A_205 : i32 to index
        %get3A_1027 = arith.constant 64 : index
        %get3A_1028 = tpu.vector_load %get3A_1025[%get3A_1026, %get3A_1027] {strides = array<i32>} : memref<336x128xf32, #tpu.memory_space<vmem>>, vector<16xf32>,
        %mul3A_1029 = arith.mulf %get3A_1012, %get3A_1028 : vector<16xf32>
        %add3A_1030 = arith.addf %add3A_834, %mul3A_1029 : vector<16xf32>
        %get3A_1031 = arith.constant 0 : i32
        %get3A_1032 = arith.constant 0 : i32
        %get3A_1033 = tpu.memref_slice %arg10[%scan3A_188, %get3A_1031, %get3A_1032] : memref<2x336x128xf32, #tpu.memory_space<vmem>> -> memref<1x336x128xf32, #tpu.memory_space<vmem>>
        %get3A_1034 = tpu.memref_squeeze %get3A_1033 : memref<1x336x128xf32, #tpu.memory_space<vmem>> -> memref<336x128xf32, #tpu.memory_space<vmem>>
        %get3A_1035 = arith.index_cast %add3A_207 : i32 to index
        %get3A_1036 = arith.constant 64 : index
        %get3A_1037 = tpu.vector_load %get3A_1034[%get3A_1035, %get3A_1036] {strides = array<i32>} : memref<336x128xf32, #tpu.memory_space<vmem>>, vector<16xf32>,
        %mul3A_1038 = arith.mulf %get3A_1012, %get3A_1037 : vector<16xf32>
        %add3A_1039 = arith.addf %add3A_843, %mul3A_1038 : vector<16xf32>
        %get3A_1040 = arith.constant 0 : i32
        %get3A_1041 = arith.constant 0 : i32
        %get3A_1042 = tpu.memref_slice %arg10[%scan3A_188, %get3A_1040, %get3A_1041] : memref<2x336x128xf32, #tpu.memory_space<vmem>> -> memref<1x336x128xf32, #tpu.memory_space<vmem>>
        %get3A_1043 = tpu.memref_squeeze %get3A_1042 : memref<1x336x128xf32, #tpu.memory_space<vmem>> -> memref<336x128xf32, #tpu.memory_space<vmem>>
        %get3A_1044 = arith.index_cast %add3A_209 : i32 to index
        %get3A_1045 = arith.constant 64 : index
        %get3A_1046 = tpu.vector_load %get3A_1043[%get3A_1044, %get3A_1045] {strides = array<i32>} : memref<336x128xf32, #tpu.memory_space<vmem>>, vector<16xf32>,
        %mul3A_1047 = arith.mulf %get3A_1012, %get3A_1046 : vector<16xf32>
        %add3A_1048 = arith.addf %add3A_852, %mul3A_1047 : vector<16xf32>
        %get3A_1049 = arith.constant 0 : i32
        %get3A_1050 = arith.constant 0 : i32
        %get3A_1051 = tpu.memref_slice %arg10[%scan3A_188, %get3A_1049, %get3A_1050] : memref<2x336x128xf32, #tpu.memory_space<vmem>> -> memref<1x336x128xf32, #tpu.memory_space<vmem>>
        %get3A_1052 = tpu.memref_squeeze %get3A_1051 : memref<1x336x128xf32, #tpu.memory_space<vmem>> -> memref<336x128xf32, #tpu.memory_space<vmem>>
        %get3A_1053 = arith.index_cast %add3A_211 : i32 to index
        %get3A_1054 = arith.constant 64 : index
        %get3A_1055 = tpu.vector_load %get3A_1052[%get3A_1053, %get3A_1054] {strides = array<i32>} : memref<336x128xf32, #tpu.memory_space<vmem>>, vector<16xf32>,
        %mul3A_1056 = arith.mulf %get3A_1012, %get3A_1055 : vector<16xf32>
        %add3A_1057 = arith.addf %add3A_861, %mul3A_1056 : vector<16xf32>
        %get3A_1058 = arith.constant 0 : i32
        %get3A_1059 = arith.constant 0 : i32
        %get3A_1060 = tpu.memref_slice %arg10[%scan3A_188, %get3A_1058, %get3A_1059] : memref<2x336x128xf32, #tpu.memory_space<vmem>> -> memref<1x336x128xf32, #tpu.memory_space<vmem>>
        %get3A_1061 = tpu.memref_squeeze %get3A_1060 : memref<1x336x128xf32, #tpu.memory_space<vmem>> -> memref<336x128xf32, #tpu.memory_space<vmem>>
        %get3A_1062 = arith.index_cast %add3A_213 : i32 to index
        %get3A_1063 = arith.constant 64 : index
        %get3A_1064 = tpu.vector_load %get3A_1061[%get3A_1062, %get3A_1063] {strides = array<i32>} : memref<336x128xf32, #tpu.memory_space<vmem>>, vector<16xf32>,
        %mul3A_1065 = arith.mulf %get3A_1012, %get3A_1064 : vector<16xf32>
        %add3A_1066 = arith.addf %add3A_870, %mul3A_1065 : vector<16xf32>
        %get3A_1067 = arith.constant 0 : i32
        %get3A_1068 = arith.constant 0 : i32
        %get3A_1069 = tpu.memref_slice %arg10[%scan3A_188, %get3A_1067, %get3A_1068] : memref<2x336x128xf32, #tpu.memory_space<vmem>> -> memref<1x336x128xf32, #tpu.memory_space<vmem>>
        %get3A_1070 = tpu.memref_squeeze %get3A_1069 : memref<1x336x128xf32, #tpu.memory_space<vmem>> -> memref<336x128xf32, #tpu.memory_space<vmem>>
        %get3A_1071 = arith.index_cast %add3A_215 : i32 to index
        %get3A_1072 = arith.constant 64 : index
        %get3A_1073 = tpu.vector_load %get3A_1070[%get3A_1071, %get3A_1072] {strides = array<i32>} : memref<336x128xf32, #tpu.memory_space<vmem>>, vector<16xf32>,
        %mul3A_1074 = arith.mulf %get3A_1012, %get3A_1073 : vector<16xf32>
        %add3A_1075 = arith.addf %add3A_879, %mul3A_1074 : vector<16xf32>
        %get3A_1076 = arith.constant 0 : i32
        %get3A_1077 = arith.constant 0 : i32
        %get3A_1078 = tpu.memref_slice %arg10[%scan3A_188, %get3A_1076, %get3A_1077] : memref<2x336x128xf32, #tpu.memory_space<vmem>> -> memref<1x336x128xf32, #tpu.memory_space<vmem>>
        %get3A_1079 = tpu.memref_squeeze %get3A_1078 : memref<1x336x128xf32, #tpu.memory_space<vmem>> -> memref<336x128xf32, #tpu.memory_space<vmem>>
        %get3A_1080 = arith.index_cast %add3A_217 : i32 to index
        %get3A_1081 = arith.constant 64 : index
        %get3A_1082 = tpu.vector_load %get3A_1079[%get3A_1080, %get3A_1081] {strides = array<i32>} : memref<336x128xf32, #tpu.memory_space<vmem>>, vector<16xf32>,
        %mul3A_1083 = arith.mulf %get3A_1012, %get3A_1082 : vector<16xf32>
        %add3A_1084 = arith.addf %add3A_888, %mul3A_1083 : vector<16xf32>
        %get3A_1085 = arith.constant 0 : i32
        %get3A_1086 = arith.constant 0 : i32
        %get3A_1087 = tpu.memref_slice %arg10[%scan3A_188, %get3A_1085, %get3A_1086] : memref<2x336x128xf32, #tpu.memory_space<vmem>> -> memref<1x336x128xf32, #tpu.memory_space<vmem>>
        %get3A_1088 = tpu.memref_squeeze %get3A_1087 : memref<1x336x128xf32, #tpu.memory_space<vmem>> -> memref<336x128xf32, #tpu.memory_space<vmem>>
        %get3A_1089 = arith.index_cast %add3A_219 : i32 to index
        %get3A_1090 = arith.constant 64 : index
        %get3A_1091 = tpu.vector_load %get3A_1088[%get3A_1089, %get3A_1090] {strides = array<i32>} : memref<336x128xf32, #tpu.memory_space<vmem>>, vector<16xf32>,
        %mul3A_1092 = arith.mulf %get3A_1012, %get3A_1091 : vector<16xf32>
        %add3A_1093 = arith.addf %add3A_897, %mul3A_1092 : vector<16xf32>
        %get3A_1094 = arith.constant 0 : i32
        %get3A_1095 = arith.constant 0 : i32
        %get3A_1096 = tpu.memref_slice %arg10[%scan3A_188, %get3A_1094, %get3A_1095] : memref<2x336x128xf32, #tpu.memory_space<vmem>> -> memref<1x336x128xf32, #tpu.memory_space<vmem>>
        %get3A_1097 = tpu.memref_squeeze %get3A_1096 : memref<1x336x128xf32, #tpu.memory_space<vmem>> -> memref<336x128xf32, #tpu.memory_space<vmem>>
        %get3A_1098 = arith.index_cast %add3A_221 : i32 to index
        %get3A_1099 = arith.constant 64 : index
        %get3A_1100 = tpu.vector_load %get3A_1097[%get3A_1098, %get3A_1099] {strides = array<i32>} : memref<336x128xf32, #tpu.memory_space<vmem>>, vector<16xf32>,
        %mul3A_1101 = arith.mulf %get3A_1012, %get3A_1100 : vector<16xf32>
        %add3A_1102 = arith.addf %add3A_906, %mul3A_1101 : vector<16xf32>
        %get3A_1103 = arith.constant 0 : i32
        %get3A_1104 = arith.constant 0 : i32
        %get3A_1105 = tpu.memref_slice %arg10[%scan3A_188, %get3A_1103, %get3A_1104] : memref<2x336x128xf32, #tpu.memory_space<vmem>> -> memref<1x336x128xf32, #tpu.memory_space<vmem>>
        %get3A_1106 = tpu.memref_squeeze %get3A_1105 : memref<1x336x128xf32, #tpu.memory_space<vmem>> -> memref<336x128xf32, #tpu.memory_space<vmem>>
        %get3A_1107 = arith.index_cast %add3A_223 : i32 to index
        %get3A_1108 = arith.constant 64 : index
        %get3A_1109 = tpu.vector_load %get3A_1106[%get3A_1107, %get3A_1108] {strides = array<i32>} : memref<336x128xf32, #tpu.memory_space<vmem>>, vector<16xf32>,
        %mul3A_1110 = arith.mulf %get3A_1012, %get3A_1109 : vector<16xf32>
        %add3A_1111 = arith.addf %add3A_915, %mul3A_1110 : vector<16xf32>
        %get3A_1112 = arith.constant 0 : i32
        %get3A_1113 = arith.constant 0 : i32
        %get3A_1114 = tpu.memref_slice %arg10[%scan3A_188, %get3A_1112, %get3A_1113] : memref<2x336x128xf32, #tpu.memory_space<vmem>> -> memref<1x336x128xf32, #tpu.memory_space<vmem>>
        %get3A_1115 = tpu.memref_squeeze %get3A_1114 : memref<1x336x128xf32, #tpu.memory_space<vmem>> -> memref<336x128xf32, #tpu.memory_space<vmem>>
        %get3A_1116 = arith.index_cast %add3A_225 : i32 to index
        %get3A_1117 = arith.constant 64 : index
        %get3A_1118 = tpu.vector_load %get3A_1115[%get3A_1116, %get3A_1117] {strides = array<i32>} : memref<336x128xf32, #tpu.memory_space<vmem>>, vector<16xf32>,
        %mul3A_1119 = arith.mulf %get3A_1012, %get3A_1118 : vector<16xf32>
        %add3A_1120 = arith.addf %add3A_924, %mul3A_1119 : vector<16xf32>
        %get3A_1121 = arith.constant 0 : i32
        %get3A_1122 = arith.constant 0 : i32
        %get3A_1123 = tpu.memref_slice %arg10[%scan3A_188, %get3A_1121, %get3A_1122] : memref<2x336x128xf32, #tpu.memory_space<vmem>> -> memref<1x336x128xf32, #tpu.memory_space<vmem>>
        %get3A_1124 = tpu.memref_squeeze %get3A_1123 : memref<1x336x128xf32, #tpu.memory_space<vmem>> -> memref<336x128xf32, #tpu.memory_space<vmem>>
        %get3A_1125 = arith.index_cast %add3A_227 : i32 to index
        %get3A_1126 = arith.constant 64 : index
        %get3A_1127 = tpu.vector_load %get3A_1124[%get3A_1125, %get3A_1126] {strides = array<i32>} : memref<336x128xf32, #tpu.memory_space<vmem>>, vector<16xf32>,
        %mul3A_1128 = arith.mulf %get3A_1012, %get3A_1127 : vector<16xf32>
        %add3A_1129 = arith.addf %add3A_933, %mul3A_1128 : vector<16xf32>
        %get3A_1130 = arith.constant 0 : i32
        %get3A_1131 = arith.constant 0 : i32
        %get3A_1132 = tpu.memref_slice %arg10[%scan3A_188, %get3A_1130, %get3A_1131] : memref<2x336x128xf32, #tpu.memory_space<vmem>> -> memref<1x336x128xf32, #tpu.memory_space<vmem>>
        %get3A_1133 = tpu.memref_squeeze %get3A_1132 : memref<1x336x128xf32, #tpu.memory_space<vmem>> -> memref<336x128xf32, #tpu.memory_space<vmem>>
        %get3A_1134 = arith.index_cast %add3A_229 : i32 to index
        %get3A_1135 = arith.constant 64 : index
        %get3A_1136 = tpu.vector_load %get3A_1133[%get3A_1134, %get3A_1135] {strides = array<i32>} : memref<336x128xf32, #tpu.memory_space<vmem>>, vector<16xf32>,
        %mul3A_1137 = arith.mulf %get3A_1012, %get3A_1136 : vector<16xf32>
        %add3A_1138 = arith.addf %add3A_942, %mul3A_1137 : vector<16xf32>
        %get3A_1139 = arith.constant 0 : i32
        %get3A_1140 = arith.constant 0 : i32
        %get3A_1141 = tpu.memref_slice %arg10[%scan3A_188, %get3A_1139, %get3A_1140] : memref<2x336x128xf32, #tpu.memory_space<vmem>> -> memref<1x336x128xf32, #tpu.memory_space<vmem>>
        %get3A_1142 = tpu.memref_squeeze %get3A_1141 : memref<1x336x128xf32, #tpu.memory_space<vmem>> -> memref<336x128xf32, #tpu.memory_space<vmem>>
        %get3A_1143 = arith.index_cast %add3A_231 : i32 to index
        %get3A_1144 = arith.constant 64 : index
        %get3A_1145 = tpu.vector_load %get3A_1142[%get3A_1143, %get3A_1144] {strides = array<i32>} : memref<336x128xf32, #tpu.memory_space<vmem>>, vector<16xf32>,
        %mul3A_1146 = arith.mulf %get3A_1012, %get3A_1145 : vector<16xf32>
        %add3A_1147 = arith.addf %add3A_951, %mul3A_1146 : vector<16xf32>
        %get3A_1148 = arith.constant 0 : i32
        %get3A_1149 = arith.constant 0 : i32
        %get3A_1150 = tpu.memref_slice %arg10[%scan3A_188, %get3A_1148, %get3A_1149] : memref<2x336x128xf32, #tpu.memory_space<vmem>> -> memref<1x336x128xf32, #tpu.memory_space<vmem>>
        %get3A_1151 = tpu.memref_squeeze %get3A_1150 : memref<1x336x128xf32, #tpu.memory_space<vmem>> -> memref<336x128xf32, #tpu.memory_space<vmem>>
        %get3A_1152 = arith.index_cast %add3A_233 : i32 to index
        %get3A_1153 = arith.constant 64 : index
        %get3A_1154 = tpu.vector_load %get3A_1151[%get3A_1152, %get3A_1153] {strides = array<i32>} : memref<336x128xf32, #tpu.memory_space<vmem>>, vector<16xf32>,
        %mul3A_1155 = arith.mulf %get3A_1012, %get3A_1154 : vector<16xf32>
        %add3A_1156 = arith.addf %add3A_960, %mul3A_1155 : vector<16xf32>
        %get3A_1157 = arith.constant 0 : i32
        %get3A_1158 = arith.constant 0 : i32
        %get3A_1159 = tpu.memref_slice %arg10[%scan3A_188, %get3A_1157, %get3A_1158] : memref<2x336x128xf32, #tpu.memory_space<vmem>> -> memref<1x336x128xf32, #tpu.memory_space<vmem>>
        %get3A_1160 = tpu.memref_squeeze %get3A_1159 : memref<1x336x128xf32, #tpu.memory_space<vmem>> -> memref<336x128xf32, #tpu.memory_space<vmem>>
        %get3A_1161 = arith.index_cast %add3A_235 : i32 to index
        %get3A_1162 = arith.constant 64 : index
        %get3A_1163 = tpu.vector_load %get3A_1160[%get3A_1161, %get3A_1162] {strides = array<i32>} : memref<336x128xf32, #tpu.memory_space<vmem>>, vector<16xf32>,
        %mul3A_1164 = arith.mulf %get3A_1012, %get3A_1163 : vector<16xf32>
        %add3A_1165 = arith.addf %add3A_969, %mul3A_1164 : vector<16xf32>
        %get3A_1166 = arith.constant 0 : i32
        %get3A_1167 = arith.constant 0 : i32
        %get3A_1168 = tpu.memref_slice %arg10[%scan3A_188, %get3A_1166, %get3A_1167] : memref<2x336x128xf32, #tpu.memory_space<vmem>> -> memref<1x336x128xf32, #tpu.memory_space<vmem>>
        %get3A_1169 = tpu.memref_squeeze %get3A_1168 : memref<1x336x128xf32, #tpu.memory_space<vmem>> -> memref<336x128xf32, #tpu.memory_space<vmem>>
        %get3A_1170 = arith.index_cast %add3A_237 : i32 to index
        %get3A_1171 = arith.constant 64 : index
        %get3A_1172 = tpu.vector_load %get3A_1169[%get3A_1170, %get3A_1171] {strides = array<i32>} : memref<336x128xf32, #tpu.memory_space<vmem>>, vector<16xf32>,
        %mul3A_1173 = arith.mulf %get3A_1012, %get3A_1172 : vector<16xf32>
        %add3A_1174 = arith.addf %add3A_978, %mul3A_1173 : vector<16xf32>
        %get3A_1175 = arith.constant 0 : i32
        %get3A_1176 = arith.constant 0 : i32
        %get3A_1177 = tpu.memref_slice %arg10[%scan3A_188, %get3A_1175, %get3A_1176] : memref<2x336x128xf32, #tpu.memory_space<vmem>> -> memref<1x336x128xf32, #tpu.memory_space<vmem>>
        %get3A_1178 = tpu.memref_squeeze %get3A_1177 : memref<1x336x128xf32, #tpu.memory_space<vmem>> -> memref<336x128xf32, #tpu.memory_space<vmem>>
        %get3A_1179 = arith.index_cast %add3A_239 : i32 to index
        %get3A_1180 = arith.constant 64 : index
        %get3A_1181 = tpu.vector_load %get3A_1178[%get3A_1179, %get3A_1180] {strides = array<i32>} : memref<336x128xf32, #tpu.memory_space<vmem>>, vector<16xf32>,
        %mul3A_1182 = arith.mulf %get3A_1012, %get3A_1181 : vector<16xf32>
        %add3A_1183 = arith.addf %add3A_987, %mul3A_1182 : vector<16xf32>
        %get3A_1184 = arith.constant 0 : i32
        %get3A_1185 = arith.constant 0 : i32
        %get3A_1186 = tpu.memref_slice %arg10[%scan3A_188, %get3A_1184, %get3A_1185] : memref<2x336x128xf32, #tpu.memory_space<vmem>> -> memref<1x336x128xf32, #tpu.memory_space<vmem>>
        %get3A_1187 = tpu.memref_squeeze %get3A_1186 : memref<1x336x128xf32, #tpu.memory_space<vmem>> -> memref<336x128xf32, #tpu.memory_space<vmem>>
        %get3A_1188 = arith.index_cast %add3A_241 : i32 to index
        %get3A_1189 = arith.constant 64 : index
        %get3A_1190 = tpu.vector_load %get3A_1187[%get3A_1188, %get3A_1189] {strides = array<i32>} : memref<336x128xf32, #tpu.memory_space<vmem>>, vector<16xf32>,
        %mul3A_1191 = arith.mulf %get3A_1012, %get3A_1190 : vector<16xf32>
        %add3A_1192 = arith.addf %add3A_996, %mul3A_1191 : vector<16xf32>
        %get3A_1193 = arith.constant 0 : i32
        %get3A_1194 = arith.constant 0 : i32
        %get3A_1195 = tpu.memref_slice %arg10[%scan3A_188, %get3A_1193, %get3A_1194] : memref<2x336x128xf32, #tpu.memory_space<vmem>> -> memref<1x336x128xf32, #tpu.memory_space<vmem>>
        %get3A_1196 = tpu.memref_squeeze %get3A_1195 : memref<1x336x128xf32, #tpu.memory_space<vmem>> -> memref<336x128xf32, #tpu.memory_space<vmem>>
        %get3A_1197 = arith.index_cast %add3A_243 : i32 to index
        %get3A_1198 = arith.constant 64 : index
        %get3A_1199 = tpu.vector_load %get3A_1196[%get3A_1197, %get3A_1198] {strides = array<i32>} : memref<336x128xf32, #tpu.memory_space<vmem>>, vector<16xf32>,
        %mul3A_1200 = arith.mulf %get3A_1012, %get3A_1199 : vector<16xf32>
        %add3A_1201 = arith.addf %add3A_1005, %mul3A_1200 : vector<16xf32>
        %get3A_1202 = arith.constant 0 : i32
        %get3A_1203 = arith.constant 0 : i32
        %get3A_1204 = tpu.memref_slice %arg9[%scan3A_187, %get3A_1202, %get3A_1203] : memref<2x16x128xf32, #tpu.memory_space<vmem>> -> memref<1x16x128xf32, #tpu.memory_space<vmem>>
        %get3A_1205 = tpu.memref_squeeze %get3A_1204 : memref<1x16x128xf32, #tpu.memory_space<vmem>> -> memref<16x128xf32, #tpu.memory_space<vmem>>
        %get3A_1206 = arith.index_cast %scan3A_194 : i32 to index
        %get3A_1207 = arith.constant 80 : index
        %get3A_1208 = tpu.vector_load %get3A_1205[%get3A_1206, %get3A_1207] {strides = array<i32>} : memref<16x128xf32, #tpu.memory_space<vmem>>, vector<16xf32>,
        %get3A_1209 = arith.constant 0 : i32
        %get3A_1210 = arith.constant 0 : i32
        %get3A_1211 = tpu.memref_slice %arg10[%scan3A_188, %get3A_1209, %get3A_1210] : memref<2x336x128xf32, #tpu.memory_space<vmem>> -> memref<1x336x128xf32, #tpu.memory_space<vmem>>
        %get3A_1212 = tpu.memref_squeeze %get3A_1211 : memref<1x336x128xf32, #tpu.memory_space<vmem>> -> memref<336x128xf32, #tpu.memory_space<vmem>>
        %get3A_1213 = arith.index_cast %scan3A_194 : i32 to index
        %get3A_1214 = arith.constant 80 : index
        %get3A_1215 = tpu.vector_load %get3A_1212[%get3A_1213, %get3A_1214] {strides = array<i32>} : memref<336x128xf32, #tpu.memory_space<vmem>>, vector<16xf32>,
        %mul3A_1216 = arith.mulf %get3A_1208, %get3A_1215 : vector<16xf32>
        %add3A_1217 = arith.addf %add3A_1021, %mul3A_1216 : vector<16xf32>
        %get3A_1218 = arith.constant 0 : i32
        %get3A_1219 = arith.constant 0 : i32
        %get3A_1220 = tpu.memref_slice %arg10[%scan3A_188, %get3A_1218, %get3A_1219] : memref<2x336x128xf32, #tpu.memory_space<vmem>> -> memref<1x336x128xf32, #tpu.memory_space<vmem>>
        %get3A_1221 = tpu.memref_squeeze %get3A_1220 : memref<1x336x128xf32, #tpu.memory_space<vmem>> -> memref<336x128xf32, #tpu.memory_space<vmem>>
        %get3A_1222 = arith.index_cast %add3A_205 : i32 to index
        %get3A_1223 = arith.constant 80 : index
        %get3A_1224 = tpu.vector_load %get3A_1221[%get3A_1222, %get3A_1223] {strides = array<i32>} : memref<336x128xf32, #tpu.memory_space<vmem>>, vector<16xf32>,
        %mul3A_1225 = arith.mulf %get3A_1208, %get3A_1224 : vector<16xf32>
        %add3A_1226 = arith.addf %add3A_1030, %mul3A_1225 : vector<16xf32>
        %get3A_1227 = arith.constant 0 : i32
        %get3A_1228 = arith.constant 0 : i32
        %get3A_1229 = tpu.memref_slice %arg10[%scan3A_188, %get3A_1227, %get3A_1228] : memref<2x336x128xf32, #tpu.memory_space<vmem>> -> memref<1x336x128xf32, #tpu.memory_space<vmem>>
        %get3A_1230 = tpu.memref_squeeze %get3A_1229 : memref<1x336x128xf32, #tpu.memory_space<vmem>> -> memref<336x128xf32, #tpu.memory_space<vmem>>
        %get3A_1231 = arith.index_cast %add3A_207 : i32 to index
        %get3A_1232 = arith.constant 80 : index
        %get3A_1233 = tpu.vector_load %get3A_1230[%get3A_1231, %get3A_1232] {strides = array<i32>} : memref<336x128xf32, #tpu.memory_space<vmem>>, vector<16xf32>,
        %mul3A_1234 = arith.mulf %get3A_1208, %get3A_1233 : vector<16xf32>
        %add3A_1235 = arith.addf %add3A_1039, %mul3A_1234 : vector<16xf32>
        %get3A_1236 = arith.constant 0 : i32
        %get3A_1237 = arith.constant 0 : i32
        %get3A_1238 = tpu.memref_slice %arg10[%scan3A_188, %get3A_1236, %get3A_1237] : memref<2x336x128xf32, #tpu.memory_space<vmem>> -> memref<1x336x128xf32, #tpu.memory_space<vmem>>
        %get3A_1239 = tpu.memref_squeeze %get3A_1238 : memref<1x336x128xf32, #tpu.memory_space<vmem>> -> memref<336x128xf32, #tpu.memory_space<vmem>>
        %get3A_1240 = arith.index_cast %add3A_209 : i32 to index
        %get3A_1241 = arith.constant 80 : index
        %get3A_1242 = tpu.vector_load %get3A_1239[%get3A_1240, %get3A_1241] {strides = array<i32>} : memref<336x128xf32, #tpu.memory_space<vmem>>, vector<16xf32>,
        %mul3A_1243 = arith.mulf %get3A_1208, %get3A_1242 : vector<16xf32>
        %add3A_1244 = arith.addf %add3A_1048, %mul3A_1243 : vector<16xf32>
        %get3A_1245 = arith.constant 0 : i32
        %get3A_1246 = arith.constant 0 : i32
        %get3A_1247 = tpu.memref_slice %arg10[%scan3A_188, %get3A_1245, %get3A_1246] : memref<2x336x128xf32, #tpu.memory_space<vmem>> -> memref<1x336x128xf32, #tpu.memory_space<vmem>>
        %get3A_1248 = tpu.memref_squeeze %get3A_1247 : memref<1x336x128xf32, #tpu.memory_space<vmem>> -> memref<336x128xf32, #tpu.memory_space<vmem>>
        %get3A_1249 = arith.index_cast %add3A_211 : i32 to index
        %get3A_1250 = arith.constant 80 : index
        %get3A_1251 = tpu.vector_load %get3A_1248[%get3A_1249, %get3A_1250] {strides = array<i32>} : memref<336x128xf32, #tpu.memory_space<vmem>>, vector<16xf32>,
        %mul3A_1252 = arith.mulf %get3A_1208, %get3A_1251 : vector<16xf32>
        %add3A_1253 = arith.addf %add3A_1057, %mul3A_1252 : vector<16xf32>
        %get3A_1254 = arith.constant 0 : i32
        %get3A_1255 = arith.constant 0 : i32
        %get3A_1256 = tpu.memref_slice %arg10[%scan3A_188, %get3A_1254, %get3A_1255] : memref<2x336x128xf32, #tpu.memory_space<vmem>> -> memref<1x336x128xf32, #tpu.memory_space<vmem>>
        %get3A_1257 = tpu.memref_squeeze %get3A_1256 : memref<1x336x128xf32, #tpu.memory_space<vmem>> -> memref<336x128xf32, #tpu.memory_space<vmem>>
        %get3A_1258 = arith.index_cast %add3A_213 : i32 to index
        %get3A_1259 = arith.constant 80 : index
        %get3A_1260 = tpu.vector_load %get3A_1257[%get3A_1258, %get3A_1259] {strides = array<i32>} : memref<336x128xf32, #tpu.memory_space<vmem>>, vector<16xf32>,
        %mul3A_1261 = arith.mulf %get3A_1208, %get3A_1260 : vector<16xf32>
        %add3A_1262 = arith.addf %add3A_1066, %mul3A_1261 : vector<16xf32>
        %get3A_1263 = arith.constant 0 : i32
        %get3A_1264 = arith.constant 0 : i32
        %get3A_1265 = tpu.memref_slice %arg10[%scan3A_188, %get3A_1263, %get3A_1264] : memref<2x336x128xf32, #tpu.memory_space<vmem>> -> memref<1x336x128xf32, #tpu.memory_space<vmem>>
        %get3A_1266 = tpu.memref_squeeze %get3A_1265 : memref<1x336x128xf32, #tpu.memory_space<vmem>> -> memref<336x128xf32, #tpu.memory_space<vmem>>
        %get3A_1267 = arith.index_cast %add3A_215 : i32 to index
        %get3A_1268 = arith.constant 80 : index
        %get3A_1269 = tpu.vector_load %get3A_1266[%get3A_1267, %get3A_1268] {strides = array<i32>} : memref<336x128xf32, #tpu.memory_space<vmem>>, vector<16xf32>,
        %mul3A_1270 = arith.mulf %get3A_1208, %get3A_1269 : vector<16xf32>
        %add3A_1271 = arith.addf %add3A_1075, %mul3A_1270 : vector<16xf32>
        %get3A_1272 = arith.constant 0 : i32
        %get3A_1273 = arith.constant 0 : i32
        %get3A_1274 = tpu.memref_slice %arg10[%scan3A_188, %get3A_1272, %get3A_1273] : memref<2x336x128xf32, #tpu.memory_space<vmem>> -> memref<1x336x128xf32, #tpu.memory_space<vmem>>
        %get3A_1275 = tpu.memref_squeeze %get3A_1274 : memref<1x336x128xf32, #tpu.memory_space<vmem>> -> memref<336x128xf32, #tpu.memory_space<vmem>>
        %get3A_1276 = arith.index_cast %add3A_217 : i32 to index
        %get3A_1277 = arith.constant 80 : index
        %get3A_1278 = tpu.vector_load %get3A_1275[%get3A_1276, %get3A_1277] {strides = array<i32>} : memref<336x128xf32, #tpu.memory_space<vmem>>, vector<16xf32>,
        %mul3A_1279 = arith.mulf %get3A_1208, %get3A_1278 : vector<16xf32>
        %add3A_1280 = arith.addf %add3A_1084, %mul3A_1279 : vector<16xf32>
        %get3A_1281 = arith.constant 0 : i32
        %get3A_1282 = arith.constant 0 : i32
        %get3A_1283 = tpu.memref_slice %arg10[%scan3A_188, %get3A_1281, %get3A_1282] : memref<2x336x128xf32, #tpu.memory_space<vmem>> -> memref<1x336x128xf32, #tpu.memory_space<vmem>>
        %get3A_1284 = tpu.memref_squeeze %get3A_1283 : memref<1x336x128xf32, #tpu.memory_space<vmem>> -> memref<336x128xf32, #tpu.memory_space<vmem>>
        %get3A_1285 = arith.index_cast %add3A_219 : i32 to index
        %get3A_1286 = arith.constant 80 : index
        %get3A_1287 = tpu.vector_load %get3A_1284[%get3A_1285, %get3A_1286] {strides = array<i32>} : memref<336x128xf32, #tpu.memory_space<vmem>>, vector<16xf32>,
        %mul3A_1288 = arith.mulf %get3A_1208, %get3A_1287 : vector<16xf32>
        %add3A_1289 = arith.addf %add3A_1093, %mul3A_1288 : vector<16xf32>
        %get3A_1290 = arith.constant 0 : i32
        %get3A_1291 = arith.constant 0 : i32
        %get3A_1292 = tpu.memref_slice %arg10[%scan3A_188, %get3A_1290, %get3A_1291] : memref<2x336x128xf32, #tpu.memory_space<vmem>> -> memref<1x336x128xf32, #tpu.memory_space<vmem>>
        %get3A_1293 = tpu.memref_squeeze %get3A_1292 : memref<1x336x128xf32, #tpu.memory_space<vmem>> -> memref<336x128xf32, #tpu.memory_space<vmem>>
        %get3A_1294 = arith.index_cast %add3A_221 : i32 to index
        %get3A_1295 = arith.constant 80 : index
        %get3A_1296 = tpu.vector_load %get3A_1293[%get3A_1294, %get3A_1295] {strides = array<i32>} : memref<336x128xf32, #tpu.memory_space<vmem>>, vector<16xf32>,
        %mul3A_1297 = arith.mulf %get3A_1208, %get3A_1296 : vector<16xf32>
        %add3A_1298 = arith.addf %add3A_1102, %mul3A_1297 : vector<16xf32>
        %get3A_1299 = arith.constant 0 : i32
        %get3A_1300 = arith.constant 0 : i32
        %get3A_1301 = tpu.memref_slice %arg10[%scan3A_188, %get3A_1299, %get3A_1300] : memref<2x336x128xf32, #tpu.memory_space<vmem>> -> memref<1x336x128xf32, #tpu.memory_space<vmem>>
        %get3A_1302 = tpu.memref_squeeze %get3A_1301 : memref<1x336x128xf32, #tpu.memory_space<vmem>> -> memref<336x128xf32, #tpu.memory_space<vmem>>
        %get3A_1303 = arith.index_cast %add3A_223 : i32 to index
        %get3A_1304 = arith.constant 80 : index
        %get3A_1305 = tpu.vector_load %get3A_1302[%get3A_1303, %get3A_1304] {strides = array<i32>} : memref<336x128xf32, #tpu.memory_space<vmem>>, vector<16xf32>,
        %mul3A_1306 = arith.mulf %get3A_1208, %get3A_1305 : vector<16xf32>
        %add3A_1307 = arith.addf %add3A_1111, %mul3A_1306 : vector<16xf32>
        %get3A_1308 = arith.constant 0 : i32
        %get3A_1309 = arith.constant 0 : i32
        %get3A_1310 = tpu.memref_slice %arg10[%scan3A_188, %get3A_1308, %get3A_1309] : memref<2x336x128xf32, #tpu.memory_space<vmem>> -> memref<1x336x128xf32, #tpu.memory_space<vmem>>
        %get3A_1311 = tpu.memref_squeeze %get3A_1310 : memref<1x336x128xf32, #tpu.memory_space<vmem>> -> memref<336x128xf32, #tpu.memory_space<vmem>>
        %get3A_1312 = arith.index_cast %add3A_225 : i32 to index
        %get3A_1313 = arith.constant 80 : index
        %get3A_1314 = tpu.vector_load %get3A_1311[%get3A_1312, %get3A_1313] {strides = array<i32>} : memref<336x128xf32, #tpu.memory_space<vmem>>, vector<16xf32>,
        %mul3A_1315 = arith.mulf %get3A_1208, %get3A_1314 : vector<16xf32>
        %add3A_1316 = arith.addf %add3A_1120, %mul3A_1315 : vector<16xf32>
        %get3A_1317 = arith.constant 0 : i32
        %get3A_1318 = arith.constant 0 : i32
        %get3A_1319 = tpu.memref_slice %arg10[%scan3A_188, %get3A_1317, %get3A_1318] : memref<2x336x128xf32, #tpu.memory_space<vmem>> -> memref<1x336x128xf32, #tpu.memory_space<vmem>>
        %get3A_1320 = tpu.memref_squeeze %get3A_1319 : memref<1x336x128xf32, #tpu.memory_space<vmem>> -> memref<336x128xf32, #tpu.memory_space<vmem>>
        %get3A_1321 = arith.index_cast %add3A_227 : i32 to index
        %get3A_1322 = arith.constant 80 : index
        %get3A_1323 = tpu.vector_load %get3A_1320[%get3A_1321, %get3A_1322] {strides = array<i32>} : memref<336x128xf32, #tpu.memory_space<vmem>>, vector<16xf32>,
        %mul3A_1324 = arith.mulf %get3A_1208, %get3A_1323 : vector<16xf32>
        %add3A_1325 = arith.addf %add3A_1129, %mul3A_1324 : vector<16xf32>
        %get3A_1326 = arith.constant 0 : i32
        %get3A_1327 = arith.constant 0 : i32
        %get3A_1328 = tpu.memref_slice %arg10[%scan3A_188, %get3A_1326, %get3A_1327] : memref<2x336x128xf32, #tpu.memory_space<vmem>> -> memref<1x336x128xf32, #tpu.memory_space<vmem>>
        %get3A_1329 = tpu.memref_squeeze %get3A_1328 : memref<1x336x128xf32, #tpu.memory_space<vmem>> -> memref<336x128xf32, #tpu.memory_space<vmem>>
        %get3A_1330 = arith.index_cast %add3A_229 : i32 to index
        %get3A_1331 = arith.constant 80 : index
        %get3A_1332 = tpu.vector_load %get3A_1329[%get3A_1330, %get3A_1331] {strides = array<i32>} : memref<336x128xf32, #tpu.memory_space<vmem>>, vector<16xf32>,
        %mul3A_1333 = arith.mulf %get3A_1208, %get3A_1332 : vector<16xf32>
        %add3A_1334 = arith.addf %add3A_1138, %mul3A_1333 : vector<16xf32>
        %get3A_1335 = arith.constant 0 : i32
        %get3A_1336 = arith.constant 0 : i32
        %get3A_1337 = tpu.memref_slice %arg10[%scan3A_188, %get3A_1335, %get3A_1336] : memref<2x336x128xf32, #tpu.memory_space<vmem>> -> memref<1x336x128xf32, #tpu.memory_space<vmem>>
        %get3A_1338 = tpu.memref_squeeze %get3A_1337 : memref<1x336x128xf32, #tpu.memory_space<vmem>> -> memref<336x128xf32, #tpu.memory_space<vmem>>
        %get3A_1339 = arith.index_cast %add3A_231 : i32 to index
        %get3A_1340 = arith.constant 80 : index
        %get3A_1341 = tpu.vector_load %get3A_1338[%get3A_1339, %get3A_1340] {strides = array<i32>} : memref<336x128xf32, #tpu.memory_space<vmem>>, vector<16xf32>,
        %mul3A_1342 = arith.mulf %get3A_1208, %get3A_1341 : vector<16xf32>
        %add3A_1343 = arith.addf %add3A_1147, %mul3A_1342 : vector<16xf32>
        %get3A_1344 = arith.constant 0 : i32
        %get3A_1345 = arith.constant 0 : i32
        %get3A_1346 = tpu.memref_slice %arg10[%scan3A_188, %get3A_1344, %get3A_1345] : memref<2x336x128xf32, #tpu.memory_space<vmem>> -> memref<1x336x128xf32, #tpu.memory_space<vmem>>
        %get3A_1347 = tpu.memref_squeeze %get3A_1346 : memref<1x336x128xf32, #tpu.memory_space<vmem>> -> memref<336x128xf32, #tpu.memory_space<vmem>>
        %get3A_1348 = arith.index_cast %add3A_233 : i32 to index
        %get3A_1349 = arith.constant 80 : index
        %get3A_1350 = tpu.vector_load %get3A_1347[%get3A_1348, %get3A_1349] {strides = array<i32>} : memref<336x128xf32, #tpu.memory_space<vmem>>, vector<16xf32>,
        %mul3A_1351 = arith.mulf %get3A_1208, %get3A_1350 : vector<16xf32>
        %add3A_1352 = arith.addf %add3A_1156, %mul3A_1351 : vector<16xf32>
        %get3A_1353 = arith.constant 0 : i32
        %get3A_1354 = arith.constant 0 : i32
        %get3A_1355 = tpu.memref_slice %arg10[%scan3A_188, %get3A_1353, %get3A_1354] : memref<2x336x128xf32, #tpu.memory_space<vmem>> -> memref<1x336x128xf32, #tpu.memory_space<vmem>>
        %get3A_1356 = tpu.memref_squeeze %get3A_1355 : memref<1x336x128xf32, #tpu.memory_space<vmem>> -> memref<336x128xf32, #tpu.memory_space<vmem>>
        %get3A_1357 = arith.index_cast %add3A_235 : i32 to index
        %get3A_1358 = arith.constant 80 : index
        %get3A_1359 = tpu.vector_load %get3A_1356[%get3A_1357, %get3A_1358] {strides = array<i32>} : memref<336x128xf32, #tpu.memory_space<vmem>>, vector<16xf32>,
        %mul3A_1360 = arith.mulf %get3A_1208, %get3A_1359 : vector<16xf32>
        %add3A_1361 = arith.addf %add3A_1165, %mul3A_1360 : vector<16xf32>
        %get3A_1362 = arith.constant 0 : i32
        %get3A_1363 = arith.constant 0 : i32
        %get3A_1364 = tpu.memref_slice %arg10[%scan3A_188, %get3A_1362, %get3A_1363] : memref<2x336x128xf32, #tpu.memory_space<vmem>> -> memref<1x336x128xf32, #tpu.memory_space<vmem>>
        %get3A_1365 = tpu.memref_squeeze %get3A_1364 : memref<1x336x128xf32, #tpu.memory_space<vmem>> -> memref<336x128xf32, #tpu.memory_space<vmem>>
        %get3A_1366 = arith.index_cast %add3A_237 : i32 to index
        %get3A_1367 = arith.constant 80 : index
        %get3A_1368 = tpu.vector_load %get3A_1365[%get3A_1366, %get3A_1367] {strides = array<i32>} : memref<336x128xf32, #tpu.memory_space<vmem>>, vector<16xf32>,
        %mul3A_1369 = arith.mulf %get3A_1208, %get3A_1368 : vector<16xf32>
        %add3A_1370 = arith.addf %add3A_1174, %mul3A_1369 : vector<16xf32>
        %get3A_1371 = arith.constant 0 : i32
        %get3A_1372 = arith.constant 0 : i32
        %get3A_1373 = tpu.memref_slice %arg10[%scan3A_188, %get3A_1371, %get3A_1372] : memref<2x336x128xf32, #tpu.memory_space<vmem>> -> memref<1x336x128xf32, #tpu.memory_space<vmem>>
        %get3A_1374 = tpu.memref_squeeze %get3A_1373 : memref<1x336x128xf32, #tpu.memory_space<vmem>> -> memref<336x128xf32, #tpu.memory_space<vmem>>
        %get3A_1375 = arith.index_cast %add3A_239 : i32 to index
        %get3A_1376 = arith.constant 80 : index
        %get3A_1377 = tpu.vector_load %get3A_1374[%get3A_1375, %get3A_1376] {strides = array<i32>} : memref<336x128xf32, #tpu.memory_space<vmem>>, vector<16xf32>,
        %mul3A_1378 = arith.mulf %get3A_1208, %get3A_1377 : vector<16xf32>
        %add3A_1379 = arith.addf %add3A_1183, %mul3A_1378 : vector<16xf32>
        %get3A_1380 = arith.constant 0 : i32
        %get3A_1381 = arith.constant 0 : i32
        %get3A_1382 = tpu.memref_slice %arg10[%scan3A_188, %get3A_1380, %get3A_1381] : memref<2x336x128xf32, #tpu.memory_space<vmem>> -> memref<1x336x128xf32, #tpu.memory_space<vmem>>
        %get3A_1383 = tpu.memref_squeeze %get3A_1382 : memref<1x336x128xf32, #tpu.memory_space<vmem>> -> memref<336x128xf32, #tpu.memory_space<vmem>>
        %get3A_1384 = arith.index_cast %add3A_241 : i32 to index
        %get3A_1385 = arith.constant 80 : index
        %get3A_1386 = tpu.vector_load %get3A_1383[%get3A_1384, %get3A_1385] {strides = array<i32>} : memref<336x128xf32, #tpu.memory_space<vmem>>, vector<16xf32>,
        %mul3A_1387 = arith.mulf %get3A_1208, %get3A_1386 : vector<16xf32>
        %add3A_1388 = arith.addf %add3A_1192, %mul3A_1387 : vector<16xf32>
        %get3A_1389 = arith.constant 0 : i32
        %get3A_1390 = arith.constant 0 : i32
        %get3A_1391 = tpu.memref_slice %arg10[%scan3A_188, %get3A_1389, %get3A_1390] : memref<2x336x128xf32, #tpu.memory_space<vmem>> -> memref<1x336x128xf32, #tpu.memory_space<vmem>>
        %get3A_1392 = tpu.memref_squeeze %get3A_1391 : memref<1x336x128xf32, #tpu.memory_space<vmem>> -> memref<336x128xf32, #tpu.memory_space<vmem>>
        %get3A_1393 = arith.index_cast %add3A_243 : i32 to index
        %get3A_1394 = arith.constant 80 : index
        %get3A_1395 = tpu.vector_load %get3A_1392[%get3A_1393, %get3A_1394] {strides = array<i32>} : memref<336x128xf32, #tpu.memory_space<vmem>>, vector<16xf32>,
        %mul3A_1396 = arith.mulf %get3A_1208, %get3A_1395 : vector<16xf32>
        %add3A_1397 = arith.addf %add3A_1201, %mul3A_1396 : vector<16xf32>
        %get3A_1398 = arith.constant 0 : i32
        %get3A_1399 = arith.constant 0 : i32
        %get3A_1400 = tpu.memref_slice %arg9[%scan3A_187, %get3A_1398, %get3A_1399] : memref<2x16x128xf32, #tpu.memory_space<vmem>> -> memref<1x16x128xf32, #tpu.memory_space<vmem>>
        %get3A_1401 = tpu.memref_squeeze %get3A_1400 : memref<1x16x128xf32, #tpu.memory_space<vmem>> -> memref<16x128xf32, #tpu.memory_space<vmem>>
        %get3A_1402 = arith.index_cast %scan3A_194 : i32 to index
        %get3A_1403 = arith.constant 96 : index
        %get3A_1404 = tpu.vector_load %get3A_1401[%get3A_1402, %get3A_1403] {strides = array<i32>} : memref<16x128xf32, #tpu.memory_space<vmem>>, vector<16xf32>,
        %get3A_1405 = arith.constant 0 : i32
        %get3A_1406 = arith.constant 0 : i32
        %get3A_1407 = tpu.memref_slice %arg10[%scan3A_188, %get3A_1405, %get3A_1406] : memref<2x336x128xf32, #tpu.memory_space<vmem>> -> memref<1x336x128xf32, #tpu.memory_space<vmem>>
        %get3A_1408 = tpu.memref_squeeze %get3A_1407 : memref<1x336x128xf32, #tpu.memory_space<vmem>> -> memref<336x128xf32, #tpu.memory_space<vmem>>
        %get3A_1409 = arith.index_cast %scan3A_194 : i32 to index
        %get3A_1410 = arith.constant 96 : index
        %get3A_1411 = tpu.vector_load %get3A_1408[%get3A_1409, %get3A_1410] {strides = array<i32>} : memref<336x128xf32, #tpu.memory_space<vmem>>, vector<16xf32>,
        %mul3A_1412 = arith.mulf %get3A_1404, %get3A_1411 : vector<16xf32>
        %add3A_1413 = arith.addf %add3A_1217, %mul3A_1412 : vector<16xf32>
        %get3A_1414 = arith.constant 0 : i32
        %get3A_1415 = arith.constant 0 : i32
        %get3A_1416 = tpu.memref_slice %arg10[%scan3A_188, %get3A_1414, %get3A_1415] : memref<2x336x128xf32, #tpu.memory_space<vmem>> -> memref<1x336x128xf32, #tpu.memory_space<vmem>>
        %get3A_1417 = tpu.memref_squeeze %get3A_1416 : memref<1x336x128xf32, #tpu.memory_space<vmem>> -> memref<336x128xf32, #tpu.memory_space<vmem>>
        %get3A_1418 = arith.index_cast %add3A_205 : i32 to index
        %get3A_1419 = arith.constant 96 : index
        %get3A_1420 = tpu.vector_load %get3A_1417[%get3A_1418, %get3A_1419] {strides = array<i32>} : memref<336x128xf32, #tpu.memory_space<vmem>>, vector<16xf32>,
        %mul3A_1421 = arith.mulf %get3A_1404, %get3A_1420 : vector<16xf32>
        %add3A_1422 = arith.addf %add3A_1226, %mul3A_1421 : vector<16xf32>
        %get3A_1423 = arith.constant 0 : i32
        %get3A_1424 = arith.constant 0 : i32
        %get3A_1425 = tpu.memref_slice %arg10[%scan3A_188, %get3A_1423, %get3A_1424] : memref<2x336x128xf32, #tpu.memory_space<vmem>> -> memref<1x336x128xf32, #tpu.memory_space<vmem>>
        %get3A_1426 = tpu.memref_squeeze %get3A_1425 : memref<1x336x128xf32, #tpu.memory_space<vmem>> -> memref<336x128xf32, #tpu.memory_space<vmem>>
        %get3A_1427 = arith.index_cast %add3A_207 : i32 to index
        %get3A_1428 = arith.constant 96 : index
        %get3A_1429 = tpu.vector_load %get3A_1426[%get3A_1427, %get3A_1428] {strides = array<i32>} : memref<336x128xf32, #tpu.memory_space<vmem>>, vector<16xf32>,
        %mul3A_1430 = arith.mulf %get3A_1404, %get3A_1429 : vector<16xf32>
        %add3A_1431 = arith.addf %add3A_1235, %mul3A_1430 : vector<16xf32>
        %get3A_1432 = arith.constant 0 : i32
        %get3A_1433 = arith.constant 0 : i32
        %get3A_1434 = tpu.memref_slice %arg10[%scan3A_188, %get3A_1432, %get3A_1433] : memref<2x336x128xf32, #tpu.memory_space<vmem>> -> memref<1x336x128xf32, #tpu.memory_space<vmem>>
        %get3A_1435 = tpu.memref_squeeze %get3A_1434 : memref<1x336x128xf32, #tpu.memory_space<vmem>> -> memref<336x128xf32, #tpu.memory_space<vmem>>
        %get3A_1436 = arith.index_cast %add3A_209 : i32 to index
        %get3A_1437 = arith.constant 96 : index
        %get3A_1438 = tpu.vector_load %get3A_1435[%get3A_1436, %get3A_1437] {strides = array<i32>} : memref<336x128xf32, #tpu.memory_space<vmem>>, vector<16xf32>,
        %mul3A_1439 = arith.mulf %get3A_1404, %get3A_1438 : vector<16xf32>
        %add3A_1440 = arith.addf %add3A_1244, %mul3A_1439 : vector<16xf32>
        %get3A_1441 = arith.constant 0 : i32
        %get3A_1442 = arith.constant 0 : i32
        %get3A_1443 = tpu.memref_slice %arg10[%scan3A_188, %get3A_1441, %get3A_1442] : memref<2x336x128xf32, #tpu.memory_space<vmem>> -> memref<1x336x128xf32, #tpu.memory_space<vmem>>
        %get3A_1444 = tpu.memref_squeeze %get3A_1443 : memref<1x336x128xf32, #tpu.memory_space<vmem>> -> memref<336x128xf32, #tpu.memory_space<vmem>>
        %get3A_1445 = arith.index_cast %add3A_211 : i32 to index
        %get3A_1446 = arith.constant 96 : index
        %get3A_1447 = tpu.vector_load %get3A_1444[%get3A_1445, %get3A_1446] {strides = array<i32>} : memref<336x128xf32, #tpu.memory_space<vmem>>, vector<16xf32>,
        %mul3A_1448 = arith.mulf %get3A_1404, %get3A_1447 : vector<16xf32>
        %add3A_1449 = arith.addf %add3A_1253, %mul3A_1448 : vector<16xf32>
        %get3A_1450 = arith.constant 0 : i32
        %get3A_1451 = arith.constant 0 : i32
        %get3A_1452 = tpu.memref_slice %arg10[%scan3A_188, %get3A_1450, %get3A_1451] : memref<2x336x128xf32, #tpu.memory_space<vmem>> -> memref<1x336x128xf32, #tpu.memory_space<vmem>>
        %get3A_1453 = tpu.memref_squeeze %get3A_1452 : memref<1x336x128xf32, #tpu.memory_space<vmem>> -> memref<336x128xf32, #tpu.memory_space<vmem>>
        %get3A_1454 = arith.index_cast %add3A_213 : i32 to index
        %get3A_1455 = arith.constant 96 : index
        %get3A_1456 = tpu.vector_load %get3A_1453[%get3A_1454, %get3A_1455] {strides = array<i32>} : memref<336x128xf32, #tpu.memory_space<vmem>>, vector<16xf32>,
        %mul3A_1457 = arith.mulf %get3A_1404, %get3A_1456 : vector<16xf32>
        %add3A_1458 = arith.addf %add3A_1262, %mul3A_1457 : vector<16xf32>
        %get3A_1459 = arith.constant 0 : i32
        %get3A_1460 = arith.constant 0 : i32
        %get3A_1461 = tpu.memref_slice %arg10[%scan3A_188, %get3A_1459, %get3A_1460] : memref<2x336x128xf32, #tpu.memory_space<vmem>> -> memref<1x336x128xf32, #tpu.memory_space<vmem>>
        %get3A_1462 = tpu.memref_squeeze %get3A_1461 : memref<1x336x128xf32, #tpu.memory_space<vmem>> -> memref<336x128xf32, #tpu.memory_space<vmem>>
        %get3A_1463 = arith.index_cast %add3A_215 : i32 to index
        %get3A_1464 = arith.constant 96 : index
        %get3A_1465 = tpu.vector_load %get3A_1462[%get3A_1463, %get3A_1464] {strides = array<i32>} : memref<336x128xf32, #tpu.memory_space<vmem>>, vector<16xf32>,
        %mul3A_1466 = arith.mulf %get3A_1404, %get3A_1465 : vector<16xf32>
        %add3A_1467 = arith.addf %add3A_1271, %mul3A_1466 : vector<16xf32>
        %get3A_1468 = arith.constant 0 : i32
        %get3A_1469 = arith.constant 0 : i32
        %get3A_1470 = tpu.memref_slice %arg10[%scan3A_188, %get3A_1468, %get3A_1469] : memref<2x336x128xf32, #tpu.memory_space<vmem>> -> memref<1x336x128xf32, #tpu.memory_space<vmem>>
        %get3A_1471 = tpu.memref_squeeze %get3A_1470 : memref<1x336x128xf32, #tpu.memory_space<vmem>> -> memref<336x128xf32, #tpu.memory_space<vmem>>
        %get3A_1472 = arith.index_cast %add3A_217 : i32 to index
        %get3A_1473 = arith.constant 96 : index
        %get3A_1474 = tpu.vector_load %get3A_1471[%get3A_1472, %get3A_1473] {strides = array<i32>} : memref<336x128xf32, #tpu.memory_space<vmem>>, vector<16xf32>,
        %mul3A_1475 = arith.mulf %get3A_1404, %get3A_1474 : vector<16xf32>
        %add3A_1476 = arith.addf %add3A_1280, %mul3A_1475 : vector<16xf32>
        %get3A_1477 = arith.constant 0 : i32
        %get3A_1478 = arith.constant 0 : i32
        %get3A_1479 = tpu.memref_slice %arg10[%scan3A_188, %get3A_1477, %get3A_1478] : memref<2x336x128xf32, #tpu.memory_space<vmem>> -> memref<1x336x128xf32, #tpu.memory_space<vmem>>
        %get3A_1480 = tpu.memref_squeeze %get3A_1479 : memref<1x336x128xf32, #tpu.memory_space<vmem>> -> memref<336x128xf32, #tpu.memory_space<vmem>>
        %get3A_1481 = arith.index_cast %add3A_219 : i32 to index
        %get3A_1482 = arith.constant 96 : index
        %get3A_1483 = tpu.vector_load %get3A_1480[%get3A_1481, %get3A_1482] {strides = array<i32>} : memref<336x128xf32, #tpu.memory_space<vmem>>, vector<16xf32>,
        %mul3A_1484 = arith.mulf %get3A_1404, %get3A_1483 : vector<16xf32>
        %add3A_1485 = arith.addf %add3A_1289, %mul3A_1484 : vector<16xf32>
        %get3A_1486 = arith.constant 0 : i32
        %get3A_1487 = arith.constant 0 : i32
        %get3A_1488 = tpu.memref_slice %arg10[%scan3A_188, %get3A_1486, %get3A_1487] : memref<2x336x128xf32, #tpu.memory_space<vmem>> -> memref<1x336x128xf32, #tpu.memory_space<vmem>>
        %get3A_1489 = tpu.memref_squeeze %get3A_1488 : memref<1x336x128xf32, #tpu.memory_space<vmem>> -> memref<336x128xf32, #tpu.memory_space<vmem>>
        %get3A_1490 = arith.index_cast %add3A_221 : i32 to index
        %get3A_1491 = arith.constant 96 : index
        %get3A_1492 = tpu.vector_load %get3A_1489[%get3A_1490, %get3A_1491] {strides = array<i32>} : memref<336x128xf32, #tpu.memory_space<vmem>>, vector<16xf32>,
        %mul3A_1493 = arith.mulf %get3A_1404, %get3A_1492 : vector<16xf32>
        %add3A_1494 = arith.addf %add3A_1298, %mul3A_1493 : vector<16xf32>
        %get3A_1495 = arith.constant 0 : i32
        %get3A_1496 = arith.constant 0 : i32
        %get3A_1497 = tpu.memref_slice %arg10[%scan3A_188, %get3A_1495, %get3A_1496] : memref<2x336x128xf32, #tpu.memory_space<vmem>> -> memref<1x336x128xf32, #tpu.memory_space<vmem>>
        %get3A_1498 = tpu.memref_squeeze %get3A_1497 : memref<1x336x128xf32, #tpu.memory_space<vmem>> -> memref<336x128xf32, #tpu.memory_space<vmem>>
        %get3A_1499 = arith.index_cast %add3A_223 : i32 to index
        %get3A_1500 = arith.constant 96 : index
        %get3A_1501 = tpu.vector_load %get3A_1498[%get3A_1499, %get3A_1500] {strides = array<i32>} : memref<336x128xf32, #tpu.memory_space<vmem>>, vector<16xf32>,
        %mul3A_1502 = arith.mulf %get3A_1404, %get3A_1501 : vector<16xf32>
        %add3A_1503 = arith.addf %add3A_1307, %mul3A_1502 : vector<16xf32>
        %get3A_1504 = arith.constant 0 : i32
        %get3A_1505 = arith.constant 0 : i32
        %get3A_1506 = tpu.memref_slice %arg10[%scan3A_188, %get3A_1504, %get3A_1505] : memref<2x336x128xf32, #tpu.memory_space<vmem>> -> memref<1x336x128xf32, #tpu.memory_space<vmem>>
        %get3A_1507 = tpu.memref_squeeze %get3A_1506 : memref<1x336x128xf32, #tpu.memory_space<vmem>> -> memref<336x128xf32, #tpu.memory_space<vmem>>
        %get3A_1508 = arith.index_cast %add3A_225 : i32 to index
        %get3A_1509 = arith.constant 96 : index
        %get3A_1510 = tpu.vector_load %get3A_1507[%get3A_1508, %get3A_1509] {strides = array<i32>} : memref<336x128xf32, #tpu.memory_space<vmem>>, vector<16xf32>,
        %mul3A_1511 = arith.mulf %get3A_1404, %get3A_1510 : vector<16xf32>
        %add3A_1512 = arith.addf %add3A_1316, %mul3A_1511 : vector<16xf32>
        %get3A_1513 = arith.constant 0 : i32
        %get3A_1514 = arith.constant 0 : i32
        %get3A_1515 = tpu.memref_slice %arg10[%scan3A_188, %get3A_1513, %get3A_1514] : memref<2x336x128xf32, #tpu.memory_space<vmem>> -> memref<1x336x128xf32, #tpu.memory_space<vmem>>
        %get3A_1516 = tpu.memref_squeeze %get3A_1515 : memref<1x336x128xf32, #tpu.memory_space<vmem>> -> memref<336x128xf32, #tpu.memory_space<vmem>>
        %get3A_1517 = arith.index_cast %add3A_227 : i32 to index
        %get3A_1518 = arith.constant 96 : index
        %get3A_1519 = tpu.vector_load %get3A_1516[%get3A_1517, %get3A_1518] {strides = array<i32>} : memref<336x128xf32, #tpu.memory_space<vmem>>, vector<16xf32>,
        %mul3A_1520 = arith.mulf %get3A_1404, %get3A_1519 : vector<16xf32>
        %add3A_1521 = arith.addf %add3A_1325, %mul3A_1520 : vector<16xf32>
        %get3A_1522 = arith.constant 0 : i32
        %get3A_1523 = arith.constant 0 : i32
        %get3A_1524 = tpu.memref_slice %arg10[%scan3A_188, %get3A_1522, %get3A_1523] : memref<2x336x128xf32, #tpu.memory_space<vmem>> -> memref<1x336x128xf32, #tpu.memory_space<vmem>>
        %get3A_1525 = tpu.memref_squeeze %get3A_1524 : memref<1x336x128xf32, #tpu.memory_space<vmem>> -> memref<336x128xf32, #tpu.memory_space<vmem>>
        %get3A_1526 = arith.index_cast %add3A_229 : i32 to index
        %get3A_1527 = arith.constant 96 : index
        %get3A_1528 = tpu.vector_load %get3A_1525[%get3A_1526, %get3A_1527] {strides = array<i32>} : memref<336x128xf32, #tpu.memory_space<vmem>>, vector<16xf32>,
        %mul3A_1529 = arith.mulf %get3A_1404, %get3A_1528 : vector<16xf32>
        %add3A_1530 = arith.addf %add3A_1334, %mul3A_1529 : vector<16xf32>
        %get3A_1531 = arith.constant 0 : i32
        %get3A_1532 = arith.constant 0 : i32
        %get3A_1533 = tpu.memref_slice %arg10[%scan3A_188, %get3A_1531, %get3A_1532] : memref<2x336x128xf32, #tpu.memory_space<vmem>> -> memref<1x336x128xf32, #tpu.memory_space<vmem>>
        %get3A_1534 = tpu.memref_squeeze %get3A_1533 : memref<1x336x128xf32, #tpu.memory_space<vmem>> -> memref<336x128xf32, #tpu.memory_space<vmem>>
        %get3A_1535 = arith.index_cast %add3A_231 : i32 to index
        %get3A_1536 = arith.constant 96 : index
        %get3A_1537 = tpu.vector_load %get3A_1534[%get3A_1535, %get3A_1536] {strides = array<i32>} : memref<336x128xf32, #tpu.memory_space<vmem>>, vector<16xf32>,
        %mul3A_1538 = arith.mulf %get3A_1404, %get3A_1537 : vector<16xf32>
        %add3A_1539 = arith.addf %add3A_1343, %mul3A_1538 : vector<16xf32>
        %get3A_1540 = arith.constant 0 : i32
        %get3A_1541 = arith.constant 0 : i32
        %get3A_1542 = tpu.memref_slice %arg10[%scan3A_188, %get3A_1540, %get3A_1541] : memref<2x336x128xf32, #tpu.memory_space<vmem>> -> memref<1x336x128xf32, #tpu.memory_space<vmem>>
        %get3A_1543 = tpu.memref_squeeze %get3A_1542 : memref<1x336x128xf32, #tpu.memory_space<vmem>> -> memref<336x128xf32, #tpu.memory_space<vmem>>
        %get3A_1544 = arith.index_cast %add3A_233 : i32 to index
        %get3A_1545 = arith.constant 96 : index
        %get3A_1546 = tpu.vector_load %get3A_1543[%get3A_1544, %get3A_1545] {strides = array<i32>} : memref<336x128xf32, #tpu.memory_space<vmem>>, vector<16xf32>,
        %mul3A_1547 = arith.mulf %get3A_1404, %get3A_1546 : vector<16xf32>
        %add3A_1548 = arith.addf %add3A_1352, %mul3A_1547 : vector<16xf32>
        %get3A_1549 = arith.constant 0 : i32
        %get3A_1550 = arith.constant 0 : i32
        %get3A_1551 = tpu.memref_slice %arg10[%scan3A_188, %get3A_1549, %get3A_1550] : memref<2x336x128xf32, #tpu.memory_space<vmem>> -> memref<1x336x128xf32, #tpu.memory_space<vmem>>
        %get3A_1552 = tpu.memref_squeeze %get3A_1551 : memref<1x336x128xf32, #tpu.memory_space<vmem>> -> memref<336x128xf32, #tpu.memory_space<vmem>>
        %get3A_1553 = arith.index_cast %add3A_235 : i32 to index
        %get3A_1554 = arith.constant 96 : index
        %get3A_1555 = tpu.vector_load %get3A_1552[%get3A_1553, %get3A_1554] {strides = array<i32>} : memref<336x128xf32, #tpu.memory_space<vmem>>, vector<16xf32>,
        %mul3A_1556 = arith.mulf %get3A_1404, %get3A_1555 : vector<16xf32>
        %add3A_1557 = arith.addf %add3A_1361, %mul3A_1556 : vector<16xf32>
        %get3A_1558 = arith.constant 0 : i32
        %get3A_1559 = arith.constant 0 : i32
        %get3A_1560 = tpu.memref_slice %arg10[%scan3A_188, %get3A_1558, %get3A_1559] : memref<2x336x128xf32, #tpu.memory_space<vmem>> -> memref<1x336x128xf32, #tpu.memory_space<vmem>>
        %get3A_1561 = tpu.memref_squeeze %get3A_1560 : memref<1x336x128xf32, #tpu.memory_space<vmem>> -> memref<336x128xf32, #tpu.memory_space<vmem>>
        %get3A_1562 = arith.index_cast %add3A_237 : i32 to index
        %get3A_1563 = arith.constant 96 : index
        %get3A_1564 = tpu.vector_load %get3A_1561[%get3A_1562, %get3A_1563] {strides = array<i32>} : memref<336x128xf32, #tpu.memory_space<vmem>>, vector<16xf32>,
        %mul3A_1565 = arith.mulf %get3A_1404, %get3A_1564 : vector<16xf32>
        %add3A_1566 = arith.addf %add3A_1370, %mul3A_1565 : vector<16xf32>
        %get3A_1567 = arith.constant 0 : i32
        %get3A_1568 = arith.constant 0 : i32
        %get3A_1569 = tpu.memref_slice %arg10[%scan3A_188, %get3A_1567, %get3A_1568] : memref<2x336x128xf32, #tpu.memory_space<vmem>> -> memref<1x336x128xf32, #tpu.memory_space<vmem>>
        %get3A_1570 = tpu.memref_squeeze %get3A_1569 : memref<1x336x128xf32, #tpu.memory_space<vmem>> -> memref<336x128xf32, #tpu.memory_space<vmem>>
        %get3A_1571 = arith.index_cast %add3A_239 : i32 to index
        %get3A_1572 = arith.constant 96 : index
        %get3A_1573 = tpu.vector_load %get3A_1570[%get3A_1571, %get3A_1572] {strides = array<i32>} : memref<336x128xf32, #tpu.memory_space<vmem>>, vector<16xf32>,
        %mul3A_1574 = arith.mulf %get3A_1404, %get3A_1573 : vector<16xf32>
        %add3A_1575 = arith.addf %add3A_1379, %mul3A_1574 : vector<16xf32>
        %get3A_1576 = arith.constant 0 : i32
        %get3A_1577 = arith.constant 0 : i32
        %get3A_1578 = tpu.memref_slice %arg10[%scan3A_188, %get3A_1576, %get3A_1577] : memref<2x336x128xf32, #tpu.memory_space<vmem>> -> memref<1x336x128xf32, #tpu.memory_space<vmem>>
        %get3A_1579 = tpu.memref_squeeze %get3A_1578 : memref<1x336x128xf32, #tpu.memory_space<vmem>> -> memref<336x128xf32, #tpu.memory_space<vmem>>
        %get3A_1580 = arith.index_cast %add3A_241 : i32 to index
        %get3A_1581 = arith.constant 96 : index
        %get3A_1582 = tpu.vector_load %get3A_1579[%get3A_1580, %get3A_1581] {strides = array<i32>} : memref<336x128xf32, #tpu.memory_space<vmem>>, vector<16xf32>,
        %mul3A_1583 = arith.mulf %get3A_1404, %get3A_1582 : vector<16xf32>
        %add3A_1584 = arith.addf %add3A_1388, %mul3A_1583 : vector<16xf32>
        %get3A_1585 = arith.constant 0 : i32
        %get3A_1586 = arith.constant 0 : i32
        %get3A_1587 = tpu.memref_slice %arg10[%scan3A_188, %get3A_1585, %get3A_1586] : memref<2x336x128xf32, #tpu.memory_space<vmem>> -> memref<1x336x128xf32, #tpu.memory_space<vmem>>
        %get3A_1588 = tpu.memref_squeeze %get3A_1587 : memref<1x336x128xf32, #tpu.memory_space<vmem>> -> memref<336x128xf32, #tpu.memory_space<vmem>>
        %get3A_1589 = arith.index_cast %add3A_243 : i32 to index
        %get3A_1590 = arith.constant 96 : index
        %get3A_1591 = tpu.vector_load %get3A_1588[%get3A_1589, %get3A_1590] {strides = array<i32>} : memref<336x128xf32, #tpu.memory_space<vmem>>, vector<16xf32>,
        %mul3A_1592 = arith.mulf %get3A_1404, %get3A_1591 : vector<16xf32>
        %add3A_1593 = arith.addf %add3A_1397, %mul3A_1592 : vector<16xf32>
        %get3A_1594 = arith.constant 0 : i32
        %get3A_1595 = arith.constant 0 : i32
        %get3A_1596 = tpu.memref_slice %arg9[%scan3A_187, %get3A_1594, %get3A_1595] : memref<2x16x128xf32, #tpu.memory_space<vmem>> -> memref<1x16x128xf32, #tpu.memory_space<vmem>>
        %get3A_1597 = tpu.memref_squeeze %get3A_1596 : memref<1x16x128xf32, #tpu.memory_space<vmem>> -> memref<16x128xf32, #tpu.memory_space<vmem>>
        %get3A_1598 = arith.index_cast %scan3A_194 : i32 to index
        %get3A_1599 = arith.constant 112 : index
        %get3A_1600 = tpu.vector_load %get3A_1597[%get3A_1598, %get3A_1599] {strides = array<i32>} : memref<16x128xf32, #tpu.memory_space<vmem>>, vector<16xf32>,
        %get3A_1601 = arith.constant 0 : i32
        %get3A_1602 = arith.constant 0 : i32
        %get3A_1603 = tpu.memref_slice %arg10[%scan3A_188, %get3A_1601, %get3A_1602] : memref<2x336x128xf32, #tpu.memory_space<vmem>> -> memref<1x336x128xf32, #tpu.memory_space<vmem>>
        %get3A_1604 = tpu.memref_squeeze %get3A_1603 : memref<1x336x128xf32, #tpu.memory_space<vmem>> -> memref<336x128xf32, #tpu.memory_space<vmem>>
        %get3A_1605 = arith.index_cast %scan3A_194 : i32 to index
        %get3A_1606 = arith.constant 112 : index
        %get3A_1607 = tpu.vector_load %get3A_1604[%get3A_1605, %get3A_1606] {strides = array<i32>} : memref<336x128xf32, #tpu.memory_space<vmem>>, vector<16xf32>,
        %mul3A_1608 = arith.mulf %get3A_1600, %get3A_1607 : vector<16xf32>
        %add3A_1609 = arith.addf %add3A_1413, %mul3A_1608 : vector<16xf32>
        %get3A_1610 = arith.constant 0 : i32
        %get3A_1611 = arith.constant 0 : i32
        %get3A_1612 = tpu.memref_slice %arg10[%scan3A_188, %get3A_1610, %get3A_1611] : memref<2x336x128xf32, #tpu.memory_space<vmem>> -> memref<1x336x128xf32, #tpu.memory_space<vmem>>
        %get3A_1613 = tpu.memref_squeeze %get3A_1612 : memref<1x336x128xf32, #tpu.memory_space<vmem>> -> memref<336x128xf32, #tpu.memory_space<vmem>>
        %get3A_1614 = arith.index_cast %add3A_205 : i32 to index
        %get3A_1615 = arith.constant 112 : index
        %get3A_1616 = tpu.vector_load %get3A_1613[%get3A_1614, %get3A_1615] {strides = array<i32>} : memref<336x128xf32, #tpu.memory_space<vmem>>, vector<16xf32>,
        %mul3A_1617 = arith.mulf %get3A_1600, %get3A_1616 : vector<16xf32>
        %add3A_1618 = arith.addf %add3A_1422, %mul3A_1617 : vector<16xf32>
        %get3A_1619 = arith.constant 0 : i32
        %get3A_1620 = arith.constant 0 : i32
        %get3A_1621 = tpu.memref_slice %arg10[%scan3A_188, %get3A_1619, %get3A_1620] : memref<2x336x128xf32, #tpu.memory_space<vmem>> -> memref<1x336x128xf32, #tpu.memory_space<vmem>>
        %get3A_1622 = tpu.memref_squeeze %get3A_1621 : memref<1x336x128xf32, #tpu.memory_space<vmem>> -> memref<336x128xf32, #tpu.memory_space<vmem>>
        %get3A_1623 = arith.index_cast %add3A_207 : i32 to index
        %get3A_1624 = arith.constant 112 : index
        %get3A_1625 = tpu.vector_load %get3A_1622[%get3A_1623, %get3A_1624] {strides = array<i32>} : memref<336x128xf32, #tpu.memory_space<vmem>>, vector<16xf32>,
        %mul3A_1626 = arith.mulf %get3A_1600, %get3A_1625 : vector<16xf32>
        %add3A_1627 = arith.addf %add3A_1431, %mul3A_1626 : vector<16xf32>
        %get3A_1628 = arith.constant 0 : i32
        %get3A_1629 = arith.constant 0 : i32
        %get3A_1630 = tpu.memref_slice %arg10[%scan3A_188, %get3A_1628, %get3A_1629] : memref<2x336x128xf32, #tpu.memory_space<vmem>> -> memref<1x336x128xf32, #tpu.memory_space<vmem>>
        %get3A_1631 = tpu.memref_squeeze %get3A_1630 : memref<1x336x128xf32, #tpu.memory_space<vmem>> -> memref<336x128xf32, #tpu.memory_space<vmem>>
        %get3A_1632 = arith.index_cast %add3A_209 : i32 to index
        %get3A_1633 = arith.constant 112 : index
        %get3A_1634 = tpu.vector_load %get3A_1631[%get3A_1632, %get3A_1633] {strides = array<i32>} : memref<336x128xf32, #tpu.memory_space<vmem>>, vector<16xf32>,
        %mul3A_1635 = arith.mulf %get3A_1600, %get3A_1634 : vector<16xf32>
        %add3A_1636 = arith.addf %add3A_1440, %mul3A_1635 : vector<16xf32>
        %get3A_1637 = arith.constant 0 : i32
        %get3A_1638 = arith.constant 0 : i32
        %get3A_1639 = tpu.memref_slice %arg10[%scan3A_188, %get3A_1637, %get3A_1638] : memref<2x336x128xf32, #tpu.memory_space<vmem>> -> memref<1x336x128xf32, #tpu.memory_space<vmem>>
        %get3A_1640 = tpu.memref_squeeze %get3A_1639 : memref<1x336x128xf32, #tpu.memory_space<vmem>> -> memref<336x128xf32, #tpu.memory_space<vmem>>
        %get3A_1641 = arith.index_cast %add3A_211 : i32 to index
        %get3A_1642 = arith.constant 112 : index
        %get3A_1643 = tpu.vector_load %get3A_1640[%get3A_1641, %get3A_1642] {strides = array<i32>} : memref<336x128xf32, #tpu.memory_space<vmem>>, vector<16xf32>,
        %mul3A_1644 = arith.mulf %get3A_1600, %get3A_1643 : vector<16xf32>
        %add3A_1645 = arith.addf %add3A_1449, %mul3A_1644 : vector<16xf32>
        %get3A_1646 = arith.constant 0 : i32
        %get3A_1647 = arith.constant 0 : i32
        %get3A_1648 = tpu.memref_slice %arg10[%scan3A_188, %get3A_1646, %get3A_1647] : memref<2x336x128xf32, #tpu.memory_space<vmem>> -> memref<1x336x128xf32, #tpu.memory_space<vmem>>
        %get3A_1649 = tpu.memref_squeeze %get3A_1648 : memref<1x336x128xf32, #tpu.memory_space<vmem>> -> memref<336x128xf32, #tpu.memory_space<vmem>>
        %get3A_1650 = arith.index_cast %add3A_213 : i32 to index
        %get3A_1651 = arith.constant 112 : index
        %get3A_1652 = tpu.vector_load %get3A_1649[%get3A_1650, %get3A_1651] {strides = array<i32>} : memref<336x128xf32, #tpu.memory_space<vmem>>, vector<16xf32>,
        %mul3A_1653 = arith.mulf %get3A_1600, %get3A_1652 : vector<16xf32>
        %add3A_1654 = arith.addf %add3A_1458, %mul3A_1653 : vector<16xf32>
        %get3A_1655 = arith.constant 0 : i32
        %get3A_1656 = arith.constant 0 : i32
        %get3A_1657 = tpu.memref_slice %arg10[%scan3A_188, %get3A_1655, %get3A_1656] : memref<2x336x128xf32, #tpu.memory_space<vmem>> -> memref<1x336x128xf32, #tpu.memory_space<vmem>>
        %get3A_1658 = tpu.memref_squeeze %get3A_1657 : memref<1x336x128xf32, #tpu.memory_space<vmem>> -> memref<336x128xf32, #tpu.memory_space<vmem>>
        %get3A_1659 = arith.index_cast %add3A_215 : i32 to index
        %get3A_1660 = arith.constant 112 : index
        %get3A_1661 = tpu.vector_load %get3A_1658[%get3A_1659, %get3A_1660] {strides = array<i32>} : memref<336x128xf32, #tpu.memory_space<vmem>>, vector<16xf32>,
        %mul3A_1662 = arith.mulf %get3A_1600, %get3A_1661 : vector<16xf32>
        %add3A_1663 = arith.addf %add3A_1467, %mul3A_1662 : vector<16xf32>
        %get3A_1664 = arith.constant 0 : i32
        %get3A_1665 = arith.constant 0 : i32
        %get3A_1666 = tpu.memref_slice %arg10[%scan3A_188, %get3A_1664, %get3A_1665] : memref<2x336x128xf32, #tpu.memory_space<vmem>> -> memref<1x336x128xf32, #tpu.memory_space<vmem>>
        %get3A_1667 = tpu.memref_squeeze %get3A_1666 : memref<1x336x128xf32, #tpu.memory_space<vmem>> -> memref<336x128xf32, #tpu.memory_space<vmem>>
        %get3A_1668 = arith.index_cast %add3A_217 : i32 to index
        %get3A_1669 = arith.constant 112 : index
        %get3A_1670 = tpu.vector_load %get3A_1667[%get3A_1668, %get3A_1669] {strides = array<i32>} : memref<336x128xf32, #tpu.memory_space<vmem>>, vector<16xf32>,
        %mul3A_1671 = arith.mulf %get3A_1600, %get3A_1670 : vector<16xf32>
        %add3A_1672 = arith.addf %add3A_1476, %mul3A_1671 : vector<16xf32>
        %get3A_1673 = arith.constant 0 : i32
        %get3A_1674 = arith.constant 0 : i32
        %get3A_1675 = tpu.memref_slice %arg10[%scan3A_188, %get3A_1673, %get3A_1674] : memref<2x336x128xf32, #tpu.memory_space<vmem>> -> memref<1x336x128xf32, #tpu.memory_space<vmem>>
        %get3A_1676 = tpu.memref_squeeze %get3A_1675 : memref<1x336x128xf32, #tpu.memory_space<vmem>> -> memref<336x128xf32, #tpu.memory_space<vmem>>
        %get3A_1677 = arith.index_cast %add3A_219 : i32 to index
        %get3A_1678 = arith.constant 112 : index
        %get3A_1679 = tpu.vector_load %get3A_1676[%get3A_1677, %get3A_1678] {strides = array<i32>} : memref<336x128xf32, #tpu.memory_space<vmem>>, vector<16xf32>,
        %mul3A_1680 = arith.mulf %get3A_1600, %get3A_1679 : vector<16xf32>
        %add3A_1681 = arith.addf %add3A_1485, %mul3A_1680 : vector<16xf32>
        %get3A_1682 = arith.constant 0 : i32
        %get3A_1683 = arith.constant 0 : i32
        %get3A_1684 = tpu.memref_slice %arg10[%scan3A_188, %get3A_1682, %get3A_1683] : memref<2x336x128xf32, #tpu.memory_space<vmem>> -> memref<1x336x128xf32, #tpu.memory_space<vmem>>
        %get3A_1685 = tpu.memref_squeeze %get3A_1684 : memref<1x336x128xf32, #tpu.memory_space<vmem>> -> memref<336x128xf32, #tpu.memory_space<vmem>>
        %get3A_1686 = arith.index_cast %add3A_221 : i32 to index
        %get3A_1687 = arith.constant 112 : index
        %get3A_1688 = tpu.vector_load %get3A_1685[%get3A_1686, %get3A_1687] {strides = array<i32>} : memref<336x128xf32, #tpu.memory_space<vmem>>, vector<16xf32>,
        %mul3A_1689 = arith.mulf %get3A_1600, %get3A_1688 : vector<16xf32>
        %add3A_1690 = arith.addf %add3A_1494, %mul3A_1689 : vector<16xf32>
        %get3A_1691 = arith.constant 0 : i32
        %get3A_1692 = arith.constant 0 : i32
        %get3A_1693 = tpu.memref_slice %arg10[%scan3A_188, %get3A_1691, %get3A_1692] : memref<2x336x128xf32, #tpu.memory_space<vmem>> -> memref<1x336x128xf32, #tpu.memory_space<vmem>>
        %get3A_1694 = tpu.memref_squeeze %get3A_1693 : memref<1x336x128xf32, #tpu.memory_space<vmem>> -> memref<336x128xf32, #tpu.memory_space<vmem>>
        %get3A_1695 = arith.index_cast %add3A_223 : i32 to index
        %get3A_1696 = arith.constant 112 : index
        %get3A_1697 = tpu.vector_load %get3A_1694[%get3A_1695, %get3A_1696] {strides = array<i32>} : memref<336x128xf32, #tpu.memory_space<vmem>>, vector<16xf32>,
        %mul3A_1698 = arith.mulf %get3A_1600, %get3A_1697 : vector<16xf32>
        %add3A_1699 = arith.addf %add3A_1503, %mul3A_1698 : vector<16xf32>
        %get3A_1700 = arith.constant 0 : i32
        %get3A_1701 = arith.constant 0 : i32
        %get3A_1702 = tpu.memref_slice %arg10[%scan3A_188, %get3A_1700, %get3A_1701] : memref<2x336x128xf32, #tpu.memory_space<vmem>> -> memref<1x336x128xf32, #tpu.memory_space<vmem>>
        %get3A_1703 = tpu.memref_squeeze %get3A_1702 : memref<1x336x128xf32, #tpu.memory_space<vmem>> -> memref<336x128xf32, #tpu.memory_space<vmem>>
        %get3A_1704 = arith.index_cast %add3A_225 : i32 to index
        %get3A_1705 = arith.constant 112 : index
        %get3A_1706 = tpu.vector_load %get3A_1703[%get3A_1704, %get3A_1705] {strides = array<i32>} : memref<336x128xf32, #tpu.memory_space<vmem>>, vector<16xf32>,
        %mul3A_1707 = arith.mulf %get3A_1600, %get3A_1706 : vector<16xf32>
        %add3A_1708 = arith.addf %add3A_1512, %mul3A_1707 : vector<16xf32>
        %get3A_1709 = arith.constant 0 : i32
        %get3A_1710 = arith.constant 0 : i32
        %get3A_1711 = tpu.memref_slice %arg10[%scan3A_188, %get3A_1709, %get3A_1710] : memref<2x336x128xf32, #tpu.memory_space<vmem>> -> memref<1x336x128xf32, #tpu.memory_space<vmem>>
        %get3A_1712 = tpu.memref_squeeze %get3A_1711 : memref<1x336x128xf32, #tpu.memory_space<vmem>> -> memref<336x128xf32, #tpu.memory_space<vmem>>
        %get3A_1713 = arith.index_cast %add3A_227 : i32 to index
        %get3A_1714 = arith.constant 112 : index
        %get3A_1715 = tpu.vector_load %get3A_1712[%get3A_1713, %get3A_1714] {strides = array<i32>} : memref<336x128xf32, #tpu.memory_space<vmem>>, vector<16xf32>,
        %mul3A_1716 = arith.mulf %get3A_1600, %get3A_1715 : vector<16xf32>
        %add3A_1717 = arith.addf %add3A_1521, %mul3A_1716 : vector<16xf32>
        %get3A_1718 = arith.constant 0 : i32
        %get3A_1719 = arith.constant 0 : i32
        %get3A_1720 = tpu.memref_slice %arg10[%scan3A_188, %get3A_1718, %get3A_1719] : memref<2x336x128xf32, #tpu.memory_space<vmem>> -> memref<1x336x128xf32, #tpu.memory_space<vmem>>
        %get3A_1721 = tpu.memref_squeeze %get3A_1720 : memref<1x336x128xf32, #tpu.memory_space<vmem>> -> memref<336x128xf32, #tpu.memory_space<vmem>>
        %get3A_1722 = arith.index_cast %add3A_229 : i32 to index
        %get3A_1723 = arith.constant 112 : index
        %get3A_1724 = tpu.vector_load %get3A_1721[%get3A_1722, %get3A_1723] {strides = array<i32>} : memref<336x128xf32, #tpu.memory_space<vmem>>, vector<16xf32>,
        %mul3A_1725 = arith.mulf %get3A_1600, %get3A_1724 : vector<16xf32>
        %add3A_1726 = arith.addf %add3A_1530, %mul3A_1725 : vector<16xf32>
        %get3A_1727 = arith.constant 0 : i32
        %get3A_1728 = arith.constant 0 : i32
        %get3A_1729 = tpu.memref_slice %arg10[%scan3A_188, %get3A_1727, %get3A_1728] : memref<2x336x128xf32, #tpu.memory_space<vmem>> -> memref<1x336x128xf32, #tpu.memory_space<vmem>>
        %get3A_1730 = tpu.memref_squeeze %get3A_1729 : memref<1x336x128xf32, #tpu.memory_space<vmem>> -> memref<336x128xf32, #tpu.memory_space<vmem>>
        %get3A_1731 = arith.index_cast %add3A_231 : i32 to index
        %get3A_1732 = arith.constant 112 : index
        %get3A_1733 = tpu.vector_load %get3A_1730[%get3A_1731, %get3A_1732] {strides = array<i32>} : memref<336x128xf32, #tpu.memory_space<vmem>>, vector<16xf32>,
        %mul3A_1734 = arith.mulf %get3A_1600, %get3A_1733 : vector<16xf32>
        %add3A_1735 = arith.addf %add3A_1539, %mul3A_1734 : vector<16xf32>
        %get3A_1736 = arith.constant 0 : i32
        %get3A_1737 = arith.constant 0 : i32
        %get3A_1738 = tpu.memref_slice %arg10[%scan3A_188, %get3A_1736, %get3A_1737] : memref<2x336x128xf32, #tpu.memory_space<vmem>> -> memref<1x336x128xf32, #tpu.memory_space<vmem>>
        %get3A_1739 = tpu.memref_squeeze %get3A_1738 : memref<1x336x128xf32, #tpu.memory_space<vmem>> -> memref<336x128xf32, #tpu.memory_space<vmem>>
        %get3A_1740 = arith.index_cast %add3A_233 : i32 to index
        %get3A_1741 = arith.constant 112 : index
        %get3A_1742 = tpu.vector_load %get3A_1739[%get3A_1740, %get3A_1741] {strides = array<i32>} : memref<336x128xf32, #tpu.memory_space<vmem>>, vector<16xf32>,
        %mul3A_1743 = arith.mulf %get3A_1600, %get3A_1742 : vector<16xf32>
        %add3A_1744 = arith.addf %add3A_1548, %mul3A_1743 : vector<16xf32>
        %get3A_1745 = arith.constant 0 : i32
        %get3A_1746 = arith.constant 0 : i32
        %get3A_1747 = tpu.memref_slice %arg10[%scan3A_188, %get3A_1745, %get3A_1746] : memref<2x336x128xf32, #tpu.memory_space<vmem>> -> memref<1x336x128xf32, #tpu.memory_space<vmem>>
        %get3A_1748 = tpu.memref_squeeze %get3A_1747 : memref<1x336x128xf32, #tpu.memory_space<vmem>> -> memref<336x128xf32, #tpu.memory_space<vmem>>
        %get3A_1749 = arith.index_cast %add3A_235 : i32 to index
        %get3A_1750 = arith.constant 112 : index
        %get3A_1751 = tpu.vector_load %get3A_1748[%get3A_1749, %get3A_1750] {strides = array<i32>} : memref<336x128xf32, #tpu.memory_space<vmem>>, vector<16xf32>,
        %mul3A_1752 = arith.mulf %get3A_1600, %get3A_1751 : vector<16xf32>
        %add3A_1753 = arith.addf %add3A_1557, %mul3A_1752 : vector<16xf32>
        %get3A_1754 = arith.constant 0 : i32
        %get3A_1755 = arith.constant 0 : i32
        %get3A_1756 = tpu.memref_slice %arg10[%scan3A_188, %get3A_1754, %get3A_1755] : memref<2x336x128xf32, #tpu.memory_space<vmem>> -> memref<1x336x128xf32, #tpu.memory_space<vmem>>
        %get3A_1757 = tpu.memref_squeeze %get3A_1756 : memref<1x336x128xf32, #tpu.memory_space<vmem>> -> memref<336x128xf32, #tpu.memory_space<vmem>>
        %get3A_1758 = arith.index_cast %add3A_237 : i32 to index
        %get3A_1759 = arith.constant 112 : index
        %get3A_1760 = tpu.vector_load %get3A_1757[%get3A_1758, %get3A_1759] {strides = array<i32>} : memref<336x128xf32, #tpu.memory_space<vmem>>, vector<16xf32>,
        %mul3A_1761 = arith.mulf %get3A_1600, %get3A_1760 : vector<16xf32>
        %add3A_1762 = arith.addf %add3A_1566, %mul3A_1761 : vector<16xf32>
        %get3A_1763 = arith.constant 0 : i32
        %get3A_1764 = arith.constant 0 : i32
        %get3A_1765 = tpu.memref_slice %arg10[%scan3A_188, %get3A_1763, %get3A_1764] : memref<2x336x128xf32, #tpu.memory_space<vmem>> -> memref<1x336x128xf32, #tpu.memory_space<vmem>>
        %get3A_1766 = tpu.memref_squeeze %get3A_1765 : memref<1x336x128xf32, #tpu.memory_space<vmem>> -> memref<336x128xf32, #tpu.memory_space<vmem>>
        %get3A_1767 = arith.index_cast %add3A_239 : i32 to index
        %get3A_1768 = arith.constant 112 : index
        %get3A_1769 = tpu.vector_load %get3A_1766[%get3A_1767, %get3A_1768] {strides = array<i32>} : memref<336x128xf32, #tpu.memory_space<vmem>>, vector<16xf32>,
        %mul3A_1770 = arith.mulf %get3A_1600, %get3A_1769 : vector<16xf32>
        %add3A_1771 = arith.addf %add3A_1575, %mul3A_1770 : vector<16xf32>
        %get3A_1772 = arith.constant 0 : i32
        %get3A_1773 = arith.constant 0 : i32
        %get3A_1774 = tpu.memref_slice %arg10[%scan3A_188, %get3A_1772, %get3A_1773] : memref<2x336x128xf32, #tpu.memory_space<vmem>> -> memref<1x336x128xf32, #tpu.memory_space<vmem>>
        %get3A_1775 = tpu.memref_squeeze %get3A_1774 : memref<1x336x128xf32, #tpu.memory_space<vmem>> -> memref<336x128xf32, #tpu.memory_space<vmem>>
        %get3A_1776 = arith.index_cast %add3A_241 : i32 to index
        %get3A_1777 = arith.constant 112 : index
        %get3A_1778 = tpu.vector_load %get3A_1775[%get3A_1776, %get3A_1777] {strides = array<i32>} : memref<336x128xf32, #tpu.memory_space<vmem>>, vector<16xf32>,
        %mul3A_1779 = arith.mulf %get3A_1600, %get3A_1778 : vector<16xf32>
        %add3A_1780 = arith.addf %add3A_1584, %mul3A_1779 : vector<16xf32>
        %get3A_1781 = arith.constant 0 : i32
        %get3A_1782 = arith.constant 0 : i32
        %get3A_1783 = tpu.memref_slice %arg10[%scan3A_188, %get3A_1781, %get3A_1782] : memref<2x336x128xf32, #tpu.memory_space<vmem>> -> memref<1x336x128xf32, #tpu.memory_space<vmem>>
        %get3A_1784 = tpu.memref_squeeze %get3A_1783 : memref<1x336x128xf32, #tpu.memory_space<vmem>> -> memref<336x128xf32, #tpu.memory_space<vmem>>
        %get3A_1785 = arith.index_cast %add3A_243 : i32 to index
        %get3A_1786 = arith.constant 112 : index
        %get3A_1787 = tpu.vector_load %get3A_1784[%get3A_1785, %get3A_1786] {strides = array<i32>} : memref<336x128xf32, #tpu.memory_space<vmem>>, vector<16xf32>,
        %mul3A_1788 = arith.mulf %get3A_1600, %get3A_1787 : vector<16xf32>
        %add3A_1789 = arith.addf %add3A_1593, %mul3A_1788 : vector<16xf32>
        %add3A_1790 = arith.constant 0 : i32
        %add3A_1791 = vector.broadcast %add3A_1790 : i32 to vector<16xi32>
        %add3A_1792 = arith.addi %add3A_199, %add3A_1791 : vector<16xi32>
        %broadcast_in_dim3A_1793 = arith.constant true
        %broadcast_in_dim3A_1794 = vector.broadcast %broadcast_in_dim3A_1793 : i1 to vector<16xi1>
        %masked_cumsum3A = tpu.scan <sum>, %add3A_1609 masked %broadcast_in_dim3A_1794 : vector<16xf32>, vector<16xi1> -> vector<16xf32>
        tpu.vector_store_idx %arg11[%add3A_1792], %masked_cumsum3A masked %eq3A_44 : memref<12288xf32, #tpu.memory_space<vmem>>[vector<16xi32>], vector<16xf32>, vector<16xi1>
        %add3A_1795 = arith.constant 512 : i32
        %add3A_1796 = vector.broadcast %add3A_1795 : i32 to vector<16xi32>
        %add3A_1797 = arith.addi %add3A_199, %add3A_1796 : vector<16xi32>
        %broadcast_in_dim3A_1798 = arith.constant true
        %broadcast_in_dim3A_1799 = vector.broadcast %broadcast_in_dim3A_1798 : i1 to vector<16xi1>
        %masked_cumsum3A_1800 = tpu.scan <sum>, %add3A_1618 masked %broadcast_in_dim3A_1799 : vector<16xf32>, vector<16xi1> -> vector<16xf32>
        tpu.vector_store_idx %arg11[%add3A_1797], %masked_cumsum3A_1800 masked %eq3A_44 : memref<12288xf32, #tpu.memory_space<vmem>>[vector<16xi32>], vector<16xf32>, vector<16xi1>
        %add3A_1801 = arith.constant 1024 : i32
        %add3A_1802 = vector.broadcast %add3A_1801 : i32 to vector<16xi32>
        %add3A_1803 = arith.addi %add3A_199, %add3A_1802 : vector<16xi32>
        %broadcast_in_dim3A_1804 = arith.constant true
        %broadcast_in_dim3A_1805 = vector.broadcast %broadcast_in_dim3A_1804 : i1 to vector<16xi1>
        %masked_cumsum3A_1806 = tpu.scan <sum>, %add3A_1627 masked %broadcast_in_dim3A_1805 : vector<16xf32>, vector<16xi1> -> vector<16xf32>
        tpu.vector_store_idx %arg11[%add3A_1803], %masked_cumsum3A_1806 masked %eq3A_44 : memref<12288xf32, #tpu.memory_space<vmem>>[vector<16xi32>], vector<16xf32>, vector<16xi1>
        %add3A_1807 = arith.constant 1536 : i32
        %add3A_1808 = vector.broadcast %add3A_1807 : i32 to vector<16xi32>
        %add3A_1809 = arith.addi %add3A_199, %add3A_1808 : vector<16xi32>
        %broadcast_in_dim3A_1810 = arith.constant true
        %broadcast_in_dim3A_1811 = vector.broadcast %broadcast_in_dim3A_1810 : i1 to vector<16xi1>
        %masked_cumsum3A_1812 = tpu.scan <sum>, %add3A_1636 masked %broadcast_in_dim3A_1811 : vector<16xf32>, vector<16xi1> -> vector<16xf32>
        tpu.vector_store_idx %arg11[%add3A_1809], %masked_cumsum3A_1812 masked %eq3A_44 : memref<12288xf32, #tpu.memory_space<vmem>>[vector<16xi32>], vector<16xf32>, vector<16xi1>
        %add3A_1813 = arith.constant 2048 : i32
        %add3A_1814 = vector.broadcast %add3A_1813 : i32 to vector<16xi32>
        %add3A_1815 = arith.addi %add3A_199, %add3A_1814 : vector<16xi32>
        %broadcast_in_dim3A_1816 = arith.constant true
        %broadcast_in_dim3A_1817 = vector.broadcast %broadcast_in_dim3A_1816 : i1 to vector<16xi1>
        %masked_cumsum3A_1818 = tpu.scan <sum>, %add3A_1645 masked %broadcast_in_dim3A_1817 : vector<16xf32>, vector<16xi1> -> vector<16xf32>
        tpu.vector_store_idx %arg11[%add3A_1815], %masked_cumsum3A_1818 masked %eq3A_44 : memref<12288xf32, #tpu.memory_space<vmem>>[vector<16xi32>], vector<16xf32>, vector<16xi1>
        %add3A_1819 = arith.constant 2560 : i32
        %add3A_1820 = vector.broadcast %add3A_1819 : i32 to vector<16xi32>
        %add3A_1821 = arith.addi %add3A_199, %add3A_1820 : vector<16xi32>
        %broadcast_in_dim3A_1822 = arith.constant true
        %broadcast_in_dim3A_1823 = vector.broadcast %broadcast_in_dim3A_1822 : i1 to vector<16xi1>
        %masked_cumsum3A_1824 = tpu.scan <sum>, %add3A_1654 masked %broadcast_in_dim3A_1823 : vector<16xf32>, vector<16xi1> -> vector<16xf32>
        tpu.vector_store_idx %arg11[%add3A_1821], %masked_cumsum3A_1824 masked %eq3A_44 : memref<12288xf32, #tpu.memory_space<vmem>>[vector<16xi32>], vector<16xf32>, vector<16xi1>
        %add3A_1825 = arith.constant 3072 : i32
        %add3A_1826 = vector.broadcast %add3A_1825 : i32 to vector<16xi32>
        %add3A_1827 = arith.addi %add3A_199, %add3A_1826 : vector<16xi32>
        %broadcast_in_dim3A_1828 = arith.constant true
        %broadcast_in_dim3A_1829 = vector.broadcast %broadcast_in_dim3A_1828 : i1 to vector<16xi1>
        %masked_cumsum3A_1830 = tpu.scan <sum>, %add3A_1663 masked %broadcast_in_dim3A_1829 : vector<16xf32>, vector<16xi1> -> vector<16xf32>
        tpu.vector_store_idx %arg11[%add3A_1827], %masked_cumsum3A_1830 masked %eq3A_44 : memref<12288xf32, #tpu.memory_space<vmem>>[vector<16xi32>], vector<16xf32>, vector<16xi1>
        %add3A_1831 = arith.constant 3584 : i32
        %add3A_1832 = vector.broadcast %add3A_1831 : i32 to vector<16xi32>
        %add3A_1833 = arith.addi %add3A_199, %add3A_1832 : vector<16xi32>
        %broadcast_in_dim3A_1834 = arith.constant true
        %broadcast_in_dim3A_1835 = vector.broadcast %broadcast_in_dim3A_1834 : i1 to vector<16xi1>
        %masked_cumsum3A_1836 = tpu.scan <sum>, %add3A_1672 masked %broadcast_in_dim3A_1835 : vector<16xf32>, vector<16xi1> -> vector<16xf32>
        tpu.vector_store_idx %arg11[%add3A_1833], %masked_cumsum3A_1836 masked %eq3A_44 : memref<12288xf32, #tpu.memory_space<vmem>>[vector<16xi32>], vector<16xf32>, vector<16xi1>
        %add3A_1837 = arith.constant 4096 : i32
        %add3A_1838 = vector.broadcast %add3A_1837 : i32 to vector<16xi32>
        %add3A_1839 = arith.addi %add3A_199, %add3A_1838 : vector<16xi32>
        %broadcast_in_dim3A_1840 = arith.constant true
        %broadcast_in_dim3A_1841 = vector.broadcast %broadcast_in_dim3A_1840 : i1 to vector<16xi1>
        %masked_cumsum3A_1842 = tpu.scan <sum>, %add3A_1681 masked %broadcast_in_dim3A_1841 : vector<16xf32>, vector<16xi1> -> vector<16xf32>
        tpu.vector_store_idx %arg11[%add3A_1839], %masked_cumsum3A_1842 masked %eq3A_44 : memref<12288xf32, #tpu.memory_space<vmem>>[vector<16xi32>], vector<16xf32>, vector<16xi1>
        %add3A_1843 = arith.constant 4608 : i32
        %add3A_1844 = vector.broadcast %add3A_1843 : i32 to vector<16xi32>
        %add3A_1845 = arith.addi %add3A_199, %add3A_1844 : vector<16xi32>
        %broadcast_in_dim3A_1846 = arith.constant true
        %broadcast_in_dim3A_1847 = vector.broadcast %broadcast_in_dim3A_1846 : i1 to vector<16xi1>
        %masked_cumsum3A_1848 = tpu.scan <sum>, %add3A_1690 masked %broadcast_in_dim3A_1847 : vector<16xf32>, vector<16xi1> -> vector<16xf32>
        tpu.vector_store_idx %arg11[%add3A_1845], %masked_cumsum3A_1848 masked %eq3A_44 : memref<12288xf32, #tpu.memory_space<vmem>>[vector<16xi32>], vector<16xf32>, vector<16xi1>
        %add3A_1849 = arith.constant 5120 : i32
        %add3A_1850 = vector.broadcast %add3A_1849 : i32 to vector<16xi32>
        %add3A_1851 = arith.addi %add3A_199, %add3A_1850 : vector<16xi32>
        %broadcast_in_dim3A_1852 = arith.constant true
        %broadcast_in_dim3A_1853 = vector.broadcast %broadcast_in_dim3A_1852 : i1 to vector<16xi1>
        %masked_cumsum3A_1854 = tpu.scan <sum>, %add3A_1699 masked %broadcast_in_dim3A_1853 : vector<16xf32>, vector<16xi1> -> vector<16xf32>
        tpu.vector_store_idx %arg11[%add3A_1851], %masked_cumsum3A_1854 masked %eq3A_44 : memref<12288xf32, #tpu.memory_space<vmem>>[vector<16xi32>], vector<16xf32>, vector<16xi1>
        %add3A_1855 = arith.constant 5632 : i32
        %add3A_1856 = vector.broadcast %add3A_1855 : i32 to vector<16xi32>
        %add3A_1857 = arith.addi %add3A_199, %add3A_1856 : vector<16xi32>
        %broadcast_in_dim3A_1858 = arith.constant true
        %broadcast_in_dim3A_1859 = vector.broadcast %broadcast_in_dim3A_1858 : i1 to vector<16xi1>
        %masked_cumsum3A_1860 = tpu.scan <sum>, %add3A_1708 masked %broadcast_in_dim3A_1859 : vector<16xf32>, vector<16xi1> -> vector<16xf32>
        tpu.vector_store_idx %arg11[%add3A_1857], %masked_cumsum3A_1860 masked %eq3A_44 : memref<12288xf32, #tpu.memory_space<vmem>>[vector<16xi32>], vector<16xf32>, vector<16xi1>
        %add3A_1861 = arith.constant 6144 : i32
        %add3A_1862 = vector.broadcast %add3A_1861 : i32 to vector<16xi32>
        %add3A_1863 = arith.addi %add3A_199, %add3A_1862 : vector<16xi32>
        %broadcast_in_dim3A_1864 = arith.constant true
        %broadcast_in_dim3A_1865 = vector.broadcast %broadcast_in_dim3A_1864 : i1 to vector<16xi1>
        %masked_cumsum3A_1866 = tpu.scan <sum>, %add3A_1717 masked %broadcast_in_dim3A_1865 : vector<16xf32>, vector<16xi1> -> vector<16xf32>
        tpu.vector_store_idx %arg11[%add3A_1863], %masked_cumsum3A_1866 masked %eq3A_44 : memref<12288xf32, #tpu.memory_space<vmem>>[vector<16xi32>], vector<16xf32>, vector<16xi1>
        %add3A_1867 = arith.constant 6656 : i32
        %add3A_1868 = vector.broadcast %add3A_1867 : i32 to vector<16xi32>
        %add3A_1869 = arith.addi %add3A_199, %add3A_1868 : vector<16xi32>
        %broadcast_in_dim3A_1870 = arith.constant true
        %broadcast_in_dim3A_1871 = vector.broadcast %broadcast_in_dim3A_1870 : i1 to vector<16xi1>
        %masked_cumsum3A_1872 = tpu.scan <sum>, %add3A_1726 masked %broadcast_in_dim3A_1871 : vector<16xf32>, vector<16xi1> -> vector<16xf32>
        tpu.vector_store_idx %arg11[%add3A_1869], %masked_cumsum3A_1872 masked %eq3A_44 : memref<12288xf32, #tpu.memory_space<vmem>>[vector<16xi32>], vector<16xf32>, vector<16xi1>
        %add3A_1873 = arith.constant 7168 : i32
        %add3A_1874 = vector.broadcast %add3A_1873 : i32 to vector<16xi32>
        %add3A_1875 = arith.addi %add3A_199, %add3A_1874 : vector<16xi32>
        %broadcast_in_dim3A_1876 = arith.constant true
        %broadcast_in_dim3A_1877 = vector.broadcast %broadcast_in_dim3A_1876 : i1 to vector<16xi1>
        %masked_cumsum3A_1878 = tpu.scan <sum>, %add3A_1735 masked %broadcast_in_dim3A_1877 : vector<16xf32>, vector<16xi1> -> vector<16xf32>
        tpu.vector_store_idx %arg11[%add3A_1875], %masked_cumsum3A_1878 masked %eq3A_44 : memref<12288xf32, #tpu.memory_space<vmem>>[vector<16xi32>], vector<16xf32>, vector<16xi1>
        %add3A_1879 = arith.constant 7680 : i32
        %add3A_1880 = vector.broadcast %add3A_1879 : i32 to vector<16xi32>
        %add3A_1881 = arith.addi %add3A_199, %add3A_1880 : vector<16xi32>
        %broadcast_in_dim3A_1882 = arith.constant true
        %broadcast_in_dim3A_1883 = vector.broadcast %broadcast_in_dim3A_1882 : i1 to vector<16xi1>
        %masked_cumsum3A_1884 = tpu.scan <sum>, %add3A_1744 masked %broadcast_in_dim3A_1883 : vector<16xf32>, vector<16xi1> -> vector<16xf32>
        tpu.vector_store_idx %arg11[%add3A_1881], %masked_cumsum3A_1884 masked %eq3A_44 : memref<12288xf32, #tpu.memory_space<vmem>>[vector<16xi32>], vector<16xf32>, vector<16xi1>
        %add3A_1885 = arith.constant 8192 : i32
        %add3A_1886 = vector.broadcast %add3A_1885 : i32 to vector<16xi32>
        %add3A_1887 = arith.addi %add3A_199, %add3A_1886 : vector<16xi32>
        %broadcast_in_dim3A_1888 = arith.constant true
        %broadcast_in_dim3A_1889 = vector.broadcast %broadcast_in_dim3A_1888 : i1 to vector<16xi1>
        %masked_cumsum3A_1890 = tpu.scan <sum>, %add3A_1753 masked %broadcast_in_dim3A_1889 : vector<16xf32>, vector<16xi1> -> vector<16xf32>
        tpu.vector_store_idx %arg11[%add3A_1887], %masked_cumsum3A_1890 masked %eq3A_44 : memref<12288xf32, #tpu.memory_space<vmem>>[vector<16xi32>], vector<16xf32>, vector<16xi1>
        %add3A_1891 = arith.constant 8704 : i32
        %add3A_1892 = vector.broadcast %add3A_1891 : i32 to vector<16xi32>
        %add3A_1893 = arith.addi %add3A_199, %add3A_1892 : vector<16xi32>
        %broadcast_in_dim3A_1894 = arith.constant true
        %broadcast_in_dim3A_1895 = vector.broadcast %broadcast_in_dim3A_1894 : i1 to vector<16xi1>
        %masked_cumsum3A_1896 = tpu.scan <sum>, %add3A_1762 masked %broadcast_in_dim3A_1895 : vector<16xf32>, vector<16xi1> -> vector<16xf32>
        tpu.vector_store_idx %arg11[%add3A_1893], %masked_cumsum3A_1896 masked %eq3A_44 : memref<12288xf32, #tpu.memory_space<vmem>>[vector<16xi32>], vector<16xf32>, vector<16xi1>
        %add3A_1897 = arith.constant 9216 : i32
        %add3A_1898 = vector.broadcast %add3A_1897 : i32 to vector<16xi32>
        %add3A_1899 = arith.addi %add3A_199, %add3A_1898 : vector<16xi32>
        %broadcast_in_dim3A_1900 = arith.constant true
        %broadcast_in_dim3A_1901 = vector.broadcast %broadcast_in_dim3A_1900 : i1 to vector<16xi1>
        %masked_cumsum3A_1902 = tpu.scan <sum>, %add3A_1771 masked %broadcast_in_dim3A_1901 : vector<16xf32>, vector<16xi1> -> vector<16xf32>
        tpu.vector_store_idx %arg11[%add3A_1899], %masked_cumsum3A_1902 masked %eq3A_44 : memref<12288xf32, #tpu.memory_space<vmem>>[vector<16xi32>], vector<16xf32>, vector<16xi1>
        %add3A_1903 = arith.constant 9728 : i32
        %add3A_1904 = vector.broadcast %add3A_1903 : i32 to vector<16xi32>
        %add3A_1905 = arith.addi %add3A_199, %add3A_1904 : vector<16xi32>
        %broadcast_in_dim3A_1906 = arith.constant true
        %broadcast_in_dim3A_1907 = vector.broadcast %broadcast_in_dim3A_1906 : i1 to vector<16xi1>
        %masked_cumsum3A_1908 = tpu.scan <sum>, %add3A_1780 masked %broadcast_in_dim3A_1907 : vector<16xf32>, vector<16xi1> -> vector<16xf32>
        tpu.vector_store_idx %arg11[%add3A_1905], %masked_cumsum3A_1908 masked %eq3A_44 : memref<12288xf32, #tpu.memory_space<vmem>>[vector<16xi32>], vector<16xf32>, vector<16xi1>
        %add3A_1909 = arith.constant 10240 : i32
        %add3A_1910 = vector.broadcast %add3A_1909 : i32 to vector<16xi32>
        %add3A_1911 = arith.addi %add3A_199, %add3A_1910 : vector<16xi32>
        %broadcast_in_dim3A_1912 = arith.constant true
        %broadcast_in_dim3A_1913 = vector.broadcast %broadcast_in_dim3A_1912 : i1 to vector<16xi1>
        %masked_cumsum3A_1914 = tpu.scan <sum>, %add3A_1789 masked %broadcast_in_dim3A_1913 : vector<16xf32>, vector<16xi1> -> vector<16xf32>
        tpu.vector_store_idx %arg11[%add3A_1911], %masked_cumsum3A_1914 masked %eq3A_44 : memref<12288xf32, #tpu.memory_space<vmem>>[vector<16xi32>], vector<16xf32>, vector<16xi1>
      }
      %scan3A_193 = arith.constant 16 : i32
    }
    %scan3A_81 = arith.constant 16 : i32
    %broadcast_in_dim3A = arith.constant 0.000000e+00 : f32
    %broadcast_in_dim3A_82 = vector.broadcast %broadcast_in_dim3A : f32 to vector<16xf32>
    %scan3A_83 = arith.constant 0 : i32
    %scan3A_84 = arith.constant 0 : i32
    %scan3A_85 = arith.constant 32 : i32
    %scan3A_86 = arith.addi %scan3A_84, %scan3A_85 : i32
    %scan3A_87 = arith.constant 1 : i32
    scf.for %scan3A_101 = %scan3A_84 to %scan3A_86 step %scan3A_87  : i32 {
      %mul3A_102 = arith.constant 16 : i32
      %mul3A_103 = arith.muli %scan3A_101, %mul3A_102 : i32
      %add3A_104 = arith.constant 10752 : i32
      %add3A_105 = arith.addi %add3A_104, %mul3A_103 : i32
      %swap3A = arith.index_cast %add3A_105 : i32 to index
      %swap3A_106 = tpu.vector_load %arg11[%swap3A] {strides = array<i32>} : memref<12288xf32, #tpu.memory_space<vmem>>, vector<16xf32>,
      tpu.vector_store %arg11[%swap3A], %broadcast_in_dim3A_82 {strides = array<i32>} : memref<12288xf32, #tpu.memory_space<vmem>>, vector<16xf32>,
    }
    %scan3A_88 = arith.constant 32 : i32
    %scan3A_89 = arith.constant 0 : i32
    %scan3A_90 = arith.constant 0 : i32
    %scan3A_91 = arith.constant 32 : i32
    %scan3A_92 = arith.addi %scan3A_90, %scan3A_91 : i32
    %scan3A_93 = arith.constant 1 : i32
    scf.for %scan3A_101 = %scan3A_90 to %scan3A_92 step %scan3A_93  : i32 {
      %mul3A_102 = arith.constant 16 : i32
      %mul3A_103 = arith.muli %scan3A_101, %mul3A_102 : i32
      %add3A_104 = arith.constant 11264 : i32
      %add3A_105 = arith.addi %add3A_104, %mul3A_103 : i32
      %swap3A = arith.index_cast %add3A_105 : i32 to index
      %swap3A_106 = tpu.vector_load %arg11[%swap3A] {strides = array<i32>} : memref<12288xf32, #tpu.memory_space<vmem>>, vector<16xf32>,
      tpu.vector_store %arg11[%swap3A], %broadcast_in_dim3A_82 {strides = array<i32>} : memref<12288xf32, #tpu.memory_space<vmem>>, vector<16xf32>,
    }
    %scan3A_94 = arith.constant 32 : i32
    %scan3A_95 = arith.constant 0 : i32
    %scan3A_96 = arith.constant 0 : i32
    %scan3A_97 = arith.constant 32 : i32
    %scan3A_98 = arith.addi %scan3A_96, %scan3A_97 : i32
    %scan3A_99 = arith.constant 1 : i32
    scf.for %scan3A_101 = %scan3A_96 to %scan3A_98 step %scan3A_99  : i32 {
      %mul3A_102 = arith.constant 16 : i32
      %mul3A_103 = arith.muli %scan3A_101, %mul3A_102 : i32
      %add3A_104 = arith.constant 11776 : i32
      %add3A_105 = arith.addi %add3A_104, %mul3A_103 : i32
      %swap3A = arith.index_cast %add3A_105 : i32 to index
      %swap3A_106 = tpu.vector_load %arg11[%swap3A] {strides = array<i32>} : memref<12288xf32, #tpu.memory_space<vmem>>, vector<16xf32>,
      tpu.vector_store %arg11[%swap3A], %broadcast_in_dim3A_82 {strides = array<i32>} : memref<12288xf32, #tpu.memory_space<vmem>>, vector<16xf32>,
    }
    %scan3A_100 = arith.constant 32 : i32
    "tpu.region"() ({
      %run_scoped3A = tpu.sem_alloc : memref<!tpu.dma_semaphore, #tpu.memory_space<semaphore_mem>>
      %dma_start3A_101 = arith.constant 0 : i32
      %dma_start3A_102 = tpu.memref_slice %arg6[%add3A, %dma_start3A_101] : memref<32x12288xf32, #tpu.memory_space<hbm>> -> memref<1x12288xf32, #tpu.memory_space<hbm>>
      %dma_start3A_103 = tpu.memref_squeeze %dma_start3A_102 : memref<1x12288xf32, #tpu.memory_space<hbm>> -> memref<12288xf32, #tpu.memory_space<hbm>>
      %dma_start3A_104 = arith.constant 0 : i32
      %dma_start3A_105 = tpu.memref_slice %arg6[%add3A, %dma_start3A_104] : memref<32x12288xf32, #tpu.memory_space<hbm>> -> memref<1x12288xf32, #tpu.memory_space<hbm>>
      %dma_start3A_106 = tpu.memref_squeeze %dma_start3A_105 : memref<1x12288xf32, #tpu.memory_space<hbm>> -> memref<12288xf32, #tpu.memory_space<hbm>>
      tpu.enqueue_dma source(%arg11 : memref<12288xf32, #tpu.memory_space<vmem>>) target(%dma_start3A_106 : memref<12288xf32, #tpu.memory_space<hbm>>) target_semaphore(%run_scoped3A : memref<!tpu.dma_semaphore, #tpu.memory_space<semaphore_mem>>)
      %dma_wait3A_107 = arith.constant 0 : i32
      %dma_wait3A_108 = tpu.memref_slice %arg6[%add3A, %dma_wait3A_107] : memref<32x12288xf32, #tpu.memory_space<hbm>> -> memref<1x12288xf32, #tpu.memory_space<hbm>>
      %dma_wait3A_109 = tpu.memref_squeeze %dma_wait3A_108 : memref<1x12288xf32, #tpu.memory_space<hbm>> -> memref<12288xf32, #tpu.memory_space<hbm>>
      %dma_wait3A_110 = arith.constant 0 : i32
      %dma_wait3A_111 = tpu.memref_slice %arg6[%add3A, %dma_wait3A_110] : memref<32x12288xf32, #tpu.memory_space<hbm>> -> memref<1x12288xf32, #tpu.memory_space<hbm>>
      %dma_wait3A_112 = tpu.memref_squeeze %dma_wait3A_111 : memref<1x12288xf32, #tpu.memory_space<hbm>> -> memref<12288xf32, #tpu.memory_space<hbm>>
      tpu.wait_dma2 semaphore(%run_scoped3A : memref<!tpu.dma_semaphore, #tpu.memory_space<semaphore_mem>>) src(%arg11 : memref<12288xf32, #tpu.memory_space<vmem>>) dst(%dma_wait3A_112 : memref<12288xf32, #tpu.memory_space<hbm>>)
      tpu.yield
    }) : () -> ()
    return
  }
}

module attributes {stable_mosaic.version = 14 : i64} {
  func.func @_tc_loss_body(%arg0: memref<32x12288xf32, #tpu.memory_space<vmem>>, %arg1: memref<1x1xf32, #tpu.memory_space<smem>>) attributes {dimension_semantics = [], scalar_prefetch = 0 : i64, scratch_operands = 0 : i64, tpu.core_type = #tpu.core_type<tc>} {
    %get3A = arith.constant 0 : index
    %get3A_0 = arith.constant 0 : index
    %get3A_1 = vector.load %arg0[%get3A, %get3A_0] : memref<32x12288xf32, #tpu.memory_space<vmem>>, vector<32x12288xf32>
    %iota3A = tpu.iota {dimensions = array<i32: 1>} : vector<32x12288xi32>
    %jit3A = arith.constant 512 : i32
    %div3A = vector.broadcast %jit3A : i32 to vector<32x12288xi32>
    %div3A_2 = arith.divsi %iota3A, %div3A : vector<32x12288xi32>
    %sign3A = arith.constant 0 : i32
    %sign3A_3 = vector.broadcast %sign3A : i32 to vector<32x12288xi32>
    %sign3A_4 = arith.cmpi sgt, %iota3A, %sign3A_3 : vector<32x12288xi32>
    %sign3A_5 = arith.extui %sign3A_4 : vector<32x12288xi1> to vector<32x12288xi32>
    %sign3A_6 = arith.constant 0 : i32
    %sign3A_7 = vector.broadcast %sign3A_6 : i32 to vector<32x12288xi32>
    %sign3A_8 = arith.cmpi slt, %iota3A, %sign3A_7 : vector<32x12288xi32>
    %sign3A_9 = arith.extui %sign3A_8 : vector<32x12288xi1> to vector<32x12288xi32>
    %sign3A_10 = arith.subi %sign3A_5, %sign3A_9 : vector<32x12288xi32>
    %sign3A_11 = arith.constant 0 : i32
    %sign3A_12 = arith.cmpi sgt, %jit3A, %sign3A_11 : i32
    %sign3A_13 = arith.extui %sign3A_12 : i1 to i32
    %sign3A_14 = arith.constant 0 : i32
    %sign3A_15 = arith.cmpi slt, %jit3A, %sign3A_14 : i32
    %sign3A_16 = arith.extui %sign3A_15 : i1 to i32
    %sign3A_17 = arith.subi %sign3A_13, %sign3A_16 : i32
    %ne3A = vector.broadcast %sign3A_17 : i32 to vector<32x12288xi32>
    %ne3A_18 = arith.cmpi ne, %sign3A_10, %ne3A : vector<32x12288xi32>
    %rem3A = vector.broadcast %jit3A : i32 to vector<32x12288xi32>
    %rem3A_19 = arith.remsi %iota3A, %rem3A : vector<32x12288xi32>
    %ne3A_20 = arith.constant 0 : i32
    %ne3A_21 = vector.broadcast %ne3A_20 : i32 to vector<32x12288xi32>
    %ne3A_22 = arith.cmpi ne, %rem3A_19, %ne3A_21 : vector<32x12288xi32>
    %and3A = arith.andi %ne3A_18, %ne3A_22 : vector<32x12288xi1>
    %sub3A = arith.constant 1 : i32
    %sub3A_23 = vector.broadcast %sub3A : i32 to vector<32x12288xi32>
    %sub3A_24 = arith.subi %div3A_2, %sub3A_23 : vector<32x12288xi32>
    %select_n3A = arith.select %and3A, %sub3A_24, %div3A_2 : vector<32x12288xi1>, vector<32x12288xi32>
    %eq3A = arith.constant 0 : i32
    %eq3A_25 = vector.broadcast %eq3A : i32 to vector<32x12288xi32>
    %eq3A_26 = arith.cmpi eq, %select_n3A, %eq3A_25 : vector<32x12288xi32>
    %neg3A = arith.constant 0.000000e+00 : f32
    %neg3A_27 = vector.broadcast %neg3A : f32 to vector<32x12288xf32>
    %neg3A_28 = arith.subf %neg3A_27, %get3A_1 : vector<32x12288xf32>
    %select_n3A_29 = arith.select %eq3A_26, %get3A_1, %neg3A_28 : vector<32x12288xi1>, vector<32x12288xf32>
    %neg3A_30 = arith.constant 0.000000e+00 : f32
    %neg3A_31 = vector.broadcast %neg3A_30 : f32 to vector<32x12288xf32>
    %neg3A_32 = arith.subf %neg3A_31, %select_n3A_29 : vector<32x12288xf32>
    %custom_jvp_call3A = arith.constant 0.000000e+00 : f32
    %max3A = vector.broadcast %custom_jvp_call3A : f32 to vector<32x12288xf32>
    %max3A_33 = arith.maximumf %neg3A_32, %max3A : vector<32x12288xf32>
    %sub3A_34 = vector.broadcast %custom_jvp_call3A : f32 to vector<32x12288xf32>
    %sub3A_35 = arith.subf %neg3A_32, %sub3A_34 : vector<32x12288xf32>
    %ne3A_36 = arith.cmpf one, %sub3A_35, %sub3A_35 : vector<32x12288xf32>
    %add3A = vector.broadcast %custom_jvp_call3A : f32 to vector<32x12288xf32>
    %add3A_37 = arith.addf %neg3A_32, %add3A : vector<32x12288xf32>
    %abs3A = math.absf %sub3A_35 : vector<32x12288xf32>
    %neg3A_38 = arith.constant 0.000000e+00 : f32
    %neg3A_39 = vector.broadcast %neg3A_38 : f32 to vector<32x12288xf32>
    %neg3A_40 = arith.subf %neg3A_39, %abs3A : vector<32x12288xf32>
    %exp3A = math.exp %neg3A_40 : vector<32x12288xf32>
    %log1p3A = math.log1p %exp3A : vector<32x12288xf32>
    %add3A_41 = arith.addf %max3A_33, %log1p3A : vector<32x12288xf32>
    %select_n3A_42 = arith.select %ne3A_36, %add3A_37, %add3A_41 : vector<32x12288xi1>, vector<32x12288xf32>
    %neg3A_43 = arith.constant 0.000000e+00 : f32
    %neg3A_44 = vector.broadcast %neg3A_43 : f32 to vector<32x12288xf32>
    %neg3A_45 = arith.subf %neg3A_44, %select_n3A_42 : vector<32x12288xf32>
    %lt3A = arith.constant 21 : i32
    %lt3A_46 = vector.broadcast %lt3A : i32 to vector<32x12288xi32>
    %lt3A_47 = arith.cmpi slt, %select_n3A, %lt3A_46 : vector<32x12288xi32>
    %jit3A_48 = arith.constant 0.000000e+00 : f32
    %broadcast_in_dim3A = vector.broadcast %jit3A_48 : f32 to vector<32x12288xf32>
    %select_n3A_49 = arith.select %lt3A_47, %neg3A_45, %broadcast_in_dim3A : vector<32x12288xi1>, vector<32x12288xf32>
    %eq3A_50 = arith.constant 0 : i32
    %eq3A_51 = vector.broadcast %eq3A_50 : i32 to vector<32x12288xi32>
    %eq3A_52 = arith.cmpi eq, %select_n3A, %eq3A_51 : vector<32x12288xi32>
    %lt3A_53 = arith.constant 21 : i32
    %lt3A_54 = vector.broadcast %lt3A_53 : i32 to vector<32x12288xi32>
    %lt3A_55 = arith.cmpi slt, %select_n3A, %lt3A_54 : vector<32x12288xi32>
    %jit3A_56 = arith.constant 3.05175786E-6 : f32
    %jit3A_57 = arith.constant 0.000000e+00 : f32
    %broadcast_in_dim3A_58 = vector.broadcast %jit3A_56 : f32 to vector<32x12288xf32>
    %broadcast_in_dim3A_59 = vector.broadcast %jit3A_57 : f32 to vector<32x12288xf32>
    %select_n3A_60 = arith.select %lt3A_55, %broadcast_in_dim3A_58, %broadcast_in_dim3A_59 : vector<32x12288xi1>, vector<32x12288xf32>
    %jit3A_61 = arith.constant 6.10351563E-5 : f32
    %broadcast_in_dim3A_62 = vector.broadcast %jit3A_61 : f32 to vector<32x12288xf32>
    %select_n3A_63 = arith.select %eq3A_52, %broadcast_in_dim3A_62, %select_n3A_60 : vector<32x12288xi1>, vector<32x12288xf32>
    %mul3A = arith.mulf %select_n3A_49, %select_n3A_63 : vector<32x12288xf32>
    %reduce_sum3A = vector.shape_cast %mul3A : vector<32x12288xf32> to vector<1x32x12288xf32>
    %reduce_sum3A_64 = arith.constant dense<0.000000e+00> : vector<1xf32>
    %reduce_sum3A_65 = vector.multi_reduction <add>, %reduce_sum3A, %reduce_sum3A_64 [1, 2] : vector<1x32x12288xf32> to vector<1xf32>
    %reduce_sum3A_66 = vector.shape_cast %reduce_sum3A_65 : vector<1xf32> to vector<1x1x1xf32>
    %reduce_sum3A_67 = vector.extract %reduce_sum3A_66[0, 0, 0] : f32 from vector<1x1x1xf32>
    %neg3A_68 = arith.constant 0.000000e+00 : f32
    %neg3A_69 = arith.subf %neg3A_68, %reduce_sum3A_67 : f32
    %swap3A = arith.constant 0 : index
    %swap3A_70 = arith.constant 0 : index
    %swap3A_71 = memref.load %arg1[%swap3A, %swap3A_70] : memref<1x1xf32, #tpu.memory_space<smem>>
    memref.store %neg3A_69, %arg1[%swap3A, %swap3A_70] : memref<1x1xf32, #tpu.memory_space<smem>>
    return
  }
}

</mosaic_0001>

<sc_bundles>
// kernel: kernel.4.cloned.1.call-start
scs
__scs_entry_jumppad:
0x0: {  	(pc) =	sbr.rel $0x88, $3  }
0x1: {  	(tag) =	ssettag $0x0;
	lr =	simm.s32 $0x1  }
0x2: {  	[smem:$0x3F9C] =	sst lr;
	_ =	strace $0xD0000000  }
0x3: {  	_ = 	snop  }
0x4: {  	_ = 	snop  }
0x5: {  	_ = 	snop  }
0x6: {  	_ = 	snop  }
0x7: {  	_ = 	snop  }
__scs_overlays_trampoline_lowered:
0x8: {  	[smem:$0x3FAB] =	sst s0  }
0x9: {  	[smem:$0x3FAC] =	sst s1  }
0xa: {  	[smem:$0x3FAD] =	sst s2  }
0xb: {  	[smem:$0x3FAE] =	sst s3  }
0xc: {  	[smem:$0x3FAF] =	sst s4  }
0xd: {  	[smem:$0x3FB0] =	sst s5  }
0xe: {  	[smem:$0x3FB1] =	sst s6  }
0xf: {  	[smem:$0x3FB2] =	sst s7  }
0x10: {  	[smem:$0x3FB3] =	sst s8  }
0x11: {  	[smem:$0x3FB4] =	sst s9;
	s0 =	simm.s32 @!p0 $0x0  }
0x12: {  	s1 =	sld [smem:$0x3F9A];
	s0 =	simm.s32 @p0 $0x1  }
0x13: {  	[smem:$0x3FB5] =	sst s0;
	s0 =	simm.s32 @!p1 $0x0  }
0x14: {  	s2 =	sld [smem:$0x3F99];
	s0 =	simm.s32 @p1 $0x1  }
0x15: {  	[smem:$0x3FB6] =	sst s0;
	s0 =	simm.s32 @!p2 $0x0  }
0x16: {  	s3 =	sld [smem:$0x3FDB];
	s0 =	simm.s32 @p2 $0x1  }
0x17: {  	s4 =	simm.s32 $0x1BF5;
	[smem:$0x3FB8] =	sst s0  }
0x18: {  	s0 =	sld [smem:$0x3F9B];
	_ =	swait.ge [sflag:s4], $0x0  }
0x19: {  	s7 =	sld [smem:$0x3F9C]  }
0x1a: {  	s8 =	sadd.s32 $0xFFFFE003, lr  }
0x1b: {  	s9 =	sadd.s32 $0xFFFFFEF7, lr;
	s5 =	simm.s32 $0xFFFFFFFF;
	p2 =	slt.u32 s8, $0xFFFFF086  }
0x1c: {  	p1 =	slt.u32 s9, $0xF7A;
	s5 =	simm.s32 @!p2 $0x0  }
0x1d: {  	s5 =	simm.s32 @p1 $0x1;
	p0 =	seq.s32 s7, s2  }
0x1e: {  	s7 =	smul.u32 @!p0 $0xF7A, s2;
	p2 =	seq.s32 @!p0 s5, $0x0  }
0x1f: {  	s9 =	smul.u32 $0xF7A, s1;
	s8 =	simm.s32 @!p0 $0x1BF5;
	p2 =	por !p2, p0  }
0x20: {  	[sflag:s8] =	ssyncset.s32 @!p0 $0xFFFFF086;
	s6 =	sadd.s32 @!p0 s3, s7;
	s7 =	simm.s32 @!p0 $0x108  }
0x21: {  	s3 =	sadd.s32 s3, s9;
	s6 =	sadd.s32 @!p0 $0x88, s6;
	s7 =	simm.s32 @p2 $0x1082  }
0x22: {  	[simem:s7], [sflag:s8] =	dma.local @!p0 [hbm:s6], $0xF7A  }
0x23: {  	s9 =	sor.u32 $0xD0000000, s2;
	s6 =	simm.s32 $0x108;
	_ =	swait.ge @!p0 [sflag:s8], $0x0  }
0x24: {  	s3 =	sadd.s32 $0x88, s3;
	s6 =	simm.s32 @!p1 $0x1082;
	[sflag:s4] =	ssyncset.s32 $0xFFFFF086  }
0x25: {  	[simem:s6], [sflag:s4] =	dma.local [hbm:s3], $0xF7A  }
0x26: {  	[smem:$0x3F9C] =	sst s1;
	(tag) =	ssettag s2;
	_ =	strace s9  }
0x27: {  	s1 =	sld [smem:$0x3FAC]  }
0x28: {  	s2 =	sld [smem:$0x3FAD]  }
0x29: {  	s4 =	sld [smem:$0x3FAF]  }
0x2a: {  	p0 =	seq.s32 s5, $0x0;
	s5 =	sld [smem:$0x3FB0]  }
0x2b: {  	s6 =	sld [smem:$0x3FB1]  }
0x2c: {  	s7 =	sld [smem:$0x3FB2]  }
0x2d: {  	s3 =	simm.s32 $0x108;
	s8 =	sld [smem:$0x3FB3]  }
0x2e: {  	s3 =	simm.s32 @!p0 $0x1082;
	s9 =	sld [smem:$0x3FB4]  }
0x2f: {  	lr =	sadd.s32 s0, s3;
	s0 =	sld [smem:$0x3FAB]  }
0x30: {  	s3 =	sld [smem:$0x3FAE]  }
0x31: {  	[smem:$0x3FB7] =	sst s10  }
0x32: {  	s10 =	sld [smem:$0x3FB5];
	_ =	sdelay $0x3  }
0x33: {  	p0 =	seq.s32 s10, $0x1;
	s10 =	sld [smem:$0x3FB7];
	_ =	sdelay $0x3  }
0x34: {  	[smem:$0x3FB7] =	sst s10  }
0x35: {  	s10 =	sld [smem:$0x3FB6];
	_ =	sdelay $0x3  }
0x36: {  	p1 =	seq.s32 s10, $0x1;
	s10 =	sld [smem:$0x3FB7];
	_ =	sdelay $0x3  }
0x37: {  	[smem:$0x3FB7] =	sst s10  }
0x38: {  	s10 =	sld [smem:$0x3FB8]  }
0x39: {  	_ = 	snop;
	(pc) =	sbr.ind lr, $3  }
0x3a: {  	_ = 	snop  }
0x3b: {  	_ = 	snop  }
0x3c: {  	p2 =	seq.s32 s10, $0x1;
	s10 =	sld [smem:$0x3FB7]  }
0x3d: {  	_ =	shalt  }
0x3e: {  	_ =	shalt  }
0x3f: {  	_ =	shalt  }
0x40: {  	_ =	shalt  }
0x41: {  	_ =	shalt  }
0x42: {  	_ =	shalt  }
0x43: {  	_ =	shalt  }
0x44: {  	_ =	shalt  }
0x45: {  	_ =	shalt  }
0x46: {  	_ =	shalt  }
0x47: {  	_ =	shalt  }
0x48: {  	_ =	shalt  }
0x49: {  	_ =	shalt  }
0x4a: {  	_ =	shalt  }
0x4b: {  	_ =	shalt  }
0x4c: {  	_ =	shalt  }
0x4d: {  	_ =	shalt  }
0x4e: {  	_ =	shalt  }
0x4f: {  	_ =	shalt  }
0x50: {  	_ =	shalt  }
0x51: {  	_ =	shalt  }
0x52: {  	_ =	shalt  }
0x53: {  	_ =	shalt  }
0x54: {  	_ =	shalt  }
0x55: {  	_ =	shalt  }
0x56: {  	_ =	shalt  }
0x57: {  	_ =	shalt  }
0x58: {  	_ =	shalt  }
0x59: {  	_ =	shalt  }
0x5a: {  	_ =	shalt  }
0x5b: {  	_ =	shalt  }
0x5c: {  	_ =	shalt  }
0x5d: {  	_ =	shalt  }
0x5e: {  	_ =	shalt  }
0x5f: {  	_ =	shalt  }
0x60: {  	_ =	shalt  }
0x61: {  	_ =	shalt  }
0x62: {  	_ =	shalt  }
0x63: {  	_ =	shalt  }
0x64: {  	_ =	shalt  }
0x65: {  	_ =	shalt  }
0x66: {  	_ =	shalt  }
0x67: {  	_ =	shalt  }
0x68: {  	_ =	shalt  }
0x69: {  	_ =	shalt  }
0x6a: {  	_ =	shalt  }
0x6b: {  	_ =	shalt  }
0x6c: {  	_ =	shalt  }
0x6d: {  	_ =	shalt  }
0x6e: {  	_ =	shalt  }
0x6f: {  	_ =	shalt  }
0x70: {  	_ =	shalt  }
0x71: {  	_ =	shalt  }
0x72: {  	_ =	shalt  }
0x73: {  	_ =	shalt  }
0x74: {  	_ =	shalt  }
0x75: {  	_ =	shalt  }
0x76: {  	_ =	shalt  }
0x77: {  	_ =	shalt  }
0x78: {  	_ =	shalt  }
0x79: {  	_ =	shalt  }
0x7a: {  	_ =	shalt  }
0x7b: {  	_ =	shalt  }
0x7c: {  	_ =	shalt  }
0x7d: {  	_ =	shalt  }
0x7e: {  	_ =	shalt  }
0x7f: {  	_ =	shalt  }
0x80: {  	_ =	shalt  }
0x81: {  	_ =	shalt  }
0x82: {  	_ =	shalt  }
0x83: {  	_ =	shalt  }
0x84: {  	_ =	shalt  }
0x85: {  	_ =	shalt  }
0x86: {  	_ =	shalt  }
0x87: {  	_ =	shalt  }
.Lfunc_end0:
.L_simem_size_0:
called_computation_lowered:
.L_overlay_start_0:
0x88: {  	s2 =	sld [smem:$0x3FD9]  }
0x89: {  	s3 =	sld [smem:$0x3FFE];
	_ =	sdelay $0x1  }
0x8a: {  	s1 =	srdreg.scid  }
0x8b: {  	s0 =	sand.u32 $0x1, s1  }
0x8c: {  	s17 =	sshll.u32 s0, $0xA;
	s2 =	sadd.s32 s3, s2  }
0x8d: {  	s2 =	sadd.s32 s2, s17  }
0x8e: {  	[smem:$0x3FC3] =	sst s2  }
0x8f: {  	_ = 	snop  }
0x90: {  	s2 =	sld [smem:$0x3FC9]  }
0x91: {  	s18 =	sld [smem:$0x3FC6]  }
0x92: {  	s4 =	sld [smem:$0x3FC5];
	(tm) =	ssettm $0x1  }
0x93: {  	s5 =	sld [smem:$0x3FFB];
	_ =	sdelay $0x3  }
0x94: {  	_ =	strace s5  }
0x95: {  	s5 =	sld [smem:$0x3FFC];
	_ =	sdelay $0x3  }
0x96: {  	_ =	strace s5  }
0x97: {  	s5 =	sld [smem:$0x3FFD];
	_ =	sdelay $0x3  }
0x98: {  	_ =	strace s5  }
0x99: {  	_ =	strace $0x8FFFFFFF  }
0x9a: {  	s19 =	sld [smem:$0x3FDB];
	_ =	sdelay $0x1  }
0x9b: {  	s6 =	simm.s32 $_scs_section_size  }
0x9c: {  	s7 =	simm.s32 $_size__tile_overlayer_lowered;
	s8 =	simm.s32 $_tile_overlayer_lowered  }
0x9d: {  	s22 =	simm.s32 $0x1BFF;
	s21 =	sshll.u32 s8, $0x1;
	s5 =	sadd.s32 s6, s19  }
0x9e: {  	s9 =	simm.s32 $0x0;
	s20 =	sshll.u32 s7, $0x1;
	s7 =	sadd.s32 s21, s5  }
0x9f: {  	[timem:s9], [sflag:s22] =	dma.local [hbm:s7], s20  }
0xa0: {  	_ =	swait.ge [sflag:s22], s20  }
0xa1: {  	s6 =	ssub.s32 $0x0, s20;
	[sflag:s22] =	ssyncset.done $0x0  }
0xa2: {  	[sflag:s22] =	ssyncadd.s32 s6;
	_ =	sdelay $0x1  }
0xa3: {  	s23 =	simm.s32 $0x1B8B  }
0xa4: {  	_ =	swait.ge [sflag:s23], $0x1  }
0xa5: {  	[sflag:s23] =	ssyncset.done $0x0  }
0xa6: {  	s25 =	simm.s32 $0x1B8E;
	s24 =	sld [smem:$0x3FFE];
	[sflag:s23] =	ssyncadd.s32 $0xFFFFFFFF  }
0xa7: {  	s26 =	simm.s32 $execute0_lowered;
	[smem:$0x3FD2] =	sst s25  }
0xa8: {  	s7 =	sshll.u32 s26, $0x1;
	_ =	strace $0x80000046;
	[dreg:$0x1] =	wrdreg $0xFFFFFFFF  }
0xa9: {  	s28 =	simm.s32 $_size_execute0_lowered;
	s5 =	sadd.s32 s5, s7;
	[dreg:$0x0] =	wrdreg $0x0  }
0xaa: {  	s7 =	sshll.u32 s28, $0x1;
	[dreg:$0x2] =	wrdreg s5  }
0xab: {  	[dreg:$0x3] =	wrdreg s7  }
0xac: {  	[dreg:$0x4] =	wrdreg $0xC0  }
0xad: {  	_ =	task [dreg:s9], $0x5FFFF  }
0xae: {  	[dreg:$0x1] =	wrdreg $0xFFFFFFFF  }
0xaf: {  	[dreg:$0x0] =	wrdreg $0x60  }
0xb0: {  	[dreg:$0x2] =	wrdreg s2  }
0xb1: {  	[dreg:$0x3] =	wrdreg s24  }
0xb2: {  	[dreg:$0x4] =	wrdreg s18  }
0xb3: {  	[dreg:$0x5] =	wrdreg s4  }
0xb4: {  	[dreg:$0x6] =	wrdreg $0x9  }
0xb5: {  	_ =	task.clear_ibuf [dreg:s9], $0x7FFFF;
	_ =	strace $0x90000046  }
0xb6: {  	s29 =	simm.s32 $0x9;
	_ =	strace $0x80000048  }
0xb7: {  	_ =	swait.ge [sflag:s29], $0x1  }
0xb8: {  	[sflag:s29] =	ssyncadd.s32 $0xFFFFFFFF  }
0xb9: {  	_ =	strace $0x90000048  }
0xba: {  	_ =	sfence  }
0xbb: {  	s30 =	sld [smem:$0x0];
	_ =	sdelay $0x2  }
0xbc: {  	s31 =	sshll.u32 s1, $0xD;
	s1 =	sshrl.u32 s1, $0x2  }
0xbd: {  	s3 =	sand.u32 $0x4000, s31;
	s1 =	sadd.s32 s1, s30  }
0xbe: {  	s0 =	sor.u32 s3, s0;
	s1 =	sshll.u32 s1, $0x11  }
0xbf: {  	s0 =	sor.u32 s1, s0  }
0xc0: {  	s0 =	sadd.s32 $0x8F2B, s0  }
0xc1: {  	[sflag:s0] =	ssyncadd.remote.s32 $0x1  }
0xc2: {  	_ =	sfence.sel $0xFFFF  }
0xc3: {  	[dreg:$0x0] =	wrdreg $0xFFFFFFFF;
	(pc) =	sbr.abs _section_cstart, $3  }
0xc4: {  	[dreg:$0x1] =	wrdreg $0xFFFFFFFF  }
0xc5: {  	_ =	task.clear_ibuf [dreg:s9], $0x2FFFF;
	_ =	strace $0x9FFFFFFF  }
0xc6: {  	(tm) =	ssettm $0x7FFFFFFF  }
0xc7: {  	_ =	shalt  }
tec
execute0_lowered:
.L_overlay_start_1:
0x0: {  	(tag) =	ssettag $0x1  }
0x1: {  	s0 =	rddreg [dreg:$0x0]  }
0x2: {  	s1 =	rddreg [dreg:$0x1];
	s3 =	srdreg.scid  }
0x3: {  	s8 =	stileid.u32;
	s2 =	rddreg [dreg:$0x2]  }
0x4: {  	s11 =	simm.s32 $0x200;
	s12 =	simm.s32 $0x10;
	s14 =	simm.s32 $0x1  }
0x5: {  	s16 =	simm.s32 $0x150;
	s17 =	simm.s32 $0x3C00;
	s18 =	simm.s32 $0x2  }
0x6: {  	s19 =	simm.s32 $0x3400;
	s20 =	simm.s32 $0xE400;
	s21 =	simm.s32 $0x18C00  }
0x7: {  	s22 =	simm.s32 $0x80;
	s23 =	simm.s32 $0x400;
	s24 =	simm.s32 $0x3  }
0x8: {  	s25 =	simm.s32 $0x0;
	s5 =	sand.u32 $0x1, s3;
	s4 =	sshll.u32 s8, $0x1  }
0x9: {  	s3 =	rddreg [dreg:$0x3];
	s8 =	sshrl.u32 s8, $0x2;
	s6 =	sor.u32 s5, s4  }
0xa: {  	s4 =	simm.s32 $0x0;
	s8 =	smul.u32 $0x18000, s8;
	s28 =	ssub.s32 $0x2, s5  }
0xb: {  	s7 =	smul.u32 $0x540, s6;
	s9 =	sshll.u32 s6, $0x7;
	[smem:$0x7FF] =	sst s4  }
0xc: {  	s29 =	sshll.u32 s6, $0x6;
	s30 =	sshrl.u32 s28, $0x1;
	s9 =	sand.u32 $0x380, s9  }
0xd: {  	_ =	strace $0x80000047;
	s5 =	sadd.s32 s0, s29;
	s26 =	sor.u32 s8, s9  }
0xe: {  	s31 =	ssub.s32 s28, s30;
	s10 =	sadd.s32 s7, s1;
	s7 =	sshrl.u32 s26, $0x3  }
0xf: {  	s6 =	sadd.s32 $0x800, s10;
	s8 =	sadd.s32 $0x82A, s10;
	s1 =	sadd.s32 s7, s1  }
0x10: {  	vm0 =	vcmask $0x3F3C;
	s10 =	smax.u32 s31, $0x1;
	s7 =	sadd.s32 $0x2, s5;
	s9 =	sadd.s32 $0xB000, s1  }
.LBB2_1:
0x11: {  	[tilespmem:s4], [sflag:$0x1] =	stream.linear.gather [hbm4b:s5+s4], $0x10, $0x38;
	[tilespmem:$0x1BC00] =	vst v63  }
0x12: {  	_ = 	snop  }
0x13: {  	[tilespmem:s11], [sflag:$0x1] =	stream.linear.gather [hbm4b:s6+s4], $0x150, $0x38;
	[tilespmem:$0x1BC00] =	vst v63  }
0x14: {  	_ = 	snop  }
0x15: {  	[tilespmem:s12], [sflag:$0x2] =	stream.linear.gather [hbm4b:s7+s4], $0x1F0, $0x38;
	[tilespmem:$0x1BC00] =	vst v63  }
0x16: {  	s0 =	simm.s32 $0x350  }
0x17: {  	[tilespmem:s0], [sflag:$0x2] =	stream.linear.gather [hbm4b:s8+s4], $0x28B0, $0x38;
	[tilespmem:$0x1BC00] =	vst v63  }
0x18: {  	_ =	swait.ge [sflag:s14], $0x10  }
0x19: {  	[sflag:s14] =	ssyncset.done $0x0  }
0x1a: {  	[sflag:s14] =	ssyncadd.s32 $0xFFFFFFF0  }
0x1b: {  	_ =	swait.ge [sflag:s14], $0x150  }
0x1c: {  	[sflag:s14] =	ssyncset.done $0x0  }
0x1d: {  	s31 =	simm.s32 $0x2C00;
	[sflag:s14] =	ssyncadd.s32 $0xFFFFFEB0  }
0x1e: {  	[tilespmem:s31], [sflag:$0x1] =	stream.indirect.gather [hbm4b:s2+s12], $0x80, s4, s12, $0xb8;
	[tilespmem:$0x1BC00] =	vst v63  }
0x1f: {  	_ = 	snop  }
0x20: {  	[tilespmem:s17], [sflag:$0x1] =	stream.indirect.gather [hbm4b:s3+s16], $0x80, s11, s16, $0xb8;
	[tilespmem:$0x1BC00] =	vst v63  }
0x21: {  	_ =	swait.ge [sflag:s18], $0x1F0  }
0x22: {  	[sflag:s18] =	ssyncset.done $0x0  }
0x23: {  	[sflag:s18] =	ssyncadd.s32 $0xFFFFFE10  }
0x24: {  	_ =	swait.ge [sflag:s18], $0x28B0  }
0x25: {  	[sflag:s18] =	ssyncset.done $0x0  }
0x26: {  	s26 =	simm.s32 $0x0;
	[sflag:s18] =	ssyncadd.s32 $0xFFFFD750  }
.LBB2_2:
0x27: {  	s0 =	sshllo.u32 s26, $0x1  }
0x28: {  	s28 =	sshll.u32 s0, $0x4;
	s0 =	smul.u32 $0x540, s0  }
0x29: {  	[tilespmem:s19], [sflag:$0x2] =	stream.indirect.gather [hbm4b:s2+s12], $0x80, s28, s12, $0xb8;
	[tilespmem:$0x1BC00] =	vst v63  }
0x2a: {  	s0 =	sshra.s32 s0, $0x2  }
0x2b: {  	s0 =	sadd.s32 $0x200, s0  }
0x2c: {  	[tilespmem:s20], [sflag:$0x2] =	stream.indirect.gather [hbm4b:s3+s16], $0x80, s0, s16, $0xb8;
	[tilespmem:$0x1BC00] =	vst v63  }
0x2d: {  	_ =	swait.ge [sflag:s14], $0x800  }
0x2e: {  	[sflag:s14] =	ssyncset.done $0x0  }
0x2f: {  	[sflag:s14] =	ssyncadd.s32 $0xFFFFF800  }
0x30: {  	s29 =	sshll.u32 s26, $0x1;
	s30 =	sshll.u32 s26, $0x5;
	_ =	swait.ge [sflag:s14], $0xA800  }
0x31: {  	s31 =	simm.s32 $0x0;
	s1 =	simm.s32 $0x4500;
	[sflag:s14] =	ssyncset.done $0x0  }
0x32: {  	s13 =	simm.s32 $0x2C40;
	s0 =	simm.s32 $0x3C40;
	[sflag:s14] =	ssyncadd.s32 $0xFFFF5800  }
.LBB2_3:
0x33: {  	v2 =	vld [tilespmem:s13+$0xFFFFFFC0]  }
0x34: {  	v6 =	vld [tilespmem:s0+$0xFFFFFFC0]  }
0x35: {  	v7 =	vld [tilespmem:s1+$0xFFFFFF00]  }
0x36: {  	v8 =	vld [tilespmem:s1+$0xFFFFFF80]  }
0x37: {  	v9 =	vld [tilespmem:s1+$0x0]  }
0x38: {  	v10 =	vld [tilespmem:s1+$0x80]  }
0x39: {  	v11 =	vld [tilespmem:s1+$0x100]  }
0x3a: {  	v12 =	vld [tilespmem:s1+$0x180]  }
0x3b: {  	v13 =	vld [tilespmem:s1+$0x200]  }
0x3c: {  	v14 =	vld [tilespmem:s1+$0x280]  }
0x3d: {  	v16 =	vld [tilespmem:s1+$0x300]  }
0x3e: {  	v17 =	vld [tilespmem:s1+$0x380]  }
0x3f: {  	v18 =	vld [tilespmem:s1+$0x400]  }
0x40: {  	v21 =	vld [tilespmem:s1+$0x480]  }
0x41: {  	v24 =	vld [tilespmem:s1+$0x500]  }
0x42: {  	v26 =	vld [tilespmem:s1+$0x580]  }
0x43: {  	v27 =	vld [tilespmem:s1+$0x600]  }
0x44: {  	v28 =	vld [tilespmem:s1+$0x680]  }
0x45: {  	v32 =	vld [tilespmem:s1+$0x700]  }
0x46: {  	v36 =	vld [tilespmem:s1+$0x780]  }
0x47: {  	v38 =	vld [tilespmem:s1+$0x800]  }
0x48: {  	v39 =	vld [tilespmem:s1+$0x880]  }
0x49: {  	v33 =	vld [tilespmem:s13+$0xFFFFFFD0]  }
0x4a: {  	v40 =	vld [tilespmem:s0+$0xFFFFFFD0]  }
0x4b: {  	v41 =	vld [tilespmem:s1+$0xFFFFFF10]  }
0x4c: {  	v42 =	vld [tilespmem:s1+$0xFFFFFF90]  }
0x4d: {  	v43 =	vld [tilespmem:s1+$0x10]  }
0x4e: {  	v44 =	vld [tilespmem:s1+$0x90]  }
0x4f: {  	v45 =	vld [tilespmem:s1+$0x110]  }
0x50: {  	v46 =	vld [tilespmem:s1+$0x190]  }
0x51: {  	v47 =	vld [tilespmem:s1+$0x210]  }
0x52: {  	v48 =	vld [tilespmem:s1+$0x290]  }
0x53: {  	v49 =	vld [tilespmem:s1+$0x310]  }
0x54: {  	v50 =	vld [tilespmem:s1+$0x390]  }
0x55: {  	v51 =	vld [tilespmem:s1+$0x410]  }
0x56: {  	v52 =	vld [tilespmem:s1+$0x490]  }
0x57: {  	v53 =	vld [tilespmem:s1+$0x510]  }
0x58: {  	v54 =	vld [tilespmem:s1+$0x590]  }
0x59: {  	v55 =	vld [tilespmem:s1+$0x610]  }
0x5a: {  	v56 =	vld [tilespmem:s1+$0x690]  }
0x5b: {  	v57 =	vld [tilespmem:s1+$0x710]  }
0x5c: {  	v58 =	vld [tilespmem:s1+$0x790]  }
0x5d: {  	v59 =	vld [tilespmem:s1+$0x810]  }
0x5e: {  	v4 =	vld [tilespmem:s1+$0x720]  }
0x5f: {  	v60 =	vld [tilespmem:s1+$0x890]  }
0x60: {  	v3 =	vld [tilespmem:s13+$0xFFFFFFE0]  }
0x61: {  	v61 =	vld [tilespmem:s0+$0xFFFFFFE0]  }
0x62: {  	v5 =	vld [tilespmem:s1+$0x6A0]  }
0x63: {  	[tilespmem:$0x1FEF0] =	vst v4;
	v4 =	vld [tilespmem:s1+$0x820]  }
0x64: {  	v62 =	vld [tilespmem:s1+$0xFFFFFF20]  }
0x65: {  	v63 =	vld [tilespmem:s1+$0xFFFFFFA0]  }
0x66: {  	v15 =	vld [tilespmem:s1+$0x20]  }
0x67: {  	[tilespmem:$0x1FEE0] =	vst v5;
	v5 =	vld [tilespmem:s1+$0x7A0]  }
0x68: {  	[tilespmem:$0x1FF10] =	vst v4;
	v4 =	vld [tilespmem:s0+$0xFFFFFFF0]  }
0x69: {  	v19 =	vld [tilespmem:s1+$0xA0]  }
0x6a: {  	v20 =	vld [tilespmem:s1+$0x120]  }
0x6b: {  	v23 =	vld [tilespmem:s1+$0x1A0]  }
0x6c: {  	[tilespmem:$0x1FF00] =	vst v5;
	v5 =	vld [tilespmem:s1+$0x8A0]  }
0x6d: {  	[tilespmem:$0x1FF30] =	vst v4;
	v4 =	vld [tilespmem:s1+$0xFFFFFFB0]  }
0x6e: {  	v22 =	vld [tilespmem:s1+$0x220]  }
0x6f: {  	v29 =	vld [tilespmem:s1+$0x2A0]  }
0x70: {  	v0 =	vld [tilespmem:s1+$0x5A0]  }
0x71: {  	[tilespmem:$0x1FF20] =	vst v5;
	v5 =	vld [tilespmem:s1+$0xFFFFFF30]  }
0x72: {  	[tilespmem:$0x1FF50] =	vst v4;
	v4 =	vmul.f32 v7, v2;
	v7 =	vmul.f32 v9, v2;
	v9 =	vld [tilespmem:s1+$0x130]  }
0x73: {  	v25 =	vld [tilespmem:s1+$0x320]  }
0x74: {  	v30 =	vld [tilespmem:s1+$0x3A0]  }
0x75: {  	v37 =	vld [tilespmem:s1+$0x420];
	[tilespmem:$0x1FED0] =	vst v0  }
0x76: {  	[tilespmem:$0x1FF40] =	vst v5;
	v5 =	vld [tilespmem:s1+$0x30]  }
0x77: {  	v34 =	vld [tilespmem:s1+$0x4A0];
	v0 =	vmul.f32 v6, v2;
	[tilespmem:$0x1FF80] =	vst v9;
	v9 =	vmul.f32 v11, v2  }
0x78: {  	v35 =	vld [tilespmem:s1+$0x520];
	v11 =	vmul.f32 v14, v2;
	v14 =	vmul.f32 v17, v2  }
0x79: {  	v17 =	vmul.f32 v21, v2;
	v21 =	vmul.f32 v24, v2;
	v24 =	vld [tilespmem:s1+$0x3B0]  }
0x7a: {  	v6 =	vmul.f32 v10, v2;
	v10 =	vmul.f32 v13, v2;
	v13 =	vld [tilespmem:s1+$0x230]  }
0x7b: {  	[tilespmem:$0x1FF60] =	vst v5;
	v5 =	vld [tilespmem:s1+$0xB0]  }
0x7c: {  	v31 =	vld [tilespmem:s1+$0x620]  }
0x7d: {  	v1 =	vld [tilespmem:s13+$0xFFFFFFF0];
	v48 =	vmul.f32 v48, v33  }
0x7e: {  	[tilespmem:$0x1FFD0] =	vst v24;
	v24 =	vmul.f32 v26, v2;
	v26 =	vmul.f32 v27, v2;
	v27 =	vld [tilespmem:s1+$0x430]  }
0x7f: {  	v52 =	vmul.f32 v52, v33;
	[tilespmem:$0x1FFA0] =	vst v13;
	v13 =	vmul.f32 v18, v2;
	v18 =	vld [tilespmem:s1+$0x4B0]  }
0x80: {  	v53 =	vmul.f32 v53, v33;
	[tilespmem:$0x1FF70] =	vst v5;
	v5 =	vmul.f32 v8, v2;
	v8 =	vld [tilespmem:s1+$0x1B0]  }
0x81: {  	v54 =	vmul.f32 v54, v33;
	v56 =	vmul.f32 v56, v33;
	v17 =	vadd.f32 v52, v17;
	v52 =	vld [tilespmem:s1+$0x40]  }
0x82: {  	v57 =	vmul.f32 v57, v33;
	v58 =	vmul.f32 v58, v33;
	v11 =	vadd.f32 v48, v11;
	v48 =	vld [tilespmem:s1+$0x140]  }
0x83: {  	v21 =	vadd.f32 v53, v21;
	v53 =	vld [tilespmem:s1+$0x1C0];
	[tilespmem:$0x1FFE0] =	vst v27;
	v27 =	vmul.f32 v28, v2;
	v28 =	vmul.f32 v32, v2  }
0x84: {  	v24 =	vadd.f32 v54, v24;
	v54 =	vld [tilespmem:s1+$0x240];
	v32 =	vmul.f32 v36, v2;
	v36 =	vmul.f32 v40, v33  }
0x85: {  	[tilespmem:$0x1FF90] =	vst v8;
	v8 =	vmul.f32 v12, v2;
	v12 =	vmul.f32 v16, v2;
	v16 =	vld [tilespmem:s1+$0x2B0]  }
0x86: {  	v40 =	vld [tilespmem:s1+$0x530];
	v0 =	vadd.f32 v36, v0;
	v36 =	vmul.f32 v43, v33;
	v27 =	vadd.f32 v56, v27  }
0x87: {  	v43 =	vld [tilespmem:s1+$0x6B0];
	v56 =	vmul.f32 v59, v33;
	v28 =	vadd.f32 v57, v28;
	v57 =	vmul.f32 v61, v3  }
0x88: {  	v59 =	vmul.f32 v63, v3;
	v61 =	vmul.f32 v29, v3;
	v29 =	vld [tilespmem:s1+$0x440]  }
0x89: {  	v63 =	vmul.f32 v37, v3;
	v37 =	vmul.f32 v34, v3;
	v34 =	vld [tilespmem:s1+$0x5C0]  }
0x8a: {  	v32 =	vadd.f32 v58, v32;
	v58 =	vmul.f32 v62, v3;
	v62 =	vmul.f32 v30, v3;
	v30 =	vld [tilespmem:s1+$0x6C0]  }
0x8b: {  	v0 =	vadd.f32 v57, v0;
	v57 =	vld [tilespmem:$0x1FF00]  }
0x8c: {  	v11 =	vadd.f32 v61, v11;
	v61 =	vld [tilespmem:$0x1FF40];
	[tilespmem:$0x1FFB0] =	vst v16  }
0x8d: {  	v39 =	vmul.f32 v39, v2;
	v16 =	vld [tilespmem:s1+$0x330];
	[tilespmem:$0x1FFF0] =	vst v40;
	v40 =	vmul.f32 v38, v2  }
0x8e: {  	v38 =	vmul.f32 v41, v33;
	v41 =	vld [tilespmem:s1+$0x5B0];
	v2 =	vmul.f32 v45, v33  }
0x8f: {  	v45 =	vmul.f32 v46, v33;
	v46 =	vadd.f32 v36, v7;
	v36 =	vmul.f32 v47, v33;
	v47 =	vld [tilespmem:s1+$0x7B0]  }
0x90: {  	v15 =	vmul.f32 v15, v3;
	v7 =	vadd.f32 v2, v9;
	v2 =	vld [tilespmem:s13+$0x0]  }
0x91: {  	v10 =	vadd.f32 v36, v10;
	v36 =	vmul.f32 v50, v33;
	v50 =	vld [tilespmem:s1+$0xC0]  }
0x92: {  	v15 =	vadd.f32 v15, v46;
	v46 =	vmul.f32 v35, v3;
	v35 =	vld [tilespmem:s1+$0x640]  }
0x93: {  	v9 =	vmul.f32 v49, v33;
	v49 =	vmul.f32 v55, v33;
	v55 =	vld [tilespmem:$0x1FEE0]  }
0x94: {  	v40 =	vadd.f32 v56, v40;
	v56 =	vld [tilespmem:$0x1FEF0]  }
0x95: {  	v12 =	vadd.f32 v9, v12;
	v9 =	vld [tilespmem:s0+$0x0]  }
0x96: {  	v22 =	vmul.f32 v22, v3;
	v14 =	vadd.f32 v36, v14;
	v36 =	vld [tilespmem:s1+$0xFFFFFF40]  }
0x97: {  	v4 =	vadd.f32 v38, v4;
	v38 =	vmul.f32 v44, v33;
	v26 =	vadd.f32 v49, v26;
	v49 =	vld [tilespmem:s1+$0x2C0]  }
0x98: {  	v10 =	vadd.f32 v22, v10;
	v22 =	vld [tilespmem:s1+$0x4C0]  }
0x99: {  	v6 =	vadd.f32 v38, v6;
	v38 =	vmul.f32 v51, v33;
	v51 =	vld [tilespmem:$0x1FED0]  }
0x9a: {  	v4 =	vadd.f32 v58, v4;
	v58 =	vld [tilespmem:$0x1FF10]  }
0x9b: {  	v25 =	vmul.f32 v25, v3;
	[tilespmem:$0x1FFC0] =	vst v16;
	v16 =	vmul.f32 v42, v33;
	v42 =	vld [tilespmem:s1+$0x630]  }
0x9c: {  	v33 =	vmul.f32 v60, v33;
	v60 =	vmul.f32 v23, v3;
	v23 =	vld [tilespmem:s1+$0x3C0]  }
0x9d: {  	v19 =	vmul.f32 v19, v3;
	v13 =	vadd.f32 v38, v13;
	v38 =	vld [tilespmem:s1+$0xFFFFFFC0]  }
0x9e: {  	v12 =	vadd.f32 v25, v12;
	v25 =	vld [tilespmem:s1+$0x540]  }
0x9f: {  	v6 =	vadd.f32 v19, v6;
	v19 =	vadd.f32 v46, v21;
	v46 =	vld [tilespmem:s1+$0x7C0]  }
0xa0: {  	v14 =	vadd.f32 v62, v14;
	v62 =	vld [tilespmem:$0x1FF50]  }
0xa1: {  	v44 =	vadd.f32 v16, v5;
	v16 =	vld [tilespmem:s1+$0x730]  }
0xa2: {  	v5 =	vadd.f32 v45, v8;
	v45 =	vld [tilespmem:s1+$0x830]  }
0xa3: {  	v8 =	vld [tilespmem:s1+$0x8B0]  }
0xa4: {  	v33 =	vadd.f32 v33, v39;
	v39 =	vadd.f32 v59, v44;
	v44 =	vld [tilespmem:s1+$0x340]  }
0xa5: {  	v20 =	vmul.f32 v20, v3;
	v59 =	vld [tilespmem:$0x1FF20]  }
0xa6: {  	v31 =	vmul.f32 v31, v3;
	v21 =	vmul.f32 v55, v3;
	v5 =	vadd.f32 v60, v5;
	v60 =	vld [tilespmem:$0x1FF30]  }
0xa7: {  	v17 =	vadd.f32 v37, v17;
	v7 =	vadd.f32 v20, v7;
	v20 =	vmul.f32 v51, v3;
	v51 =	vld [tilespmem:s1+$0x840]  }
0xa8: {  	v21 =	vadd.f32 v21, v27;
	v27 =	vmul.f32 v57, v3;
	v37 =	vmul.f32 v58, v3;
	v58 =	vld [tilespmem:s1+$0xFFFFFF50]  }
0xa9: {  	v20 =	vadd.f32 v20, v24;
	v24 =	vadd.f32 v31, v26;
	v31 =	vld [tilespmem:s1+$0x740]  }
0xaa: {  	v27 =	vadd.f32 v27, v32;
	v32 =	vadd.f32 v37, v40;
	v40 =	vld [tilespmem:s1+$0x8C0]  }
0xab: {  	v37 =	vmul.f32 v61, v1;
	v61 =	vld [tilespmem:$0x1FF70]  }
0xac: {  	v13 =	vadd.f32 v63, v13;
	v26 =	vmul.f32 v56, v3;
	v63 =	vmul.f32 v62, v1;
	v62 =	vld [tilespmem:$0x1FF80]  }
0xad: {  	v56 =	vld [tilespmem:s0+$0x10]  }
0xae: {  	v26 =	vadd.f32 v26, v28;
	v3 =	vmul.f32 v59, v3;
	v28 =	vmul.f32 v60, v1;
	v60 =	vld [tilespmem:$0x1FF60]  }
0xaf: {  	v59 =	vld [tilespmem:$0x1FFC0]  }
0xb0: {  	v33 =	vadd.f32 v3, v33;
	v0 =	vadd.f32 v28, v0;
	v3 =	vld [tilespmem:s13+$0x10]  }
0xb1: {  	v55 =	vmul.f32 v61, v1;
	v28 =	vadd.f32 v63, v39;
	v39 =	vmul.f32 v62, v1;
	v63 =	vld [tilespmem:$0x1FF90]  }
0xb2: {  	v61 =	vld [tilespmem:$0x1FFE0]  }
0xb3: {  	v48 =	vmul.f32 v48, v2;
	v6 =	vadd.f32 v55, v6;
	v55 =	vld [tilespmem:$0x1FFA0];
	v7 =	vadd.f32 v39, v7  }
0xb4: {  	v18 =	vmul.f32 v18, v1;
	v4 =	vadd.f32 v37, v4;
	v62 =	vld [tilespmem:$0x1FFF0]  }
0xb5: {  	v37 =	vmul.f32 v60, v1;
	v60 =	vld [tilespmem:$0x1FFD0];
	v7 =	vadd.f32 v48, v7;
	v48 =	vmul.f32 v30, v2  }
0xb6: {  	v30 =	vld [tilespmem:s1+$0xFFFFFF60];
	v57 =	vmul.f32 v63, v1;
	v63 =	vmul.f32 v41, v1  }
0xb7: {  	v17 =	vadd.f32 v18, v17;
	v16 =	vmul.f32 v16, v1;
	v15 =	vadd.f32 v37, v15;
	v41 =	vld [tilespmem:s1+$0x3D0]  }
0xb8: {  	v37 =	vmul.f32 v55, v1;
	v55 =	vld [tilespmem:s1+$0xFFFFFFD0];
	v18 =	vadd.f32 v63, v20;
	v63 =	vmul.f32 v47, v1  }
0xb9: {  	v5 =	vadd.f32 v57, v5;
	v57 =	vld [tilespmem:$0x1FFB0];
	v47 =	vmul.f32 v45, v1;
	v45 =	vmul.f32 v52, v2  }
0xba: {  	v52 =	vmul.f32 v54, v2;
	v54 =	vmul.f32 v23, v2;
	v23 =	vld [tilespmem:s1+$0x7D0]  }
0xbb: {  	v10 =	vadd.f32 v37, v10;
	v37 =	vmul.f32 v59, v1;
	v59 =	vmul.f32 v60, v1;
	v60 =	vld [tilespmem:s1+$0xD0]  }
0xbc: {  	v16 =	vadd.f32 v16, v26;
	v26 =	vadd.f32 v47, v32;
	v32 =	vld [tilespmem:s1+$0x4D0]  }
0xbd: {  	v20 =	vadd.f32 v63, v27;
	v27 =	vld [tilespmem:s1+$0x5D0]  }
0xbe: {  	v63 =	vmul.f32 v38, v2;
	v47 =	vmul.f32 v50, v2;
	v15 =	vadd.f32 v45, v15;
	v45 =	vld [tilespmem:s1+$0x6D0]  }
0xbf: {  	v50 =	vmul.f32 v53, v2;
	v38 =	vmul.f32 v34, v2;
	v34 =	vld [tilespmem:s1+$0xFFFFFFE0]  }
0xc0: {  	v53 =	vmul.f32 v49, v2;
	v49 =	vmul.f32 v31, v2;
	v31 =	vld [tilespmem:s1+$0xE0]  }
0xc1: {  	v14 =	vadd.f32 v59, v14;
	v59 =	vld [tilespmem:s1+$0x1D0]  }
0xc2: {  	v12 =	vadd.f32 v37, v12;
	v37 =	vmul.f32 v62, v1;
	v62 =	vmul.f32 v43, v1;
	v43 =	vld [tilespmem:s1+$0x350]  }
0xc3: {  	v6 =	vadd.f32 v47, v6;
	v47 =	vld [tilespmem:s1+$0x750]  }
0xc4: {  	v9 =	vmul.f32 v9, v2;
	v28 =	vadd.f32 v63, v28;
	v63 =	vmul.f32 v25, v2;
	v25 =	vld [tilespmem:s1+$0x8D0]  }
0xc5: {  	v29 =	vmul.f32 v29, v2;
	v18 =	vadd.f32 v38, v18;
	v38 =	vld [tilespmem:s1+$0x60]  }
0xc6: {  	v44 =	vmul.f32 v44, v2;
	v0 =	vadd.f32 v9, v0;
	v39 =	vmul.f32 v57, v1;
	v57 =	vld [tilespmem:s1+$0x50]  }
0xc7: {  	v41 =	vmul.f32 v41, v3;
	v19 =	vadd.f32 v37, v19;
	v37 =	vmul.f32 v42, v1;
	v42 =	vld [tilespmem:s1+$0x2D0]  }
0xc8: {  	v5 =	vadd.f32 v50, v5;
	v21 =	vadd.f32 v62, v21;
	v62 =	vmul.f32 v36, v2;
	v36 =	vld [tilespmem:s1+$0x650]  }
0xc9: {  	v9 =	vadd.f32 v52, v10;
	v12 =	vadd.f32 v44, v12;
	v44 =	vmul.f32 v35, v2;
	v35 =	vld [tilespmem:s13+$0x20]  }
0xca: {  	v50 =	vmul.f32 v46, v2;
	v11 =	vadd.f32 v39, v11;
	v39 =	vmul.f32 v61, v1;
	v61 =	vld [tilespmem:s1+$0x150]  }
0xcb: {  	v52 =	vmul.f32 v51, v2;
	v16 =	vadd.f32 v49, v16;
	v1 =	vmul.f32 v8, v1;
	v8 =	vld [tilespmem:s1+$0x450]  }
0xcc: {  	v23 =	vmul.f32 v23, v3;
	v10 =	vadd.f32 v54, v14;
	v49 =	vmul.f32 v32, v3;
	v32 =	vld [tilespmem:s1+$0x460]  }
0xcd: {  	v20 =	vadd.f32 v50, v20;
	v54 =	vmul.f32 v58, v3;
	v51 =	vmul.f32 v27, v3;
	v27 =	vld [tilespmem:s1+$0x560]  }
0xce: {  	v58 =	vmul.f32 v60, v3;
	v24 =	vadd.f32 v37, v24;
	v37 =	vld [tilespmem:s1+$0x550];
	v4 =	vadd.f32 v62, v4  }
0xcf: {  	v62 =	vmul.f32 v22, v2;
	v22 =	vld [tilespmem:s0+$0x20];
	v10 =	vadd.f32 v41, v10;
	v13 =	vadd.f32 v39, v13  }
0xd0: {  	v2 =	vmul.f32 v40, v2;
	v40 =	vld [tilespmem:s1+$0x360];
	v1 =	vadd.f32 v1, v33;
	v11 =	vadd.f32 v53, v11  }
0xd1: {  	v41 =	vld [tilespmem:s1+$0x470];
	v53 =	vmul.f32 v56, v3;
	v6 =	vadd.f32 v58, v6;
	v14 =	vadd.f32 v62, v17  }
0xd2: {  	v39 =	vld [tilespmem:s1+$0x250];
	v56 =	vmul.f32 v55, v3;
	v17 =	vadd.f32 v63, v19;
	v24 =	vadd.f32 v44, v24  }
0xd3: {  	v33 =	vld [tilespmem:s1+$0x850];
	v46 =	vmul.f32 v43, v3;
	v19 =	vadd.f32 v48, v21;
	v21 =	vadd.f32 v52, v26  }
0xd4: {  	v55 =	vld [tilespmem:s1+$0x660];
	v4 =	vadd.f32 v54, v4;
	v57 =	vmul.f32 v57, v3;
	v13 =	vadd.f32 v29, v13  }
0xd5: {  	v44 =	vld [tilespmem:s1+$0x1E0];
	v54 =	vmul.f32 v47, v3;
	v1 =	vadd.f32 v2, v1;
	v0 =	vadd.f32 v53, v0  }
0xd6: {  	v48 =	vld [tilespmem:s1+$0x260];
	v2 =	vadd.f32 v56, v28;
	v63 =	vmul.f32 v42, v3;
	v52 =	vmul.f32 v36, v3  }
0xd7: {  	v47 =	vld [tilespmem:s1+$0xFFFFFF70];
	v12 =	vadd.f32 v46, v12;
	v53 =	vmul.f32 v45, v3;
	v58 =	vmul.f32 v30, v35  }
0xd8: {  	v29 =	vld [tilespmem:s1+$0x160];
	v60 =	vmul.f32 v61, v3;
	v61 =	vmul.f32 v59, v3;
	v15 =	vadd.f32 v57, v15  }
0xd9: {  	v42 =	vld [tilespmem:s1+$0x3E0];
	v8 =	vmul.f32 v8, v3;
	v16 =	vadd.f32 v54, v16;
	v59 =	vmul.f32 v34, v35  }
0xda: {  	v36 =	vld [tilespmem:s1+$0x5E0];
	v27 =	vmul.f32 v27, v35;
	v11 =	vadd.f32 v63, v11;
	v50 =	vmul.f32 v37, v3  }
0xdb: {  	v57 =	vld [tilespmem:s1+$0x6E0];
	v24 =	vadd.f32 v52, v24;
	v19 =	vadd.f32 v53, v19;
	v22 =	vmul.f32 v22, v35  }
0xdc: {  	v37 =	vld [tilespmem:s1+$0x4E0];
	v4 =	vadd.f32 v58, v4;
	v46 =	vmul.f32 v40, v35;
	v7 =	vadd.f32 v60, v7  }
0xdd: {  	v63 =	vld [tilespmem:s1+$0x8E0];
	v62 =	vmul.f32 v39, v3;
	v5 =	vadd.f32 v61, v5;
	v8 =	vadd.f32 v8, v13  }
0xde: {  	v53 =	vld [tilespmem:s1+$0xF0];
	v13 =	vadd.f32 v49, v14;
	v14 =	vadd.f32 v51, v18;
	v56 =	vmul.f32 v33, v3  }
0xdf: {  	v58 =	vld [tilespmem:s1+$0x1F0];
	v18 =	vadd.f32 v23, v20;
	v3 =	vmul.f32 v25, v3;
	v60 =	vmul.f32 v38, v35  }
0xe0: {  	v39 =	vld [tilespmem:s1+$0x2E0];
	v2 =	vadd.f32 v59, v2;
	v55 =	vmul.f32 v55, v35;
	v17 =	vadd.f32 v50, v17  }
0xe1: {  	v20 =	vld [tilespmem:s1+$0x760];
	v0 =	vadd.f32 v22, v0;
	v38 =	vmul.f32 v44, v35;
	v43 =	vmul.f32 v48, v35  }
0xe2: {  	v25 =	vld [tilespmem:s1+$0x7E0];
	v12 =	vadd.f32 v46, v12;
	v50 =	vmul.f32 v32, v35;
	v9 =	vadd.f32 v62, v9  }
0xe3: {  	v61 =	vld [tilespmem:s1+$0x860];
	v21 =	vadd.f32 v56, v21;
	v3 =	vadd.f32 v3, v1;
	v62 =	vmul.f32 v31, v35  }
0xe4: {  	v49 =	vld [tilespmem:s1+$0xFFFFFFF0];
	v15 =	vadd.f32 v60, v15;
	v34 =	vmul.f32 v29, v35;
	v24 =	vadd.f32 v55, v24  }
0xe5: {  	v44 =	vld [tilespmem:s0+$0x30];
	v48 =	vmul.f32 v42, v35;
	v5 =	vadd.f32 v38, v5;
	v8 =	vadd.f32 v50, v8  }
0xe6: {  	v1 =	vld [tilespmem:s13+$0x30];
	v54 =	vmul.f32 v36, v35;
	v17 =	vadd.f32 v27, v17;
	v6 =	vadd.f32 v62, v6  }
0xe7: {  	v51 =	vld [tilespmem:s1+$0x70];
	v57 =	vmul.f32 v57, v35;
	v7 =	vadd.f32 v34, v7;
	v9 =	vadd.f32 v43, v9  }
0xe8: {  	v59 =	vld [tilespmem:s1+$0x270];
	v10 =	vadd.f32 v48, v10;
	v52 =	vmul.f32 v37, v35;
	v63 =	vmul.f32 v63, v35  }
0xe9: {  	v46 =	vld [tilespmem:s1+$0x570];
	v14 =	vadd.f32 v54, v14;
	v45 =	vmul.f32 v39, v35;
	v20 =	vmul.f32 v20, v35  }
0xea: {  	v56 =	vld [tilespmem:s1+$0x170];
	v19 =	vadd.f32 v57, v19;
	v60 =	vmul.f32 v25, v35;
	v61 =	vmul.f32 v61, v35  }
0xeb: {  	v36 =	vld [tilespmem:s1+$0x370];
	v13 =	vadd.f32 v52, v13;
	v3 =	vadd.f32 v63, v3;
	v35 =	vmul.f32 v44, v1  }
0xec: {  	v62 =	vld [tilespmem:s1+$0x2F0];
	v11 =	vadd.f32 v45, v11;
	v16 =	vadd.f32 v20, v16;
	v38 =	vmul.f32 v47, v1  }
0xed: {  	v48 =	vld [tilespmem:s1+$0x5F0];
	v18 =	vadd.f32 v60, v18;
	v40 =	vmul.f32 v49, v1;
	v0 =	vadd.f32 v35, v0  }
0xee: {  	v39 =	vld [tilespmem:s1+$0x3F0];
	v21 =	vadd.f32 v61, v21;
	v42 =	vmul.f32 v51, v1;
	v4 =	vadd.f32 v38, v4  }
0xef: {  	v52 =	vld [tilespmem:s1+$0x6F0];
	v43 =	vmul.f32 v53, v1;
	v45 =	vmul.f32 v56, v1;
	v2 =	vadd.f32 v40, v2;
	(xrf2) =	vadd.scan.msk.f32 $0xffff, v0  }
0xf0: {  	v44 =	vld [tilespmem:s1+$0x4F0];
	v27 =	vmul.f32 v58, v1;
	v47 =	vmul.f32 v59, v1;
	v15 =	vadd.f32 v42, v15;
	(xrf2) =	vadd.scan.msk.f32 $0xffff, v4  }
0xf1: {  	v51 =	vmul.f32 v36, v1;
	v53 =	vmul.f32 v41, v1;
	v61 =	vld [tilespmem:s1+$0x870];
	v6 =	vadd.f32 v43, v6;
	(xrf2) =	vadd.scan.msk.f32 $0xffff, v2  }
0xf2: {  	v50 =	vld [tilespmem:s1+$0x670];
	v7 =	vadd.f32 v45, v7;
	v5 =	vadd.f32 v27, v5;
	v49 =	vmul.f32 v62, v1;
	(xrf2) =	vadd.scan.msk.f32 $0xffff, v15  }
0xf3: {  	v9 =	vadd.f32 v47, v9;
	v12 =	vadd.f32 v51, v12;
	v25 =	vmul.f32 v39, v1;
	(xrf2) =	vadd.scan.msk.f32 $0xffff, v6  }
0xf4: {  	s15 =	sadd.s32 s30, s31;
	v11 =	vadd.f32 v49, v11;
	v0 =	vmul.f32 v46, v1;
	v59 =	vmul.f32 v52, v1;
	(xrf2) =	vadd.scan.msk.f32 $0xffff, v7  }
0xf5: {  	v56 =	vld [tilespmem:s1+$0x770];
	v54 =	vmul.f32 v44, v1;
	v10 =	vadd.f32 v25, v10;
	v7 =	vmov s15;
	(xrf2) =	vadd.scan.msk.f32 $0xffff, v5  }
0xf6: {  	v57 =	vld [tilespmem:s1+$0x7F0];
	v4 =	vmul.f32 v48, v1;
	v35 =	vmul.f32 v61, v1;
	v58 =	vor.u32 $0x200, v7;
	(xrf2) =	vadd.scan.msk.f32 $0xffff, v9  }
0xf7: {  	v2 =	vmul.f32 v50, v1;
	v0 =	vadd.f32 v0, v17;
	v60 =	vor.u32 $0x400, v7;
	(xrf2) =	vadd.scan.msk.f32 $0xffff, v11  }
0xf8: {  	v55 =	vadd.f32 v54, v13;
	v6 =	vadd.f32 v53, v8;
	v62 =	vor.u32 $0x600, v7;
	(xrf2) =	vadd.scan.msk.f32 $0xffff, v12  }
0xf9: {  	v63 =	vld [tilespmem:s1+$0x8F0];
	v4 =	vadd.f32 v4, v14;
	v2 =	vadd.f32 v2, v24;
	v23 =	vor.u32 $0x800, v7;
	v22, _, _ =	vpop (xrf2);
	(xrf2) =	vadd.scan.msk.f32 $0xffff, v10  }
0xfa: {  	v24 =	vmul.f32 v56, v1;
	v26 =	vor.u32 $0xA00, v7;
	[tilespmem:v7+s21+$0x0] =	vst.idx.msk vm0, v22;
	v25, _, _ =	vpop (xrf2);
	(xrf2) =	vadd.scan.msk.f32 $0xffff, v6  }
0xfb: {  	v5 =	vmul.f32 v57, v1;
	v28 =	vor.u32 $0xC00, v7;
	[tilespmem:v58+s21+$0x0] =	vst.idx.msk vm0, v25;
	v27, _, _ =	vpop (xrf2);
	(xrf2) =	vadd.scan.msk.f32 $0xffff, v55  }
0xfc: {  	v29 =	vadd.f32 v24, v16;
	v31 =	vor.u32 $0xE00, v7;
	[tilespmem:v60+s21+$0x0] =	vst.idx.msk vm0, v27;
	v30, _, _ =	vpop (xrf2);
	(xrf2) =	vadd.scan.msk.f32 $0xffff, v0  }
0xfd: {  	v34 =	vor.u32 $0x1000, v7;
	v9 =	vadd.f32 v59, v19;
	[tilespmem:v62+s21+$0x0] =	vst.idx.msk vm0, v30;
	v33, _, _ =	vpop (xrf2);
	(xrf2) =	vadd.scan.msk.f32 $0xffff, v4  }
0xfe: {  	v37 =	vor.u32 $0x1200, v7;
	v1 =	vmul.f32 v63, v1;
	[tilespmem:v23+s21+$0x0] =	vst.idx.msk vm0, v33;
	v36, _, _ =	vpop (xrf2);
	(xrf2) =	vadd.scan.msk.f32 $0xffff, v2  }
0xff: {  	v39 =	vor.u32 $0x1400, v7;
	v32 =	vadd.f32 v5, v18;
	[tilespmem:v26+s21+$0x0] =	vst.idx.msk vm0, v36;
	v38, _, _ =	vpop (xrf2);
	(xrf2) =	vadd.scan.msk.f32 $0xffff, v9  }
0x100: {  	v41 =	vor.u32 $0x1600, v7;
	v4 =	vadd.f32 v35, v21;
	[tilespmem:v28+s21+$0x0] =	vst.idx.msk vm0, v38;
	v40, _, _ =	vpop (xrf2);
	(xrf2) =	vadd.scan.msk.f32 $0xffff, v29  }
0x101: {  	v43 =	vor.u32 $0x1800, v7;
	v1 =	vadd.f32 v1, v3;
	[tilespmem:v31+s21+$0x0] =	vst.idx.msk vm0, v40;
	v42, _, _ =	vpop (xrf2);
	(xrf2) =	vadd.scan.msk.f32 $0xffff, v32  }
0x102: {  	v45 =	vor.u32 $0x1A00, v7;
	[tilespmem:v34+s21+$0x0] =	vst.idx.msk vm0, v42;
	v44, _, _ =	vpop (xrf2);
	(xrf2) =	vadd.scan.msk.f32 $0xffff, v4  }
0x103: {  	v47 =	vor.u32 $0x1C00, v7;
	[tilespmem:v37+s21+$0x0] =	vst.idx.msk vm0, v44;
	v46, _, _ =	vpop (xrf2);
	(xrf2) =	vadd.scan.msk.f32 $0xffff, v1  }
0x104: {  	v49 =	vor.u32 $0x1E00, v7;
	v48, _, _ =	vpop (xrf2);
	[tilespmem:v39+s21+$0x0] =	vst.idx.msk vm0, v46  }
0x105: {  	v51 =	vor.u32 $0x2000, v7;
	v50, _, _ =	vpop (xrf2);
	[tilespmem:v41+s21+$0x0] =	vst.idx.msk vm0, v48  }
0x106: {  	v53 =	vor.u32 $0x2200, v7;
	v52, _, _ =	vpop (xrf2);
	[tilespmem:v43+s21+$0x0] =	vst.idx.msk vm0, v50  }
0x107: {  	v55 =	vor.u32 $0x2400, v7;
	v54, _, _ =	vpop (xrf2);
	[tilespmem:v45+s21+$0x0] =	vst.idx.msk vm0, v52  }
0x108: {  	v57 =	vor.u32 $0x2600, v7;
	v56, _, _ =	vpop (xrf2);
	[tilespmem:v47+s21+$0x0] =	vst.idx.msk vm0, v54  }
0x109: {  	p0 =	sne.s32 s31, $0xF;
	v59 =	vor.u32 $0x2800, v7;
	v58, _, _ =	vpop (xrf2);
	[tilespmem:v49+s21+$0x0] =	vst.idx.msk vm0, v56  }
.Ltmp0:
0x10a: {  	v60, _, _ =	vpop (xrf2);
	[tilespmem:v51+s21+$0x0] =	vst.idx.msk vm0, v58;
	(pc) =	sbr.rel @p0 .LBB2_3-.Ltmp0, $4  }
0x10b: {  	v61, _, _ =	vpop (xrf2);
	[tilespmem:v53+s21+$0x0] =	vst.idx.msk vm0, v60  }
0x10c: {  	v62, _, _ =	vpop (xrf2);
	[tilespmem:v55+s21+$0x0] =	vst.idx.msk vm0, v61  }
0x10d: {  	s31 =	sadd.s32 $0x1, s31;
	[tilespmem:v57+s21+$0x0] =	vst.idx.msk vm0, v62;
	v63, _, _ =	vpop (xrf2)  }
0x10e: {  	s0 =	sadd.s32 $0x80, s0;
	s13 =	sadd.s32 $0x80, s13;
	s1 =	sadd.s32 $0xA00, s1;
	[tilespmem:v59+s21+$0x0] =	vst.idx.msk vm0, v63  }
0x10f: {  	p0 =	seq.s32 s26, $0xF  }
0x110: {  	s0 =	sadd.s32 @!p0 $0x2, s29  }
0x111: {  	s13 =	simm.s32 @!p0 $0x10;
	s1 =	sshll.u32 @!p0 s0, $0x4  }
0x112: {  	s15 =	simm.s32 @!p0 $0x2C00;
	s0 =	smul.u32 @!p0 $0x540, s0;
	s1 =	sand.u32 @!p0 $0x3FFFFFF0, s1  }
0x113: {  	[tilespmem:s15], [sflag:$0x1] =	stream.indirect.gather @!p0 [hbm4b:s2+s13], $0x80, s1, s13, $0xb8;
	[tilespmem:$0x1BC00] =	vst v63  }
0x114: {  	s0 =	sshra.s32 @!p0 s0, $0x2  }
0x115: {  	s1 =	simm.s32 @!p0 $0x150;
	s13 =	simm.s32 @!p0 $0x3C00;
	s0 =	sadd.s32 @!p0 $0x200, s0  }
0x116: {  	[tilespmem:s13], [sflag:$0x1] =	stream.indirect.gather @!p0 [hbm4b:s3+s1], $0x80, s0, s1, $0xb8;
	[tilespmem:$0x1BC00] =	vst v63  }
0x117: {  	_ =	swait.ge [sflag:s18], $0x800  }
0x118: {  	[sflag:s18] =	ssyncset.done $0x0  }
0x119: {  	[sflag:s18] =	ssyncadd.s32 $0xFFFFF800  }
0x11a: {  	_ =	swait.ge [sflag:s18], $0xA800  }
0x11b: {  	s30 =	simm.s32 $0x0;
	[sflag:s18] =	ssyncset.done $0x0  }
0x11c: {  	s29 =	simm.s32 $0x0;
	s1 =	simm.s32 $0x0;
	[sflag:s18] =	ssyncadd.s32 $0xFFFF5800  }
.LBB2_5:
0x11d: {  	s13 =	sshra.s32 s29, $0x2  }
0x11e: {  	v0 =	vld [tilespmem:s13+$0x3400]  }
0x11f: {  	s0 =	sshra.s32 s30, $0x2;
	v2 =	vld [tilespmem:s13+$0xE400]  }
0x120: {  	v6 =	vld [tilespmem:s0+$0xEC00]  }
0x121: {  	v7 =	vld [tilespmem:s0+$0xEC80]  }
0x122: {  	v8 =	vld [tilespmem:s0+$0xED00]  }
0x123: {  	v9 =	vld [tilespmem:s0+$0xED80]  }
0x124: {  	v10 =	vld [tilespmem:s0+$0xEE00]  }
0x125: {  	v12 =	vld [tilespmem:s0+$0xEE80]  }
0x126: {  	v13 =	vld [tilespmem:s0+$0xEF00]  }
0x127: {  	v14 =	vld [tilespmem:s0+$0xEF80]  }
0x128: {  	v16 =	vld [tilespmem:s0+$0xF000]  }
0x129: {  	v17 =	vld [tilespmem:s0+$0xF080]  }
0x12a: {  	v18 =	vld [tilespmem:s0+$0xF100]  }
0x12b: {  	v21 =	vld [tilespmem:s0+$0xF180]  }
0x12c: {  	v24 =	vld [tilespmem:s0+$0xF200]  }
0x12d: {  	v26 =	vld [tilespmem:s0+$0xF280]  }
0x12e: {  	v27 =	vld [tilespmem:s0+$0xF300]  }
0x12f: {  	v28 =	vld [tilespmem:s0+$0xF380]  }
0x130: {  	v32 =	vld [tilespmem:s0+$0xF400]  }
0x131: {  	v36 =	vld [tilespmem:s0+$0xF480]  }
0x132: {  	v38 =	vld [tilespmem:s0+$0xF500]  }
0x133: {  	v39 =	vld [tilespmem:s0+$0xF580]  }
0x134: {  	v33 =	vld [tilespmem:s13+$0x3410]  }
0x135: {  	v40 =	vld [tilespmem:s13+$0xE410]  }
0x136: {  	v41 =	vld [tilespmem:s0+$0xEC10]  }
0x137: {  	v42 =	vld [tilespmem:s0+$0xEC90]  }
0x138: {  	v43 =	vld [tilespmem:s0+$0xED10]  }
0x139: {  	v44 =	vld [tilespmem:s0+$0xED90]  }
0x13a: {  	v45 =	vld [tilespmem:s0+$0xEE10]  }
0x13b: {  	v46 =	vld [tilespmem:s0+$0xEE90]  }
0x13c: {  	v47 =	vld [tilespmem:s0+$0xEF10]  }
0x13d: {  	v48 =	vld [tilespmem:s0+$0xEF90]  }
0x13e: {  	v49 =	vld [tilespmem:s0+$0xF010]  }
0x13f: {  	v50 =	vld [tilespmem:s0+$0xF090]  }
0x140: {  	v51 =	vld [tilespmem:s0+$0xF110]  }
0x141: {  	v52 =	vld [tilespmem:s0+$0xF190]  }
0x142: {  	v53 =	vld [tilespmem:s0+$0xF210]  }
0x143: {  	v54 =	vld [tilespmem:s0+$0xF290]  }
0x144: {  	v55 =	vld [tilespmem:s0+$0xF310]  }
0x145: {  	v56 =	vld [tilespmem:s0+$0xF390]  }
0x146: {  	v57 =	vld [tilespmem:s0+$0xF410]  }
0x147: {  	v58 =	vld [tilespmem:s0+$0xF490]  }
0x148: {  	v59 =	vld [tilespmem:s0+$0xF510]  }
0x149: {  	v60 =	vld [tilespmem:s0+$0xF590]  }
0x14a: {  	v3 =	vld [tilespmem:s13+$0x3420]  }
0x14b: {  	v61 =	vld [tilespmem:s13+$0xE420]  }
0x14c: {  	v62 =	vld [tilespmem:s0+$0xEC20]  }
0x14d: {  	v63 =	vld [tilespmem:s0+$0xECA0]  }
0x14e: {  	v15 =	vld [tilespmem:s0+$0xED20]  }
0x14f: {  	v19 =	vld [tilespmem:s0+$0xEDA0]  }
0x150: {  	v20 =	vld [tilespmem:s0+$0xEE20]  }
0x151: {  	v23 =	vld [tilespmem:s0+$0xEEA0]  }
0x152: {  	v22 =	vld [tilespmem:s0+$0xEF20]  }
0x153: {  	v4 =	vld [tilespmem:s0+$0xF3A0]  }
0x154: {  	v29 =	vld [tilespmem:s0+$0xEFA0]  }
0x155: {  	v25 =	vld [tilespmem:s0+$0xF020]  }
0x156: {  	v11 =	vld [tilespmem:s0+$0xF4A0]  }
0x157: {  	v5 =	vld [tilespmem:s0+$0xF420]  }
0x158: {  	[tilespmem:$0x1FDB0] =	vst v4;
	v4 =	vld [tilespmem:s0+$0xF520]  }
0x159: {  	v30 =	vld [tilespmem:s0+$0xF0A0]  }
0x15a: {  	v37 =	vld [tilespmem:s0+$0xF120]  }
0x15b: {  	[tilespmem:$0x1FDD0] =	vst v11;
	v11 =	vld [tilespmem:s0+$0xEC30]  }
0x15c: {  	[tilespmem:$0x1FDC0] =	vst v5;
	v5 =	vld [tilespmem:s0+$0xF5A0]  }
0x15d: {  	[tilespmem:$0x1FDE0] =	vst v4;
	v4 =	vld [tilespmem:s13+$0xE430]  }
0x15e: {  	v34 =	vld [tilespmem:s0+$0xF1A0]  }
0x15f: {  	v35 =	vld [tilespmem:s0+$0xF220]  }
0x160: {  	[tilespmem:$0x1FE10] =	vst v11;
	v11 =	vld [tilespmem:s0+$0xECB0]  }
0x161: {  	[tilespmem:$0x1FDF0] =	vst v5;
	v5 =	vld [tilespmem:s0+$0xEDB0]  }
0x162: {  	v1 =	vld [tilespmem:s0+$0xF2A0];
	[tilespmem:$0x1FE00] =	vst v4;
	v4 =	vmul.f32 v6, v0  }
0x163: {  	v31 =	vld [tilespmem:s0+$0xF320];
	v6 =	vmul.f32 v9, v0;
	v9 =	vmul.f32 v10, v0  }
0x164: {  	v10 =	vmul.f32 v13, v0;
	v13 =	vmul.f32 v24, v0;
	v24 =	vld [tilespmem:s0+$0xF0B0]  }
0x165: {  	v21 =	vmul.f32 v21, v0;
	v52 =	vmul.f32 v52, v33;
	[tilespmem:$0x1FE20] =	vst v11;
	v11 =	vld [tilespmem:s0+$0xED30]  }
0x166: {  	[tilespmem:$0x1FE40] =	vst v5;
	v5 =	vmul.f32 v7, v0;
	v7 =	vmul.f32 v8, v0;
	v8 =	vld [tilespmem:s0+$0xEEB0]  }
0x167: {  	[tilespmem:$0x1FDA0] =	vst v1;
	v1 =	vld [tilespmem:s13+$0x3430]  }
0x168: {  	v14 =	vmul.f32 v14, v0;
	v21 =	vadd.f32 v52, v21;
	v52 =	vld [tilespmem:s0+$0xED40]  }
0x169: {  	[tilespmem:$0x1FEA0] =	vst v24;
	v24 =	vmul.f32 v26, v0;
	v26 =	vmul.f32 v27, v0;
	v27 =	vld [tilespmem:s0+$0xF130]  }
0x16a: {  	v48 =	vmul.f32 v48, v33;
	v53 =	vmul.f32 v53, v33;
	[tilespmem:$0x1FE30] =	vst v11;
	v11 =	vld [tilespmem:s0+$0xEE30]  }
0x16b: {  	[tilespmem:$0x1FE60] =	vst v8;
	v8 =	vmul.f32 v12, v0;
	v12 =	vmul.f32 v18, v0;
	v18 =	vld [tilespmem:s0+$0xF030]  }
0x16c: {  	v54 =	vmul.f32 v54, v33;
	v14 =	vadd.f32 v48, v14;
	v48 =	vld [tilespmem:s0+$0xEE40]  }
0x16d: {  	v2 =	vmul.f32 v2, v0;
	v56 =	vmul.f32 v56, v33;
	v13 =	vadd.f32 v53, v13;
	v53 =	vld [tilespmem:s0+$0xEEC0]  }
0x16e: {  	v57 =	vmul.f32 v57, v33;
	v24 =	vadd.f32 v54, v24;
	v54 =	vld [tilespmem:s0+$0xEF40];
	[tilespmem:$0x1FEB0] =	vst v27;
	v27 =	vmul.f32 v28, v0  }
0x16f: {  	v58 =	vmul.f32 v58, v33;
	[tilespmem:$0x1FE50] =	vst v11;
	v11 =	vld [tilespmem:s0+$0xEF30];
	v28 =	vmul.f32 v32, v0  }
0x170: {  	[tilespmem:$0x1FE90] =	vst v18;
	v18 =	vld [tilespmem:s0+$0xF1B0];
	v32 =	vmul.f32 v36, v0;
	v36 =	vmul.f32 v40, v33;
	v27 =	vadd.f32 v56, v27  }
0x171: {  	v40 =	vld [tilespmem:s0+$0xF230];
	v56 =	vmul.f32 v59, v33;
	v28 =	vadd.f32 v57, v28;
	v57 =	vmul.f32 v61, v3  }
0x172: {  	v59 =	vmul.f32 v63, v3;
	v61 =	vmul.f32 v29, v3;
	v29 =	vld [tilespmem:s0+$0xF140]  }
0x173: {  	v63 =	vmul.f32 v37, v3;
	v37 =	vmul.f32 v34, v3;
	v34 =	vld [tilespmem:s0+$0xF2C0]  }
0x174: {  	v32 =	vadd.f32 v58, v32;
	v58 =	vmul.f32 v62, v3;
	v62 =	vmul.f32 v30, v3;
	v30 =	vld [tilespmem:s0+$0xF3C0]  }
0x175: {  	v17 =	vmul.f32 v17, v0;
	v39 =	vmul.f32 v39, v0;
	v14 =	vadd.f32 v61, v14;
	v61 =	vld [tilespmem:$0x1FE10];
	[tilespmem:$0x1FE70] =	vst v11  }
0x176: {  	v11 =	vmul.f32 v16, v0;
	v16 =	vld [tilespmem:s0+$0xEFB0];
	[tilespmem:$0x1FEC0] =	vst v40;
	v40 =	vmul.f32 v38, v0  }
0x177: {  	v38 =	vmul.f32 v41, v33;
	v41 =	vld [tilespmem:s0+$0xF2B0];
	v0 =	vadd.f32 v36, v2;
	v36 =	vmul.f32 v43, v33  }
0x178: {  	v43 =	vld [tilespmem:s0+$0xF3B0];
	v2 =	vmul.f32 v45, v33  }
0x179: {  	v45 =	vmul.f32 v46, v33;
	v46 =	vadd.f32 v36, v7;
	v36 =	vmul.f32 v47, v33;
	v47 =	vld [tilespmem:s0+$0xF4B0]  }
0x17a: {  	v7 =	vadd.f32 v2, v9;
	v2 =	vld [tilespmem:s13+$0x3440]  }
0x17b: {  	v9 =	vmul.f32 v49, v33;
	v49 =	vmul.f32 v55, v33;
	v55 =	vld [tilespmem:$0x1FDB0]  }
0x17c: {  	v40 =	vadd.f32 v56, v40;
	v56 =	vld [tilespmem:$0x1FDC0]  }
0x17d: {  	v0 =	vadd.f32 v57, v0;
	v57 =	vld [tilespmem:$0x1FDD0]  }
0x17e: {  	v4 =	vadd.f32 v38, v4;
	v11 =	vadd.f32 v9, v11;
	v9 =	vld [tilespmem:s13+$0xE440]  }
0x17f: {  	v38 =	vmul.f32 v44, v33;
	v10 =	vadd.f32 v36, v10;
	v36 =	vmul.f32 v50, v33;
	v50 =	vld [tilespmem:s0+$0xEDC0]  }
0x180: {  	v15 =	vmul.f32 v15, v3;
	v26 =	vadd.f32 v49, v26;
	v49 =	vld [tilespmem:s0+$0xEFC0]  }
0x181: {  	v6 =	vadd.f32 v38, v6;
	v38 =	vmul.f32 v51, v33;
	v51 =	vld [tilespmem:$0x1FDA0]  }
0x182: {  	v15 =	vadd.f32 v15, v46;
	v46 =	vmul.f32 v35, v3;
	v35 =	vld [tilespmem:s0+$0xF340]  }
0x183: {  	v4 =	vadd.f32 v58, v4;
	v58 =	vld [tilespmem:$0x1FDE0]  }
0x184: {  	[tilespmem:$0x1FE80] =	vst v16;
	v16 =	vmul.f32 v42, v33;
	v42 =	vld [tilespmem:s0+$0xF330]  }
0x185: {  	v33 =	vmul.f32 v60, v33;
	v60 =	vmul.f32 v23, v3;
	v23 =	vld [tilespmem:s0+$0xF0C0]  }
0x186: {  	v22 =	vmul.f32 v22, v3;
	v17 =	vadd.f32 v36, v17;
	v36 =	vld [tilespmem:s0+$0xEC40]  }
0x187: {  	v25 =	vmul.f32 v25, v3;
	v12 =	vadd.f32 v38, v12;
	v38 =	vld [tilespmem:s0+$0xECC0]  }
0x188: {  	v10 =	vadd.f32 v22, v10;
	v22 =	vld [tilespmem:s0+$0xF1C0]  }
0x189: {  	v11 =	vadd.f32 v25, v11;
	v25 =	vld [tilespmem:s0+$0xF240]  }
0x18a: {  	v13 =	vadd.f32 v46, v13;
	v46 =	vld [tilespmem:s0+$0xF4C0]  }
0x18b: {  	v44 =	vadd.f32 v16, v5;
	v16 =	vld [tilespmem:s0+$0xF430]  }
0x18c: {  	v5 =	vadd.f32 v45, v8;
	v45 =	vld [tilespmem:s0+$0xF530]  }
0x18d: {  	v8 =	vld [tilespmem:s0+$0xF5B0]  }
0x18e: {  	v19 =	vmul.f32 v19, v3;
	v17 =	vadd.f32 v62, v17;
	v62 =	vld [tilespmem:$0x1FE20]  }
0x18f: {  	v33 =	vadd.f32 v33, v39;
	v39 =	vadd.f32 v59, v44;
	v44 =	vld [tilespmem:s0+$0xF040]  }
0x190: {  	v20 =	vmul.f32 v20, v3;
	v6 =	vadd.f32 v19, v6;
	v59 =	vld [tilespmem:$0x1FDF0]  }
0x191: {  	v19 =	vadd.f32 v37, v21;
	v21 =	vmul.f32 v55, v3;
	v5 =	vadd.f32 v60, v5;
	v60 =	vld [tilespmem:$0x1FE00]  }
0x192: {  	v31 =	vmul.f32 v31, v3;
	v7 =	vadd.f32 v20, v7;
	v20 =	vmul.f32 v51, v3;
	v51 =	vld [tilespmem:s0+$0xF540]  }
0x193: {  	v21 =	vadd.f32 v21, v27;
	v27 =	vmul.f32 v57, v3;
	v37 =	vmul.f32 v58, v3;
	v58 =	vld [tilespmem:s0+$0xEC50]  }
0x194: {  	v20 =	vadd.f32 v20, v24;
	v24 =	vadd.f32 v31, v26;
	v31 =	vld [tilespmem:s0+$0xF440]  }
0x195: {  	v27 =	vadd.f32 v27, v32;
	v32 =	vadd.f32 v37, v40;
	v40 =	vld [tilespmem:s0+$0xF5C0]  }
0x196: {  	v37 =	vmul.f32 v61, v1;
	v61 =	vld [tilespmem:$0x1FE40]  }
0x197: {  	v26 =	vmul.f32 v56, v3;
	v56 =	vld [tilespmem:s13+$0xE450]  }
0x198: {  	v12 =	vadd.f32 v63, v12;
	v63 =	vmul.f32 v62, v1;
	v62 =	vld [tilespmem:$0x1FE50]  }
0x199: {  	v26 =	vadd.f32 v26, v28;
	v3 =	vmul.f32 v59, v3;
	v28 =	vmul.f32 v60, v1;
	v60 =	vld [tilespmem:$0x1FE30]  }
0x19a: {  	v59 =	vld [tilespmem:$0x1FE90]  }
0x19b: {  	v33 =	vadd.f32 v3, v33;
	v3 =	vld [tilespmem:s13+$0x3450]  }
0x19c: {  	v0 =	vadd.f32 v28, v0;
	v55 =	vmul.f32 v61, v1;
	v28 =	vadd.f32 v63, v39;
	v63 =	vld [tilespmem:$0x1FE60]  }
0x19d: {  	v61 =	vld [tilespmem:$0x1FEB0]  }
0x19e: {  	v18 =	vmul.f32 v18, v1;
	v39 =	vmul.f32 v62, v1;
	v6 =	vadd.f32 v55, v6;
	v55 =	vld [tilespmem:$0x1FE70]  }
0x19f: {  	v48 =	vmul.f32 v48, v2;
	v16 =	vmul.f32 v16, v1;
	v62 =	vld [tilespmem:$0x1FEC0]  }
0x1a0: {  	v4 =	vadd.f32 v37, v4;
	v37 =	vmul.f32 v60, v1;
	v60 =	vld [tilespmem:$0x1FEA0];
	v7 =	vadd.f32 v39, v7  }
0x1a1: {  	v18 =	vadd.f32 v18, v19;
	v57 =	vmul.f32 v63, v1;
	v63 =	vmul.f32 v41, v1;
	v41 =	vld [tilespmem:s0+$0xF0D0]  }
0x1a2: {  	v15 =	vadd.f32 v37, v15;
	v7 =	vadd.f32 v48, v7;
	v48 =	vmul.f32 v30, v2;
	v30 =	vld [tilespmem:s0+$0xEC60]  }
0x1a3: {  	v37 =	vmul.f32 v55, v1;
	v55 =	vld [tilespmem:s0+$0xECD0];
	v19 =	vadd.f32 v63, v20;
	v63 =	vmul.f32 v47, v1  }
0x1a4: {  	v5 =	vadd.f32 v57, v5;
	v57 =	vld [tilespmem:$0x1FE80];
	v47 =	vmul.f32 v45, v1;
	v45 =	vmul.f32 v52, v2  }
0x1a5: {  	v52 =	vmul.f32 v54, v2;
	v54 =	vmul.f32 v23, v2;
	v23 =	vld [tilespmem:s0+$0xF4D0]  }
0x1a6: {  	v10 =	vadd.f32 v37, v10;
	v37 =	vmul.f32 v59, v1;
	v59 =	vmul.f32 v60, v1;
	v60 =	vld [tilespmem:s0+$0xEDD0]  }
0x1a7: {  	v16 =	vadd.f32 v16, v26;
	v26 =	vadd.f32 v47, v32;
	v32 =	vld [tilespmem:s0+$0xF1D0]  }
0x1a8: {  	v20 =	vadd.f32 v63, v27;
	v27 =	vld [tilespmem:s0+$0xF2D0]  }
0x1a9: {  	v63 =	vmul.f32 v38, v2;
	v47 =	vmul.f32 v50, v2;
	v15 =	vadd.f32 v45, v15;
	v45 =	vld [tilespmem:s0+$0xF3D0]  }
0x1aa: {  	v50 =	vmul.f32 v53, v2;
	v38 =	vmul.f32 v34, v2;
	v34 =	vld [tilespmem:s0+$0xECE0]  }
0x1ab: {  	v53 =	vmul.f32 v49, v2;
	v49 =	vmul.f32 v31, v2;
	v31 =	vld [tilespmem:s0+$0xEDE0]  }
0x1ac: {  	v9 =	vmul.f32 v9, v2;
	v17 =	vadd.f32 v59, v17;
	v59 =	vld [tilespmem:s0+$0xEED0]  }
0x1ad: {  	v11 =	vadd.f32 v37, v11;
	v37 =	vmul.f32 v62, v1;
	v62 =	vmul.f32 v43, v1;
	v43 =	vld [tilespmem:s0+$0xF050]  }
0x1ae: {  	v29 =	vmul.f32 v29, v2;
	v44 =	vmul.f32 v44, v2;
	v6 =	vadd.f32 v47, v6;
	v47 =	vld [tilespmem:s0+$0xF450]  }
0x1af: {  	v0 =	vadd.f32 v9, v0;
	v28 =	vadd.f32 v63, v28;
	v63 =	vmul.f32 v25, v2;
	v25 =	vld [tilespmem:s0+$0xF5D0]  }
0x1b0: {  	v41 =	vmul.f32 v41, v3;
	v5 =	vadd.f32 v50, v5;
	v19 =	vadd.f32 v38, v19;
	v38 =	vld [tilespmem:s0+$0xED60]  }
0x1b1: {  	v9 =	vadd.f32 v52, v10;
	v50 =	vmul.f32 v46, v2;
	v39 =	vmul.f32 v57, v1;
	v57 =	vld [tilespmem:s0+$0xED50]  }
0x1b2: {  	v52 =	vmul.f32 v51, v2;
	v13 =	vadd.f32 v37, v13;
	v37 =	vmul.f32 v42, v1;
	v42 =	vld [tilespmem:s0+$0xEFD0]  }
0x1b3: {  	v16 =	vadd.f32 v49, v16;
	v21 =	vadd.f32 v62, v21;
	v62 =	vmul.f32 v36, v2;
	v36 =	vld [tilespmem:s0+$0xF350]  }
0x1b4: {  	v55 =	vmul.f32 v55, v3;
	v11 =	vadd.f32 v44, v11;
	v44 =	vmul.f32 v35, v2;
	v35 =	vld [tilespmem:s13+$0x3460]  }
0x1b5: {  	v23 =	vmul.f32 v23, v3;
	v14 =	vadd.f32 v39, v14;
	v39 =	vmul.f32 v61, v1;
	v61 =	vld [tilespmem:s0+$0xEE50]  }
0x1b6: {  	v10 =	vadd.f32 v54, v17;
	v20 =	vadd.f32 v50, v20;
	v1 =	vmul.f32 v8, v1;
	v8 =	vld [tilespmem:s0+$0xF150]  }
0x1b7: {  	v54 =	vmul.f32 v58, v3;
	v46 =	vmul.f32 v32, v3;
	v32 =	vld [tilespmem:s0+$0xF160];
	v24 =	vadd.f32 v37, v24  }
0x1b8: {  	v50 =	vmul.f32 v27, v3;
	v27 =	vld [tilespmem:s0+$0xF260];
	v4 =	vadd.f32 v62, v4;
	v13 =	vadd.f32 v63, v13  }
0x1b9: {  	v37 =	vld [tilespmem:s0+$0xF250];
	v62 =	vmul.f32 v22, v2;
	v10 =	vadd.f32 v41, v10;
	v12 =	vadd.f32 v39, v12  }
0x1ba: {  	v22 =	vld [tilespmem:s13+$0xE460];
	v2 =	vmul.f32 v40, v2;
	v1 =	vadd.f32 v1, v33;
	v14 =	vadd.f32 v53, v14  }
0x1bb: {  	v40 =	vld [tilespmem:s0+$0xF060];
	v53 =	vmul.f32 v56, v3;
	v17 =	vadd.f32 v62, v18;
	v24 =	vadd.f32 v44, v24  }
0x1bc: {  	v39 =	vld [tilespmem:s0+$0xEF50];
	v63 =	vmul.f32 v43, v3;
	v18 =	vadd.f32 v48, v21;
	v21 =	vadd.f32 v52, v26  }
0x1bd: {  	v33 =	vld [tilespmem:s0+$0xF550];
	v4 =	vadd.f32 v54, v4;
	v56 =	vmul.f32 v57, v3;
	v57 =	vmul.f32 v60, v3  }
0x1be: {  	v43 =	vld [tilespmem:s13+$0xE470];
	v60 =	vmul.f32 v59, v3;
	v12 =	vadd.f32 v29, v12;
	v1 =	vadd.f32 v2, v1  }
0x1bf: {  	v44 =	vld [tilespmem:s0+$0xEEE0];
	v52 =	vmul.f32 v45, v3;
	v0 =	vadd.f32 v53, v0;
	v2 =	vadd.f32 v55, v28  }
0x1c0: {  	v48 =	vld [tilespmem:s0+$0xEF60];
	v62 =	vmul.f32 v42, v3;
	v11 =	vadd.f32 v63, v11;
	v51 =	vmul.f32 v36, v3  }
0x1c1: {  	v54 =	vld [tilespmem:s0+$0xF360];
	v53 =	vmul.f32 v47, v3;
	v59 =	vmul.f32 v38, v35;
	v15 =	vadd.f32 v56, v15  }
0x1c2: {  	v29 =	vld [tilespmem:s0+$0xEE60];
	v58 =	vmul.f32 v61, v3;
	v6 =	vadd.f32 v57, v6;
	v5 =	vadd.f32 v60, v5  }
0x1c3: {  	v42 =	vld [tilespmem:s0+$0xF0E0];
	v8 =	vmul.f32 v8, v3;
	v18 =	vadd.f32 v52, v18;
	v57 =	vmul.f32 v30, v35  }
0x1c4: {  	v36 =	vld [tilespmem:s0+$0xF2E0];
	v27 =	vmul.f32 v27, v35;
	v14 =	vadd.f32 v62, v14;
	v49 =	vmul.f32 v37, v3  }
0x1c5: {  	v56 =	vld [tilespmem:s0+$0xF3E0];
	v24 =	vadd.f32 v51, v24;
	v16 =	vadd.f32 v53, v16;
	v22 =	vmul.f32 v22, v35  }
0x1c6: {  	v60 =	vld [tilespmem:s0+$0xF560];
	v45 =	vmul.f32 v40, v35;
	v7 =	vadd.f32 v58, v7;
	v8 =	vadd.f32 v8, v12  }
0x1c7: {  	v52 =	vld [tilespmem:s0+$0xEDF0];
	v61 =	vmul.f32 v39, v3;
	v12 =	vadd.f32 v46, v17;
	v17 =	vadd.f32 v50, v19  }
0x1c8: {  	v37 =	vld [tilespmem:s0+$0xF1E0];
	v55 =	vmul.f32 v33, v3;
	v19 =	vadd.f32 v23, v20;
	v3 =	vmul.f32 v25, v3  }
0x1c9: {  	v40 =	vld [tilespmem:s0+$0xF170];
	v58 =	vmul.f32 v34, v35;
	v4 =	vadd.f32 v57, v4;
	v15 =	vadd.f32 v59, v15  }
0x1ca: {  	v39 =	vld [tilespmem:s0+$0xEFE0];
	v13 =	vadd.f32 v49, v13;
	v0 =	vadd.f32 v22, v0;
	v63 =	vmul.f32 v44, v35  }
0x1cb: {  	v20 =	vld [tilespmem:s0+$0xF460];
	v38 =	vmul.f32 v48, v35;
	v11 =	vadd.f32 v45, v11;
	v49 =	vmul.f32 v32, v35  }
0x1cc: {  	v25 =	vld [tilespmem:s0+$0xF4E0];
	v54 =	vmul.f32 v54, v35;
	v9 =	vadd.f32 v61, v9;
	v21 =	vadd.f32 v55, v21  }
0x1cd: {  	v23 =	vld [tilespmem:s0+$0xF5E0];
	v3 =	vadd.f32 v3, v1;
	v61 =	vmul.f32 v31, v35;
	v2 =	vadd.f32 v58, v2  }
0x1ce: {  	v46 =	vld [tilespmem:s0+$0xEC70];
	v62 =	vmul.f32 v29, v35;
	v47 =	vmul.f32 v42, v35;
	v5 =	vadd.f32 v63, v5  }
0x1cf: {  	v50 =	vld [tilespmem:s0+$0xED70];
	v53 =	vmul.f32 v36, v35;
	v8 =	vadd.f32 v49, v8;
	v13 =	vadd.f32 v27, v13  }
0x1d0: {  	s31 =	sadd.s32 s28, s1;
	v1 =	vld [tilespmem:s13+$0x3470];
	v56 =	vmul.f32 v56, v35;
	v24 =	vadd.f32 v54, v24;
	v60 =	vmul.f32 v60, v35  }
0x1d1: {  	v57 =	vld [tilespmem:s0+$0xEEF0];
	v54 =	vmov s31;
	v6 =	vadd.f32 v61, v6;
	v7 =	vadd.f32 v62, v7  }
0x1d2: {  	v48 =	vld [tilespmem:s0+$0xECF0];
	v9 =	vadd.f32 v38, v9;
	v10 =	vadd.f32 v47, v10;
	v51 =	vmul.f32 v37, v35  }
0x1d3: {  	v55 =	vld [tilespmem:s0+$0xEE70];
	v17 =	vadd.f32 v53, v17;
	v44 =	vmul.f32 v39, v35;
	v20 =	vmul.f32 v20, v35  }
0x1d4: {  	v58 =	vld [tilespmem:s0+$0xEF70];
	v18 =	vadd.f32 v56, v18;
	v59 =	vmul.f32 v25, v35;
	v62 =	vmul.f32 v23, v35  }
0x1d5: {  	v61 =	vld [tilespmem:s0+$0xEFF0];
	v21 =	vadd.f32 v60, v21;
	v12 =	vadd.f32 v51, v12;
	v63 =	vmul.f32 v43, v1  }
0x1d6: {  	v38 =	vld [tilespmem:s0+$0xF0F0];
	v14 =	vadd.f32 v44, v14;
	v16 =	vadd.f32 v20, v16;
	v36 =	vmul.f32 v46, v1  }
0x1d7: {  	v35 =	vld [tilespmem:s0+$0xF070];
	v19 =	vadd.f32 v59, v19;
	v39 =	vmul.f32 v48, v1;
	v0 =	vadd.f32 v63, v0  }
0x1d8: {  	v3 =	vadd.f32 v62, v3;
	v41 =	vmul.f32 v50, v1;
	v43 =	vld [tilespmem:s0+$0xF1F0];
	v4 =	vadd.f32 v36, v4  }
0x1d9: {  	v45 =	vld [tilespmem:s0+$0xF270];
	v42 =	vmul.f32 v52, v1;
	v44 =	vmul.f32 v55, v1;
	v2 =	vadd.f32 v39, v2;
	(xrf2) =	vadd.scan.msk.f32 $0xffff, v0  }
0x1da: {  	v51 =	vld [tilespmem:s0+$0xF3F0];
	v27 =	vmul.f32 v57, v1;
	v46 =	vmul.f32 v58, v1;
	v15 =	vadd.f32 v41, v15;
	(xrf2) =	vadd.scan.msk.f32 $0xffff, v4  }
0x1db: {  	v47 =	vld [tilespmem:s0+$0xF2F0];
	v52 =	vmul.f32 v40, v1;
	v6 =	vadd.f32 v42, v6;
	v7 =	vadd.f32 v44, v7;
	(xrf2) =	vadd.scan.msk.f32 $0xffff, v2  }
0x1dc: {  	v49 =	vld [tilespmem:s0+$0xF370];
	v5 =	vadd.f32 v27, v5;
	v48 =	vmul.f32 v61, v1;
	v25 =	vmul.f32 v38, v1;
	(xrf2) =	vadd.scan.msk.f32 $0xffff, v15  }
0x1dd: {  	v9 =	vadd.f32 v46, v9;
	v50 =	vmul.f32 v35, v1;
	v53 =	vmul.f32 v43, v1;
	(xrf2) =	vadd.scan.msk.f32 $0xffff, v6  }
0x1de: {  	v61 =	vld [tilespmem:s0+$0xF570];
	v14 =	vadd.f32 v48, v14;
	v10 =	vadd.f32 v25, v10;
	v0 =	vmul.f32 v45, v1;
	(xrf2) =	vadd.scan.msk.f32 $0xffff, v7  }
0x1df: {  	v56 =	vld [tilespmem:s0+$0xF470];
	v59 =	vmul.f32 v51, v1;
	v55 =	vadd.f32 v53, v12;
	v12 =	vand.u32 $0x7FFFFFFF, v54;
	(xrf2) =	vadd.scan.msk.f32 $0xffff, v5  }
0x1e0: {  	v11 =	vadd.f32 v50, v11;
	v4 =	vmul.f32 v47, v1;
	v58 =	vadd.s32 $0x200, v12;
	(xrf2) =	vadd.scan.msk.f32 $0xffff, v9  }
0x1e1: {  	v2 =	vmul.f32 v49, v1;
	v0 =	vadd.f32 v0, v13;
	v60 =	vadd.s32 $0x400, v12;
	(xrf2) =	vadd.scan.msk.f32 $0xffff, v14  }
0x1e2: {  	v57 =	vld [tilespmem:s0+$0xF4F0];
	v4 =	vadd.f32 v4, v17;
	v6 =	vadd.f32 v52, v8;
	v62 =	vadd.s32 $0x600, v12;
	(xrf2) =	vadd.scan.msk.f32 $0xffff, v11  }
0x1e3: {  	v35 =	vmul.f32 v61, v1;
	v2 =	vadd.f32 v2, v24;
	v24 =	vadd.s32 $0x800, v12;
	v23, _, _ =	vpop (xrf2);
	(xrf2) =	vadd.scan.msk.f32 $0xffff, v10  }
0x1e4: {  	v63 =	vld [tilespmem:s0+$0xF5F0];
	v8 =	vmul.f32 v56, v1;
	v26 =	vadd.s32 $0xA00, v12;
	[tilespmem:v54+s21+$0x0] =	vst.idx.msk vm0, v23;
	v25, _, _ =	vpop (xrf2);
	(xrf2) =	vadd.scan.msk.f32 $0xffff, v6  }
0x1e5: {  	v28 =	vadd.s32 $0xC00, v12;
	v31 =	vadd.s32 $0xE00, v12;
	[tilespmem:v58+s21+$0x0] =	vst.idx.msk vm0, v25;
	v27, _, _ =	vpop (xrf2);
	(xrf2) =	vadd.scan.msk.f32 $0xffff, v55  }
0x1e6: {  	v34 =	vadd.s32 $0x1000, v12;
	v37 =	vadd.s32 $0x1200, v12;
	[tilespmem:v60+s21+$0x0] =	vst.idx.msk vm0, v27;
	v30, _, _ =	vpop (xrf2);
	(xrf2) =	vadd.scan.msk.f32 $0xffff, v0  }
0x1e7: {  	v5 =	vmul.f32 v57, v1;
	v9 =	vadd.f32 v59, v18;
	[tilespmem:v62+s21+$0x0] =	vst.idx.msk vm0, v30;
	v33, _, _ =	vpop (xrf2);
	(xrf2) =	vadd.scan.msk.f32 $0xffff, v4  }
0x1e8: {  	v39 =	vadd.s32 $0x1400, v12;
	v29 =	vadd.f32 v8, v16;
	[tilespmem:v24+s21+$0x0] =	vst.idx.msk vm0, v33;
	v36, _, _ =	vpop (xrf2);
	(xrf2) =	vadd.scan.msk.f32 $0xffff, v2  }
0x1e9: {  	v1 =	vmul.f32 v63, v1;
	v32 =	vadd.f32 v5, v19;
	[tilespmem:v26+s21+$0x0] =	vst.idx.msk vm0, v36;
	v38, _, _ =	vpop (xrf2);
	(xrf2) =	vadd.scan.msk.f32 $0xffff, v9  }
0x1ea: {  	v41 =	vadd.s32 $0x1600, v12;
	v4 =	vadd.f32 v35, v21;
	[tilespmem:v28+s21+$0x0] =	vst.idx.msk vm0, v38;
	v40, _, _ =	vpop (xrf2);
	(xrf2) =	vadd.scan.msk.f32 $0xffff, v29  }
0x1eb: {  	v43 =	vadd.s32 $0x1800, v12;
	v1 =	vadd.f32 v1, v3;
	[tilespmem:v31+s21+$0x0] =	vst.idx.msk vm0, v40;
	v42, _, _ =	vpop (xrf2);
	(xrf2) =	vadd.scan.msk.f32 $0xffff, v32  }
0x1ec: {  	v45 =	vadd.s32 $0x1A00, v12;
	[tilespmem:v34+s21+$0x0] =	vst.idx.msk vm0, v42;
	v44, _, _ =	vpop (xrf2);
	(xrf2) =	vadd.scan.msk.f32 $0xffff, v4  }
0x1ed: {  	v47 =	vadd.s32 $0x1C00, v12;
	[tilespmem:v37+s21+$0x0] =	vst.idx.msk vm0, v44;
	v46, _, _ =	vpop (xrf2);
	(xrf2) =	vadd.scan.msk.f32 $0xffff, v1  }
0x1ee: {  	v49 =	vadd.s32 $0x1E00, v12;
	v48, _, _ =	vpop (xrf2);
	[tilespmem:v39+s21+$0x0] =	vst.idx.msk vm0, v46  }
0x1ef: {  	v51 =	vadd.s32 $0x2000, v12;
	v50, _, _ =	vpop (xrf2);
	[tilespmem:v41+s21+$0x0] =	vst.idx.msk vm0, v48  }
0x1f0: {  	v53 =	vadd.s32 $0x2200, v12;
	v52, _, _ =	vpop (xrf2);
	[tilespmem:v43+s21+$0x0] =	vst.idx.msk vm0, v50  }
0x1f1: {  	v55 =	vadd.s32 $0x2400, v12;
	v54, _, _ =	vpop (xrf2);
	[tilespmem:v45+s21+$0x0] =	vst.idx.msk vm0, v52  }
0x1f2: {  	v57 =	vadd.s32 $0x2600, v12;
	v56, _, _ =	vpop (xrf2);
	[tilespmem:v47+s21+$0x0] =	vst.idx.msk vm0, v54  }
0x1f3: {  	p0 =	sne.s32 s30, $0x25800;
	v59 =	vadd.s32 $0x2800, v12;
	v58, _, _ =	vpop (xrf2);
	[tilespmem:v49+s21+$0x0] =	vst.idx.msk vm0, v56  }
.Ltmp1:
0x1f4: {  	v60, _, _ =	vpop (xrf2);
	[tilespmem:v51+s21+$0x0] =	vst.idx.msk vm0, v58;
	(pc) =	sbr.rel @p0 .LBB2_5-.Ltmp1, $4  }
0x1f5: {  	v61, _, _ =	vpop (xrf2);
	[tilespmem:v53+s21+$0x0] =	vst.idx.msk vm0, v60  }
0x1f6: {  	v62, _, _ =	vpop (xrf2);
	[tilespmem:v55+s21+$0x0] =	vst.idx.msk vm0, v61  }
0x1f7: {  	[tilespmem:v57+s21+$0x0] =	vst.idx.msk vm0, v62;
	v63, _, _ =	vpop (xrf2)  }
0x1f8: {  	s1 =	sadd.s32 $0x1, s1;
	s29 =	sadd.s32 $0x200, s29;
	s30 =	sadd.s32 $0x2800, s30;
	[tilespmem:v59+s21+$0x0] =	vst.idx.msk vm0, v63  }
0x1f9: {  	s26 =	sadd.s32 $0x1, s26  }
0x1fa: {  	p0 =	sne.s32 s26, $0x10  }
.Ltmp2:
0x1fb: {  	_ = 	snop;
	(pc) =	sbr.rel @p0 .LBB2_2-.Ltmp2, $2  }
0x1fc: {  	_ =	sdelay $0x2  }
0x1fd: {  	s0 =	simm.s32 $0x0  }
0x1fe: {  	s1 =	simm.s32 $0x10;
	s13 =	sand.u32 $0x1F0, s0;
	v0 =	vimm.f32 $0.0e+00  }
.LBB2_8:
0x1ff: {  	p0 =	sne.s32 s1, $0x1F0;
	[tilespmem:s13+$0x1B600] =	vst v0;
	s13 =	smov.u32 s1;
	s1 =	sadd.s32 $0x10, s1  }
.Ltmp3:
0x200: {  	(pc) =	sbr.rel @p0 .LBB2_8-.Ltmp3, $2  }
0x201: {  	_ =	sdelay $0x2  }
0x202: {  	s13 =	sand.u32 $0x1F0, s13  }
0x203: {  	[tilespmem:s13+$0x1B600] =	vst v0  }
.LBB2_10:
0x204: {  	p0 =	sne.s32 s0, $0x1F0  }
.Ltmp4:
0x205: {  	_ = 	snop;
	(pc) =	sbr.rel @p0 .LBB2_10-.Ltmp4, $3  }
0x206: {  	_ =	sdelay $0x1  }
0x207: {  	s1 =	sand.u32 $0x1F0, s0  }
0x208: {  	s0 =	sadd.s32 $0x10, s0;
	[tilespmem:s1+$0x1B800] =	vst v0  }
0x209: {  	s1 =	simm.s32 $0x0  }
0x20a: {  	s0 =	simm.s32 $0x10;
	s1 =	sand.u32 $0x1F0, s1  }
.LBB2_12:
0x20b: {  	p0 =	sne.s32 s0, $0x1F0;
	[tilespmem:s1+$0x1BA00] =	vst v0;
	s1 =	smov.u32 s0;
	s0 =	sadd.s32 $0x10, s0  }
.Ltmp5:
0x20c: {  	(pc) =	sbr.rel @p0 .LBB2_12-.Ltmp5, $2  }
0x20d: {  	_ =	sdelay $0x2  }
0x20e: {  	s1 =	sand.u32 $0x1F0, s1  }
0x20f: {  	s25 =	sadd.s32 $0x1, s25  }
0x210: {  	p0 =	sne.s32 s25, s10  }
.Ltmp6:
0x211: {  	[tilespmem:s1+$0x1BA00] =	vst v0;
	(pc) =	sbr.rel @p0 .LBB2_1-.Ltmp6, $4  }
0x212: {  	[hbm4b:s9+s22] =	stream.strided.scatter [tilespmem:s21], [sflag:$0x3], $0x3000, s23, s22, $0x38;
	[tilespmem:$0x1BC00] =	vst v63  }
0x213: {  	_ =	swait.ge [sflag:s24], $0x3000  }
0x214: {  	[sflag:s24] =	ssyncset.done $0x0  }
0x215: {  	[sflag:s24] =	ssyncadd.s32 $0xFFFFD000  }
0x216: {  	_ =	sfence.sel $0x180000  }
0x217: {  	[bflag:$0x0] =	sbarrier.arrive $0xFFFF  }
0x218: {  	_ =	strace $0x90000047  }
0x219: {  	s0 =	stileid.u32;
	[bflag:$0x2] =	sbarrier.arrive $0xFFFF  }
0x21a: {  	p0 =	sne.s32 s0, $0x0;
	s0 =	rddreg [dreg:$0x4]  }
0x21b: {  	s0 =	sadd.s32 @!p0 $0x100000, s0  }
0x21c: {  	[sflag:s0] =	ssyncadd.tile.s32 @!p0 $0x1;
	_ =	shalt  }
.Lfunc_end2:
_tile_overlayer_lowered:
.L_overlay_start_2:
0x21d: {  	(tag) =	ssettag $0x2  }
0x21e: {  	s0 =	rddreg [dreg:$0x0];
	s2 =	stileid.u32  }
0x21f: {  	s1 =	rddreg [dreg:$0x1];
	p0 =	sne.s32 s2, $0x0  }
0x220: {  	s3 =	rddreg [dreg:$0x2];
	[bflag:$0x3] =	sbarrier.arrive $0xFFFF;
	s2 =	simm.s32 @!p0 $0x1C03  }
0x221: {  	[timem:s3], [sflag:s2] =	dma.local @!p0 [hbm:s0], s1  }
0x222: {  	s0 =	simm.s32 @!p0 $0x3  }
0x223: {  	_ =	swait.ge @!p0 [sflag:s0], s1  }
0x224: {  	s1 =	ssub.s32 @!p0 $0x0, s1;
	[sflag:s0] =	ssyncset.done @!p0 $0x0  }
0x225: {  	[sflag:s0] =	ssyncadd.s32 @!p0 s1  }
0x226: {  	[bflag:$0x3] =	sbarrier.arrive $0xFFFF  }
0x227: {  	_ =	shalt  }

</sc_bundles>
